<compile_context>
chip_gen: v7x
topology: tpu7x:2x2x1
jax: 0.10.2.dev20260603
libtpu: 0.0.44.dev20260713+nightly
codegen_flags: <defaults>
</compile_context>

<pallas_src>
import jax
import jax.numpy as jnp
from jax import lax
from jax.experimental import pallas as pl
from jax.experimental.pallas import tpu as pltpu
from jax.experimental.pallas import tpu_sc as plsc

NN = 10000
EE = 320000
LANES = 16
NTILES = 16
NCORES = 2
EPT = EE // NTILES
F32 = jnp.float32



def _dualmm_body(x_ref, wl_ref, wr_ref, ol_ref, or_ref):
    xb = x_ref[...]
    ol_ref[...] = jnp.dot(xb, wl_ref[...], preferred_element_type=F32)
    or_ref[...] = jnp.dot(xb, wr_ref[...], preferred_element_type=F32)


def _dual_matmul(x, wl, wr, bm):
    n, k = x.shape
    m = wl.shape[1]
    return pl.pallas_call(
        _dualmm_body,
        grid=(n // bm,),
        in_specs=[
            pl.BlockSpec((bm, k), lambda i: (i, 0)),
            pl.BlockSpec((k, m), lambda i: (0, 0)),
            pl.BlockSpec((k, m), lambda i: (0, 0)),
        ],
        out_specs=[
            pl.BlockSpec((bm, m), lambda i: (i, 0)),
            pl.BlockSpec((bm, m), lambda i: (i, 0)),
        ],
        out_shape=[jax.ShapeDtypeStruct((n, m), F32)] * 2,
    )(x, wl, wr)


def _norm_l2_body(h0_ref, h1_ref, h2_ref, h3_ref, den_ref, wl_ref, wr_ref,
                  b1_ref, ol_ref, or_ref):
    den = den_ref[...]
    segs = []
    for h, href in enumerate((h0_ref, h1_ref, h2_ref, h3_ref)):
        segs.append(href[...] / (den[:, h:h + 1] + 1e-16))
    hcat = jnp.concatenate(segs, axis=1) + b1_ref[...]
    hcat = jnp.where(hcat > 0, hcat, jnp.exp(hcat) - 1.0)
    ol_ref[...] = jnp.dot(hcat, wl_ref[...], preferred_element_type=F32)
    or_ref[...] = jnp.dot(hcat, wr_ref[...], preferred_element_type=F32)


def _norm_head_body(f_ref, den_ref, b2_ref, wo1_ref, bo1_ref, wo2_ref,
                    bo2_ref, o_ref):
    g = f_ref[...] / (den_ref[...][:, 0:1] + 1e-16) + b2_ref[...]
    z = jnp.dot(g, wo1_ref[...], preferred_element_type=F32) + bo1_ref[...]
    z = z - jnp.max(z, axis=1, keepdims=True)
    p = jnp.exp(z)
    p = p / jnp.sum(p, axis=1, keepdims=True)
    z2 = jnp.dot(p, wo2_ref[...], preferred_element_type=F32) + bo2_ref[...]
    z2 = z2 - jnp.max(z2, axis=1, keepdims=True)
    p2 = jnp.exp(z2)
    o_ref[...] = p2 / jnp.sum(p2, axis=1, keepdims=True)



def _make_edge_kernel(heads, chunks_per_core, nc, eb, batch):
    td = heads * 128
    ng = heads + 1
    nchunks = NCORES * chunks_per_core
    rpt = nc // NTILES
    nacc = nc + 8
    mesh = plsc.VectorSubcoreMesh(core_axis_name="c", subcore_axis_name="s")

    def body(*refs):
        (xl_hbm, xr_hbm, src_hbm, dst_hbm, att_hbm, zero_hbm) = refs[:6]
        outs = refs[6:6 + ng]
        (ebuf_s, ebuf_d, m_src, m_dabs, m_drel, idx_sc,
         rows_l, rows_r) = refs[6 + ng:14 + ng]
        cgs = refs[14 + ng:14 + 2 * ng]
        att_v = refs[14 + 2 * ng]
        accs = refs[15 + 2 * ng:15 + 3 * ng]
        sem_l, sem_r, sem_s = refs[15 + 3 * ng:]

        c = lax.axis_index("c")
        s = lax.axis_index("s")
        pltpu.sync_copy(att_hbm, att_v)
        att_regs = [att_v[pl.ds(16 * j, 16)] for j in range(td // 16)]
        lane = lax.iota(jnp.int32, 16)
        zero16i = jnp.zeros((16,), jnp.int32)
        zero16f = jnp.zeros((16,), F32)
        trash16 = jnp.full((16,), nc, jnp.int32)

        def zpad(i, _):
            for j in range(LANES, 128, 16):
                cgs[heads][i, pl.ds(j, 16)] = zero16f
            return 0
        lax.fori_loop(0, batch, zpad, 0)

        def chunk_body(k, _ignored):
            chunk = c * chunks_per_core + k
            lo = chunk * nc
            for g in range(ng):
                pltpu.sync_copy(zero_hbm.at[pl.ds(s * rpt, rpt)],
                                accs[g].at[pl.ds(s * rpt, rpt)])
            @pl.when(s == 0)
            def _():
                for g in range(ng):
                    pltpu.sync_copy(zero_hbm.at[pl.ds(0, 8)],
                                    accs[g].at[pl.ds(nc, 8)])
            plsc.subcore_barrier()

            def block_body(blk, _ig2):
                eoff = s * EPT + blk * eb
                pltpu.sync_copy(src_hbm.at[pl.ds(eoff, eb)], ebuf_s)
                pltpu.sync_copy(dst_hbm.at[pl.ds(eoff, eb)], ebuf_d)

                def s1(j, cnt):
                    d16 = ebuf_d[pl.ds(16 * j, 16)]
                    s16 = ebuf_s[pl.ds(16 * j, 16)]
                    msk = (d16 >= lo) & (d16 < lo + nc)
                    mi = jnp.where(msk, 1, 0)
                    p = mi
                    for d in (1, 2, 4, 8):
                        shifted = p[jnp.maximum(lane - d, 0)]
                        p = p + jnp.where(lane >= d, shifted, 0)
                    tgt = lane + 1
                    idx = jnp.zeros((16,), jnp.int32)
                    for st in (8, 4, 2, 1):
                        cand = idx + st
                        pv = p[jnp.maximum(cand - 1, 0)]
                        idx = jnp.where(pv < tgt, cand, idx)
                    ci = jnp.minimum(idx, 15)
                    m_src[pl.ds(cnt, 16)] = s16[ci]
                    dsel = d16[ci]
                    m_dabs[pl.ds(cnt, 16)] = dsel
                    m_drel[pl.ds(cnt, 16)] = dsel - lo
                    return cnt + p[15]
                cnt = lax.fori_loop(0, eb // 16, s1, 0)
                for t in range(batch // 16 + 1):
                    m_src[pl.ds(cnt + 16 * t, 16)] = zero16i
                    m_dabs[pl.ds(cnt + 16 * t, 16)] = zero16i
                    m_drel[pl.ds(cnt + 16 * t, 16)] = trash16

                def bat(b, _):
                    boff = b * batch
                    for t in range(batch // 16):
                        idx_sc[pl.ds(16 * t, 16)] = \
                            m_drel[pl.ds(boff + 16 * t, 16)]
                    cpl = pltpu.async_copy(
                        xl_hbm.at[m_src.at[pl.ds(boff, batch)]], rows_l, sem_l)
                    cpr = pltpu.async_copy(
                        xr_hbm.at[m_dabs.at[pl.ds(boff, batch)]], rows_r, sem_r)
                    cpl.wait()
                    cpr.wait()

                    def edge(i, _):
                        dvec = zero16f
                        for h in range(heads):
                            lvs = []
                            acc = zero16f
                            for j in range(8):
                                col = h * 128 + 16 * j
                                lv = rows_l[i, pl.ds(col, 16)]
                                rv = rows_r[i, pl.ds(col, 16)]
                                w = lv + rv
                                z = jnp.maximum(w, 0.2 * w)
                                acc = acc + z * att_regs[h * 8 + j]
                                lvs.append(lv)
                            for d in (8, 4, 2, 1):
                                acc = acc + acc[lane ^ d]
                            ex_h = jnp.exp(acc)
                            for j in range(8):
                                cgs[h][i, pl.ds(16 * j, 16)] = ex_h * lvs[j]
                            dvec = jnp.where(lane == h, ex_h, dvec)
                        cgs[heads][i, pl.ds(0, 16)] = dvec
                        return 0
                    lax.fori_loop(0, batch, edge, 0)
                    cps = [pltpu.async_copy(cgs[g], accs[g].at[idx_sc],
                                            sem_s, add=True)
                           for g in range(ng)]
                    for cp in cps:
                        cp.wait()
                    return 0
                nb = (cnt + batch - 1) // batch
                lax.fori_loop(0, nb, bat, 0)
                return 0
            lax.fori_loop(0, EPT // eb, block_body, 0)

            plsc.subcore_barrier()
            for g in range(ng):
                pltpu.sync_copy(accs[g].at[pl.ds(s * rpt, rpt)],
                                outs[g].at[chunk, pl.ds(s * rpt, rpt)])
            plsc.subcore_barrier()
            return 0
        lax.fori_loop(0, chunks_per_core, chunk_body, 0)

    kernel_fn = pl.kernel(
        body,
        out_type=[jax.ShapeDtypeStruct((nchunks, nc, 128), F32)] * ng,
        mesh=mesh,
        scratch_types=(
            [
                pltpu.VMEM((eb,), jnp.int32),
                pltpu.VMEM((eb,), jnp.int32),
                pltpu.VMEM((eb + batch + 16,), jnp.int32),
                pltpu.VMEM((eb + batch + 16,), jnp.int32),
                pltpu.VMEM((eb + batch + 16,), jnp.int32),
                pltpu.VMEM((batch,), jnp.int32),
                pltpu.VMEM((batch, td), F32),
                pltpu.VMEM((batch, td), F32),
            ]
            + [pltpu.VMEM((batch, 128), F32)] * ng
            + [pltpu.VMEM((td,), F32)]
            + [pltpu.VMEM_SHARED((nacc, 128), F32)] * ng
            + [pltpu.SemaphoreType.DMA] * 3
        ),
    )
    return kernel_fn, nchunks * nc


_CACHE = {}


def _edge_kernels():
    if "e1" not in _CACHE:
        _CACHE["e1"] = _make_edge_kernel(4, 4, 1280, 2000, 32)
        _CACHE["e2"] = _make_edge_kernel(1, 1, 5120, 2000, 64)
    return _CACHE["e1"], _CACHE["e2"]



def kernel(x, edge_index, Wl1, Wr1, att1, b1, Wl2, Wr2, att2, b2,
           Wo1, bo1, Wo2, bo2):
    (edge1, npad1), (edge2, npad2) = _edge_kernels()
    src = edge_index[0].astype(jnp.int32)
    dst = edge_index[1].astype(jnp.int32)

    xl1, xr1 = _dual_matmul(x, Wl1, Wr1, 1000)

    g1 = edge1(xl1, xr1, src, dst, att1.reshape(-1),
               jnp.zeros((1280, 128), F32))
    g1 = [a.reshape(npad1, 128) for a in g1]

    bm2 = npad1 // 8
    hl2, hr2 = pl.pallas_call(
        _norm_l2_body,
        grid=(8,),
        in_specs=[pl.BlockSpec((bm2, 128), lambda i: (i, 0))] * 5 + [
            pl.BlockSpec((512, 128), lambda i: (0, 0)),
            pl.BlockSpec((512, 128), lambda i: (0, 0)),
            pl.BlockSpec((1, 512), lambda i: (0, 0)),
        ],
        out_specs=[
            pl.BlockSpec((bm2, 128), lambda i: (i, 0)),
            pl.BlockSpec((bm2, 128), lambda i: (i, 0)),
        ],
        out_shape=[jax.ShapeDtypeStruct((npad1, 128), F32)] * 2,
    )(*g1, Wl2, Wr2, b1.reshape(1, -1))

    g2 = edge2(hl2, hr2, src, dst, att2.reshape(-1),
               jnp.zeros((5120, 128), F32))
    g2 = [a.reshape(npad2, 128) for a in g2]

    bm3 = npad2 // 8
    out = pl.pallas_call(
        _norm_head_body,
        grid=(8,),
        in_specs=[
            pl.BlockSpec((bm3, 128), lambda i: (i, 0)),
            pl.BlockSpec((bm3, 128), lambda i: (i, 0)),
            pl.BlockSpec((1, 128), lambda i: (0, 0)),
            pl.BlockSpec((128, 64), lambda i: (0, 0)),
            pl.BlockSpec((1, 64), lambda i: (0, 0)),
            pl.BlockSpec((64, 64), lambda i: (0, 0)),
            pl.BlockSpec((1, 64), lambda i: (0, 0)),
        ],
        out_specs=pl.BlockSpec((bm3, 64), lambda i: (i, 0)),
        out_shape=jax.ShapeDtypeStruct((npad2, 64), F32),
    )(g2[0], g2[1], b2.reshape(1, -1), Wo1, bo1.reshape(1, -1),
      Wo2, bo2.reshape(1, -1))

    return out[:NN]

# --- scband reference (transcript-rebuilt; emitter-appended) ---
"""Pipeline reference for scband-model-gat-hetero-47760036331533 (READ-ONLY COPY).

The authoritative reference and input builder live on the scoring server;
editing this copy changes nothing except your own understanding.
"""

import jax, jax.numpy as jnp
import numpy as np

N = 10000
E = 320000
IN_DIM = 128
HID = 128
HEADS = 4
OUT_DIM = 64


def setup_inputs(seed: int = 0) -> dict:
    key = jax.random.key(seed)
    ks = jax.random.split(key, 16)
    x = jax.random.normal(ks[0], (N, IN_DIM), dtype=jnp.float32)
    edge_index = jax.random.randint(ks[1], (2, E), 0, N, dtype=jnp.int64)
    s = 0.05
    # GATv2 layer 1: in=128 -> hid=128, heads=4 (concat -> 512)
    Wl1 = jax.random.normal(ks[2], (IN_DIM, HEADS * HID), dtype=jnp.float32) * s
    Wr1 = jax.random.normal(ks[3], (IN_DIM, HEADS * HID), dtype=jnp.float32) * s
    att1 = jax.random.normal(ks[4], (HEADS, HID), dtype=jnp.float32) * s
    b1 = jnp.zeros((HEADS * HID,), dtype=jnp.float32)
    # GATv2 layer 2 (last): in=512 -> hid=128, heads=1
    Wl2 = jax.random.normal(ks[5], (HEADS * HID, HID), dtype=jnp.float32) * s
    Wr2 = jax.random.normal(ks[6], (HEADS * HID, HID), dtype=jnp.float32) * s
    att2 = jax.random.normal(ks[7], (1, HID), dtype=jnp.float32) * s
    b2 = jnp.zeros((HID,), dtype=jnp.float32)
    # Linear head: 128 -> 64 (LIN_MODEL_HALF==1), then 64 -> 64 (output_dim)
    Wo1 = jax.random.normal(ks[8], (HID, HID // 2), dtype=jnp.float32) * s
    bo1 = jnp.zeros((HID // 2,), dtype=jnp.float32)
    Wo2 = jax.random.normal(ks[9], (HID // 2, OUT_DIM), dtype=jnp.float32) * s
    bo2 = jnp.zeros((OUT_DIM,), dtype=jnp.float32)
    return {"x": x, "edge_index": edge_index, "Wl1": Wl1, "Wr1": Wr1, "att1": att1, "b1": b1,
            "Wl2": Wl2, "Wr2": Wr2, "att2": att2, "b2": b2,
            "Wo1": Wo1, "bo1": bo1, "Wo2": Wo2, "bo2": bo2}


def _gatv2_conv(x, src, dst, Wl, Wr, att, b, heads, dim, n_nodes):
    # GATv2Conv (add_self_loops=False, share_weights=False, concat=True)
    xl = (x @ Wl).reshape(n_nodes, heads, dim)
    xr = (x @ Wr).reshape(n_nodes, heads, dim)
    e = jax.nn.leaky_relu(xl[src] + xr[dst], negative_slope=0.2)  # [E, H, D]
    score = jnp.sum(e * att[None, :, :], axis=-1)                 # [E, H]
    m = jax.ops.segment_max(score, dst, num_segments=n_nodes)
    m = jnp.where(jnp.isfinite(m), m, 0.0)
    ex = jnp.exp(score - m[dst])
    denom = jax.ops.segment_sum(ex, dst, num_segments=n_nodes)
    alpha = ex / (denom[dst] + 1e-16)                             # softmax over incoming edges
    out = jax.ops.segment_sum(alpha[:, :, None] * xl[src], dst, num_segments=n_nodes)
    return out.reshape(n_nodes, heads * dim) + b


def reference(x, edge_index, Wl1, Wr1, att1, b1, Wl2, Wr2, att2, b2, Wo1, bo1, Wo2, bo2):
    src = edge_index[0]
    dst = edge_index[1]
    # eval mode: dropout is identity
    h = _gatv2_conv(x, src, dst, Wl1, Wr1, att1, b1, HEADS, HID, N)
    h = jax.nn.elu(h)
    h = _gatv2_conv(h, src, dst, Wl2, Wr2, att2, b2, 1, HID, N)
    h = jax.nn.softmax(h @ Wo1 + bo1, axis=1)
    h = jax.nn.softmax(h @ Wo2 + bo2, axis=1)
    return h

if __name__ == "__main__":
    import jax
    _d = setup_inputs()
    print(jax.jit(kernel)(*tuple(_d.values())))

</pallas_src>

<mosaic_0001>
#map = affine_map<(d0, d1) -> (0, 0)>
#map1 = affine_map<(d0, d1) -> (0)>
#map2 = affine_map<(d0, d1) -> (0, 0, 0)>
module attributes {stable_mosaic.version = 14 : i64} {
  func.func @body(%arg0: i32, %arg1: i32, %arg2: memref<10000x512xf32, #tpu.memory_space<hbm>>, %arg3: memref<10000x512xf32, #tpu.memory_space<hbm>>, %arg4: memref<320000xi32, #tpu.memory_space<hbm>>, %arg5: memref<320000xi32, #tpu.memory_space<hbm>>, %arg6: memref<512xf32, #tpu.memory_space<hbm>>, %arg7: memref<1280x128xf32, #tpu.memory_space<hbm>>, %arg8: memref<8x1280x128xf32, #tpu.memory_space<hbm>>, %arg9: memref<8x1280x128xf32, #tpu.memory_space<hbm>>, %arg10: memref<8x1280x128xf32, #tpu.memory_space<hbm>>, %arg11: memref<8x1280x128xf32, #tpu.memory_space<hbm>>, %arg12: memref<8x1280x128xf32, #tpu.memory_space<hbm>>, %arg13: memref<2000xi32, #tpu.memory_space<vmem>>, %arg14: memref<2000xi32, #tpu.memory_space<vmem>>, %arg15: memref<2048xi32, #tpu.memory_space<vmem>>, %arg16: memref<2048xi32, #tpu.memory_space<vmem>>, %arg17: memref<2048xi32, #tpu.memory_space<vmem>>, %arg18: memref<32xi32, #tpu.memory_space<vmem>>, %arg19: memref<32x512xf32, #tpu.memory_space<vmem>>, %arg20: memref<32x512xf32, #tpu.memory_space<vmem>>, %arg21: memref<32x128xf32, #tpu.memory_space<vmem>>, %arg22: memref<32x128xf32, #tpu.memory_space<vmem>>, %arg23: memref<32x128xf32, #tpu.memory_space<vmem>>, %arg24: memref<32x128xf32, #tpu.memory_space<vmem>>, %arg25: memref<32x128xf32, #tpu.memory_space<vmem>>, %arg26: memref<512xf32, #tpu.memory_space<vmem>>, %arg27: memref<1288x128xf32, #tpu.memory_space<vmem_shared>>, %arg28: memref<1288x128xf32, #tpu.memory_space<vmem_shared>>, %arg29: memref<1288x128xf32, #tpu.memory_space<vmem_shared>>, %arg30: memref<1288x128xf32, #tpu.memory_space<vmem_shared>>, %arg31: memref<1288x128xf32, #tpu.memory_space<vmem_shared>>, %arg32: memref<!tpu.dma_semaphore, #tpu.memory_space<semaphore_mem>>, %arg33: memref<!tpu.dma_semaphore, #tpu.memory_space<semaphore_mem>>, %arg34: memref<!tpu.dma_semaphore, #tpu.memory_space<semaphore_mem>>) attributes {dimension_semantics = [#tpu.dimension_semantics<core_parallel>, #tpu.dimension_semantics<subcore_parallel>], iteration_bounds = array<i64: 2, 16>, scalar_prefetch = 0 : i64, scratch_operands = 22 : i64, tpu.core_type = #tpu.core_type<sc_vector_subcore>, window_params = [{transform_indices = #map}, {transform_indices = #map}, {transform_indices = #map1}, {transform_indices = #map1}, {transform_indices = #map1}, {transform_indices = #map}, {transform_indices = #map2}, {transform_indices = #map2}, {transform_indices = #map2}, {transform_indices = #map2}, {transform_indices = #map2}]} {
    "tpu.region"() ({
      %run_scoped3A = tpu.sem_alloc : memref<!tpu.dma_semaphore, #tpu.memory_space<semaphore_mem>>
      tpu.enqueue_dma source(%arg6 : memref<512xf32, #tpu.memory_space<hbm>>) target(%arg26 : memref<512xf32, #tpu.memory_space<vmem>>) target_semaphore(%run_scoped3A : memref<!tpu.dma_semaphore, #tpu.memory_space<semaphore_mem>>)
      tpu.wait_dma2 semaphore(%run_scoped3A : memref<!tpu.dma_semaphore, #tpu.memory_space<semaphore_mem>>) src(%arg6 : memref<512xf32, #tpu.memory_space<hbm>>) dst(%arg26 : memref<512xf32, #tpu.memory_space<vmem>>)
      tpu.yield
    }) : () -> ()
    %get3A = arith.constant 0 : index
    %get3A_0 = tpu.vector_load %arg26[%get3A] {strides = array<i32>} : memref<512xf32, #tpu.memory_space<vmem>>, vector<16xf32>,
    %get3A_1 = vector.shape_cast %get3A_0 : vector<16xf32> to vector<16xf32>
    %get3A_2 = arith.constant 16 : index
    %get3A_3 = tpu.vector_load %arg26[%get3A_2] {strides = array<i32>} : memref<512xf32, #tpu.memory_space<vmem>>, vector<16xf32>,
    %get3A_4 = vector.shape_cast %get3A_3 : vector<16xf32> to vector<16xf32>
    %get3A_5 = arith.constant 32 : index
    %get3A_6 = tpu.vector_load %arg26[%get3A_5] {strides = array<i32>} : memref<512xf32, #tpu.memory_space<vmem>>, vector<16xf32>,
    %get3A_7 = vector.shape_cast %get3A_6 : vector<16xf32> to vector<16xf32>
    %get3A_8 = arith.constant 48 : index
    %get3A_9 = tpu.vector_load %arg26[%get3A_8] {strides = array<i32>} : memref<512xf32, #tpu.memory_space<vmem>>, vector<16xf32>,
    %get3A_10 = vector.shape_cast %get3A_9 : vector<16xf32> to vector<16xf32>
    %get3A_11 = arith.constant 64 : index
    %get3A_12 = tpu.vector_load %arg26[%get3A_11] {strides = array<i32>} : memref<512xf32, #tpu.memory_space<vmem>>, vector<16xf32>,
    %get3A_13 = vector.shape_cast %get3A_12 : vector<16xf32> to vector<16xf32>
    %get3A_14 = arith.constant 80 : index
    %get3A_15 = tpu.vector_load %arg26[%get3A_14] {strides = array<i32>} : memref<512xf32, #tpu.memory_space<vmem>>, vector<16xf32>,
    %get3A_16 = vector.shape_cast %get3A_15 : vector<16xf32> to vector<16xf32>
    %get3A_17 = arith.constant 96 : index
    %get3A_18 = tpu.vector_load %arg26[%get3A_17] {strides = array<i32>} : memref<512xf32, #tpu.memory_space<vmem>>, vector<16xf32>,
    %get3A_19 = vector.shape_cast %get3A_18 : vector<16xf32> to vector<16xf32>
    %get3A_20 = arith.constant 112 : index
    %get3A_21 = tpu.vector_load %arg26[%get3A_20] {strides = array<i32>} : memref<512xf32, #tpu.memory_space<vmem>>, vector<16xf32>,
    %get3A_22 = vector.shape_cast %get3A_21 : vector<16xf32> to vector<16xf32>
    %get3A_23 = arith.constant 128 : index
    %get3A_24 = tpu.vector_load %arg26[%get3A_23] {strides = array<i32>} : memref<512xf32, #tpu.memory_space<vmem>>, vector<16xf32>,
    %get3A_25 = vector.shape_cast %get3A_24 : vector<16xf32> to vector<16xf32>
    %get3A_26 = arith.constant 144 : index
    %get3A_27 = tpu.vector_load %arg26[%get3A_26] {strides = array<i32>} : memref<512xf32, #tpu.memory_space<vmem>>, vector<16xf32>,
    %get3A_28 = vector.shape_cast %get3A_27 : vector<16xf32> to vector<16xf32>
    %get3A_29 = arith.constant 160 : index
    %get3A_30 = tpu.vector_load %arg26[%get3A_29] {strides = array<i32>} : memref<512xf32, #tpu.memory_space<vmem>>, vector<16xf32>,
    %get3A_31 = vector.shape_cast %get3A_30 : vector<16xf32> to vector<16xf32>
    %get3A_32 = arith.constant 176 : index
    %get3A_33 = tpu.vector_load %arg26[%get3A_32] {strides = array<i32>} : memref<512xf32, #tpu.memory_space<vmem>>, vector<16xf32>,
    %get3A_34 = vector.shape_cast %get3A_33 : vector<16xf32> to vector<16xf32>
    %get3A_35 = arith.constant 192 : index
    %get3A_36 = tpu.vector_load %arg26[%get3A_35] {strides = array<i32>} : memref<512xf32, #tpu.memory_space<vmem>>, vector<16xf32>,
    %get3A_37 = vector.shape_cast %get3A_36 : vector<16xf32> to vector<16xf32>
    %get3A_38 = arith.constant 208 : index
    %get3A_39 = tpu.vector_load %arg26[%get3A_38] {strides = array<i32>} : memref<512xf32, #tpu.memory_space<vmem>>, vector<16xf32>,
    %get3A_40 = vector.shape_cast %get3A_39 : vector<16xf32> to vector<16xf32>
    %get3A_41 = arith.constant 224 : index
    %get3A_42 = tpu.vector_load %arg26[%get3A_41] {strides = array<i32>} : memref<512xf32, #tpu.memory_space<vmem>>, vector<16xf32>,
    %get3A_43 = vector.shape_cast %get3A_42 : vector<16xf32> to vector<16xf32>
    %get3A_44 = arith.constant 240 : index
    %get3A_45 = tpu.vector_load %arg26[%get3A_44] {strides = array<i32>} : memref<512xf32, #tpu.memory_space<vmem>>, vector<16xf32>,
    %get3A_46 = vector.shape_cast %get3A_45 : vector<16xf32> to vector<16xf32>
    %get3A_47 = arith.constant 256 : index
    %get3A_48 = tpu.vector_load %arg26[%get3A_47] {strides = array<i32>} : memref<512xf32, #tpu.memory_space<vmem>>, vector<16xf32>,
    %get3A_49 = vector.shape_cast %get3A_48 : vector<16xf32> to vector<16xf32>
    %get3A_50 = arith.constant 272 : index
    %get3A_51 = tpu.vector_load %arg26[%get3A_50] {strides = array<i32>} : memref<512xf32, #tpu.memory_space<vmem>>, vector<16xf32>,
    %get3A_52 = vector.shape_cast %get3A_51 : vector<16xf32> to vector<16xf32>
    %get3A_53 = arith.constant 288 : index
    %get3A_54 = tpu.vector_load %arg26[%get3A_53] {strides = array<i32>} : memref<512xf32, #tpu.memory_space<vmem>>, vector<16xf32>,
    %get3A_55 = vector.shape_cast %get3A_54 : vector<16xf32> to vector<16xf32>
    %get3A_56 = arith.constant 304 : index
    %get3A_57 = tpu.vector_load %arg26[%get3A_56] {strides = array<i32>} : memref<512xf32, #tpu.memory_space<vmem>>, vector<16xf32>,
    %get3A_58 = vector.shape_cast %get3A_57 : vector<16xf32> to vector<16xf32>
    %get3A_59 = arith.constant 320 : index
    %get3A_60 = tpu.vector_load %arg26[%get3A_59] {strides = array<i32>} : memref<512xf32, #tpu.memory_space<vmem>>, vector<16xf32>,
    %get3A_61 = vector.shape_cast %get3A_60 : vector<16xf32> to vector<16xf32>
    %get3A_62 = arith.constant 336 : index
    %get3A_63 = tpu.vector_load %arg26[%get3A_62] {strides = array<i32>} : memref<512xf32, #tpu.memory_space<vmem>>, vector<16xf32>,
    %get3A_64 = vector.shape_cast %get3A_63 : vector<16xf32> to vector<16xf32>
    %get3A_65 = arith.constant 352 : index
    %get3A_66 = tpu.vector_load %arg26[%get3A_65] {strides = array<i32>} : memref<512xf32, #tpu.memory_space<vmem>>, vector<16xf32>,
    %get3A_67 = vector.shape_cast %get3A_66 : vector<16xf32> to vector<16xf32>
    %get3A_68 = arith.constant 368 : index
    %get3A_69 = tpu.vector_load %arg26[%get3A_68] {strides = array<i32>} : memref<512xf32, #tpu.memory_space<vmem>>, vector<16xf32>,
    %get3A_70 = vector.shape_cast %get3A_69 : vector<16xf32> to vector<16xf32>
    %get3A_71 = arith.constant 384 : index
    %get3A_72 = tpu.vector_load %arg26[%get3A_71] {strides = array<i32>} : memref<512xf32, #tpu.memory_space<vmem>>, vector<16xf32>,
    %get3A_73 = vector.shape_cast %get3A_72 : vector<16xf32> to vector<16xf32>
    %get3A_74 = arith.constant 400 : index
    %get3A_75 = tpu.vector_load %arg26[%get3A_74] {strides = array<i32>} : memref<512xf32, #tpu.memory_space<vmem>>, vector<16xf32>,
    %get3A_76 = vector.shape_cast %get3A_75 : vector<16xf32> to vector<16xf32>
    %get3A_77 = arith.constant 416 : index
    %get3A_78 = tpu.vector_load %arg26[%get3A_77] {strides = array<i32>} : memref<512xf32, #tpu.memory_space<vmem>>, vector<16xf32>,
    %get3A_79 = vector.shape_cast %get3A_78 : vector<16xf32> to vector<16xf32>
    %get3A_80 = arith.constant 432 : index
    %get3A_81 = tpu.vector_load %arg26[%get3A_80] {strides = array<i32>} : memref<512xf32, #tpu.memory_space<vmem>>, vector<16xf32>,
    %get3A_82 = vector.shape_cast %get3A_81 : vector<16xf32> to vector<16xf32>
    %get3A_83 = arith.constant 448 : index
    %get3A_84 = tpu.vector_load %arg26[%get3A_83] {strides = array<i32>} : memref<512xf32, #tpu.memory_space<vmem>>, vector<16xf32>,
    %get3A_85 = vector.shape_cast %get3A_84 : vector<16xf32> to vector<16xf32>
    %get3A_86 = arith.constant 464 : index
    %get3A_87 = tpu.vector_load %arg26[%get3A_86] {strides = array<i32>} : memref<512xf32, #tpu.memory_space<vmem>>, vector<16xf32>,
    %get3A_88 = vector.shape_cast %get3A_87 : vector<16xf32> to vector<16xf32>
    %get3A_89 = arith.constant 480 : index
    %get3A_90 = tpu.vector_load %arg26[%get3A_89] {strides = array<i32>} : memref<512xf32, #tpu.memory_space<vmem>>, vector<16xf32>,
    %get3A_91 = vector.shape_cast %get3A_90 : vector<16xf32> to vector<16xf32>
    %get3A_92 = arith.constant 496 : index
    %get3A_93 = tpu.vector_load %arg26[%get3A_92] {strides = array<i32>} : memref<512xf32, #tpu.memory_space<vmem>>, vector<16xf32>,
    %get3A_94 = vector.shape_cast %get3A_93 : vector<16xf32> to vector<16xf32>
    %iota3A = tpu.iota {dimensions = array<i32: 0>} : vector<16xi32>
    %broadcast_in_dim3A = arith.constant 0 : i32
    %broadcast_in_dim3A_95 = vector.broadcast %broadcast_in_dim3A : i32 to vector<16xi32>
    %broadcast_in_dim3A_96 = arith.constant 0.000000e+00 : f32
    %broadcast_in_dim3A_97 = vector.broadcast %broadcast_in_dim3A_96 : f32 to vector<16xf32>
    %broadcast_in_dim3A_98 = arith.constant 1280 : i32
    %broadcast_in_dim3A_99 = vector.broadcast %broadcast_in_dim3A_98 : i32 to vector<16xi32>
    %scan3A = arith.constant 0 : i32
    %scan3A_100 = arith.constant 0 : i32
    %scan3A_101 = arith.constant 32 : i32
    %scan3A_102 = arith.addi %scan3A_100, %scan3A_101 : i32
    %scan3A_103 = arith.constant 1 : i32
    %scan3A_104 = scf.for %scan3A_113 = %scan3A_100 to %scan3A_102 step %scan3A_103 iter_args(%scan3A_114 = %scan3A) -> (i32)  : i32 {
      %swap3A = arith.index_cast %scan3A_113 : i32 to index
      %swap3A_115 = arith.constant 16 : index
      %swap3A_116 = tpu.vector_load %arg25[%swap3A, %swap3A_115] {strides = array<i32>} : memref<32x128xf32, #tpu.memory_space<vmem>>, vector<1x16xf32>,
      %swap3A_117 = vector.shape_cast %swap3A_116 : vector<1x16xf32> to vector<16xf32>
      %swap3A_118 = vector.shape_cast %broadcast_in_dim3A_97 : vector<16xf32> to vector<1x16xf32>
      tpu.vector_store %arg25[%swap3A, %swap3A_115], %swap3A_118 {strides = array<i32>} : memref<32x128xf32, #tpu.memory_space<vmem>>, vector<1x16xf32>,
      %swap3A_119 = arith.index_cast %scan3A_113 : i32 to index
      %swap3A_120 = arith.constant 32 : index
      %swap3A_121 = tpu.vector_load %arg25[%swap3A_119, %swap3A_120] {strides = array<i32>} : memref<32x128xf32, #tpu.memory_space<vmem>>, vector<1x16xf32>,
      %swap3A_122 = vector.shape_cast %swap3A_121 : vector<1x16xf32> to vector<16xf32>
      %swap3A_123 = vector.shape_cast %broadcast_in_dim3A_97 : vector<16xf32> to vector<1x16xf32>
      tpu.vector_store %arg25[%swap3A_119, %swap3A_120], %swap3A_123 {strides = array<i32>} : memref<32x128xf32, #tpu.memory_space<vmem>>, vector<1x16xf32>,
      %swap3A_124 = arith.index_cast %scan3A_113 : i32 to index
      %swap3A_125 = arith.constant 48 : index
      %swap3A_126 = tpu.vector_load %arg25[%swap3A_124, %swap3A_125] {strides = array<i32>} : memref<32x128xf32, #tpu.memory_space<vmem>>, vector<1x16xf32>,
      %swap3A_127 = vector.shape_cast %swap3A_126 : vector<1x16xf32> to vector<16xf32>
      %swap3A_128 = vector.shape_cast %broadcast_in_dim3A_97 : vector<16xf32> to vector<1x16xf32>
      tpu.vector_store %arg25[%swap3A_124, %swap3A_125], %swap3A_128 {strides = array<i32>} : memref<32x128xf32, #tpu.memory_space<vmem>>, vector<1x16xf32>,
      %swap3A_129 = arith.index_cast %scan3A_113 : i32 to index
      %swap3A_130 = arith.constant 64 : index
      %swap3A_131 = tpu.vector_load %arg25[%swap3A_129, %swap3A_130] {strides = array<i32>} : memref<32x128xf32, #tpu.memory_space<vmem>>, vector<1x16xf32>,
      %swap3A_132 = vector.shape_cast %swap3A_131 : vector<1x16xf32> to vector<16xf32>
      %swap3A_133 = vector.shape_cast %broadcast_in_dim3A_97 : vector<16xf32> to vector<1x16xf32>
      tpu.vector_store %arg25[%swap3A_129, %swap3A_130], %swap3A_133 {strides = array<i32>} : memref<32x128xf32, #tpu.memory_space<vmem>>, vector<1x16xf32>,
      %swap3A_134 = arith.index_cast %scan3A_113 : i32 to index
      %swap3A_135 = arith.constant 80 : index
      %swap3A_136 = tpu.vector_load %arg25[%swap3A_134, %swap3A_135] {strides = array<i32>} : memref<32x128xf32, #tpu.memory_space<vmem>>, vector<1x16xf32>,
      %swap3A_137 = vector.shape_cast %swap3A_136 : vector<1x16xf32> to vector<16xf32>
      %swap3A_138 = vector.shape_cast %broadcast_in_dim3A_97 : vector<16xf32> to vector<1x16xf32>
      tpu.vector_store %arg25[%swap3A_134, %swap3A_135], %swap3A_138 {strides = array<i32>} : memref<32x128xf32, #tpu.memory_space<vmem>>, vector<1x16xf32>,
      %swap3A_139 = arith.index_cast %scan3A_113 : i32 to index
      %swap3A_140 = arith.constant 96 : index
      %swap3A_141 = tpu.vector_load %arg25[%swap3A_139, %swap3A_140] {strides = array<i32>} : memref<32x128xf32, #tpu.memory_space<vmem>>, vector<1x16xf32>,
      %swap3A_142 = vector.shape_cast %swap3A_141 : vector<1x16xf32> to vector<16xf32>
      %swap3A_143 = vector.shape_cast %broadcast_in_dim3A_97 : vector<16xf32> to vector<1x16xf32>
      tpu.vector_store %arg25[%swap3A_139, %swap3A_140], %swap3A_143 {strides = array<i32>} : memref<32x128xf32, #tpu.memory_space<vmem>>, vector<1x16xf32>,
      %swap3A_144 = arith.index_cast %scan3A_113 : i32 to index
      %swap3A_145 = arith.constant 112 : index
      %swap3A_146 = tpu.vector_load %arg25[%swap3A_144, %swap3A_145] {strides = array<i32>} : memref<32x128xf32, #tpu.memory_space<vmem>>, vector<1x16xf32>,
      %swap3A_147 = vector.shape_cast %swap3A_146 : vector<1x16xf32> to vector<16xf32>
      %swap3A_148 = vector.shape_cast %broadcast_in_dim3A_97 : vector<16xf32> to vector<1x16xf32>
      tpu.vector_store %arg25[%swap3A_144, %swap3A_145], %swap3A_148 {strides = array<i32>} : memref<32x128xf32, #tpu.memory_space<vmem>>, vector<1x16xf32>,
      %scan3A_149 = arith.constant 0 : i32
      scf.yield %scan3A_149 : i32
    }
    %scan3A_105 = arith.constant 32 : i32
    %scan3A_106 = arith.constant 0 : i32
    %scan3A_107 = arith.constant 0 : i32
    %scan3A_108 = arith.constant 4 : i32
    %scan3A_109 = arith.addi %scan3A_107, %scan3A_108 : i32
    %scan3A_110 = arith.constant 1 : i32
    %scan3A_111 = scf.for %scan3A_113 = %scan3A_107 to %scan3A_109 step %scan3A_110 iter_args(%scan3A_114 = %scan3A_106) -> (i32)  : i32 {
      %mul3A = arith.constant 4 : i32
      %mul3A_115 = arith.muli %arg0, %mul3A : i32
      %add3A = arith.addi %mul3A_115, %scan3A_113 : i32
      %mul3A_116 = arith.constant 1280 : i32
      %mul3A_117 = arith.muli %add3A, %mul3A_116 : i32
      %mul3A_118 = arith.constant 80 : i32
      %mul3A_119 = arith.muli %arg1, %mul3A_118 : i32
      %mul3A_120 = arith.constant 80 : i32
      %mul3A_121 = arith.muli %arg1, %mul3A_120 : i32
      "tpu.region"() ({
        %run_scoped3A = tpu.sem_alloc : memref<!tpu.dma_semaphore, #tpu.memory_space<semaphore_mem>>
        %dma_start3A = arith.constant 0 : i32
        %dma_start3A_170 = tpu.memref_slice %arg27[%mul3A_121, %dma_start3A] : memref<1288x128xf32, #tpu.memory_space<vmem_shared>> -> memref<80x128xf32, #tpu.memory_space<vmem_shared>>
        %dma_start3A_171 = arith.constant 0 : i32
        %dma_start3A_172 = tpu.memref_slice %arg7[%mul3A_119, %dma_start3A_171] : memref<1280x128xf32, #tpu.memory_space<hbm>> -> memref<80x128xf32, #tpu.memory_space<hbm>>
        tpu.enqueue_dma source(%dma_start3A_172 : memref<80x128xf32, #tpu.memory_space<hbm>>) target(%dma_start3A_170 : memref<80x128xf32, #tpu.memory_space<vmem_shared>>) target_semaphore(%run_scoped3A : memref<!tpu.dma_semaphore, #tpu.memory_space<semaphore_mem>>)
        %dma_wait3A = arith.constant 0 : i32
        %dma_wait3A_173 = tpu.memref_slice %arg27[%mul3A_121, %dma_wait3A] : memref<1288x128xf32, #tpu.memory_space<vmem_shared>> -> memref<80x128xf32, #tpu.memory_space<vmem_shared>>
        %dma_wait3A_174 = arith.constant 0 : i32
        %dma_wait3A_175 = tpu.memref_slice %arg7[%mul3A_119, %dma_wait3A_174] : memref<1280x128xf32, #tpu.memory_space<hbm>> -> memref<80x128xf32, #tpu.memory_space<hbm>>
        tpu.wait_dma2 semaphore(%run_scoped3A : memref<!tpu.dma_semaphore, #tpu.memory_space<semaphore_mem>>) src(%dma_wait3A_175 : memref<80x128xf32, #tpu.memory_space<hbm>>) dst(%dma_wait3A_173 : memref<80x128xf32, #tpu.memory_space<vmem_shared>>)
        tpu.yield
      }) : () -> ()
      %mul3A_122 = arith.constant 80 : i32
      %mul3A_123 = arith.muli %arg1, %mul3A_122 : i32
      %mul3A_124 = arith.constant 80 : i32
      %mul3A_125 = arith.muli %arg1, %mul3A_124 : i32
      "tpu.region"() ({
        %run_scoped3A = tpu.sem_alloc : memref<!tpu.dma_semaphore, #tpu.memory_space<semaphore_mem>>
        %dma_start3A = arith.constant 0 : i32
        %dma_start3A_170 = tpu.memref_slice %arg28[%mul3A_125, %dma_start3A] : memref<1288x128xf32, #tpu.memory_space<vmem_shared>> -> memref<80x128xf32, #tpu.memory_space<vmem_shared>>
        %dma_start3A_171 = arith.constant 0 : i32
        %dma_start3A_172 = tpu.memref_slice %arg7[%mul3A_123, %dma_start3A_171] : memref<1280x128xf32, #tpu.memory_space<hbm>> -> memref<80x128xf32, #tpu.memory_space<hbm>>
        tpu.enqueue_dma source(%dma_start3A_172 : memref<80x128xf32, #tpu.memory_space<hbm>>) target(%dma_start3A_170 : memref<80x128xf32, #tpu.memory_space<vmem_shared>>) target_semaphore(%run_scoped3A : memref<!tpu.dma_semaphore, #tpu.memory_space<semaphore_mem>>)
        %dma_wait3A = arith.constant 0 : i32
        %dma_wait3A_173 = tpu.memref_slice %arg28[%mul3A_125, %dma_wait3A] : memref<1288x128xf32, #tpu.memory_space<vmem_shared>> -> memref<80x128xf32, #tpu.memory_space<vmem_shared>>
        %dma_wait3A_174 = arith.constant 0 : i32
        %dma_wait3A_175 = tpu.memref_slice %arg7[%mul3A_123, %dma_wait3A_174] : memref<1280x128xf32, #tpu.memory_space<hbm>> -> memref<80x128xf32, #tpu.memory_space<hbm>>
        tpu.wait_dma2 semaphore(%run_scoped3A : memref<!tpu.dma_semaphore, #tpu.memory_space<semaphore_mem>>) src(%dma_wait3A_175 : memref<80x128xf32, #tpu.memory_space<hbm>>) dst(%dma_wait3A_173 : memref<80x128xf32, #tpu.memory_space<vmem_shared>>)
        tpu.yield
      }) : () -> ()
      %mul3A_126 = arith.constant 80 : i32
      %mul3A_127 = arith.muli %arg1, %mul3A_126 : i32
      %mul3A_128 = arith.constant 80 : i32
      %mul3A_129 = arith.muli %arg1, %mul3A_128 : i32
      "tpu.region"() ({
        %run_scoped3A = tpu.sem_alloc : memref<!tpu.dma_semaphore, #tpu.memory_space<semaphore_mem>>
        %dma_start3A = arith.constant 0 : i32
        %dma_start3A_170 = tpu.memref_slice %arg29[%mul3A_129, %dma_start3A] : memref<1288x128xf32, #tpu.memory_space<vmem_shared>> -> memref<80x128xf32, #tpu.memory_space<vmem_shared>>
        %dma_start3A_171 = arith.constant 0 : i32
        %dma_start3A_172 = tpu.memref_slice %arg7[%mul3A_127, %dma_start3A_171] : memref<1280x128xf32, #tpu.memory_space<hbm>> -> memref<80x128xf32, #tpu.memory_space<hbm>>
        tpu.enqueue_dma source(%dma_start3A_172 : memref<80x128xf32, #tpu.memory_space<hbm>>) target(%dma_start3A_170 : memref<80x128xf32, #tpu.memory_space<vmem_shared>>) target_semaphore(%run_scoped3A : memref<!tpu.dma_semaphore, #tpu.memory_space<semaphore_mem>>)
        %dma_wait3A = arith.constant 0 : i32
        %dma_wait3A_173 = tpu.memref_slice %arg29[%mul3A_129, %dma_wait3A] : memref<1288x128xf32, #tpu.memory_space<vmem_shared>> -> memref<80x128xf32, #tpu.memory_space<vmem_shared>>
        %dma_wait3A_174 = arith.constant 0 : i32
        %dma_wait3A_175 = tpu.memref_slice %arg7[%mul3A_127, %dma_wait3A_174] : memref<1280x128xf32, #tpu.memory_space<hbm>> -> memref<80x128xf32, #tpu.memory_space<hbm>>
        tpu.wait_dma2 semaphore(%run_scoped3A : memref<!tpu.dma_semaphore, #tpu.memory_space<semaphore_mem>>) src(%dma_wait3A_175 : memref<80x128xf32, #tpu.memory_space<hbm>>) dst(%dma_wait3A_173 : memref<80x128xf32, #tpu.memory_space<vmem_shared>>)
        tpu.yield
      }) : () -> ()
      %mul3A_130 = arith.constant 80 : i32
      %mul3A_131 = arith.muli %arg1, %mul3A_130 : i32
      %mul3A_132 = arith.constant 80 : i32
      %mul3A_133 = arith.muli %arg1, %mul3A_132 : i32
      "tpu.region"() ({
        %run_scoped3A = tpu.sem_alloc : memref<!tpu.dma_semaphore, #tpu.memory_space<semaphore_mem>>
        %dma_start3A = arith.constant 0 : i32
        %dma_start3A_170 = tpu.memref_slice %arg30[%mul3A_133, %dma_start3A] : memref<1288x128xf32, #tpu.memory_space<vmem_shared>> -> memref<80x128xf32, #tpu.memory_space<vmem_shared>>
        %dma_start3A_171 = arith.constant 0 : i32
        %dma_start3A_172 = tpu.memref_slice %arg7[%mul3A_131, %dma_start3A_171] : memref<1280x128xf32, #tpu.memory_space<hbm>> -> memref<80x128xf32, #tpu.memory_space<hbm>>
        tpu.enqueue_dma source(%dma_start3A_172 : memref<80x128xf32, #tpu.memory_space<hbm>>) target(%dma_start3A_170 : memref<80x128xf32, #tpu.memory_space<vmem_shared>>) target_semaphore(%run_scoped3A : memref<!tpu.dma_semaphore, #tpu.memory_space<semaphore_mem>>)
        %dma_wait3A = arith.constant 0 : i32
        %dma_wait3A_173 = tpu.memref_slice %arg30[%mul3A_133, %dma_wait3A] : memref<1288x128xf32, #tpu.memory_space<vmem_shared>> -> memref<80x128xf32, #tpu.memory_space<vmem_shared>>
        %dma_wait3A_174 = arith.constant 0 : i32
        %dma_wait3A_175 = tpu.memref_slice %arg7[%mul3A_131, %dma_wait3A_174] : memref<1280x128xf32, #tpu.memory_space<hbm>> -> memref<80x128xf32, #tpu.memory_space<hbm>>
        tpu.wait_dma2 semaphore(%run_scoped3A : memref<!tpu.dma_semaphore, #tpu.memory_space<semaphore_mem>>) src(%dma_wait3A_175 : memref<80x128xf32, #tpu.memory_space<hbm>>) dst(%dma_wait3A_173 : memref<80x128xf32, #tpu.memory_space<vmem_shared>>)
        tpu.yield
      }) : () -> ()
      %mul3A_134 = arith.constant 80 : i32
      %mul3A_135 = arith.muli %arg1, %mul3A_134 : i32
      %mul3A_136 = arith.constant 80 : i32
      %mul3A_137 = arith.muli %arg1, %mul3A_136 : i32
      "tpu.region"() ({
        %run_scoped3A = tpu.sem_alloc : memref<!tpu.dma_semaphore, #tpu.memory_space<semaphore_mem>>
        %dma_start3A = arith.constant 0 : i32
        %dma_start3A_170 = tpu.memref_slice %arg31[%mul3A_137, %dma_start3A] : memref<1288x128xf32, #tpu.memory_space<vmem_shared>> -> memref<80x128xf32, #tpu.memory_space<vmem_shared>>
        %dma_start3A_171 = arith.constant 0 : i32
        %dma_start3A_172 = tpu.memref_slice %arg7[%mul3A_135, %dma_start3A_171] : memref<1280x128xf32, #tpu.memory_space<hbm>> -> memref<80x128xf32, #tpu.memory_space<hbm>>
        tpu.enqueue_dma source(%dma_start3A_172 : memref<80x128xf32, #tpu.memory_space<hbm>>) target(%dma_start3A_170 : memref<80x128xf32, #tpu.memory_space<vmem_shared>>) target_semaphore(%run_scoped3A : memref<!tpu.dma_semaphore, #tpu.memory_space<semaphore_mem>>)
        %dma_wait3A = arith.constant 0 : i32
        %dma_wait3A_173 = tpu.memref_slice %arg31[%mul3A_137, %dma_wait3A] : memref<1288x128xf32, #tpu.memory_space<vmem_shared>> -> memref<80x128xf32, #tpu.memory_space<vmem_shared>>
        %dma_wait3A_174 = arith.constant 0 : i32
        %dma_wait3A_175 = tpu.memref_slice %arg7[%mul3A_135, %dma_wait3A_174] : memref<1280x128xf32, #tpu.memory_space<hbm>> -> memref<80x128xf32, #tpu.memory_space<hbm>>
        tpu.wait_dma2 semaphore(%run_scoped3A : memref<!tpu.dma_semaphore, #tpu.memory_space<semaphore_mem>>) src(%dma_wait3A_175 : memref<80x128xf32, #tpu.memory_space<hbm>>) dst(%dma_wait3A_173 : memref<80x128xf32, #tpu.memory_space<vmem_shared>>)
        tpu.yield
      }) : () -> ()
      %eq3A = arith.constant 0 : i32
      %eq3A_138 = arith.cmpi eq, %arg1, %eq3A : i32
      %convert_element_type3A = arith.extui %eq3A_138 : i1 to i32
      %cond3A = arith.constant 0 : i32
      %cond3A_139 = arith.cmpi ne, %convert_element_type3A, %cond3A : i32
      scf.if %cond3A_139 {
        "tpu.region"() ({
          %run_scoped3A = tpu.sem_alloc : memref<!tpu.dma_semaphore, #tpu.memory_space<semaphore_mem>>
          %dma_start3A = arith.constant 1280 : i32
          %dma_start3A_170 = arith.constant 0 : i32
          %dma_start3A_171 = tpu.memref_slice %arg27[%dma_start3A, %dma_start3A_170] : memref<1288x128xf32, #tpu.memory_space<vmem_shared>> -> memref<8x128xf32, #tpu.memory_space<vmem_shared>>
          %dma_start3A_172 = arith.constant 0 : i32
          %dma_start3A_173 = arith.constant 0 : i32
          %dma_start3A_174 = tpu.memref_slice %arg7[%dma_start3A_172, %dma_start3A_173] : memref<1280x128xf32, #tpu.memory_space<hbm>> -> memref<8x128xf32, #tpu.memory_space<hbm>>
          tpu.enqueue_dma source(%dma_start3A_174 : memref<8x128xf32, #tpu.memory_space<hbm>>) target(%dma_start3A_171 : memref<8x128xf32, #tpu.memory_space<vmem_shared>>) target_semaphore(%run_scoped3A : memref<!tpu.dma_semaphore, #tpu.memory_space<semaphore_mem>>)
          %dma_wait3A = arith.constant 1280 : i32
          %dma_wait3A_175 = arith.constant 0 : i32
          %dma_wait3A_176 = tpu.memref_slice %arg27[%dma_wait3A, %dma_wait3A_175] : memref<1288x128xf32, #tpu.memory_space<vmem_shared>> -> memref<8x128xf32, #tpu.memory_space<vmem_shared>>
          %dma_wait3A_177 = arith.constant 0 : i32
          %dma_wait3A_178 = arith.constant 0 : i32
          %dma_wait3A_179 = tpu.memref_slice %arg7[%dma_wait3A_177, %dma_wait3A_178] : memref<1280x128xf32, #tpu.memory_space<hbm>> -> memref<8x128xf32, #tpu.memory_space<hbm>>
          tpu.wait_dma2 semaphore(%run_scoped3A : memref<!tpu.dma_semaphore, #tpu.memory_space<semaphore_mem>>) src(%dma_wait3A_179 : memref<8x128xf32, #tpu.memory_space<hbm>>) dst(%dma_wait3A_176 : memref<8x128xf32, #tpu.memory_space<vmem_shared>>)
          tpu.yield
        }) : () -> ()
        "tpu.region"() ({
          %run_scoped3A = tpu.sem_alloc : memref<!tpu.dma_semaphore, #tpu.memory_space<semaphore_mem>>
          %dma_start3A = arith.constant 1280 : i32
          %dma_start3A_170 = arith.constant 0 : i32
          %dma_start3A_171 = tpu.memref_slice %arg28[%dma_start3A, %dma_start3A_170] : memref<1288x128xf32, #tpu.memory_space<vmem_shared>> -> memref<8x128xf32, #tpu.memory_space<vmem_shared>>
          %dma_start3A_172 = arith.constant 0 : i32
          %dma_start3A_173 = arith.constant 0 : i32
          %dma_start3A_174 = tpu.memref_slice %arg7[%dma_start3A_172, %dma_start3A_173] : memref<1280x128xf32, #tpu.memory_space<hbm>> -> memref<8x128xf32, #tpu.memory_space<hbm>>
          tpu.enqueue_dma source(%dma_start3A_174 : memref<8x128xf32, #tpu.memory_space<hbm>>) target(%dma_start3A_171 : memref<8x128xf32, #tpu.memory_space<vmem_shared>>) target_semaphore(%run_scoped3A : memref<!tpu.dma_semaphore, #tpu.memory_space<semaphore_mem>>)
          %dma_wait3A = arith.constant 1280 : i32
          %dma_wait3A_175 = arith.constant 0 : i32
          %dma_wait3A_176 = tpu.memref_slice %arg28[%dma_wait3A, %dma_wait3A_175] : memref<1288x128xf32, #tpu.memory_space<vmem_shared>> -> memref<8x128xf32, #tpu.memory_space<vmem_shared>>
          %dma_wait3A_177 = arith.constant 0 : i32
          %dma_wait3A_178 = arith.constant 0 : i32
          %dma_wait3A_179 = tpu.memref_slice %arg7[%dma_wait3A_177, %dma_wait3A_178] : memref<1280x128xf32, #tpu.memory_space<hbm>> -> memref<8x128xf32, #tpu.memory_space<hbm>>
          tpu.wait_dma2 semaphore(%run_scoped3A : memref<!tpu.dma_semaphore, #tpu.memory_space<semaphore_mem>>) src(%dma_wait3A_179 : memref<8x128xf32, #tpu.memory_space<hbm>>) dst(%dma_wait3A_176 : memref<8x128xf32, #tpu.memory_space<vmem_shared>>)
          tpu.yield
        }) : () -> ()
        "tpu.region"() ({
          %run_scoped3A = tpu.sem_alloc : memref<!tpu.dma_semaphore, #tpu.memory_space<semaphore_mem>>
          %dma_start3A = arith.constant 1280 : i32
          %dma_start3A_170 = arith.constant 0 : i32
          %dma_start3A_171 = tpu.memref_slice %arg29[%dma_start3A, %dma_start3A_170] : memref<1288x128xf32, #tpu.memory_space<vmem_shared>> -> memref<8x128xf32, #tpu.memory_space<vmem_shared>>
          %dma_start3A_172 = arith.constant 0 : i32
          %dma_start3A_173 = arith.constant 0 : i32
          %dma_start3A_174 = tpu.memref_slice %arg7[%dma_start3A_172, %dma_start3A_173] : memref<1280x128xf32, #tpu.memory_space<hbm>> -> memref<8x128xf32, #tpu.memory_space<hbm>>
          tpu.enqueue_dma source(%dma_start3A_174 : memref<8x128xf32, #tpu.memory_space<hbm>>) target(%dma_start3A_171 : memref<8x128xf32, #tpu.memory_space<vmem_shared>>) target_semaphore(%run_scoped3A : memref<!tpu.dma_semaphore, #tpu.memory_space<semaphore_mem>>)
          %dma_wait3A = arith.constant 1280 : i32
          %dma_wait3A_175 = arith.constant 0 : i32
          %dma_wait3A_176 = tpu.memref_slice %arg29[%dma_wait3A, %dma_wait3A_175] : memref<1288x128xf32, #tpu.memory_space<vmem_shared>> -> memref<8x128xf32, #tpu.memory_space<vmem_shared>>
          %dma_wait3A_177 = arith.constant 0 : i32
          %dma_wait3A_178 = arith.constant 0 : i32
          %dma_wait3A_179 = tpu.memref_slice %arg7[%dma_wait3A_177, %dma_wait3A_178] : memref<1280x128xf32, #tpu.memory_space<hbm>> -> memref<8x128xf32, #tpu.memory_space<hbm>>
          tpu.wait_dma2 semaphore(%run_scoped3A : memref<!tpu.dma_semaphore, #tpu.memory_space<semaphore_mem>>) src(%dma_wait3A_179 : memref<8x128xf32, #tpu.memory_space<hbm>>) dst(%dma_wait3A_176 : memref<8x128xf32, #tpu.memory_space<vmem_shared>>)
          tpu.yield
        }) : () -> ()
        "tpu.region"() ({
          %run_scoped3A = tpu.sem_alloc : memref<!tpu.dma_semaphore, #tpu.memory_space<semaphore_mem>>
          %dma_start3A = arith.constant 1280 : i32
          %dma_start3A_170 = arith.constant 0 : i32
          %dma_start3A_171 = tpu.memref_slice %arg30[%dma_start3A, %dma_start3A_170] : memref<1288x128xf32, #tpu.memory_space<vmem_shared>> -> memref<8x128xf32, #tpu.memory_space<vmem_shared>>
          %dma_start3A_172 = arith.constant 0 : i32
          %dma_start3A_173 = arith.constant 0 : i32
          %dma_start3A_174 = tpu.memref_slice %arg7[%dma_start3A_172, %dma_start3A_173] : memref<1280x128xf32, #tpu.memory_space<hbm>> -> memref<8x128xf32, #tpu.memory_space<hbm>>
          tpu.enqueue_dma source(%dma_start3A_174 : memref<8x128xf32, #tpu.memory_space<hbm>>) target(%dma_start3A_171 : memref<8x128xf32, #tpu.memory_space<vmem_shared>>) target_semaphore(%run_scoped3A : memref<!tpu.dma_semaphore, #tpu.memory_space<semaphore_mem>>)
          %dma_wait3A = arith.constant 1280 : i32
          %dma_wait3A_175 = arith.constant 0 : i32
          %dma_wait3A_176 = tpu.memref_slice %arg30[%dma_wait3A, %dma_wait3A_175] : memref<1288x128xf32, #tpu.memory_space<vmem_shared>> -> memref<8x128xf32, #tpu.memory_space<vmem_shared>>
          %dma_wait3A_177 = arith.constant 0 : i32
          %dma_wait3A_178 = arith.constant 0 : i32
          %dma_wait3A_179 = tpu.memref_slice %arg7[%dma_wait3A_177, %dma_wait3A_178] : memref<1280x128xf32, #tpu.memory_space<hbm>> -> memref<8x128xf32, #tpu.memory_space<hbm>>
          tpu.wait_dma2 semaphore(%run_scoped3A : memref<!tpu.dma_semaphore, #tpu.memory_space<semaphore_mem>>) src(%dma_wait3A_179 : memref<8x128xf32, #tpu.memory_space<hbm>>) dst(%dma_wait3A_176 : memref<8x128xf32, #tpu.memory_space<vmem_shared>>)
          tpu.yield
        }) : () -> ()
        "tpu.region"() ({
          %run_scoped3A = tpu.sem_alloc : memref<!tpu.dma_semaphore, #tpu.memory_space<semaphore_mem>>
          %dma_start3A = arith.constant 1280 : i32
          %dma_start3A_170 = arith.constant 0 : i32
          %dma_start3A_171 = tpu.memref_slice %arg31[%dma_start3A, %dma_start3A_170] : memref<1288x128xf32, #tpu.memory_space<vmem_shared>> -> memref<8x128xf32, #tpu.memory_space<vmem_shared>>
          %dma_start3A_172 = arith.constant 0 : i32
          %dma_start3A_173 = arith.constant 0 : i32
          %dma_start3A_174 = tpu.memref_slice %arg7[%dma_start3A_172, %dma_start3A_173] : memref<1280x128xf32, #tpu.memory_space<hbm>> -> memref<8x128xf32, #tpu.memory_space<hbm>>
          tpu.enqueue_dma source(%dma_start3A_174 : memref<8x128xf32, #tpu.memory_space<hbm>>) target(%dma_start3A_171 : memref<8x128xf32, #tpu.memory_space<vmem_shared>>) target_semaphore(%run_scoped3A : memref<!tpu.dma_semaphore, #tpu.memory_space<semaphore_mem>>)
          %dma_wait3A = arith.constant 1280 : i32
          %dma_wait3A_175 = arith.constant 0 : i32
          %dma_wait3A_176 = tpu.memref_slice %arg31[%dma_wait3A, %dma_wait3A_175] : memref<1288x128xf32, #tpu.memory_space<vmem_shared>> -> memref<8x128xf32, #tpu.memory_space<vmem_shared>>
          %dma_wait3A_177 = arith.constant 0 : i32
          %dma_wait3A_178 = arith.constant 0 : i32
          %dma_wait3A_179 = tpu.memref_slice %arg7[%dma_wait3A_177, %dma_wait3A_178] : memref<1280x128xf32, #tpu.memory_space<hbm>> -> memref<8x128xf32, #tpu.memory_space<hbm>>
          tpu.wait_dma2 semaphore(%run_scoped3A : memref<!tpu.dma_semaphore, #tpu.memory_space<semaphore_mem>>) src(%dma_wait3A_179 : memref<8x128xf32, #tpu.memory_space<hbm>>) dst(%dma_wait3A_176 : memref<8x128xf32, #tpu.memory_space<vmem_shared>>)
          tpu.yield
        }) : () -> ()
      } else {
      }
      %barrier3A = arith.constant 0 : index
      tpu.barrier barrier_id(%barrier3A)
      %scan3A_140 = arith.constant 0 : i32
      %scan3A_141 = arith.constant 0 : i32
      %scan3A_142 = arith.constant 10 : i32
      %scan3A_143 = arith.addi %scan3A_141, %scan3A_142 : i32
      %scan3A_144 = arith.constant 1 : i32
      %scan3A_145 = scf.for %scan3A_170 = %scan3A_141 to %scan3A_143 step %scan3A_144 iter_args(%scan3A_171 = %scan3A_140) -> (i32)  : i32 {
        %mul3A_172 = arith.constant 20000 : i32
        %mul3A_173 = arith.muli %arg1, %mul3A_172 : i32
        %mul3A_174 = arith.constant 2000 : i32
        %mul3A_175 = arith.muli %scan3A_170, %mul3A_174 : i32
        %add3A_176 = arith.addi %mul3A_173, %mul3A_175 : i32
        "tpu.region"() ({
          %run_scoped3A = tpu.sem_alloc : memref<!tpu.dma_semaphore, #tpu.memory_space<semaphore_mem>>
          %dma_start3A = tpu.memref_slice %arg4[%add3A_176] : memref<320000xi32, #tpu.memory_space<hbm>> -> memref<2000xi32, #tpu.memory_space<hbm>>
          %dma_start3A_269 = tpu.memref_slice %arg4[%add3A_176] : memref<320000xi32, #tpu.memory_space<hbm>> -> memref<2000xi32, #tpu.memory_space<hbm>>
          tpu.enqueue_dma source(%dma_start3A_269 : memref<2000xi32, #tpu.memory_space<hbm>>) target(%arg13 : memref<2000xi32, #tpu.memory_space<vmem>>) target_semaphore(%run_scoped3A : memref<!tpu.dma_semaphore, #tpu.memory_space<semaphore_mem>>)
          %dma_wait3A = tpu.memref_slice %arg4[%add3A_176] : memref<320000xi32, #tpu.memory_space<hbm>> -> memref<2000xi32, #tpu.memory_space<hbm>>
          %dma_wait3A_270 = tpu.memref_slice %arg4[%add3A_176] : memref<320000xi32, #tpu.memory_space<hbm>> -> memref<2000xi32, #tpu.memory_space<hbm>>
          tpu.wait_dma2 semaphore(%run_scoped3A : memref<!tpu.dma_semaphore, #tpu.memory_space<semaphore_mem>>) src(%dma_wait3A_270 : memref<2000xi32, #tpu.memory_space<hbm>>) dst(%arg13 : memref<2000xi32, #tpu.memory_space<vmem>>)
          tpu.yield
        }) : () -> ()
        "tpu.region"() ({
          %run_scoped3A = tpu.sem_alloc : memref<!tpu.dma_semaphore, #tpu.memory_space<semaphore_mem>>
          %dma_start3A = tpu.memref_slice %arg5[%add3A_176] : memref<320000xi32, #tpu.memory_space<hbm>> -> memref<2000xi32, #tpu.memory_space<hbm>>
          %dma_start3A_269 = tpu.memref_slice %arg5[%add3A_176] : memref<320000xi32, #tpu.memory_space<hbm>> -> memref<2000xi32, #tpu.memory_space<hbm>>
          tpu.enqueue_dma source(%dma_start3A_269 : memref<2000xi32, #tpu.memory_space<hbm>>) target(%arg14 : memref<2000xi32, #tpu.memory_space<vmem>>) target_semaphore(%run_scoped3A : memref<!tpu.dma_semaphore, #tpu.memory_space<semaphore_mem>>)
          %dma_wait3A = tpu.memref_slice %arg5[%add3A_176] : memref<320000xi32, #tpu.memory_space<hbm>> -> memref<2000xi32, #tpu.memory_space<hbm>>
          %dma_wait3A_270 = tpu.memref_slice %arg5[%add3A_176] : memref<320000xi32, #tpu.memory_space<hbm>> -> memref<2000xi32, #tpu.memory_space<hbm>>
          tpu.wait_dma2 semaphore(%run_scoped3A : memref<!tpu.dma_semaphore, #tpu.memory_space<semaphore_mem>>) src(%dma_wait3A_270 : memref<2000xi32, #tpu.memory_space<hbm>>) dst(%arg14 : memref<2000xi32, #tpu.memory_space<vmem>>)
          tpu.yield
        }) : () -> ()
        %scan3A_177 = arith.constant 0 : i32
        %scan3A_178 = arith.constant 0 : i32
        %scan3A_179 = arith.constant 125 : i32
        %scan3A_180 = arith.addi %scan3A_178, %scan3A_179 : i32
        %scan3A_181 = arith.constant 1 : i32
        %scan3A_182 = scf.for %scan3A_269 = %scan3A_178 to %scan3A_180 step %scan3A_181 iter_args(%scan3A_270 = %scan3A_177) -> (i32)  : i32 {
          %mul3A_271 = arith.constant 16 : i32
          %mul3A_272 = arith.muli %mul3A_271, %scan3A_269 : i32
          %get3A_273 = arith.index_cast %mul3A_272 : i32 to index
          %get3A_274 = tpu.vector_load %arg14[%get3A_273] {strides = array<i32>} : memref<2000xi32, #tpu.memory_space<vmem>>, vector<16xi32>,
          %get3A_275 = vector.shape_cast %get3A_274 : vector<16xi32> to vector<16xi32>
          %mul3A_276 = arith.constant 16 : i32
          %mul3A_277 = arith.muli %mul3A_276, %scan3A_269 : i32
          %get3A_278 = arith.index_cast %mul3A_277 : i32 to index
          %get3A_279 = tpu.vector_load %arg13[%get3A_278] {strides = array<i32>} : memref<2000xi32, #tpu.memory_space<vmem>>, vector<16xi32>,
          %get3A_280 = vector.shape_cast %get3A_279 : vector<16xi32> to vector<16xi32>
          %ge3A = vector.broadcast %mul3A_117 : i32 to vector<16xi32>
          %ge3A_281 = arith.cmpi sge, %get3A_275, %ge3A : vector<16xi32>
          %add3A_282 = arith.constant 1280 : i32
          %add3A_283 = arith.addi %mul3A_117, %add3A_282 : i32
          %lt3A = vector.broadcast %add3A_283 : i32 to vector<16xi32>
          %lt3A_284 = arith.cmpi slt, %get3A_275, %lt3A : vector<16xi32>
          %and3A_285 = arith.andi %ge3A_281, %lt3A_284 : vector<16xi1>
          %jit3A_286 = arith.constant 1 : i32
          %jit3A_287 = arith.constant 0 : i32
          %broadcast_in_dim3A_288 = vector.broadcast %jit3A_286 : i32 to vector<16xi32>
          %broadcast_in_dim3A_289 = vector.broadcast %jit3A_287 : i32 to vector<16xi32>
          %select_n3A_290 = arith.select %and3A_285, %broadcast_in_dim3A_288, %broadcast_in_dim3A_289 : vector<16xi1>, vector<16xi32>
          %sub3A_291 = arith.constant 1 : i32
          %sub3A_292 = vector.broadcast %sub3A_291 : i32 to vector<16xi32>
          %sub3A_293 = arith.subi %iota3A, %sub3A_292 : vector<16xi32>
          %max3A = arith.constant 0 : i32
          %max3A_294 = vector.broadcast %max3A : i32 to vector<16xi32>
          %max3A_295 = arith.maxsi %sub3A_293, %max3A_294 : vector<16xi32>
          %lt3A_296 = arith.constant 0 : i32
          %lt3A_297 = vector.broadcast %lt3A_296 : i32 to vector<16xi32>
          %lt3A_298 = arith.cmpi slt, %max3A_295, %lt3A_297 : vector<16xi32>
          %add3A_299 = arith.constant 16 : i32
          %add3A_300 = vector.broadcast %add3A_299 : i32 to vector<16xi32>
          %add3A_301 = arith.addi %max3A_295, %add3A_300 : vector<16xi32>
          %select_n3A_302 = arith.select %lt3A_298, %add3A_301, %max3A_295 : vector<16xi1>, vector<16xi32>
          %broadcast_in_dim3A_303 = vector.shape_cast %select_n3A_302 : vector<16xi32> to vector<16x1xi32>
          %gather3A = vector.shape_cast %broadcast_in_dim3A_303 : vector<16x1xi32> to vector<16xi32>
          %gather3A_304 = tpu.dynamic_gather %select_n3A_290[%gather3A] in [0] : vector<16xi32>, vector<16xi32> -> vector<16xi32>
          %ge3A_305 = arith.constant 1 : i32
          %ge3A_306 = vector.broadcast %ge3A_305 : i32 to vector<16xi32>
          %ge3A_307 = arith.cmpi sge, %iota3A, %ge3A_306 : vector<16xi32>
          %jit3A_308 = arith.constant 0 : i32
          %broadcast_in_dim3A_309 = vector.broadcast %jit3A_308 : i32 to vector<16xi32>
          %select_n3A_310 = arith.select %ge3A_307, %gather3A_304, %broadcast_in_dim3A_309 : vector<16xi1>, vector<16xi32>
          %add3A_311 = arith.addi %select_n3A_290, %select_n3A_310 : vector<16xi32>
          %sub3A_312 = arith.constant 2 : i32
          %sub3A_313 = vector.broadcast %sub3A_312 : i32 to vector<16xi32>
          %sub3A_314 = arith.subi %iota3A, %sub3A_313 : vector<16xi32>
          %max3A_315 = arith.constant 0 : i32
          %max3A_316 = vector.broadcast %max3A_315 : i32 to vector<16xi32>
          %max3A_317 = arith.maxsi %sub3A_314, %max3A_316 : vector<16xi32>
          %lt3A_318 = arith.constant 0 : i32
          %lt3A_319 = vector.broadcast %lt3A_318 : i32 to vector<16xi32>
          %lt3A_320 = arith.cmpi slt, %max3A_317, %lt3A_319 : vector<16xi32>
          %add3A_321 = arith.constant 16 : i32
          %add3A_322 = vector.broadcast %add3A_321 : i32 to vector<16xi32>
          %add3A_323 = arith.addi %max3A_317, %add3A_322 : vector<16xi32>
          %select_n3A_324 = arith.select %lt3A_320, %add3A_323, %max3A_317 : vector<16xi1>, vector<16xi32>
          %broadcast_in_dim3A_325 = vector.shape_cast %select_n3A_324 : vector<16xi32> to vector<16x1xi32>
          %gather3A_326 = vector.shape_cast %broadcast_in_dim3A_325 : vector<16x1xi32> to vector<16xi32>
          %gather3A_327 = tpu.dynamic_gather %add3A_311[%gather3A_326] in [0] : vector<16xi32>, vector<16xi32> -> vector<16xi32>
          %ge3A_328 = arith.constant 2 : i32
          %ge3A_329 = vector.broadcast %ge3A_328 : i32 to vector<16xi32>
          %ge3A_330 = arith.cmpi sge, %iota3A, %ge3A_329 : vector<16xi32>
          %jit3A_331 = arith.constant 0 : i32
          %broadcast_in_dim3A_332 = vector.broadcast %jit3A_331 : i32 to vector<16xi32>
          %select_n3A_333 = arith.select %ge3A_330, %gather3A_327, %broadcast_in_dim3A_332 : vector<16xi1>, vector<16xi32>
          %add3A_334 = arith.addi %add3A_311, %select_n3A_333 : vector<16xi32>
          %sub3A_335 = arith.constant 4 : i32
          %sub3A_336 = vector.broadcast %sub3A_335 : i32 to vector<16xi32>
          %sub3A_337 = arith.subi %iota3A, %sub3A_336 : vector<16xi32>
          %max3A_338 = arith.constant 0 : i32
          %max3A_339 = vector.broadcast %max3A_338 : i32 to vector<16xi32>
          %max3A_340 = arith.maxsi %sub3A_337, %max3A_339 : vector<16xi32>
          %lt3A_341 = arith.constant 0 : i32
          %lt3A_342 = vector.broadcast %lt3A_341 : i32 to vector<16xi32>
          %lt3A_343 = arith.cmpi slt, %max3A_340, %lt3A_342 : vector<16xi32>
          %add3A_344 = arith.constant 16 : i32
          %add3A_345 = vector.broadcast %add3A_344 : i32 to vector<16xi32>
          %add3A_346 = arith.addi %max3A_340, %add3A_345 : vector<16xi32>
          %select_n3A_347 = arith.select %lt3A_343, %add3A_346, %max3A_340 : vector<16xi1>, vector<16xi32>
          %broadcast_in_dim3A_348 = vector.shape_cast %select_n3A_347 : vector<16xi32> to vector<16x1xi32>
          %gather3A_349 = vector.shape_cast %broadcast_in_dim3A_348 : vector<16x1xi32> to vector<16xi32>
          %gather3A_350 = tpu.dynamic_gather %add3A_334[%gather3A_349] in [0] : vector<16xi32>, vector<16xi32> -> vector<16xi32>
          %ge3A_351 = arith.constant 4 : i32
          %ge3A_352 = vector.broadcast %ge3A_351 : i32 to vector<16xi32>
          %ge3A_353 = arith.cmpi sge, %iota3A, %ge3A_352 : vector<16xi32>
          %jit3A_354 = arith.constant 0 : i32
          %broadcast_in_dim3A_355 = vector.broadcast %jit3A_354 : i32 to vector<16xi32>
          %select_n3A_356 = arith.select %ge3A_353, %gather3A_350, %broadcast_in_dim3A_355 : vector<16xi1>, vector<16xi32>
          %add3A_357 = arith.addi %add3A_334, %select_n3A_356 : vector<16xi32>
          %sub3A_358 = arith.constant 8 : i32
          %sub3A_359 = vector.broadcast %sub3A_358 : i32 to vector<16xi32>
          %sub3A_360 = arith.subi %iota3A, %sub3A_359 : vector<16xi32>
          %max3A_361 = arith.constant 0 : i32
          %max3A_362 = vector.broadcast %max3A_361 : i32 to vector<16xi32>
          %max3A_363 = arith.maxsi %sub3A_360, %max3A_362 : vector<16xi32>
          %lt3A_364 = arith.constant 0 : i32
          %lt3A_365 = vector.broadcast %lt3A_364 : i32 to vector<16xi32>
          %lt3A_366 = arith.cmpi slt, %max3A_363, %lt3A_365 : vector<16xi32>
          %add3A_367 = arith.constant 16 : i32
          %add3A_368 = vector.broadcast %add3A_367 : i32 to vector<16xi32>
          %add3A_369 = arith.addi %max3A_363, %add3A_368 : vector<16xi32>
          %select_n3A_370 = arith.select %lt3A_366, %add3A_369, %max3A_363 : vector<16xi1>, vector<16xi32>
          %broadcast_in_dim3A_371 = vector.shape_cast %select_n3A_370 : vector<16xi32> to vector<16x1xi32>
          %gather3A_372 = vector.shape_cast %broadcast_in_dim3A_371 : vector<16x1xi32> to vector<16xi32>
          %gather3A_373 = tpu.dynamic_gather %add3A_357[%gather3A_372] in [0] : vector<16xi32>, vector<16xi32> -> vector<16xi32>
          %ge3A_374 = arith.constant 8 : i32
          %ge3A_375 = vector.broadcast %ge3A_374 : i32 to vector<16xi32>
          %ge3A_376 = arith.cmpi sge, %iota3A, %ge3A_375 : vector<16xi32>
          %jit3A_377 = arith.constant 0 : i32
          %broadcast_in_dim3A_378 = vector.broadcast %jit3A_377 : i32 to vector<16xi32>
          %select_n3A_379 = arith.select %ge3A_376, %gather3A_373, %broadcast_in_dim3A_378 : vector<16xi1>, vector<16xi32>
          %add3A_380 = arith.addi %add3A_357, %select_n3A_379 : vector<16xi32>
          %add3A_381 = arith.constant 1 : i32
          %add3A_382 = vector.broadcast %add3A_381 : i32 to vector<16xi32>
          %add3A_383 = arith.addi %iota3A, %add3A_382 : vector<16xi32>
          %broadcast_in_dim3A_384 = arith.constant 0 : i32
          %broadcast_in_dim3A_385 = vector.broadcast %broadcast_in_dim3A_384 : i32 to vector<16xi32>
          %add3A_386 = arith.constant 8 : i32
          %add3A_387 = vector.broadcast %add3A_386 : i32 to vector<16xi32>
          %add3A_388 = arith.addi %broadcast_in_dim3A_385, %add3A_387 : vector<16xi32>
          %sub3A_389 = arith.constant 1 : i32
          %sub3A_390 = vector.broadcast %sub3A_389 : i32 to vector<16xi32>
          %sub3A_391 = arith.subi %add3A_388, %sub3A_390 : vector<16xi32>
          %max3A_392 = arith.constant 0 : i32
          %max3A_393 = vector.broadcast %max3A_392 : i32 to vector<16xi32>
          %max3A_394 = arith.maxsi %sub3A_391, %max3A_393 : vector<16xi32>
          %lt3A_395 = arith.constant 0 : i32
          %lt3A_396 = vector.broadcast %lt3A_395 : i32 to vector<16xi32>
          %lt3A_397 = arith.cmpi slt, %max3A_394, %lt3A_396 : vector<16xi32>
          %add3A_398 = arith.constant 16 : i32
          %add3A_399 = vector.broadcast %add3A_398 : i32 to vector<16xi32>
          %add3A_400 = arith.addi %max3A_394, %add3A_399 : vector<16xi32>
          %select_n3A_401 = arith.select %lt3A_397, %add3A_400, %max3A_394 : vector<16xi1>, vector<16xi32>
          %broadcast_in_dim3A_402 = vector.shape_cast %select_n3A_401 : vector<16xi32> to vector<16x1xi32>
          %gather3A_403 = vector.shape_cast %broadcast_in_dim3A_402 : vector<16x1xi32> to vector<16xi32>
          %gather3A_404 = tpu.dynamic_gather %add3A_380[%gather3A_403] in [0] : vector<16xi32>, vector<16xi32> -> vector<16xi32>
          %lt3A_405 = arith.cmpi slt, %gather3A_404, %add3A_383 : vector<16xi32>
          %select_n3A_406 = arith.select %lt3A_405, %add3A_388, %broadcast_in_dim3A_385 : vector<16xi1>, vector<16xi32>
          %add3A_407 = arith.constant 4 : i32
          %add3A_408 = vector.broadcast %add3A_407 : i32 to vector<16xi32>
          %add3A_409 = arith.addi %select_n3A_406, %add3A_408 : vector<16xi32>
          %sub3A_410 = arith.constant 1 : i32
          %sub3A_411 = vector.broadcast %sub3A_410 : i32 to vector<16xi32>
          %sub3A_412 = arith.subi %add3A_409, %sub3A_411 : vector<16xi32>
          %max3A_413 = arith.constant 0 : i32
          %max3A_414 = vector.broadcast %max3A_413 : i32 to vector<16xi32>
          %max3A_415 = arith.maxsi %sub3A_412, %max3A_414 : vector<16xi32>
          %lt3A_416 = arith.constant 0 : i32
          %lt3A_417 = vector.broadcast %lt3A_416 : i32 to vector<16xi32>
          %lt3A_418 = arith.cmpi slt, %max3A_415, %lt3A_417 : vector<16xi32>
          %add3A_419 = arith.constant 16 : i32
          %add3A_420 = vector.broadcast %add3A_419 : i32 to vector<16xi32>
          %add3A_421 = arith.addi %max3A_415, %add3A_420 : vector<16xi32>
          %select_n3A_422 = arith.select %lt3A_418, %add3A_421, %max3A_415 : vector<16xi1>, vector<16xi32>
          %broadcast_in_dim3A_423 = vector.shape_cast %select_n3A_422 : vector<16xi32> to vector<16x1xi32>
          %gather3A_424 = vector.shape_cast %broadcast_in_dim3A_423 : vector<16x1xi32> to vector<16xi32>
          %gather3A_425 = tpu.dynamic_gather %add3A_380[%gather3A_424] in [0] : vector<16xi32>, vector<16xi32> -> vector<16xi32>
          %lt3A_426 = arith.cmpi slt, %gather3A_425, %add3A_383 : vector<16xi32>
          %select_n3A_427 = arith.select %lt3A_426, %add3A_409, %select_n3A_406 : vector<16xi1>, vector<16xi32>
          %add3A_428 = arith.constant 2 : i32
          %add3A_429 = vector.broadcast %add3A_428 : i32 to vector<16xi32>
          %add3A_430 = arith.addi %select_n3A_427, %add3A_429 : vector<16xi32>
          %sub3A_431 = arith.constant 1 : i32
          %sub3A_432 = vector.broadcast %sub3A_431 : i32 to vector<16xi32>
          %sub3A_433 = arith.subi %add3A_430, %sub3A_432 : vector<16xi32>
          %max3A_434 = arith.constant 0 : i32
          %max3A_435 = vector.broadcast %max3A_434 : i32 to vector<16xi32>
          %max3A_436 = arith.maxsi %sub3A_433, %max3A_435 : vector<16xi32>
          %lt3A_437 = arith.constant 0 : i32
          %lt3A_438 = vector.broadcast %lt3A_437 : i32 to vector<16xi32>
          %lt3A_439 = arith.cmpi slt, %max3A_436, %lt3A_438 : vector<16xi32>
          %add3A_440 = arith.constant 16 : i32
          %add3A_441 = vector.broadcast %add3A_440 : i32 to vector<16xi32>
          %add3A_442 = arith.addi %max3A_436, %add3A_441 : vector<16xi32>
          %select_n3A_443 = arith.select %lt3A_439, %add3A_442, %max3A_436 : vector<16xi1>, vector<16xi32>
          %broadcast_in_dim3A_444 = vector.shape_cast %select_n3A_443 : vector<16xi32> to vector<16x1xi32>
          %gather3A_445 = vector.shape_cast %broadcast_in_dim3A_444 : vector<16x1xi32> to vector<16xi32>
          %gather3A_446 = tpu.dynamic_gather %add3A_380[%gather3A_445] in [0] : vector<16xi32>, vector<16xi32> -> vector<16xi32>
          %lt3A_447 = arith.cmpi slt, %gather3A_446, %add3A_383 : vector<16xi32>
          %select_n3A_448 = arith.select %lt3A_447, %add3A_430, %select_n3A_427 : vector<16xi1>, vector<16xi32>
          %add3A_449 = arith.constant 1 : i32
          %add3A_450 = vector.broadcast %add3A_449 : i32 to vector<16xi32>
          %add3A_451 = arith.addi %select_n3A_448, %add3A_450 : vector<16xi32>
          %sub3A_452 = arith.constant 1 : i32
          %sub3A_453 = vector.broadcast %sub3A_452 : i32 to vector<16xi32>
          %sub3A_454 = arith.subi %add3A_451, %sub3A_453 : vector<16xi32>
          %max3A_455 = arith.constant 0 : i32
          %max3A_456 = vector.broadcast %max3A_455 : i32 to vector<16xi32>
          %max3A_457 = arith.maxsi %sub3A_454, %max3A_456 : vector<16xi32>
          %lt3A_458 = arith.constant 0 : i32
          %lt3A_459 = vector.broadcast %lt3A_458 : i32 to vector<16xi32>
          %lt3A_460 = arith.cmpi slt, %max3A_457, %lt3A_459 : vector<16xi32>
          %add3A_461 = arith.constant 16 : i32
          %add3A_462 = vector.broadcast %add3A_461 : i32 to vector<16xi32>
          %add3A_463 = arith.addi %max3A_457, %add3A_462 : vector<16xi32>
          %select_n3A_464 = arith.select %lt3A_460, %add3A_463, %max3A_457 : vector<16xi1>, vector<16xi32>
          %broadcast_in_dim3A_465 = vector.shape_cast %select_n3A_464 : vector<16xi32> to vector<16x1xi32>
          %gather3A_466 = vector.shape_cast %broadcast_in_dim3A_465 : vector<16x1xi32> to vector<16xi32>
          %gather3A_467 = tpu.dynamic_gather %add3A_380[%gather3A_466] in [0] : vector<16xi32>, vector<16xi32> -> vector<16xi32>
          %lt3A_468 = arith.cmpi slt, %gather3A_467, %add3A_383 : vector<16xi32>
          %select_n3A_469 = arith.select %lt3A_468, %add3A_451, %select_n3A_448 : vector<16xi1>, vector<16xi32>
          %min3A = arith.constant 15 : i32
          %min3A_470 = vector.broadcast %min3A : i32 to vector<16xi32>
          %min3A_471 = arith.minsi %select_n3A_469, %min3A_470 : vector<16xi32>
          %lt3A_472 = arith.constant 0 : i32
          %lt3A_473 = vector.broadcast %lt3A_472 : i32 to vector<16xi32>
          %lt3A_474 = arith.cmpi slt, %min3A_471, %lt3A_473 : vector<16xi32>
          %add3A_475 = arith.constant 16 : i32
          %add3A_476 = vector.broadcast %add3A_475 : i32 to vector<16xi32>
          %add3A_477 = arith.addi %min3A_471, %add3A_476 : vector<16xi32>
          %select_n3A_478 = arith.select %lt3A_474, %add3A_477, %min3A_471 : vector<16xi1>, vector<16xi32>
          %broadcast_in_dim3A_479 = vector.shape_cast %select_n3A_478 : vector<16xi32> to vector<16x1xi32>
          %gather3A_480 = vector.shape_cast %broadcast_in_dim3A_479 : vector<16x1xi32> to vector<16xi32>
          %gather3A_481 = tpu.dynamic_gather %get3A_280[%gather3A_480] in [0] : vector<16xi32>, vector<16xi32> -> vector<16xi32>
          %swap3A_482 = arith.index_cast %scan3A_270 : i32 to index
          %swap3A_483 = tpu.vector_load %arg15[%swap3A_482] {strides = array<i32>} : memref<2048xi32, #tpu.memory_space<vmem>>, vector<16xi32>,
          %swap3A_484 = vector.shape_cast %swap3A_483 : vector<16xi32> to vector<16xi32>
          %swap3A_485 = vector.shape_cast %gather3A_481 : vector<16xi32> to vector<16xi32>
          tpu.vector_store %arg15[%swap3A_482], %swap3A_485 {strides = array<i32>} : memref<2048xi32, #tpu.memory_space<vmem>>, vector<16xi32>,
          %lt3A_486 = arith.constant 0 : i32
          %lt3A_487 = vector.broadcast %lt3A_486 : i32 to vector<16xi32>
          %lt3A_488 = arith.cmpi slt, %min3A_471, %lt3A_487 : vector<16xi32>
          %add3A_489 = arith.constant 16 : i32
          %add3A_490 = vector.broadcast %add3A_489 : i32 to vector<16xi32>
          %add3A_491 = arith.addi %min3A_471, %add3A_490 : vector<16xi32>
          %select_n3A_492 = arith.select %lt3A_488, %add3A_491, %min3A_471 : vector<16xi1>, vector<16xi32>
          %broadcast_in_dim3A_493 = vector.shape_cast %select_n3A_492 : vector<16xi32> to vector<16x1xi32>
          %gather3A_494 = vector.shape_cast %broadcast_in_dim3A_493 : vector<16x1xi32> to vector<16xi32>
          %gather3A_495 = tpu.dynamic_gather %get3A_275[%gather3A_494] in [0] : vector<16xi32>, vector<16xi32> -> vector<16xi32>
          %swap3A_496 = arith.index_cast %scan3A_270 : i32 to index
          %swap3A_497 = tpu.vector_load %arg16[%swap3A_496] {strides = array<i32>} : memref<2048xi32, #tpu.memory_space<vmem>>, vector<16xi32>,
          %swap3A_498 = vector.shape_cast %swap3A_497 : vector<16xi32> to vector<16xi32>
          %swap3A_499 = vector.shape_cast %gather3A_495 : vector<16xi32> to vector<16xi32>
          tpu.vector_store %arg16[%swap3A_496], %swap3A_499 {strides = array<i32>} : memref<2048xi32, #tpu.memory_space<vmem>>, vector<16xi32>,
          %sub3A_500 = vector.broadcast %mul3A_117 : i32 to vector<16xi32>
          %sub3A_501 = arith.subi %gather3A_495, %sub3A_500 : vector<16xi32>
          %swap3A_502 = arith.index_cast %scan3A_270 : i32 to index
          %swap3A_503 = tpu.vector_load %arg17[%swap3A_502] {strides = array<i32>} : memref<2048xi32, #tpu.memory_space<vmem>>, vector<16xi32>,
          %swap3A_504 = vector.shape_cast %swap3A_503 : vector<16xi32> to vector<16xi32>
          %swap3A_505 = vector.shape_cast %sub3A_501 : vector<16xi32> to vector<16xi32>
          tpu.vector_store %arg17[%swap3A_502], %swap3A_505 {strides = array<i32>} : memref<2048xi32, #tpu.memory_space<vmem>>, vector<16xi32>,
          %slice3A = vector.extract_strided_slice %add3A_380 {offsets = [15], sizes = [1], strides = [1]} : vector<16xi32> to vector<1xi32>
          %squeeze3A = vector.extract %slice3A[0] : i32 from vector<1xi32>
          %add3A_506 = arith.addi %scan3A_270, %squeeze3A : i32
          scf.yield %add3A_506 : i32
        }
        %scan3A_183 = arith.constant 125 : i32
        %add3A_184 = arith.constant 0 : i32
        %add3A_185 = arith.addi %scan3A_182, %add3A_184 : i32
        %swap3A = arith.index_cast %add3A_185 : i32 to index
        %swap3A_186 = tpu.vector_load %arg15[%swap3A] {strides = array<i32>} : memref<2048xi32, #tpu.memory_space<vmem>>, vector<16xi32>,
        %swap3A_187 = vector.shape_cast %swap3A_186 : vector<16xi32> to vector<16xi32>
        %swap3A_188 = vector.shape_cast %broadcast_in_dim3A_95 : vector<16xi32> to vector<16xi32>
        tpu.vector_store %arg15[%swap3A], %swap3A_188 {strides = array<i32>} : memref<2048xi32, #tpu.memory_space<vmem>>, vector<16xi32>,
        %add3A_189 = arith.constant 0 : i32
        %add3A_190 = arith.addi %scan3A_182, %add3A_189 : i32
        %swap3A_191 = arith.index_cast %add3A_190 : i32 to index
        %swap3A_192 = tpu.vector_load %arg16[%swap3A_191] {strides = array<i32>} : memref<2048xi32, #tpu.memory_space<vmem>>, vector<16xi32>,
        %swap3A_193 = vector.shape_cast %swap3A_192 : vector<16xi32> to vector<16xi32>
        %swap3A_194 = vector.shape_cast %broadcast_in_dim3A_95 : vector<16xi32> to vector<16xi32>
        tpu.vector_store %arg16[%swap3A_191], %swap3A_194 {strides = array<i32>} : memref<2048xi32, #tpu.memory_space<vmem>>, vector<16xi32>,
        %add3A_195 = arith.constant 0 : i32
        %add3A_196 = arith.addi %scan3A_182, %add3A_195 : i32
        %swap3A_197 = arith.index_cast %add3A_196 : i32 to index
        %swap3A_198 = tpu.vector_load %arg17[%swap3A_197] {strides = array<i32>} : memref<2048xi32, #tpu.memory_space<vmem>>, vector<16xi32>,
        %swap3A_199 = vector.shape_cast %swap3A_198 : vector<16xi32> to vector<16xi32>
        %swap3A_200 = vector.shape_cast %broadcast_in_dim3A_99 : vector<16xi32> to vector<16xi32>
        tpu.vector_store %arg17[%swap3A_197], %swap3A_200 {strides = array<i32>} : memref<2048xi32, #tpu.memory_space<vmem>>, vector<16xi32>,
        %add3A_201 = arith.constant 16 : i32
        %add3A_202 = arith.addi %scan3A_182, %add3A_201 : i32
        %swap3A_203 = arith.index_cast %add3A_202 : i32 to index
        %swap3A_204 = tpu.vector_load %arg15[%swap3A_203] {strides = array<i32>} : memref<2048xi32, #tpu.memory_space<vmem>>, vector<16xi32>,
        %swap3A_205 = vector.shape_cast %swap3A_204 : vector<16xi32> to vector<16xi32>
        %swap3A_206 = vector.shape_cast %broadcast_in_dim3A_95 : vector<16xi32> to vector<16xi32>
        tpu.vector_store %arg15[%swap3A_203], %swap3A_206 {strides = array<i32>} : memref<2048xi32, #tpu.memory_space<vmem>>, vector<16xi32>,
        %add3A_207 = arith.constant 16 : i32
        %add3A_208 = arith.addi %scan3A_182, %add3A_207 : i32
        %swap3A_209 = arith.index_cast %add3A_208 : i32 to index
        %swap3A_210 = tpu.vector_load %arg16[%swap3A_209] {strides = array<i32>} : memref<2048xi32, #tpu.memory_space<vmem>>, vector<16xi32>,
        %swap3A_211 = vector.shape_cast %swap3A_210 : vector<16xi32> to vector<16xi32>
        %swap3A_212 = vector.shape_cast %broadcast_in_dim3A_95 : vector<16xi32> to vector<16xi32>
        tpu.vector_store %arg16[%swap3A_209], %swap3A_212 {strides = array<i32>} : memref<2048xi32, #tpu.memory_space<vmem>>, vector<16xi32>,
        %add3A_213 = arith.constant 16 : i32
        %add3A_214 = arith.addi %scan3A_182, %add3A_213 : i32
        %swap3A_215 = arith.index_cast %add3A_214 : i32 to index
        %swap3A_216 = tpu.vector_load %arg17[%swap3A_215] {strides = array<i32>} : memref<2048xi32, #tpu.memory_space<vmem>>, vector<16xi32>,
        %swap3A_217 = vector.shape_cast %swap3A_216 : vector<16xi32> to vector<16xi32>
        %swap3A_218 = vector.shape_cast %broadcast_in_dim3A_99 : vector<16xi32> to vector<16xi32>
        tpu.vector_store %arg17[%swap3A_215], %swap3A_218 {strides = array<i32>} : memref<2048xi32, #tpu.memory_space<vmem>>, vector<16xi32>,
        %add3A_219 = arith.constant 32 : i32
        %add3A_220 = arith.addi %scan3A_182, %add3A_219 : i32
        %swap3A_221 = arith.index_cast %add3A_220 : i32 to index
        %swap3A_222 = tpu.vector_load %arg15[%swap3A_221] {strides = array<i32>} : memref<2048xi32, #tpu.memory_space<vmem>>, vector<16xi32>,
        %swap3A_223 = vector.shape_cast %swap3A_222 : vector<16xi32> to vector<16xi32>
        %swap3A_224 = vector.shape_cast %broadcast_in_dim3A_95 : vector<16xi32> to vector<16xi32>
        tpu.vector_store %arg15[%swap3A_221], %swap3A_224 {strides = array<i32>} : memref<2048xi32, #tpu.memory_space<vmem>>, vector<16xi32>,
        %add3A_225 = arith.constant 32 : i32
        %add3A_226 = arith.addi %scan3A_182, %add3A_225 : i32
        %swap3A_227 = arith.index_cast %add3A_226 : i32 to index
        %swap3A_228 = tpu.vector_load %arg16[%swap3A_227] {strides = array<i32>} : memref<2048xi32, #tpu.memory_space<vmem>>, vector<16xi32>,
        %swap3A_229 = vector.shape_cast %swap3A_228 : vector<16xi32> to vector<16xi32>
        %swap3A_230 = vector.shape_cast %broadcast_in_dim3A_95 : vector<16xi32> to vector<16xi32>
        tpu.vector_store %arg16[%swap3A_227], %swap3A_230 {strides = array<i32>} : memref<2048xi32, #tpu.memory_space<vmem>>, vector<16xi32>,
        %add3A_231 = arith.constant 32 : i32
        %add3A_232 = arith.addi %scan3A_182, %add3A_231 : i32
        %swap3A_233 = arith.index_cast %add3A_232 : i32 to index
        %swap3A_234 = tpu.vector_load %arg17[%swap3A_233] {strides = array<i32>} : memref<2048xi32, #tpu.memory_space<vmem>>, vector<16xi32>,
        %swap3A_235 = vector.shape_cast %swap3A_234 : vector<16xi32> to vector<16xi32>
        %swap3A_236 = vector.shape_cast %broadcast_in_dim3A_99 : vector<16xi32> to vector<16xi32>
        tpu.vector_store %arg17[%swap3A_233], %swap3A_236 {strides = array<i32>} : memref<2048xi32, #tpu.memory_space<vmem>>, vector<16xi32>,
        %add3A_237 = arith.constant 32 : i32
        %add3A_238 = arith.addi %scan3A_182, %add3A_237 : i32
        %sub3A = arith.constant 1 : i32
        %sub3A_239 = arith.subi %add3A_238, %sub3A : i32
        %jit3A = arith.constant 32 : i32
        %div3A = arith.divsi %sub3A_239, %jit3A : i32
        %sign3A = arith.constant 0 : i32
        %sign3A_240 = arith.cmpi sgt, %sub3A_239, %sign3A : i32
        %sign3A_241 = arith.extui %sign3A_240 : i1 to i32
        %sign3A_242 = arith.constant 0 : i32
        %sign3A_243 = arith.cmpi slt, %sub3A_239, %sign3A_242 : i32
        %sign3A_244 = arith.extui %sign3A_243 : i1 to i32
        %sign3A_245 = arith.subi %sign3A_241, %sign3A_244 : i32
        %sign3A_246 = arith.constant 0 : i32
        %sign3A_247 = arith.cmpi sgt, %jit3A, %sign3A_246 : i32
        %sign3A_248 = arith.extui %sign3A_247 : i1 to i32
        %sign3A_249 = arith.constant 0 : i32
        %sign3A_250 = arith.cmpi slt, %jit3A, %sign3A_249 : i32
        %sign3A_251 = arith.extui %sign3A_250 : i1 to i32
        %sign3A_252 = arith.subi %sign3A_248, %sign3A_251 : i32
        %ne3A = arith.cmpi ne, %sign3A_245, %sign3A_252 : i32
        %rem3A = arith.remsi %sub3A_239, %jit3A : i32
        %ne3A_253 = arith.constant 0 : i32
        %ne3A_254 = arith.cmpi ne, %rem3A, %ne3A_253 : i32
        %and3A = arith.andi %ne3A, %ne3A_254 : i1
        %sub3A_255 = arith.constant 1 : i32
        %sub3A_256 = arith.subi %div3A, %sub3A_255 : i32
        %select_n3A = arith.select %and3A, %sub3A_256, %div3A : i32
        %while3A = arith.constant 0 : i32
        %while3A_257 = arith.constant 0 : i32
        %while3A_258 = arith.subi %select_n3A, %while3A : i32
        %while3A_259 = arith.addi %while3A, %while3A_258 : i32
        %while3A_260 = arith.constant 1 : i32
        %while3A_261 = arith.divsi %while3A_258, %while3A_260 : i32
        %while3A_262 = arith.muli %while3A_261, %while3A_260 : i32
        %while3A_263 = arith.addi %while3A, %while3A_262 : i32
        %while3A_264 = arith.constant 1 : i32
        %while3A_265 = scf.for %while3A_269 = %while3A to %while3A_263 step %while3A_264 iter_args(%while3A_270 = %while3A_257) -> (i32)  : i32 {
          %mul3A_271 = arith.constant 32 : i32
          %mul3A_272 = arith.muli %while3A_269, %mul3A_271 : i32
          %add3A_273 = arith.constant 0 : i32
          %add3A_274 = arith.addi %mul3A_272, %add3A_273 : i32
          %get3A_275 = arith.index_cast %add3A_274 : i32 to index
          %get3A_276 = tpu.vector_load %arg17[%get3A_275] {strides = array<i32>} : memref<2048xi32, #tpu.memory_space<vmem>>, vector<16xi32>,
          %get3A_277 = vector.shape_cast %get3A_276 : vector<16xi32> to vector<16xi32>
          %swap3A_278 = arith.constant 0 : index
          %swap3A_279 = tpu.vector_load %arg18[%swap3A_278] {strides = array<i32>} : memref<32xi32, #tpu.memory_space<vmem>>, vector<16xi32>,
          %swap3A_280 = vector.shape_cast %swap3A_279 : vector<16xi32> to vector<16xi32>
          %swap3A_281 = vector.shape_cast %get3A_277 : vector<16xi32> to vector<16xi32>
          tpu.vector_store %arg18[%swap3A_278], %swap3A_281 {strides = array<i32>} : memref<32xi32, #tpu.memory_space<vmem>>, vector<16xi32>,
          %add3A_282 = arith.constant 16 : i32
          %add3A_283 = arith.addi %mul3A_272, %add3A_282 : i32
          %get3A_284 = arith.index_cast %add3A_283 : i32 to index
          %get3A_285 = tpu.vector_load %arg17[%get3A_284] {strides = array<i32>} : memref<2048xi32, #tpu.memory_space<vmem>>, vector<16xi32>,
          %get3A_286 = vector.shape_cast %get3A_285 : vector<16xi32> to vector<16xi32>
          %swap3A_287 = arith.constant 16 : index
          %swap3A_288 = tpu.vector_load %arg18[%swap3A_287] {strides = array<i32>} : memref<32xi32, #tpu.memory_space<vmem>>, vector<16xi32>,
          %swap3A_289 = vector.shape_cast %swap3A_288 : vector<16xi32> to vector<16xi32>
          %swap3A_290 = vector.shape_cast %get3A_286 : vector<16xi32> to vector<16xi32>
          tpu.vector_store %arg18[%swap3A_287], %swap3A_290 {strides = array<i32>} : memref<32xi32, #tpu.memory_space<vmem>>, vector<16xi32>,
          %dma_start3A = tpu.memref_slice %arg15[%mul3A_272] : memref<2048xi32, #tpu.memory_space<vmem>> -> memref<32xi32, #tpu.memory_space<vmem>>
          %dma_start3A_291 = arith.constant 0 : i32
          %dma_start3A_292 = arith.constant 0 : i32
          %dma_start3A_293 = tpu.memref_slice %arg2[%dma_start3A_291, %dma_start3A_292] : memref<10000x512xf32, #tpu.memory_space<hbm>> -> memref<10000x512xf32, #tpu.memory_space<hbm>>
          tpu.enqueue_indirect_dma source(%dma_start3A_293 : memref<10000x512xf32, #tpu.memory_space<hbm>>) target(%arg19 : memref<32x512xf32, #tpu.memory_space<vmem>>) offsets(%dma_start3A : memref<32xi32, #tpu.memory_space<vmem>>) semaphore(%arg32 : memref<!tpu.dma_semaphore, #tpu.memory_space<semaphore_mem>>)
          %dma_start3A_294 = tpu.memref_slice %arg16[%mul3A_272] : memref<2048xi32, #tpu.memory_space<vmem>> -> memref<32xi32, #tpu.memory_space<vmem>>
          %dma_start3A_295 = arith.constant 0 : i32
          %dma_start3A_296 = arith.constant 0 : i32
          %dma_start3A_297 = tpu.memref_slice %arg3[%dma_start3A_295, %dma_start3A_296] : memref<10000x512xf32, #tpu.memory_space<hbm>> -> memref<10000x512xf32, #tpu.memory_space<hbm>>
          tpu.enqueue_indirect_dma source(%dma_start3A_297 : memref<10000x512xf32, #tpu.memory_space<hbm>>) target(%arg20 : memref<32x512xf32, #tpu.memory_space<vmem>>) offsets(%dma_start3A_294 : memref<32xi32, #tpu.memory_space<vmem>>) semaphore(%arg33 : memref<!tpu.dma_semaphore, #tpu.memory_space<semaphore_mem>>)
          %dma_wait3A = tpu.memref_slice %arg15[%mul3A_272] : memref<2048xi32, #tpu.memory_space<vmem>> -> memref<32xi32, #tpu.memory_space<vmem>>
          %dma_wait3A_298 = arith.constant 0 : i32
          %dma_wait3A_299 = arith.constant 0 : i32
          %dma_wait3A_300 = tpu.memref_slice %arg2[%dma_wait3A_298, %dma_wait3A_299] : memref<10000x512xf32, #tpu.memory_space<hbm>> -> memref<10000x512xf32, #tpu.memory_space<hbm>>
          tpu.wait_indirect_dma semaphore(%arg32 : memref<!tpu.dma_semaphore, #tpu.memory_space<semaphore_mem>>) src(%dma_wait3A_300 : memref<10000x512xf32, #tpu.memory_space<hbm>>) dst(%arg19 : memref<32x512xf32, #tpu.memory_space<vmem>>)
          %dma_wait3A_301 = tpu.memref_slice %arg16[%mul3A_272] : memref<2048xi32, #tpu.memory_space<vmem>> -> memref<32xi32, #tpu.memory_space<vmem>>
          %dma_wait3A_302 = arith.constant 0 : i32
          %dma_wait3A_303 = arith.constant 0 : i32
          %dma_wait3A_304 = tpu.memref_slice %arg3[%dma_wait3A_302, %dma_wait3A_303] : memref<10000x512xf32, #tpu.memory_space<hbm>> -> memref<10000x512xf32, #tpu.memory_space<hbm>>
          tpu.wait_indirect_dma semaphore(%arg33 : memref<!tpu.dma_semaphore, #tpu.memory_space<semaphore_mem>>) src(%dma_wait3A_304 : memref<10000x512xf32, #tpu.memory_space<hbm>>) dst(%arg20 : memref<32x512xf32, #tpu.memory_space<vmem>>)
          %scan3A_305 = arith.constant 0 : i32
          %scan3A_306 = arith.constant 0 : i32
          %scan3A_307 = arith.constant 32 : i32
          %scan3A_308 = arith.addi %scan3A_306, %scan3A_307 : i32
          %scan3A_309 = arith.constant 1 : i32
          %scan3A_310 = scf.for %scan3A_343 = %scan3A_306 to %scan3A_308 step %scan3A_309 iter_args(%scan3A_344 = %scan3A_305) -> (i32)  : i32 {
            %get3A_345 = arith.index_cast %scan3A_343 : i32 to index
            %get3A_346 = arith.constant 0 : index
            %get3A_347 = tpu.vector_load %arg19[%get3A_345, %get3A_346] {strides = array<i32>} : memref<32x512xf32, #tpu.memory_space<vmem>>, vector<1x16xf32>,
            %get3A_348 = vector.shape_cast %get3A_347 : vector<1x16xf32> to vector<16xf32>
            %get3A_349 = arith.index_cast %scan3A_343 : i32 to index
            %get3A_350 = arith.constant 0 : index
            %get3A_351 = tpu.vector_load %arg20[%get3A_349, %get3A_350] {strides = array<i32>} : memref<32x512xf32, #tpu.memory_space<vmem>>, vector<1x16xf32>,
            %get3A_352 = vector.shape_cast %get3A_351 : vector<1x16xf32> to vector<16xf32>
            %add3A_353 = arith.addf %get3A_348, %get3A_352 : vector<16xf32>
            %mul3A_354 = arith.constant 2.000000e-01 : f32
            %mul3A_355 = vector.broadcast %mul3A_354 : f32 to vector<16xf32>
            %mul3A_356 = arith.mulf %mul3A_355, %add3A_353 : vector<16xf32>
            %max3A = arith.maximumf %add3A_353, %mul3A_356 : vector<16xf32>
            %mul3A_357 = arith.mulf %max3A, %get3A_1 : vector<16xf32>
            %add3A_358 = arith.addf %broadcast_in_dim3A_97, %mul3A_357 : vector<16xf32>
            %get3A_359 = arith.index_cast %scan3A_343 : i32 to index
            %get3A_360 = arith.constant 16 : index
            %get3A_361 = tpu.vector_load %arg19[%get3A_359, %get3A_360] {strides = array<i32>} : memref<32x512xf32, #tpu.memory_space<vmem>>, vector<1x16xf32>,
            %get3A_362 = vector.shape_cast %get3A_361 : vector<1x16xf32> to vector<16xf32>
            %get3A_363 = arith.index_cast %scan3A_343 : i32 to index
            %get3A_364 = arith.constant 16 : index
            %get3A_365 = tpu.vector_load %arg20[%get3A_363, %get3A_364] {strides = array<i32>} : memref<32x512xf32, #tpu.memory_space<vmem>>, vector<1x16xf32>,
            %get3A_366 = vector.shape_cast %get3A_365 : vector<1x16xf32> to vector<16xf32>
            %add3A_367 = arith.addf %get3A_362, %get3A_366 : vector<16xf32>
            %mul3A_368 = arith.constant 2.000000e-01 : f32
            %mul3A_369 = vector.broadcast %mul3A_368 : f32 to vector<16xf32>
            %mul3A_370 = arith.mulf %mul3A_369, %add3A_367 : vector<16xf32>
            %max3A_371 = arith.maximumf %add3A_367, %mul3A_370 : vector<16xf32>
            %mul3A_372 = arith.mulf %max3A_371, %get3A_4 : vector<16xf32>
            %add3A_373 = arith.addf %add3A_358, %mul3A_372 : vector<16xf32>
            %get3A_374 = arith.index_cast %scan3A_343 : i32 to index
            %get3A_375 = arith.constant 32 : index
            %get3A_376 = tpu.vector_load %arg19[%get3A_374, %get3A_375] {strides = array<i32>} : memref<32x512xf32, #tpu.memory_space<vmem>>, vector<1x16xf32>,
            %get3A_377 = vector.shape_cast %get3A_376 : vector<1x16xf32> to vector<16xf32>
            %get3A_378 = arith.index_cast %scan3A_343 : i32 to index
            %get3A_379 = arith.constant 32 : index
            %get3A_380 = tpu.vector_load %arg20[%get3A_378, %get3A_379] {strides = array<i32>} : memref<32x512xf32, #tpu.memory_space<vmem>>, vector<1x16xf32>,
            %get3A_381 = vector.shape_cast %get3A_380 : vector<1x16xf32> to vector<16xf32>
            %add3A_382 = arith.addf %get3A_377, %get3A_381 : vector<16xf32>
            %mul3A_383 = arith.constant 2.000000e-01 : f32
            %mul3A_384 = vector.broadcast %mul3A_383 : f32 to vector<16xf32>
            %mul3A_385 = arith.mulf %mul3A_384, %add3A_382 : vector<16xf32>
            %max3A_386 = arith.maximumf %add3A_382, %mul3A_385 : vector<16xf32>
            %mul3A_387 = arith.mulf %max3A_386, %get3A_7 : vector<16xf32>
            %add3A_388 = arith.addf %add3A_373, %mul3A_387 : vector<16xf32>
            %get3A_389 = arith.index_cast %scan3A_343 : i32 to index
            %get3A_390 = arith.constant 48 : index
            %get3A_391 = tpu.vector_load %arg19[%get3A_389, %get3A_390] {strides = array<i32>} : memref<32x512xf32, #tpu.memory_space<vmem>>, vector<1x16xf32>,
            %get3A_392 = vector.shape_cast %get3A_391 : vector<1x16xf32> to vector<16xf32>
            %get3A_393 = arith.index_cast %scan3A_343 : i32 to index
            %get3A_394 = arith.constant 48 : index
            %get3A_395 = tpu.vector_load %arg20[%get3A_393, %get3A_394] {strides = array<i32>} : memref<32x512xf32, #tpu.memory_space<vmem>>, vector<1x16xf32>,
            %get3A_396 = vector.shape_cast %get3A_395 : vector<1x16xf32> to vector<16xf32>
            %add3A_397 = arith.addf %get3A_392, %get3A_396 : vector<16xf32>
            %mul3A_398 = arith.constant 2.000000e-01 : f32
            %mul3A_399 = vector.broadcast %mul3A_398 : f32 to vector<16xf32>
            %mul3A_400 = arith.mulf %mul3A_399, %add3A_397 : vector<16xf32>
            %max3A_401 = arith.maximumf %add3A_397, %mul3A_400 : vector<16xf32>
            %mul3A_402 = arith.mulf %max3A_401, %get3A_10 : vector<16xf32>
            %add3A_403 = arith.addf %add3A_388, %mul3A_402 : vector<16xf32>
            %get3A_404 = arith.index_cast %scan3A_343 : i32 to index
            %get3A_405 = arith.constant 64 : index
            %get3A_406 = tpu.vector_load %arg19[%get3A_404, %get3A_405] {strides = array<i32>} : memref<32x512xf32, #tpu.memory_space<vmem>>, vector<1x16xf32>,
            %get3A_407 = vector.shape_cast %get3A_406 : vector<1x16xf32> to vector<16xf32>
            %get3A_408 = arith.index_cast %scan3A_343 : i32 to index
            %get3A_409 = arith.constant 64 : index
            %get3A_410 = tpu.vector_load %arg20[%get3A_408, %get3A_409] {strides = array<i32>} : memref<32x512xf32, #tpu.memory_space<vmem>>, vector<1x16xf32>,
            %get3A_411 = vector.shape_cast %get3A_410 : vector<1x16xf32> to vector<16xf32>
            %add3A_412 = arith.addf %get3A_407, %get3A_411 : vector<16xf32>
            %mul3A_413 = arith.constant 2.000000e-01 : f32
            %mul3A_414 = vector.broadcast %mul3A_413 : f32 to vector<16xf32>
            %mul3A_415 = arith.mulf %mul3A_414, %add3A_412 : vector<16xf32>
            %max3A_416 = arith.maximumf %add3A_412, %mul3A_415 : vector<16xf32>
            %mul3A_417 = arith.mulf %max3A_416, %get3A_13 : vector<16xf32>
            %add3A_418 = arith.addf %add3A_403, %mul3A_417 : vector<16xf32>
            %get3A_419 = arith.index_cast %scan3A_343 : i32 to index
            %get3A_420 = arith.constant 80 : index
            %get3A_421 = tpu.vector_load %arg19[%get3A_419, %get3A_420] {strides = array<i32>} : memref<32x512xf32, #tpu.memory_space<vmem>>, vector<1x16xf32>,
            %get3A_422 = vector.shape_cast %get3A_421 : vector<1x16xf32> to vector<16xf32>
            %get3A_423 = arith.index_cast %scan3A_343 : i32 to index
            %get3A_424 = arith.constant 80 : index
            %get3A_425 = tpu.vector_load %arg20[%get3A_423, %get3A_424] {strides = array<i32>} : memref<32x512xf32, #tpu.memory_space<vmem>>, vector<1x16xf32>,
            %get3A_426 = vector.shape_cast %get3A_425 : vector<1x16xf32> to vector<16xf32>
            %add3A_427 = arith.addf %get3A_422, %get3A_426 : vector<16xf32>
            %mul3A_428 = arith.constant 2.000000e-01 : f32
            %mul3A_429 = vector.broadcast %mul3A_428 : f32 to vector<16xf32>
            %mul3A_430 = arith.mulf %mul3A_429, %add3A_427 : vector<16xf32>
            %max3A_431 = arith.maximumf %add3A_427, %mul3A_430 : vector<16xf32>
            %mul3A_432 = arith.mulf %max3A_431, %get3A_16 : vector<16xf32>
            %add3A_433 = arith.addf %add3A_418, %mul3A_432 : vector<16xf32>
            %get3A_434 = arith.index_cast %scan3A_343 : i32 to index
            %get3A_435 = arith.constant 96 : index
            %get3A_436 = tpu.vector_load %arg19[%get3A_434, %get3A_435] {strides = array<i32>} : memref<32x512xf32, #tpu.memory_space<vmem>>, vector<1x16xf32>,
            %get3A_437 = vector.shape_cast %get3A_436 : vector<1x16xf32> to vector<16xf32>
            %get3A_438 = arith.index_cast %scan3A_343 : i32 to index
            %get3A_439 = arith.constant 96 : index
            %get3A_440 = tpu.vector_load %arg20[%get3A_438, %get3A_439] {strides = array<i32>} : memref<32x512xf32, #tpu.memory_space<vmem>>, vector<1x16xf32>,
            %get3A_441 = vector.shape_cast %get3A_440 : vector<1x16xf32> to vector<16xf32>
            %add3A_442 = arith.addf %get3A_437, %get3A_441 : vector<16xf32>
            %mul3A_443 = arith.constant 2.000000e-01 : f32
            %mul3A_444 = vector.broadcast %mul3A_443 : f32 to vector<16xf32>
            %mul3A_445 = arith.mulf %mul3A_444, %add3A_442 : vector<16xf32>
            %max3A_446 = arith.maximumf %add3A_442, %mul3A_445 : vector<16xf32>
            %mul3A_447 = arith.mulf %max3A_446, %get3A_19 : vector<16xf32>
            %add3A_448 = arith.addf %add3A_433, %mul3A_447 : vector<16xf32>
            %get3A_449 = arith.index_cast %scan3A_343 : i32 to index
            %get3A_450 = arith.constant 112 : index
            %get3A_451 = tpu.vector_load %arg19[%get3A_449, %get3A_450] {strides = array<i32>} : memref<32x512xf32, #tpu.memory_space<vmem>>, vector<1x16xf32>,
            %get3A_452 = vector.shape_cast %get3A_451 : vector<1x16xf32> to vector<16xf32>
            %get3A_453 = arith.index_cast %scan3A_343 : i32 to index
            %get3A_454 = arith.constant 112 : index
            %get3A_455 = tpu.vector_load %arg20[%get3A_453, %get3A_454] {strides = array<i32>} : memref<32x512xf32, #tpu.memory_space<vmem>>, vector<1x16xf32>,
            %get3A_456 = vector.shape_cast %get3A_455 : vector<1x16xf32> to vector<16xf32>
            %add3A_457 = arith.addf %get3A_452, %get3A_456 : vector<16xf32>
            %mul3A_458 = arith.constant 2.000000e-01 : f32
            %mul3A_459 = vector.broadcast %mul3A_458 : f32 to vector<16xf32>
            %mul3A_460 = arith.mulf %mul3A_459, %add3A_457 : vector<16xf32>
            %max3A_461 = arith.maximumf %add3A_457, %mul3A_460 : vector<16xf32>
            %mul3A_462 = arith.mulf %max3A_461, %get3A_22 : vector<16xf32>
            %add3A_463 = arith.addf %add3A_448, %mul3A_462 : vector<16xf32>
            %xor3A = arith.constant 8 : i32
            %xor3A_464 = vector.broadcast %xor3A : i32 to vector<16xi32>
            %xor3A_465 = arith.xori %iota3A, %xor3A_464 : vector<16xi32>
            %lt3A = arith.constant 0 : i32
            %lt3A_466 = vector.broadcast %lt3A : i32 to vector<16xi32>
            %lt3A_467 = arith.cmpi slt, %xor3A_465, %lt3A_466 : vector<16xi32>
            %add3A_468 = arith.constant 16 : i32
            %add3A_469 = vector.broadcast %add3A_468 : i32 to vector<16xi32>
            %add3A_470 = arith.addi %xor3A_465, %add3A_469 : vector<16xi32>
            %select_n3A_471 = arith.select %lt3A_467, %add3A_470, %xor3A_465 : vector<16xi1>, vector<16xi32>
            %broadcast_in_dim3A_472 = vector.shape_cast %select_n3A_471 : vector<16xi32> to vector<16x1xi32>
            %gather3A = vector.shape_cast %broadcast_in_dim3A_472 : vector<16x1xi32> to vector<16xi32>
            %gather3A_473 = tpu.dynamic_gather %add3A_463[%gather3A] in [0] : vector<16xf32>, vector<16xi32> -> vector<16xf32>
            %add3A_474 = arith.addf %add3A_463, %gather3A_473 : vector<16xf32>
            %xor3A_475 = arith.constant 4 : i32
            %xor3A_476 = vector.broadcast %xor3A_475 : i32 to vector<16xi32>
            %xor3A_477 = arith.xori %iota3A, %xor3A_476 : vector<16xi32>
            %lt3A_478 = arith.constant 0 : i32
            %lt3A_479 = vector.broadcast %lt3A_478 : i32 to vector<16xi32>
            %lt3A_480 = arith.cmpi slt, %xor3A_477, %lt3A_479 : vector<16xi32>
            %add3A_481 = arith.constant 16 : i32
            %add3A_482 = vector.broadcast %add3A_481 : i32 to vector<16xi32>
            %add3A_483 = arith.addi %xor3A_477, %add3A_482 : vector<16xi32>
            %select_n3A_484 = arith.select %lt3A_480, %add3A_483, %xor3A_477 : vector<16xi1>, vector<16xi32>
            %broadcast_in_dim3A_485 = vector.shape_cast %select_n3A_484 : vector<16xi32> to vector<16x1xi32>
            %gather3A_486 = vector.shape_cast %broadcast_in_dim3A_485 : vector<16x1xi32> to vector<16xi32>
            %gather3A_487 = tpu.dynamic_gather %add3A_474[%gather3A_486] in [0] : vector<16xf32>, vector<16xi32> -> vector<16xf32>
            %add3A_488 = arith.addf %add3A_474, %gather3A_487 : vector<16xf32>
            %xor3A_489 = arith.constant 2 : i32
            %xor3A_490 = vector.broadcast %xor3A_489 : i32 to vector<16xi32>
            %xor3A_491 = arith.xori %iota3A, %xor3A_490 : vector<16xi32>
            %lt3A_492 = arith.constant 0 : i32
            %lt3A_493 = vector.broadcast %lt3A_492 : i32 to vector<16xi32>
            %lt3A_494 = arith.cmpi slt, %xor3A_491, %lt3A_493 : vector<16xi32>
            %add3A_495 = arith.constant 16 : i32
            %add3A_496 = vector.broadcast %add3A_495 : i32 to vector<16xi32>
            %add3A_497 = arith.addi %xor3A_491, %add3A_496 : vector<16xi32>
            %select_n3A_498 = arith.select %lt3A_494, %add3A_497, %xor3A_491 : vector<16xi1>, vector<16xi32>
            %broadcast_in_dim3A_499 = vector.shape_cast %select_n3A_498 : vector<16xi32> to vector<16x1xi32>
            %gather3A_500 = vector.shape_cast %broadcast_in_dim3A_499 : vector<16x1xi32> to vector<16xi32>
            %gather3A_501 = tpu.dynamic_gather %add3A_488[%gather3A_500] in [0] : vector<16xf32>, vector<16xi32> -> vector<16xf32>
            %add3A_502 = arith.addf %add3A_488, %gather3A_501 : vector<16xf32>
            %xor3A_503 = arith.constant 1 : i32
            %xor3A_504 = vector.broadcast %xor3A_503 : i32 to vector<16xi32>
            %xor3A_505 = arith.xori %iota3A, %xor3A_504 : vector<16xi32>
            %lt3A_506 = arith.constant 0 : i32
            %lt3A_507 = vector.broadcast %lt3A_506 : i32 to vector<16xi32>
            %lt3A_508 = arith.cmpi slt, %xor3A_505, %lt3A_507 : vector<16xi32>
            %add3A_509 = arith.constant 16 : i32
            %add3A_510 = vector.broadcast %add3A_509 : i32 to vector<16xi32>
            %add3A_511 = arith.addi %xor3A_505, %add3A_510 : vector<16xi32>
            %select_n3A_512 = arith.select %lt3A_508, %add3A_511, %xor3A_505 : vector<16xi1>, vector<16xi32>
            %broadcast_in_dim3A_513 = vector.shape_cast %select_n3A_512 : vector<16xi32> to vector<16x1xi32>
            %gather3A_514 = vector.shape_cast %broadcast_in_dim3A_513 : vector<16x1xi32> to vector<16xi32>
            %gather3A_515 = tpu.dynamic_gather %add3A_502[%gather3A_514] in [0] : vector<16xf32>, vector<16xi32> -> vector<16xf32>
            %add3A_516 = arith.addf %add3A_502, %gather3A_515 : vector<16xf32>
            %exp3A = math.exp %add3A_516 : vector<16xf32>
            %mul3A_517 = arith.mulf %exp3A, %get3A_348 : vector<16xf32>
            %swap3A_518 = arith.index_cast %scan3A_343 : i32 to index
            %swap3A_519 = arith.constant 0 : index
            %swap3A_520 = tpu.vector_load %arg21[%swap3A_518, %swap3A_519] {strides = array<i32>} : memref<32x128xf32, #tpu.memory_space<vmem>>, vector<1x16xf32>,
            %swap3A_521 = vector.shape_cast %swap3A_520 : vector<1x16xf32> to vector<16xf32>
            %swap3A_522 = vector.shape_cast %mul3A_517 : vector<16xf32> to vector<1x16xf32>
            tpu.vector_store %arg21[%swap3A_518, %swap3A_519], %swap3A_522 {strides = array<i32>} : memref<32x128xf32, #tpu.memory_space<vmem>>, vector<1x16xf32>,
            %mul3A_523 = arith.mulf %exp3A, %get3A_362 : vector<16xf32>
            %swap3A_524 = arith.index_cast %scan3A_343 : i32 to index
            %swap3A_525 = arith.constant 16 : index
            %swap3A_526 = tpu.vector_load %arg21[%swap3A_524, %swap3A_525] {strides = array<i32>} : memref<32x128xf32, #tpu.memory_space<vmem>>, vector<1x16xf32>,
            %swap3A_527 = vector.shape_cast %swap3A_526 : vector<1x16xf32> to vector<16xf32>
            %swap3A_528 = vector.shape_cast %mul3A_523 : vector<16xf32> to vector<1x16xf32>
            tpu.vector_store %arg21[%swap3A_524, %swap3A_525], %swap3A_528 {strides = array<i32>} : memref<32x128xf32, #tpu.memory_space<vmem>>, vector<1x16xf32>,
            %mul3A_529 = arith.mulf %exp3A, %get3A_377 : vector<16xf32>
            %swap3A_530 = arith.index_cast %scan3A_343 : i32 to index
            %swap3A_531 = arith.constant 32 : index
            %swap3A_532 = tpu.vector_load %arg21[%swap3A_530, %swap3A_531] {strides = array<i32>} : memref<32x128xf32, #tpu.memory_space<vmem>>, vector<1x16xf32>,
            %swap3A_533 = vector.shape_cast %swap3A_532 : vector<1x16xf32> to vector<16xf32>
            %swap3A_534 = vector.shape_cast %mul3A_529 : vector<16xf32> to vector<1x16xf32>
            tpu.vector_store %arg21[%swap3A_530, %swap3A_531], %swap3A_534 {strides = array<i32>} : memref<32x128xf32, #tpu.memory_space<vmem>>, vector<1x16xf32>,
            %mul3A_535 = arith.mulf %exp3A, %get3A_392 : vector<16xf32>
            %swap3A_536 = arith.index_cast %scan3A_343 : i32 to index
            %swap3A_537 = arith.constant 48 : index
            %swap3A_538 = tpu.vector_load %arg21[%swap3A_536, %swap3A_537] {strides = array<i32>} : memref<32x128xf32, #tpu.memory_space<vmem>>, vector<1x16xf32>,
            %swap3A_539 = vector.shape_cast %swap3A_538 : vector<1x16xf32> to vector<16xf32>
            %swap3A_540 = vector.shape_cast %mul3A_535 : vector<16xf32> to vector<1x16xf32>
            tpu.vector_store %arg21[%swap3A_536, %swap3A_537], %swap3A_540 {strides = array<i32>} : memref<32x128xf32, #tpu.memory_space<vmem>>, vector<1x16xf32>,
            %mul3A_541 = arith.mulf %exp3A, %get3A_407 : vector<16xf32>
            %swap3A_542 = arith.index_cast %scan3A_343 : i32 to index
            %swap3A_543 = arith.constant 64 : index
            %swap3A_544 = tpu.vector_load %arg21[%swap3A_542, %swap3A_543] {strides = array<i32>} : memref<32x128xf32, #tpu.memory_space<vmem>>, vector<1x16xf32>,
            %swap3A_545 = vector.shape_cast %swap3A_544 : vector<1x16xf32> to vector<16xf32>
            %swap3A_546 = vector.shape_cast %mul3A_541 : vector<16xf32> to vector<1x16xf32>
            tpu.vector_store %arg21[%swap3A_542, %swap3A_543], %swap3A_546 {strides = array<i32>} : memref<32x128xf32, #tpu.memory_space<vmem>>, vector<1x16xf32>,
            %mul3A_547 = arith.mulf %exp3A, %get3A_422 : vector<16xf32>
            %swap3A_548 = arith.index_cast %scan3A_343 : i32 to index
            %swap3A_549 = arith.constant 80 : index
            %swap3A_550 = tpu.vector_load %arg21[%swap3A_548, %swap3A_549] {strides = array<i32>} : memref<32x128xf32, #tpu.memory_space<vmem>>, vector<1x16xf32>,
            %swap3A_551 = vector.shape_cast %swap3A_550 : vector<1x16xf32> to vector<16xf32>
            %swap3A_552 = vector.shape_cast %mul3A_547 : vector<16xf32> to vector<1x16xf32>
            tpu.vector_store %arg21[%swap3A_548, %swap3A_549], %swap3A_552 {strides = array<i32>} : memref<32x128xf32, #tpu.memory_space<vmem>>, vector<1x16xf32>,
            %mul3A_553 = arith.mulf %exp3A, %get3A_437 : vector<16xf32>
            %swap3A_554 = arith.index_cast %scan3A_343 : i32 to index
            %swap3A_555 = arith.constant 96 : index
            %swap3A_556 = tpu.vector_load %arg21[%swap3A_554, %swap3A_555] {strides = array<i32>} : memref<32x128xf32, #tpu.memory_space<vmem>>, vector<1x16xf32>,
            %swap3A_557 = vector.shape_cast %swap3A_556 : vector<1x16xf32> to vector<16xf32>
            %swap3A_558 = vector.shape_cast %mul3A_553 : vector<16xf32> to vector<1x16xf32>
            tpu.vector_store %arg21[%swap3A_554, %swap3A_555], %swap3A_558 {strides = array<i32>} : memref<32x128xf32, #tpu.memory_space<vmem>>, vector<1x16xf32>,
            %mul3A_559 = arith.mulf %exp3A, %get3A_452 : vector<16xf32>
            %swap3A_560 = arith.index_cast %scan3A_343 : i32 to index
            %swap3A_561 = arith.constant 112 : index
            %swap3A_562 = tpu.vector_load %arg21[%swap3A_560, %swap3A_561] {strides = array<i32>} : memref<32x128xf32, #tpu.memory_space<vmem>>, vector<1x16xf32>,
            %swap3A_563 = vector.shape_cast %swap3A_562 : vector<1x16xf32> to vector<16xf32>
            %swap3A_564 = vector.shape_cast %mul3A_559 : vector<16xf32> to vector<1x16xf32>
            tpu.vector_store %arg21[%swap3A_560, %swap3A_561], %swap3A_564 {strides = array<i32>} : memref<32x128xf32, #tpu.memory_space<vmem>>, vector<1x16xf32>,
            %eq3A_565 = arith.constant 0 : i32
            %eq3A_566 = vector.broadcast %eq3A_565 : i32 to vector<16xi32>
            %eq3A_567 = arith.cmpi eq, %iota3A, %eq3A_566 : vector<16xi32>
            %select_n3A_568 = arith.select %eq3A_567, %exp3A, %broadcast_in_dim3A_97 : vector<16xi1>, vector<16xf32>
            %get3A_569 = arith.index_cast %scan3A_343 : i32 to index
            %get3A_570 = arith.constant 128 : index
            %get3A_571 = tpu.vector_load %arg19[%get3A_569, %get3A_570] {strides = array<i32>} : memref<32x512xf32, #tpu.memory_space<vmem>>, vector<1x16xf32>,
            %get3A_572 = vector.shape_cast %get3A_571 : vector<1x16xf32> to vector<16xf32>
            %get3A_573 = arith.index_cast %scan3A_343 : i32 to index
            %get3A_574 = arith.constant 128 : index
            %get3A_575 = tpu.vector_load %arg20[%get3A_573, %get3A_574] {strides = array<i32>} : memref<32x512xf32, #tpu.memory_space<vmem>>, vector<1x16xf32>,
            %get3A_576 = vector.shape_cast %get3A_575 : vector<1x16xf32> to vector<16xf32>
            %add3A_577 = arith.addf %get3A_572, %get3A_576 : vector<16xf32>
            %mul3A_578 = arith.constant 2.000000e-01 : f32
            %mul3A_579 = vector.broadcast %mul3A_578 : f32 to vector<16xf32>
            %mul3A_580 = arith.mulf %mul3A_579, %add3A_577 : vector<16xf32>
            %max3A_581 = arith.maximumf %add3A_577, %mul3A_580 : vector<16xf32>
            %mul3A_582 = arith.mulf %max3A_581, %get3A_25 : vector<16xf32>
            %add3A_583 = arith.addf %broadcast_in_dim3A_97, %mul3A_582 : vector<16xf32>
            %get3A_584 = arith.index_cast %scan3A_343 : i32 to index
            %get3A_585 = arith.constant 144 : index
            %get3A_586 = tpu.vector_load %arg19[%get3A_584, %get3A_585] {strides = array<i32>} : memref<32x512xf32, #tpu.memory_space<vmem>>, vector<1x16xf32>,
            %get3A_587 = vector.shape_cast %get3A_586 : vector<1x16xf32> to vector<16xf32>
            %get3A_588 = arith.index_cast %scan3A_343 : i32 to index
            %get3A_589 = arith.constant 144 : index
            %get3A_590 = tpu.vector_load %arg20[%get3A_588, %get3A_589] {strides = array<i32>} : memref<32x512xf32, #tpu.memory_space<vmem>>, vector<1x16xf32>,
            %get3A_591 = vector.shape_cast %get3A_590 : vector<1x16xf32> to vector<16xf32>
            %add3A_592 = arith.addf %get3A_587, %get3A_591 : vector<16xf32>
            %mul3A_593 = arith.constant 2.000000e-01 : f32
            %mul3A_594 = vector.broadcast %mul3A_593 : f32 to vector<16xf32>
            %mul3A_595 = arith.mulf %mul3A_594, %add3A_592 : vector<16xf32>
            %max3A_596 = arith.maximumf %add3A_592, %mul3A_595 : vector<16xf32>
            %mul3A_597 = arith.mulf %max3A_596, %get3A_28 : vector<16xf32>
            %add3A_598 = arith.addf %add3A_583, %mul3A_597 : vector<16xf32>
            %get3A_599 = arith.index_cast %scan3A_343 : i32 to index
            %get3A_600 = arith.constant 160 : index
            %get3A_601 = tpu.vector_load %arg19[%get3A_599, %get3A_600] {strides = array<i32>} : memref<32x512xf32, #tpu.memory_space<vmem>>, vector<1x16xf32>,
            %get3A_602 = vector.shape_cast %get3A_601 : vector<1x16xf32> to vector<16xf32>
            %get3A_603 = arith.index_cast %scan3A_343 : i32 to index
            %get3A_604 = arith.constant 160 : index
            %get3A_605 = tpu.vector_load %arg20[%get3A_603, %get3A_604] {strides = array<i32>} : memref<32x512xf32, #tpu.memory_space<vmem>>, vector<1x16xf32>,
            %get3A_606 = vector.shape_cast %get3A_605 : vector<1x16xf32> to vector<16xf32>
            %add3A_607 = arith.addf %get3A_602, %get3A_606 : vector<16xf32>
            %mul3A_608 = arith.constant 2.000000e-01 : f32
            %mul3A_609 = vector.broadcast %mul3A_608 : f32 to vector<16xf32>
            %mul3A_610 = arith.mulf %mul3A_609, %add3A_607 : vector<16xf32>
            %max3A_611 = arith.maximumf %add3A_607, %mul3A_610 : vector<16xf32>
            %mul3A_612 = arith.mulf %max3A_611, %get3A_31 : vector<16xf32>
            %add3A_613 = arith.addf %add3A_598, %mul3A_612 : vector<16xf32>
            %get3A_614 = arith.index_cast %scan3A_343 : i32 to index
            %get3A_615 = arith.constant 176 : index
            %get3A_616 = tpu.vector_load %arg19[%get3A_614, %get3A_615] {strides = array<i32>} : memref<32x512xf32, #tpu.memory_space<vmem>>, vector<1x16xf32>,
            %get3A_617 = vector.shape_cast %get3A_616 : vector<1x16xf32> to vector<16xf32>
            %get3A_618 = arith.index_cast %scan3A_343 : i32 to index
            %get3A_619 = arith.constant 176 : index
            %get3A_620 = tpu.vector_load %arg20[%get3A_618, %get3A_619] {strides = array<i32>} : memref<32x512xf32, #tpu.memory_space<vmem>>, vector<1x16xf32>,
            %get3A_621 = vector.shape_cast %get3A_620 : vector<1x16xf32> to vector<16xf32>
            %add3A_622 = arith.addf %get3A_617, %get3A_621 : vector<16xf32>
            %mul3A_623 = arith.constant 2.000000e-01 : f32
            %mul3A_624 = vector.broadcast %mul3A_623 : f32 to vector<16xf32>
            %mul3A_625 = arith.mulf %mul3A_624, %add3A_622 : vector<16xf32>
            %max3A_626 = arith.maximumf %add3A_622, %mul3A_625 : vector<16xf32>
            %mul3A_627 = arith.mulf %max3A_626, %get3A_34 : vector<16xf32>
            %add3A_628 = arith.addf %add3A_613, %mul3A_627 : vector<16xf32>
            %get3A_629 = arith.index_cast %scan3A_343 : i32 to index
            %get3A_630 = arith.constant 192 : index
            %get3A_631 = tpu.vector_load %arg19[%get3A_629, %get3A_630] {strides = array<i32>} : memref<32x512xf32, #tpu.memory_space<vmem>>, vector<1x16xf32>,
            %get3A_632 = vector.shape_cast %get3A_631 : vector<1x16xf32> to vector<16xf32>
            %get3A_633 = arith.index_cast %scan3A_343 : i32 to index
            %get3A_634 = arith.constant 192 : index
            %get3A_635 = tpu.vector_load %arg20[%get3A_633, %get3A_634] {strides = array<i32>} : memref<32x512xf32, #tpu.memory_space<vmem>>, vector<1x16xf32>,
            %get3A_636 = vector.shape_cast %get3A_635 : vector<1x16xf32> to vector<16xf32>
            %add3A_637 = arith.addf %get3A_632, %get3A_636 : vector<16xf32>
            %mul3A_638 = arith.constant 2.000000e-01 : f32
            %mul3A_639 = vector.broadcast %mul3A_638 : f32 to vector<16xf32>
            %mul3A_640 = arith.mulf %mul3A_639, %add3A_637 : vector<16xf32>
            %max3A_641 = arith.maximumf %add3A_637, %mul3A_640 : vector<16xf32>
            %mul3A_642 = arith.mulf %max3A_641, %get3A_37 : vector<16xf32>
            %add3A_643 = arith.addf %add3A_628, %mul3A_642 : vector<16xf32>
            %get3A_644 = arith.index_cast %scan3A_343 : i32 to index
            %get3A_645 = arith.constant 208 : index
            %get3A_646 = tpu.vector_load %arg19[%get3A_644, %get3A_645] {strides = array<i32>} : memref<32x512xf32, #tpu.memory_space<vmem>>, vector<1x16xf32>,
            %get3A_647 = vector.shape_cast %get3A_646 : vector<1x16xf32> to vector<16xf32>
            %get3A_648 = arith.index_cast %scan3A_343 : i32 to index
            %get3A_649 = arith.constant 208 : index
            %get3A_650 = tpu.vector_load %arg20[%get3A_648, %get3A_649] {strides = array<i32>} : memref<32x512xf32, #tpu.memory_space<vmem>>, vector<1x16xf32>,
            %get3A_651 = vector.shape_cast %get3A_650 : vector<1x16xf32> to vector<16xf32>
            %add3A_652 = arith.addf %get3A_647, %get3A_651 : vector<16xf32>
            %mul3A_653 = arith.constant 2.000000e-01 : f32
            %mul3A_654 = vector.broadcast %mul3A_653 : f32 to vector<16xf32>
            %mul3A_655 = arith.mulf %mul3A_654, %add3A_652 : vector<16xf32>
            %max3A_656 = arith.maximumf %add3A_652, %mul3A_655 : vector<16xf32>
            %mul3A_657 = arith.mulf %max3A_656, %get3A_40 : vector<16xf32>
            %add3A_658 = arith.addf %add3A_643, %mul3A_657 : vector<16xf32>
            %get3A_659 = arith.index_cast %scan3A_343 : i32 to index
            %get3A_660 = arith.constant 224 : index
            %get3A_661 = tpu.vector_load %arg19[%get3A_659, %get3A_660] {strides = array<i32>} : memref<32x512xf32, #tpu.memory_space<vmem>>, vector<1x16xf32>,
            %get3A_662 = vector.shape_cast %get3A_661 : vector<1x16xf32> to vector<16xf32>
            %get3A_663 = arith.index_cast %scan3A_343 : i32 to index
            %get3A_664 = arith.constant 224 : index
            %get3A_665 = tpu.vector_load %arg20[%get3A_663, %get3A_664] {strides = array<i32>} : memref<32x512xf32, #tpu.memory_space<vmem>>, vector<1x16xf32>,
            %get3A_666 = vector.shape_cast %get3A_665 : vector<1x16xf32> to vector<16xf32>
            %add3A_667 = arith.addf %get3A_662, %get3A_666 : vector<16xf32>
            %mul3A_668 = arith.constant 2.000000e-01 : f32
            %mul3A_669 = vector.broadcast %mul3A_668 : f32 to vector<16xf32>
            %mul3A_670 = arith.mulf %mul3A_669, %add3A_667 : vector<16xf32>
            %max3A_671 = arith.maximumf %add3A_667, %mul3A_670 : vector<16xf32>
            %mul3A_672 = arith.mulf %max3A_671, %get3A_43 : vector<16xf32>
            %add3A_673 = arith.addf %add3A_658, %mul3A_672 : vector<16xf32>
            %get3A_674 = arith.index_cast %scan3A_343 : i32 to index
            %get3A_675 = arith.constant 240 : index
            %get3A_676 = tpu.vector_load %arg19[%get3A_674, %get3A_675] {strides = array<i32>} : memref<32x512xf32, #tpu.memory_space<vmem>>, vector<1x16xf32>,
            %get3A_677 = vector.shape_cast %get3A_676 : vector<1x16xf32> to vector<16xf32>
            %get3A_678 = arith.index_cast %scan3A_343 : i32 to index
            %get3A_679 = arith.constant 240 : index
            %get3A_680 = tpu.vector_load %arg20[%get3A_678, %get3A_679] {strides = array<i32>} : memref<32x512xf32, #tpu.memory_space<vmem>>, vector<1x16xf32>,
            %get3A_681 = vector.shape_cast %get3A_680 : vector<1x16xf32> to vector<16xf32>
            %add3A_682 = arith.addf %get3A_677, %get3A_681 : vector<16xf32>
            %mul3A_683 = arith.constant 2.000000e-01 : f32
            %mul3A_684 = vector.broadcast %mul3A_683 : f32 to vector<16xf32>
            %mul3A_685 = arith.mulf %mul3A_684, %add3A_682 : vector<16xf32>
            %max3A_686 = arith.maximumf %add3A_682, %mul3A_685 : vector<16xf32>
            %mul3A_687 = arith.mulf %max3A_686, %get3A_46 : vector<16xf32>
            %add3A_688 = arith.addf %add3A_673, %mul3A_687 : vector<16xf32>
            %xor3A_689 = arith.constant 8 : i32
            %xor3A_690 = vector.broadcast %xor3A_689 : i32 to vector<16xi32>
            %xor3A_691 = arith.xori %iota3A, %xor3A_690 : vector<16xi32>
            %lt3A_692 = arith.constant 0 : i32
            %lt3A_693 = vector.broadcast %lt3A_692 : i32 to vector<16xi32>
            %lt3A_694 = arith.cmpi slt, %xor3A_691, %lt3A_693 : vector<16xi32>
            %add3A_695 = arith.constant 16 : i32
            %add3A_696 = vector.broadcast %add3A_695 : i32 to vector<16xi32>
            %add3A_697 = arith.addi %xor3A_691, %add3A_696 : vector<16xi32>
            %select_n3A_698 = arith.select %lt3A_694, %add3A_697, %xor3A_691 : vector<16xi1>, vector<16xi32>
            %broadcast_in_dim3A_699 = vector.shape_cast %select_n3A_698 : vector<16xi32> to vector<16x1xi32>
            %gather3A_700 = vector.shape_cast %broadcast_in_dim3A_699 : vector<16x1xi32> to vector<16xi32>
            %gather3A_701 = tpu.dynamic_gather %add3A_688[%gather3A_700] in [0] : vector<16xf32>, vector<16xi32> -> vector<16xf32>
            %add3A_702 = arith.addf %add3A_688, %gather3A_701 : vector<16xf32>
            %xor3A_703 = arith.constant 4 : i32
            %xor3A_704 = vector.broadcast %xor3A_703 : i32 to vector<16xi32>
            %xor3A_705 = arith.xori %iota3A, %xor3A_704 : vector<16xi32>
            %lt3A_706 = arith.constant 0 : i32
            %lt3A_707 = vector.broadcast %lt3A_706 : i32 to vector<16xi32>
            %lt3A_708 = arith.cmpi slt, %xor3A_705, %lt3A_707 : vector<16xi32>
            %add3A_709 = arith.constant 16 : i32
            %add3A_710 = vector.broadcast %add3A_709 : i32 to vector<16xi32>
            %add3A_711 = arith.addi %xor3A_705, %add3A_710 : vector<16xi32>
            %select_n3A_712 = arith.select %lt3A_708, %add3A_711, %xor3A_705 : vector<16xi1>, vector<16xi32>
            %broadcast_in_dim3A_713 = vector.shape_cast %select_n3A_712 : vector<16xi32> to vector<16x1xi32>
            %gather3A_714 = vector.shape_cast %broadcast_in_dim3A_713 : vector<16x1xi32> to vector<16xi32>
            %gather3A_715 = tpu.dynamic_gather %add3A_702[%gather3A_714] in [0] : vector<16xf32>, vector<16xi32> -> vector<16xf32>
            %add3A_716 = arith.addf %add3A_702, %gather3A_715 : vector<16xf32>
            %xor3A_717 = arith.constant 2 : i32
            %xor3A_718 = vector.broadcast %xor3A_717 : i32 to vector<16xi32>
            %xor3A_719 = arith.xori %iota3A, %xor3A_718 : vector<16xi32>
            %lt3A_720 = arith.constant 0 : i32
            %lt3A_721 = vector.broadcast %lt3A_720 : i32 to vector<16xi32>
            %lt3A_722 = arith.cmpi slt, %xor3A_719, %lt3A_721 : vector<16xi32>
            %add3A_723 = arith.constant 16 : i32
            %add3A_724 = vector.broadcast %add3A_723 : i32 to vector<16xi32>
            %add3A_725 = arith.addi %xor3A_719, %add3A_724 : vector<16xi32>
            %select_n3A_726 = arith.select %lt3A_722, %add3A_725, %xor3A_719 : vector<16xi1>, vector<16xi32>
            %broadcast_in_dim3A_727 = vector.shape_cast %select_n3A_726 : vector<16xi32> to vector<16x1xi32>
            %gather3A_728 = vector.shape_cast %broadcast_in_dim3A_727 : vector<16x1xi32> to vector<16xi32>
            %gather3A_729 = tpu.dynamic_gather %add3A_716[%gather3A_728] in [0] : vector<16xf32>, vector<16xi32> -> vector<16xf32>
            %add3A_730 = arith.addf %add3A_716, %gather3A_729 : vector<16xf32>
            %xor3A_731 = arith.constant 1 : i32
            %xor3A_732 = vector.broadcast %xor3A_731 : i32 to vector<16xi32>
            %xor3A_733 = arith.xori %iota3A, %xor3A_732 : vector<16xi32>
            %lt3A_734 = arith.constant 0 : i32
            %lt3A_735 = vector.broadcast %lt3A_734 : i32 to vector<16xi32>
            %lt3A_736 = arith.cmpi slt, %xor3A_733, %lt3A_735 : vector<16xi32>
            %add3A_737 = arith.constant 16 : i32
            %add3A_738 = vector.broadcast %add3A_737 : i32 to vector<16xi32>
            %add3A_739 = arith.addi %xor3A_733, %add3A_738 : vector<16xi32>
            %select_n3A_740 = arith.select %lt3A_736, %add3A_739, %xor3A_733 : vector<16xi1>, vector<16xi32>
            %broadcast_in_dim3A_741 = vector.shape_cast %select_n3A_740 : vector<16xi32> to vector<16x1xi32>
            %gather3A_742 = vector.shape_cast %broadcast_in_dim3A_741 : vector<16x1xi32> to vector<16xi32>
            %gather3A_743 = tpu.dynamic_gather %add3A_730[%gather3A_742] in [0] : vector<16xf32>, vector<16xi32> -> vector<16xf32>
            %add3A_744 = arith.addf %add3A_730, %gather3A_743 : vector<16xf32>
            %exp3A_745 = math.exp %add3A_744 : vector<16xf32>
            %mul3A_746 = arith.mulf %exp3A_745, %get3A_572 : vector<16xf32>
            %swap3A_747 = arith.index_cast %scan3A_343 : i32 to index
            %swap3A_748 = arith.constant 0 : index
            %swap3A_749 = tpu.vector_load %arg22[%swap3A_747, %swap3A_748] {strides = array<i32>} : memref<32x128xf32, #tpu.memory_space<vmem>>, vector<1x16xf32>,
            %swap3A_750 = vector.shape_cast %swap3A_749 : vector<1x16xf32> to vector<16xf32>
            %swap3A_751 = vector.shape_cast %mul3A_746 : vector<16xf32> to vector<1x16xf32>
            tpu.vector_store %arg22[%swap3A_747, %swap3A_748], %swap3A_751 {strides = array<i32>} : memref<32x128xf32, #tpu.memory_space<vmem>>, vector<1x16xf32>,
            %mul3A_752 = arith.mulf %exp3A_745, %get3A_587 : vector<16xf32>
            %swap3A_753 = arith.index_cast %scan3A_343 : i32 to index
            %swap3A_754 = arith.constant 16 : index
            %swap3A_755 = tpu.vector_load %arg22[%swap3A_753, %swap3A_754] {strides = array<i32>} : memref<32x128xf32, #tpu.memory_space<vmem>>, vector<1x16xf32>,
            %swap3A_756 = vector.shape_cast %swap3A_755 : vector<1x16xf32> to vector<16xf32>
            %swap3A_757 = vector.shape_cast %mul3A_752 : vector<16xf32> to vector<1x16xf32>
            tpu.vector_store %arg22[%swap3A_753, %swap3A_754], %swap3A_757 {strides = array<i32>} : memref<32x128xf32, #tpu.memory_space<vmem>>, vector<1x16xf32>,
            %mul3A_758 = arith.mulf %exp3A_745, %get3A_602 : vector<16xf32>
            %swap3A_759 = arith.index_cast %scan3A_343 : i32 to index
            %swap3A_760 = arith.constant 32 : index
            %swap3A_761 = tpu.vector_load %arg22[%swap3A_759, %swap3A_760] {strides = array<i32>} : memref<32x128xf32, #tpu.memory_space<vmem>>, vector<1x16xf32>,
            %swap3A_762 = vector.shape_cast %swap3A_761 : vector<1x16xf32> to vector<16xf32>
            %swap3A_763 = vector.shape_cast %mul3A_758 : vector<16xf32> to vector<1x16xf32>
            tpu.vector_store %arg22[%swap3A_759, %swap3A_760], %swap3A_763 {strides = array<i32>} : memref<32x128xf32, #tpu.memory_space<vmem>>, vector<1x16xf32>,
            %mul3A_764 = arith.mulf %exp3A_745, %get3A_617 : vector<16xf32>
            %swap3A_765 = arith.index_cast %scan3A_343 : i32 to index
            %swap3A_766 = arith.constant 48 : index
            %swap3A_767 = tpu.vector_load %arg22[%swap3A_765, %swap3A_766] {strides = array<i32>} : memref<32x128xf32, #tpu.memory_space<vmem>>, vector<1x16xf32>,
            %swap3A_768 = vector.shape_cast %swap3A_767 : vector<1x16xf32> to vector<16xf32>
            %swap3A_769 = vector.shape_cast %mul3A_764 : vector<16xf32> to vector<1x16xf32>
            tpu.vector_store %arg22[%swap3A_765, %swap3A_766], %swap3A_769 {strides = array<i32>} : memref<32x128xf32, #tpu.memory_space<vmem>>, vector<1x16xf32>,
            %mul3A_770 = arith.mulf %exp3A_745, %get3A_632 : vector<16xf32>
            %swap3A_771 = arith.index_cast %scan3A_343 : i32 to index
            %swap3A_772 = arith.constant 64 : index
            %swap3A_773 = tpu.vector_load %arg22[%swap3A_771, %swap3A_772] {strides = array<i32>} : memref<32x128xf32, #tpu.memory_space<vmem>>, vector<1x16xf32>,
            %swap3A_774 = vector.shape_cast %swap3A_773 : vector<1x16xf32> to vector<16xf32>
            %swap3A_775 = vector.shape_cast %mul3A_770 : vector<16xf32> to vector<1x16xf32>
            tpu.vector_store %arg22[%swap3A_771, %swap3A_772], %swap3A_775 {strides = array<i32>} : memref<32x128xf32, #tpu.memory_space<vmem>>, vector<1x16xf32>,
            %mul3A_776 = arith.mulf %exp3A_745, %get3A_647 : vector<16xf32>
            %swap3A_777 = arith.index_cast %scan3A_343 : i32 to index
            %swap3A_778 = arith.constant 80 : index
            %swap3A_779 = tpu.vector_load %arg22[%swap3A_777, %swap3A_778] {strides = array<i32>} : memref<32x128xf32, #tpu.memory_space<vmem>>, vector<1x16xf32>,
            %swap3A_780 = vector.shape_cast %swap3A_779 : vector<1x16xf32> to vector<16xf32>
            %swap3A_781 = vector.shape_cast %mul3A_776 : vector<16xf32> to vector<1x16xf32>
            tpu.vector_store %arg22[%swap3A_777, %swap3A_778], %swap3A_781 {strides = array<i32>} : memref<32x128xf32, #tpu.memory_space<vmem>>, vector<1x16xf32>,
            %mul3A_782 = arith.mulf %exp3A_745, %get3A_662 : vector<16xf32>
            %swap3A_783 = arith.index_cast %scan3A_343 : i32 to index
            %swap3A_784 = arith.constant 96 : index
            %swap3A_785 = tpu.vector_load %arg22[%swap3A_783, %swap3A_784] {strides = array<i32>} : memref<32x128xf32, #tpu.memory_space<vmem>>, vector<1x16xf32>,
            %swap3A_786 = vector.shape_cast %swap3A_785 : vector<1x16xf32> to vector<16xf32>
            %swap3A_787 = vector.shape_cast %mul3A_782 : vector<16xf32> to vector<1x16xf32>
            tpu.vector_store %arg22[%swap3A_783, %swap3A_784], %swap3A_787 {strides = array<i32>} : memref<32x128xf32, #tpu.memory_space<vmem>>, vector<1x16xf32>,
            %mul3A_788 = arith.mulf %exp3A_745, %get3A_677 : vector<16xf32>
            %swap3A_789 = arith.index_cast %scan3A_343 : i32 to index
            %swap3A_790 = arith.constant 112 : index
            %swap3A_791 = tpu.vector_load %arg22[%swap3A_789, %swap3A_790] {strides = array<i32>} : memref<32x128xf32, #tpu.memory_space<vmem>>, vector<1x16xf32>,
            %swap3A_792 = vector.shape_cast %swap3A_791 : vector<1x16xf32> to vector<16xf32>
            %swap3A_793 = vector.shape_cast %mul3A_788 : vector<16xf32> to vector<1x16xf32>
            tpu.vector_store %arg22[%swap3A_789, %swap3A_790], %swap3A_793 {strides = array<i32>} : memref<32x128xf32, #tpu.memory_space<vmem>>, vector<1x16xf32>,
            %eq3A_794 = arith.constant 1 : i32
            %eq3A_795 = vector.broadcast %eq3A_794 : i32 to vector<16xi32>
            %eq3A_796 = arith.cmpi eq, %iota3A, %eq3A_795 : vector<16xi32>
            %select_n3A_797 = arith.select %eq3A_796, %exp3A_745, %select_n3A_568 : vector<16xi1>, vector<16xf32>
            %get3A_798 = arith.index_cast %scan3A_343 : i32 to index
            %get3A_799 = arith.constant 256 : index
            %get3A_800 = tpu.vector_load %arg19[%get3A_798, %get3A_799] {strides = array<i32>} : memref<32x512xf32, #tpu.memory_space<vmem>>, vector<1x16xf32>,
            %get3A_801 = vector.shape_cast %get3A_800 : vector<1x16xf32> to vector<16xf32>
            %get3A_802 = arith.index_cast %scan3A_343 : i32 to index
            %get3A_803 = arith.constant 256 : index
            %get3A_804 = tpu.vector_load %arg20[%get3A_802, %get3A_803] {strides = array<i32>} : memref<32x512xf32, #tpu.memory_space<vmem>>, vector<1x16xf32>,
            %get3A_805 = vector.shape_cast %get3A_804 : vector<1x16xf32> to vector<16xf32>
            %add3A_806 = arith.addf %get3A_801, %get3A_805 : vector<16xf32>
            %mul3A_807 = arith.constant 2.000000e-01 : f32
            %mul3A_808 = vector.broadcast %mul3A_807 : f32 to vector<16xf32>
            %mul3A_809 = arith.mulf %mul3A_808, %add3A_806 : vector<16xf32>
            %max3A_810 = arith.maximumf %add3A_806, %mul3A_809 : vector<16xf32>
            %mul3A_811 = arith.mulf %max3A_810, %get3A_49 : vector<16xf32>
            %add3A_812 = arith.addf %broadcast_in_dim3A_97, %mul3A_811 : vector<16xf32>
            %get3A_813 = arith.index_cast %scan3A_343 : i32 to index
            %get3A_814 = arith.constant 272 : index
            %get3A_815 = tpu.vector_load %arg19[%get3A_813, %get3A_814] {strides = array<i32>} : memref<32x512xf32, #tpu.memory_space<vmem>>, vector<1x16xf32>,
            %get3A_816 = vector.shape_cast %get3A_815 : vector<1x16xf32> to vector<16xf32>
            %get3A_817 = arith.index_cast %scan3A_343 : i32 to index
            %get3A_818 = arith.constant 272 : index
            %get3A_819 = tpu.vector_load %arg20[%get3A_817, %get3A_818] {strides = array<i32>} : memref<32x512xf32, #tpu.memory_space<vmem>>, vector<1x16xf32>,
            %get3A_820 = vector.shape_cast %get3A_819 : vector<1x16xf32> to vector<16xf32>
            %add3A_821 = arith.addf %get3A_816, %get3A_820 : vector<16xf32>
            %mul3A_822 = arith.constant 2.000000e-01 : f32
            %mul3A_823 = vector.broadcast %mul3A_822 : f32 to vector<16xf32>
            %mul3A_824 = arith.mulf %mul3A_823, %add3A_821 : vector<16xf32>
            %max3A_825 = arith.maximumf %add3A_821, %mul3A_824 : vector<16xf32>
            %mul3A_826 = arith.mulf %max3A_825, %get3A_52 : vector<16xf32>
            %add3A_827 = arith.addf %add3A_812, %mul3A_826 : vector<16xf32>
            %get3A_828 = arith.index_cast %scan3A_343 : i32 to index
            %get3A_829 = arith.constant 288 : index
            %get3A_830 = tpu.vector_load %arg19[%get3A_828, %get3A_829] {strides = array<i32>} : memref<32x512xf32, #tpu.memory_space<vmem>>, vector<1x16xf32>,
            %get3A_831 = vector.shape_cast %get3A_830 : vector<1x16xf32> to vector<16xf32>
            %get3A_832 = arith.index_cast %scan3A_343 : i32 to index
            %get3A_833 = arith.constant 288 : index
            %get3A_834 = tpu.vector_load %arg20[%get3A_832, %get3A_833] {strides = array<i32>} : memref<32x512xf32, #tpu.memory_space<vmem>>, vector<1x16xf32>,
            %get3A_835 = vector.shape_cast %get3A_834 : vector<1x16xf32> to vector<16xf32>
            %add3A_836 = arith.addf %get3A_831, %get3A_835 : vector<16xf32>
            %mul3A_837 = arith.constant 2.000000e-01 : f32
            %mul3A_838 = vector.broadcast %mul3A_837 : f32 to vector<16xf32>
            %mul3A_839 = arith.mulf %mul3A_838, %add3A_836 : vector<16xf32>
            %max3A_840 = arith.maximumf %add3A_836, %mul3A_839 : vector<16xf32>
            %mul3A_841 = arith.mulf %max3A_840, %get3A_55 : vector<16xf32>
            %add3A_842 = arith.addf %add3A_827, %mul3A_841 : vector<16xf32>
            %get3A_843 = arith.index_cast %scan3A_343 : i32 to index
            %get3A_844 = arith.constant 304 : index
            %get3A_845 = tpu.vector_load %arg19[%get3A_843, %get3A_844] {strides = array<i32>} : memref<32x512xf32, #tpu.memory_space<vmem>>, vector<1x16xf32>,
            %get3A_846 = vector.shape_cast %get3A_845 : vector<1x16xf32> to vector<16xf32>
            %get3A_847 = arith.index_cast %scan3A_343 : i32 to index
            %get3A_848 = arith.constant 304 : index
            %get3A_849 = tpu.vector_load %arg20[%get3A_847, %get3A_848] {strides = array<i32>} : memref<32x512xf32, #tpu.memory_space<vmem>>, vector<1x16xf32>,
            %get3A_850 = vector.shape_cast %get3A_849 : vector<1x16xf32> to vector<16xf32>
            %add3A_851 = arith.addf %get3A_846, %get3A_850 : vector<16xf32>
            %mul3A_852 = arith.constant 2.000000e-01 : f32
            %mul3A_853 = vector.broadcast %mul3A_852 : f32 to vector<16xf32>
            %mul3A_854 = arith.mulf %mul3A_853, %add3A_851 : vector<16xf32>
            %max3A_855 = arith.maximumf %add3A_851, %mul3A_854 : vector<16xf32>
            %mul3A_856 = arith.mulf %max3A_855, %get3A_58 : vector<16xf32>
            %add3A_857 = arith.addf %add3A_842, %mul3A_856 : vector<16xf32>
            %get3A_858 = arith.index_cast %scan3A_343 : i32 to index
            %get3A_859 = arith.constant 320 : index
            %get3A_860 = tpu.vector_load %arg19[%get3A_858, %get3A_859] {strides = array<i32>} : memref<32x512xf32, #tpu.memory_space<vmem>>, vector<1x16xf32>,
            %get3A_861 = vector.shape_cast %get3A_860 : vector<1x16xf32> to vector<16xf32>
            %get3A_862 = arith.index_cast %scan3A_343 : i32 to index
            %get3A_863 = arith.constant 320 : index
            %get3A_864 = tpu.vector_load %arg20[%get3A_862, %get3A_863] {strides = array<i32>} : memref<32x512xf32, #tpu.memory_space<vmem>>, vector<1x16xf32>,
            %get3A_865 = vector.shape_cast %get3A_864 : vector<1x16xf32> to vector<16xf32>
            %add3A_866 = arith.addf %get3A_861, %get3A_865 : vector<16xf32>
            %mul3A_867 = arith.constant 2.000000e-01 : f32
            %mul3A_868 = vector.broadcast %mul3A_867 : f32 to vector<16xf32>
            %mul3A_869 = arith.mulf %mul3A_868, %add3A_866 : vector<16xf32>
            %max3A_870 = arith.maximumf %add3A_866, %mul3A_869 : vector<16xf32>
            %mul3A_871 = arith.mulf %max3A_870, %get3A_61 : vector<16xf32>
            %add3A_872 = arith.addf %add3A_857, %mul3A_871 : vector<16xf32>
            %get3A_873 = arith.index_cast %scan3A_343 : i32 to index
            %get3A_874 = arith.constant 336 : index
            %get3A_875 = tpu.vector_load %arg19[%get3A_873, %get3A_874] {strides = array<i32>} : memref<32x512xf32, #tpu.memory_space<vmem>>, vector<1x16xf32>,
            %get3A_876 = vector.shape_cast %get3A_875 : vector<1x16xf32> to vector<16xf32>
            %get3A_877 = arith.index_cast %scan3A_343 : i32 to index
            %get3A_878 = arith.constant 336 : index
            %get3A_879 = tpu.vector_load %arg20[%get3A_877, %get3A_878] {strides = array<i32>} : memref<32x512xf32, #tpu.memory_space<vmem>>, vector<1x16xf32>,
            %get3A_880 = vector.shape_cast %get3A_879 : vector<1x16xf32> to vector<16xf32>
            %add3A_881 = arith.addf %get3A_876, %get3A_880 : vector<16xf32>
            %mul3A_882 = arith.constant 2.000000e-01 : f32
            %mul3A_883 = vector.broadcast %mul3A_882 : f32 to vector<16xf32>
            %mul3A_884 = arith.mulf %mul3A_883, %add3A_881 : vector<16xf32>
            %max3A_885 = arith.maximumf %add3A_881, %mul3A_884 : vector<16xf32>
            %mul3A_886 = arith.mulf %max3A_885, %get3A_64 : vector<16xf32>
            %add3A_887 = arith.addf %add3A_872, %mul3A_886 : vector<16xf32>
            %get3A_888 = arith.index_cast %scan3A_343 : i32 to index
            %get3A_889 = arith.constant 352 : index
            %get3A_890 = tpu.vector_load %arg19[%get3A_888, %get3A_889] {strides = array<i32>} : memref<32x512xf32, #tpu.memory_space<vmem>>, vector<1x16xf32>,
            %get3A_891 = vector.shape_cast %get3A_890 : vector<1x16xf32> to vector<16xf32>
            %get3A_892 = arith.index_cast %scan3A_343 : i32 to index
            %get3A_893 = arith.constant 352 : index
            %get3A_894 = tpu.vector_load %arg20[%get3A_892, %get3A_893] {strides = array<i32>} : memref<32x512xf32, #tpu.memory_space<vmem>>, vector<1x16xf32>,
            %get3A_895 = vector.shape_cast %get3A_894 : vector<1x16xf32> to vector<16xf32>
            %add3A_896 = arith.addf %get3A_891, %get3A_895 : vector<16xf32>
            %mul3A_897 = arith.constant 2.000000e-01 : f32
            %mul3A_898 = vector.broadcast %mul3A_897 : f32 to vector<16xf32>
            %mul3A_899 = arith.mulf %mul3A_898, %add3A_896 : vector<16xf32>
            %max3A_900 = arith.maximumf %add3A_896, %mul3A_899 : vector<16xf32>
            %mul3A_901 = arith.mulf %max3A_900, %get3A_67 : vector<16xf32>
            %add3A_902 = arith.addf %add3A_887, %mul3A_901 : vector<16xf32>
            %get3A_903 = arith.index_cast %scan3A_343 : i32 to index
            %get3A_904 = arith.constant 368 : index
            %get3A_905 = tpu.vector_load %arg19[%get3A_903, %get3A_904] {strides = array<i32>} : memref<32x512xf32, #tpu.memory_space<vmem>>, vector<1x16xf32>,
            %get3A_906 = vector.shape_cast %get3A_905 : vector<1x16xf32> to vector<16xf32>
            %get3A_907 = arith.index_cast %scan3A_343 : i32 to index
            %get3A_908 = arith.constant 368 : index
            %get3A_909 = tpu.vector_load %arg20[%get3A_907, %get3A_908] {strides = array<i32>} : memref<32x512xf32, #tpu.memory_space<vmem>>, vector<1x16xf32>,
            %get3A_910 = vector.shape_cast %get3A_909 : vector<1x16xf32> to vector<16xf32>
            %add3A_911 = arith.addf %get3A_906, %get3A_910 : vector<16xf32>
            %mul3A_912 = arith.constant 2.000000e-01 : f32
            %mul3A_913 = vector.broadcast %mul3A_912 : f32 to vector<16xf32>
            %mul3A_914 = arith.mulf %mul3A_913, %add3A_911 : vector<16xf32>
            %max3A_915 = arith.maximumf %add3A_911, %mul3A_914 : vector<16xf32>
            %mul3A_916 = arith.mulf %max3A_915, %get3A_70 : vector<16xf32>
            %add3A_917 = arith.addf %add3A_902, %mul3A_916 : vector<16xf32>
            %xor3A_918 = arith.constant 8 : i32
            %xor3A_919 = vector.broadcast %xor3A_918 : i32 to vector<16xi32>
            %xor3A_920 = arith.xori %iota3A, %xor3A_919 : vector<16xi32>
            %lt3A_921 = arith.constant 0 : i32
            %lt3A_922 = vector.broadcast %lt3A_921 : i32 to vector<16xi32>
            %lt3A_923 = arith.cmpi slt, %xor3A_920, %lt3A_922 : vector<16xi32>
            %add3A_924 = arith.constant 16 : i32
            %add3A_925 = vector.broadcast %add3A_924 : i32 to vector<16xi32>
            %add3A_926 = arith.addi %xor3A_920, %add3A_925 : vector<16xi32>
            %select_n3A_927 = arith.select %lt3A_923, %add3A_926, %xor3A_920 : vector<16xi1>, vector<16xi32>
            %broadcast_in_dim3A_928 = vector.shape_cast %select_n3A_927 : vector<16xi32> to vector<16x1xi32>
            %gather3A_929 = vector.shape_cast %broadcast_in_dim3A_928 : vector<16x1xi32> to vector<16xi32>
            %gather3A_930 = tpu.dynamic_gather %add3A_917[%gather3A_929] in [0] : vector<16xf32>, vector<16xi32> -> vector<16xf32>
            %add3A_931 = arith.addf %add3A_917, %gather3A_930 : vector<16xf32>
            %xor3A_932 = arith.constant 4 : i32
            %xor3A_933 = vector.broadcast %xor3A_932 : i32 to vector<16xi32>
            %xor3A_934 = arith.xori %iota3A, %xor3A_933 : vector<16xi32>
            %lt3A_935 = arith.constant 0 : i32
            %lt3A_936 = vector.broadcast %lt3A_935 : i32 to vector<16xi32>
            %lt3A_937 = arith.cmpi slt, %xor3A_934, %lt3A_936 : vector<16xi32>
            %add3A_938 = arith.constant 16 : i32
            %add3A_939 = vector.broadcast %add3A_938 : i32 to vector<16xi32>
            %add3A_940 = arith.addi %xor3A_934, %add3A_939 : vector<16xi32>
            %select_n3A_941 = arith.select %lt3A_937, %add3A_940, %xor3A_934 : vector<16xi1>, vector<16xi32>
            %broadcast_in_dim3A_942 = vector.shape_cast %select_n3A_941 : vector<16xi32> to vector<16x1xi32>
            %gather3A_943 = vector.shape_cast %broadcast_in_dim3A_942 : vector<16x1xi32> to vector<16xi32>
            %gather3A_944 = tpu.dynamic_gather %add3A_931[%gather3A_943] in [0] : vector<16xf32>, vector<16xi32> -> vector<16xf32>
            %add3A_945 = arith.addf %add3A_931, %gather3A_944 : vector<16xf32>
            %xor3A_946 = arith.constant 2 : i32
            %xor3A_947 = vector.broadcast %xor3A_946 : i32 to vector<16xi32>
            %xor3A_948 = arith.xori %iota3A, %xor3A_947 : vector<16xi32>
            %lt3A_949 = arith.constant 0 : i32
            %lt3A_950 = vector.broadcast %lt3A_949 : i32 to vector<16xi32>
            %lt3A_951 = arith.cmpi slt, %xor3A_948, %lt3A_950 : vector<16xi32>
            %add3A_952 = arith.constant 16 : i32
            %add3A_953 = vector.broadcast %add3A_952 : i32 to vector<16xi32>
            %add3A_954 = arith.addi %xor3A_948, %add3A_953 : vector<16xi32>
            %select_n3A_955 = arith.select %lt3A_951, %add3A_954, %xor3A_948 : vector<16xi1>, vector<16xi32>
            %broadcast_in_dim3A_956 = vector.shape_cast %select_n3A_955 : vector<16xi32> to vector<16x1xi32>
            %gather3A_957 = vector.shape_cast %broadcast_in_dim3A_956 : vector<16x1xi32> to vector<16xi32>
            %gather3A_958 = tpu.dynamic_gather %add3A_945[%gather3A_957] in [0] : vector<16xf32>, vector<16xi32> -> vector<16xf32>
            %add3A_959 = arith.addf %add3A_945, %gather3A_958 : vector<16xf32>
            %xor3A_960 = arith.constant 1 : i32
            %xor3A_961 = vector.broadcast %xor3A_960 : i32 to vector<16xi32>
            %xor3A_962 = arith.xori %iota3A, %xor3A_961 : vector<16xi32>
            %lt3A_963 = arith.constant 0 : i32
            %lt3A_964 = vector.broadcast %lt3A_963 : i32 to vector<16xi32>
            %lt3A_965 = arith.cmpi slt, %xor3A_962, %lt3A_964 : vector<16xi32>
            %add3A_966 = arith.constant 16 : i32
            %add3A_967 = vector.broadcast %add3A_966 : i32 to vector<16xi32>
            %add3A_968 = arith.addi %xor3A_962, %add3A_967 : vector<16xi32>
            %select_n3A_969 = arith.select %lt3A_965, %add3A_968, %xor3A_962 : vector<16xi1>, vector<16xi32>
            %broadcast_in_dim3A_970 = vector.shape_cast %select_n3A_969 : vector<16xi32> to vector<16x1xi32>
            %gather3A_971 = vector.shape_cast %broadcast_in_dim3A_970 : vector<16x1xi32> to vector<16xi32>
            %gather3A_972 = tpu.dynamic_gather %add3A_959[%gather3A_971] in [0] : vector<16xf32>, vector<16xi32> -> vector<16xf32>
            %add3A_973 = arith.addf %add3A_959, %gather3A_972 : vector<16xf32>
            %exp3A_974 = math.exp %add3A_973 : vector<16xf32>
            %mul3A_975 = arith.mulf %exp3A_974, %get3A_801 : vector<16xf32>
            %swap3A_976 = arith.index_cast %scan3A_343 : i32 to index
            %swap3A_977 = arith.constant 0 : index
            %swap3A_978 = tpu.vector_load %arg23[%swap3A_976, %swap3A_977] {strides = array<i32>} : memref<32x128xf32, #tpu.memory_space<vmem>>, vector<1x16xf32>,
            %swap3A_979 = vector.shape_cast %swap3A_978 : vector<1x16xf32> to vector<16xf32>
            %swap3A_980 = vector.shape_cast %mul3A_975 : vector<16xf32> to vector<1x16xf32>
            tpu.vector_store %arg23[%swap3A_976, %swap3A_977], %swap3A_980 {strides = array<i32>} : memref<32x128xf32, #tpu.memory_space<vmem>>, vector<1x16xf32>,
            %mul3A_981 = arith.mulf %exp3A_974, %get3A_816 : vector<16xf32>
            %swap3A_982 = arith.index_cast %scan3A_343 : i32 to index
            %swap3A_983 = arith.constant 16 : index
            %swap3A_984 = tpu.vector_load %arg23[%swap3A_982, %swap3A_983] {strides = array<i32>} : memref<32x128xf32, #tpu.memory_space<vmem>>, vector<1x16xf32>,
            %swap3A_985 = vector.shape_cast %swap3A_984 : vector<1x16xf32> to vector<16xf32>
            %swap3A_986 = vector.shape_cast %mul3A_981 : vector<16xf32> to vector<1x16xf32>
            tpu.vector_store %arg23[%swap3A_982, %swap3A_983], %swap3A_986 {strides = array<i32>} : memref<32x128xf32, #tpu.memory_space<vmem>>, vector<1x16xf32>,
            %mul3A_987 = arith.mulf %exp3A_974, %get3A_831 : vector<16xf32>
            %swap3A_988 = arith.index_cast %scan3A_343 : i32 to index
            %swap3A_989 = arith.constant 32 : index
            %swap3A_990 = tpu.vector_load %arg23[%swap3A_988, %swap3A_989] {strides = array<i32>} : memref<32x128xf32, #tpu.memory_space<vmem>>, vector<1x16xf32>,
            %swap3A_991 = vector.shape_cast %swap3A_990 : vector<1x16xf32> to vector<16xf32>
            %swap3A_992 = vector.shape_cast %mul3A_987 : vector<16xf32> to vector<1x16xf32>
            tpu.vector_store %arg23[%swap3A_988, %swap3A_989], %swap3A_992 {strides = array<i32>} : memref<32x128xf32, #tpu.memory_space<vmem>>, vector<1x16xf32>,
            %mul3A_993 = arith.mulf %exp3A_974, %get3A_846 : vector<16xf32>
            %swap3A_994 = arith.index_cast %scan3A_343 : i32 to index
            %swap3A_995 = arith.constant 48 : index
            %swap3A_996 = tpu.vector_load %arg23[%swap3A_994, %swap3A_995] {strides = array<i32>} : memref<32x128xf32, #tpu.memory_space<vmem>>, vector<1x16xf32>,
            %swap3A_997 = vector.shape_cast %swap3A_996 : vector<1x16xf32> to vector<16xf32>
            %swap3A_998 = vector.shape_cast %mul3A_993 : vector<16xf32> to vector<1x16xf32>
            tpu.vector_store %arg23[%swap3A_994, %swap3A_995], %swap3A_998 {strides = array<i32>} : memref<32x128xf32, #tpu.memory_space<vmem>>, vector<1x16xf32>,
            %mul3A_999 = arith.mulf %exp3A_974, %get3A_861 : vector<16xf32>
            %swap3A_1000 = arith.index_cast %scan3A_343 : i32 to index
            %swap3A_1001 = arith.constant 64 : index
            %swap3A_1002 = tpu.vector_load %arg23[%swap3A_1000, %swap3A_1001] {strides = array<i32>} : memref<32x128xf32, #tpu.memory_space<vmem>>, vector<1x16xf32>,
            %swap3A_1003 = vector.shape_cast %swap3A_1002 : vector<1x16xf32> to vector<16xf32>
            %swap3A_1004 = vector.shape_cast %mul3A_999 : vector<16xf32> to vector<1x16xf32>
            tpu.vector_store %arg23[%swap3A_1000, %swap3A_1001], %swap3A_1004 {strides = array<i32>} : memref<32x128xf32, #tpu.memory_space<vmem>>, vector<1x16xf32>,
            %mul3A_1005 = arith.mulf %exp3A_974, %get3A_876 : vector<16xf32>
            %swap3A_1006 = arith.index_cast %scan3A_343 : i32 to index
            %swap3A_1007 = arith.constant 80 : index
            %swap3A_1008 = tpu.vector_load %arg23[%swap3A_1006, %swap3A_1007] {strides = array<i32>} : memref<32x128xf32, #tpu.memory_space<vmem>>, vector<1x16xf32>,
            %swap3A_1009 = vector.shape_cast %swap3A_1008 : vector<1x16xf32> to vector<16xf32>
            %swap3A_1010 = vector.shape_cast %mul3A_1005 : vector<16xf32> to vector<1x16xf32>
            tpu.vector_store %arg23[%swap3A_1006, %swap3A_1007], %swap3A_1010 {strides = array<i32>} : memref<32x128xf32, #tpu.memory_space<vmem>>, vector<1x16xf32>,
            %mul3A_1011 = arith.mulf %exp3A_974, %get3A_891 : vector<16xf32>
            %swap3A_1012 = arith.index_cast %scan3A_343 : i32 to index
            %swap3A_1013 = arith.constant 96 : index
            %swap3A_1014 = tpu.vector_load %arg23[%swap3A_1012, %swap3A_1013] {strides = array<i32>} : memref<32x128xf32, #tpu.memory_space<vmem>>, vector<1x16xf32>,
            %swap3A_1015 = vector.shape_cast %swap3A_1014 : vector<1x16xf32> to vector<16xf32>
            %swap3A_1016 = vector.shape_cast %mul3A_1011 : vector<16xf32> to vector<1x16xf32>
            tpu.vector_store %arg23[%swap3A_1012, %swap3A_1013], %swap3A_1016 {strides = array<i32>} : memref<32x128xf32, #tpu.memory_space<vmem>>, vector<1x16xf32>,
            %mul3A_1017 = arith.mulf %exp3A_974, %get3A_906 : vector<16xf32>
            %swap3A_1018 = arith.index_cast %scan3A_343 : i32 to index
            %swap3A_1019 = arith.constant 112 : index
            %swap3A_1020 = tpu.vector_load %arg23[%swap3A_1018, %swap3A_1019] {strides = array<i32>} : memref<32x128xf32, #tpu.memory_space<vmem>>, vector<1x16xf32>,
            %swap3A_1021 = vector.shape_cast %swap3A_1020 : vector<1x16xf32> to vector<16xf32>
            %swap3A_1022 = vector.shape_cast %mul3A_1017 : vector<16xf32> to vector<1x16xf32>
            tpu.vector_store %arg23[%swap3A_1018, %swap3A_1019], %swap3A_1022 {strides = array<i32>} : memref<32x128xf32, #tpu.memory_space<vmem>>, vector<1x16xf32>,
            %eq3A_1023 = arith.constant 2 : i32
            %eq3A_1024 = vector.broadcast %eq3A_1023 : i32 to vector<16xi32>
            %eq3A_1025 = arith.cmpi eq, %iota3A, %eq3A_1024 : vector<16xi32>
            %select_n3A_1026 = arith.select %eq3A_1025, %exp3A_974, %select_n3A_797 : vector<16xi1>, vector<16xf32>
            %get3A_1027 = arith.index_cast %scan3A_343 : i32 to index
            %get3A_1028 = arith.constant 384 : index
            %get3A_1029 = tpu.vector_load %arg19[%get3A_1027, %get3A_1028] {strides = array<i32>} : memref<32x512xf32, #tpu.memory_space<vmem>>, vector<1x16xf32>,
            %get3A_1030 = vector.shape_cast %get3A_1029 : vector<1x16xf32> to vector<16xf32>
            %get3A_1031 = arith.index_cast %scan3A_343 : i32 to index
            %get3A_1032 = arith.constant 384 : index
            %get3A_1033 = tpu.vector_load %arg20[%get3A_1031, %get3A_1032] {strides = array<i32>} : memref<32x512xf32, #tpu.memory_space<vmem>>, vector<1x16xf32>,
            %get3A_1034 = vector.shape_cast %get3A_1033 : vector<1x16xf32> to vector<16xf32>
            %add3A_1035 = arith.addf %get3A_1030, %get3A_1034 : vector<16xf32>
            %mul3A_1036 = arith.constant 2.000000e-01 : f32
            %mul3A_1037 = vector.broadcast %mul3A_1036 : f32 to vector<16xf32>
            %mul3A_1038 = arith.mulf %mul3A_1037, %add3A_1035 : vector<16xf32>
            %max3A_1039 = arith.maximumf %add3A_1035, %mul3A_1038 : vector<16xf32>
            %mul3A_1040 = arith.mulf %max3A_1039, %get3A_73 : vector<16xf32>
            %add3A_1041 = arith.addf %broadcast_in_dim3A_97, %mul3A_1040 : vector<16xf32>
            %get3A_1042 = arith.index_cast %scan3A_343 : i32 to index
            %get3A_1043 = arith.constant 400 : index
            %get3A_1044 = tpu.vector_load %arg19[%get3A_1042, %get3A_1043] {strides = array<i32>} : memref<32x512xf32, #tpu.memory_space<vmem>>, vector<1x16xf32>,
            %get3A_1045 = vector.shape_cast %get3A_1044 : vector<1x16xf32> to vector<16xf32>
            %get3A_1046 = arith.index_cast %scan3A_343 : i32 to index
            %get3A_1047 = arith.constant 400 : index
            %get3A_1048 = tpu.vector_load %arg20[%get3A_1046, %get3A_1047] {strides = array<i32>} : memref<32x512xf32, #tpu.memory_space<vmem>>, vector<1x16xf32>,
            %get3A_1049 = vector.shape_cast %get3A_1048 : vector<1x16xf32> to vector<16xf32>
            %add3A_1050 = arith.addf %get3A_1045, %get3A_1049 : vector<16xf32>
            %mul3A_1051 = arith.constant 2.000000e-01 : f32
            %mul3A_1052 = vector.broadcast %mul3A_1051 : f32 to vector<16xf32>
            %mul3A_1053 = arith.mulf %mul3A_1052, %add3A_1050 : vector<16xf32>
            %max3A_1054 = arith.maximumf %add3A_1050, %mul3A_1053 : vector<16xf32>
            %mul3A_1055 = arith.mulf %max3A_1054, %get3A_76 : vector<16xf32>
            %add3A_1056 = arith.addf %add3A_1041, %mul3A_1055 : vector<16xf32>
            %get3A_1057 = arith.index_cast %scan3A_343 : i32 to index
            %get3A_1058 = arith.constant 416 : index
            %get3A_1059 = tpu.vector_load %arg19[%get3A_1057, %get3A_1058] {strides = array<i32>} : memref<32x512xf32, #tpu.memory_space<vmem>>, vector<1x16xf32>,
            %get3A_1060 = vector.shape_cast %get3A_1059 : vector<1x16xf32> to vector<16xf32>
            %get3A_1061 = arith.index_cast %scan3A_343 : i32 to index
            %get3A_1062 = arith.constant 416 : index
            %get3A_1063 = tpu.vector_load %arg20[%get3A_1061, %get3A_1062] {strides = array<i32>} : memref<32x512xf32, #tpu.memory_space<vmem>>, vector<1x16xf32>,
            %get3A_1064 = vector.shape_cast %get3A_1063 : vector<1x16xf32> to vector<16xf32>
            %add3A_1065 = arith.addf %get3A_1060, %get3A_1064 : vector<16xf32>
            %mul3A_1066 = arith.constant 2.000000e-01 : f32
            %mul3A_1067 = vector.broadcast %mul3A_1066 : f32 to vector<16xf32>
            %mul3A_1068 = arith.mulf %mul3A_1067, %add3A_1065 : vector<16xf32>
            %max3A_1069 = arith.maximumf %add3A_1065, %mul3A_1068 : vector<16xf32>
            %mul3A_1070 = arith.mulf %max3A_1069, %get3A_79 : vector<16xf32>
            %add3A_1071 = arith.addf %add3A_1056, %mul3A_1070 : vector<16xf32>
            %get3A_1072 = arith.index_cast %scan3A_343 : i32 to index
            %get3A_1073 = arith.constant 432 : index
            %get3A_1074 = tpu.vector_load %arg19[%get3A_1072, %get3A_1073] {strides = array<i32>} : memref<32x512xf32, #tpu.memory_space<vmem>>, vector<1x16xf32>,
            %get3A_1075 = vector.shape_cast %get3A_1074 : vector<1x16xf32> to vector<16xf32>
            %get3A_1076 = arith.index_cast %scan3A_343 : i32 to index
            %get3A_1077 = arith.constant 432 : index
            %get3A_1078 = tpu.vector_load %arg20[%get3A_1076, %get3A_1077] {strides = array<i32>} : memref<32x512xf32, #tpu.memory_space<vmem>>, vector<1x16xf32>,
            %get3A_1079 = vector.shape_cast %get3A_1078 : vector<1x16xf32> to vector<16xf32>
            %add3A_1080 = arith.addf %get3A_1075, %get3A_1079 : vector<16xf32>
            %mul3A_1081 = arith.constant 2.000000e-01 : f32
            %mul3A_1082 = vector.broadcast %mul3A_1081 : f32 to vector<16xf32>
            %mul3A_1083 = arith.mulf %mul3A_1082, %add3A_1080 : vector<16xf32>
            %max3A_1084 = arith.maximumf %add3A_1080, %mul3A_1083 : vector<16xf32>
            %mul3A_1085 = arith.mulf %max3A_1084, %get3A_82 : vector<16xf32>
            %add3A_1086 = arith.addf %add3A_1071, %mul3A_1085 : vector<16xf32>
            %get3A_1087 = arith.index_cast %scan3A_343 : i32 to index
            %get3A_1088 = arith.constant 448 : index
            %get3A_1089 = tpu.vector_load %arg19[%get3A_1087, %get3A_1088] {strides = array<i32>} : memref<32x512xf32, #tpu.memory_space<vmem>>, vector<1x16xf32>,
            %get3A_1090 = vector.shape_cast %get3A_1089 : vector<1x16xf32> to vector<16xf32>
            %get3A_1091 = arith.index_cast %scan3A_343 : i32 to index
            %get3A_1092 = arith.constant 448 : index
            %get3A_1093 = tpu.vector_load %arg20[%get3A_1091, %get3A_1092] {strides = array<i32>} : memref<32x512xf32, #tpu.memory_space<vmem>>, vector<1x16xf32>,
            %get3A_1094 = vector.shape_cast %get3A_1093 : vector<1x16xf32> to vector<16xf32>
            %add3A_1095 = arith.addf %get3A_1090, %get3A_1094 : vector<16xf32>
            %mul3A_1096 = arith.constant 2.000000e-01 : f32
            %mul3A_1097 = vector.broadcast %mul3A_1096 : f32 to vector<16xf32>
            %mul3A_1098 = arith.mulf %mul3A_1097, %add3A_1095 : vector<16xf32>
            %max3A_1099 = arith.maximumf %add3A_1095, %mul3A_1098 : vector<16xf32>
            %mul3A_1100 = arith.mulf %max3A_1099, %get3A_85 : vector<16xf32>
            %add3A_1101 = arith.addf %add3A_1086, %mul3A_1100 : vector<16xf32>
            %get3A_1102 = arith.index_cast %scan3A_343 : i32 to index
            %get3A_1103 = arith.constant 464 : index
            %get3A_1104 = tpu.vector_load %arg19[%get3A_1102, %get3A_1103] {strides = array<i32>} : memref<32x512xf32, #tpu.memory_space<vmem>>, vector<1x16xf32>,
            %get3A_1105 = vector.shape_cast %get3A_1104 : vector<1x16xf32> to vector<16xf32>
            %get3A_1106 = arith.index_cast %scan3A_343 : i32 to index
            %get3A_1107 = arith.constant 464 : index
            %get3A_1108 = tpu.vector_load %arg20[%get3A_1106, %get3A_1107] {strides = array<i32>} : memref<32x512xf32, #tpu.memory_space<vmem>>, vector<1x16xf32>,
            %get3A_1109 = vector.shape_cast %get3A_1108 : vector<1x16xf32> to vector<16xf32>
            %add3A_1110 = arith.addf %get3A_1105, %get3A_1109 : vector<16xf32>
            %mul3A_1111 = arith.constant 2.000000e-01 : f32
            %mul3A_1112 = vector.broadcast %mul3A_1111 : f32 to vector<16xf32>
            %mul3A_1113 = arith.mulf %mul3A_1112, %add3A_1110 : vector<16xf32>
            %max3A_1114 = arith.maximumf %add3A_1110, %mul3A_1113 : vector<16xf32>
            %mul3A_1115 = arith.mulf %max3A_1114, %get3A_88 : vector<16xf32>
            %add3A_1116 = arith.addf %add3A_1101, %mul3A_1115 : vector<16xf32>
            %get3A_1117 = arith.index_cast %scan3A_343 : i32 to index
            %get3A_1118 = arith.constant 480 : index
            %get3A_1119 = tpu.vector_load %arg19[%get3A_1117, %get3A_1118] {strides = array<i32>} : memref<32x512xf32, #tpu.memory_space<vmem>>, vector<1x16xf32>,
            %get3A_1120 = vector.shape_cast %get3A_1119 : vector<1x16xf32> to vector<16xf32>
            %get3A_1121 = arith.index_cast %scan3A_343 : i32 to index
            %get3A_1122 = arith.constant 480 : index
            %get3A_1123 = tpu.vector_load %arg20[%get3A_1121, %get3A_1122] {strides = array<i32>} : memref<32x512xf32, #tpu.memory_space<vmem>>, vector<1x16xf32>,
            %get3A_1124 = vector.shape_cast %get3A_1123 : vector<1x16xf32> to vector<16xf32>
            %add3A_1125 = arith.addf %get3A_1120, %get3A_1124 : vector<16xf32>
            %mul3A_1126 = arith.constant 2.000000e-01 : f32
            %mul3A_1127 = vector.broadcast %mul3A_1126 : f32 to vector<16xf32>
            %mul3A_1128 = arith.mulf %mul3A_1127, %add3A_1125 : vector<16xf32>
            %max3A_1129 = arith.maximumf %add3A_1125, %mul3A_1128 : vector<16xf32>
            %mul3A_1130 = arith.mulf %max3A_1129, %get3A_91 : vector<16xf32>
            %add3A_1131 = arith.addf %add3A_1116, %mul3A_1130 : vector<16xf32>
            %get3A_1132 = arith.index_cast %scan3A_343 : i32 to index
            %get3A_1133 = arith.constant 496 : index
            %get3A_1134 = tpu.vector_load %arg19[%get3A_1132, %get3A_1133] {strides = array<i32>} : memref<32x512xf32, #tpu.memory_space<vmem>>, vector<1x16xf32>,
            %get3A_1135 = vector.shape_cast %get3A_1134 : vector<1x16xf32> to vector<16xf32>
            %get3A_1136 = arith.index_cast %scan3A_343 : i32 to index
            %get3A_1137 = arith.constant 496 : index
            %get3A_1138 = tpu.vector_load %arg20[%get3A_1136, %get3A_1137] {strides = array<i32>} : memref<32x512xf32, #tpu.memory_space<vmem>>, vector<1x16xf32>,
            %get3A_1139 = vector.shape_cast %get3A_1138 : vector<1x16xf32> to vector<16xf32>
            %add3A_1140 = arith.addf %get3A_1135, %get3A_1139 : vector<16xf32>
            %mul3A_1141 = arith.constant 2.000000e-01 : f32
            %mul3A_1142 = vector.broadcast %mul3A_1141 : f32 to vector<16xf32>
            %mul3A_1143 = arith.mulf %mul3A_1142, %add3A_1140 : vector<16xf32>
            %max3A_1144 = arith.maximumf %add3A_1140, %mul3A_1143 : vector<16xf32>
            %mul3A_1145 = arith.mulf %max3A_1144, %get3A_94 : vector<16xf32>
            %add3A_1146 = arith.addf %add3A_1131, %mul3A_1145 : vector<16xf32>
            %xor3A_1147 = arith.constant 8 : i32
            %xor3A_1148 = vector.broadcast %xor3A_1147 : i32 to vector<16xi32>
            %xor3A_1149 = arith.xori %iota3A, %xor3A_1148 : vector<16xi32>
            %lt3A_1150 = arith.constant 0 : i32
            %lt3A_1151 = vector.broadcast %lt3A_1150 : i32 to vector<16xi32>
            %lt3A_1152 = arith.cmpi slt, %xor3A_1149, %lt3A_1151 : vector<16xi32>
            %add3A_1153 = arith.constant 16 : i32
            %add3A_1154 = vector.broadcast %add3A_1153 : i32 to vector<16xi32>
            %add3A_1155 = arith.addi %xor3A_1149, %add3A_1154 : vector<16xi32>
            %select_n3A_1156 = arith.select %lt3A_1152, %add3A_1155, %xor3A_1149 : vector<16xi1>, vector<16xi32>
            %broadcast_in_dim3A_1157 = vector.shape_cast %select_n3A_1156 : vector<16xi32> to vector<16x1xi32>
            %gather3A_1158 = vector.shape_cast %broadcast_in_dim3A_1157 : vector<16x1xi32> to vector<16xi32>
            %gather3A_1159 = tpu.dynamic_gather %add3A_1146[%gather3A_1158] in [0] : vector<16xf32>, vector<16xi32> -> vector<16xf32>
            %add3A_1160 = arith.addf %add3A_1146, %gather3A_1159 : vector<16xf32>
            %xor3A_1161 = arith.constant 4 : i32
            %xor3A_1162 = vector.broadcast %xor3A_1161 : i32 to vector<16xi32>
            %xor3A_1163 = arith.xori %iota3A, %xor3A_1162 : vector<16xi32>
            %lt3A_1164 = arith.constant 0 : i32
            %lt3A_1165 = vector.broadcast %lt3A_1164 : i32 to vector<16xi32>
            %lt3A_1166 = arith.cmpi slt, %xor3A_1163, %lt3A_1165 : vector<16xi32>
            %add3A_1167 = arith.constant 16 : i32
            %add3A_1168 = vector.broadcast %add3A_1167 : i32 to vector<16xi32>
            %add3A_1169 = arith.addi %xor3A_1163, %add3A_1168 : vector<16xi32>
            %select_n3A_1170 = arith.select %lt3A_1166, %add3A_1169, %xor3A_1163 : vector<16xi1>, vector<16xi32>
            %broadcast_in_dim3A_1171 = vector.shape_cast %select_n3A_1170 : vector<16xi32> to vector<16x1xi32>
            %gather3A_1172 = vector.shape_cast %broadcast_in_dim3A_1171 : vector<16x1xi32> to vector<16xi32>
            %gather3A_1173 = tpu.dynamic_gather %add3A_1160[%gather3A_1172] in [0] : vector<16xf32>, vector<16xi32> -> vector<16xf32>
            %add3A_1174 = arith.addf %add3A_1160, %gather3A_1173 : vector<16xf32>
            %xor3A_1175 = arith.constant 2 : i32
            %xor3A_1176 = vector.broadcast %xor3A_1175 : i32 to vector<16xi32>
            %xor3A_1177 = arith.xori %iota3A, %xor3A_1176 : vector<16xi32>
            %lt3A_1178 = arith.constant 0 : i32
            %lt3A_1179 = vector.broadcast %lt3A_1178 : i32 to vector<16xi32>
            %lt3A_1180 = arith.cmpi slt, %xor3A_1177, %lt3A_1179 : vector<16xi32>
            %add3A_1181 = arith.constant 16 : i32
            %add3A_1182 = vector.broadcast %add3A_1181 : i32 to vector<16xi32>
            %add3A_1183 = arith.addi %xor3A_1177, %add3A_1182 : vector<16xi32>
            %select_n3A_1184 = arith.select %lt3A_1180, %add3A_1183, %xor3A_1177 : vector<16xi1>, vector<16xi32>
            %broadcast_in_dim3A_1185 = vector.shape_cast %select_n3A_1184 : vector<16xi32> to vector<16x1xi32>
            %gather3A_1186 = vector.shape_cast %broadcast_in_dim3A_1185 : vector<16x1xi32> to vector<16xi32>
            %gather3A_1187 = tpu.dynamic_gather %add3A_1174[%gather3A_1186] in [0] : vector<16xf32>, vector<16xi32> -> vector<16xf32>
            %add3A_1188 = arith.addf %add3A_1174, %gather3A_1187 : vector<16xf32>
            %xor3A_1189 = arith.constant 1 : i32
            %xor3A_1190 = vector.broadcast %xor3A_1189 : i32 to vector<16xi32>
            %xor3A_1191 = arith.xori %iota3A, %xor3A_1190 : vector<16xi32>
            %lt3A_1192 = arith.constant 0 : i32
            %lt3A_1193 = vector.broadcast %lt3A_1192 : i32 to vector<16xi32>
            %lt3A_1194 = arith.cmpi slt, %xor3A_1191, %lt3A_1193 : vector<16xi32>
            %add3A_1195 = arith.constant 16 : i32
            %add3A_1196 = vector.broadcast %add3A_1195 : i32 to vector<16xi32>
            %add3A_1197 = arith.addi %xor3A_1191, %add3A_1196 : vector<16xi32>
            %select_n3A_1198 = arith.select %lt3A_1194, %add3A_1197, %xor3A_1191 : vector<16xi1>, vector<16xi32>
            %broadcast_in_dim3A_1199 = vector.shape_cast %select_n3A_1198 : vector<16xi32> to vector<16x1xi32>
            %gather3A_1200 = vector.shape_cast %broadcast_in_dim3A_1199 : vector<16x1xi32> to vector<16xi32>
            %gather3A_1201 = tpu.dynamic_gather %add3A_1188[%gather3A_1200] in [0] : vector<16xf32>, vector<16xi32> -> vector<16xf32>
            %add3A_1202 = arith.addf %add3A_1188, %gather3A_1201 : vector<16xf32>
            %exp3A_1203 = math.exp %add3A_1202 : vector<16xf32>
            %mul3A_1204 = arith.mulf %exp3A_1203, %get3A_1030 : vector<16xf32>
            %swap3A_1205 = arith.index_cast %scan3A_343 : i32 to index
            %swap3A_1206 = arith.constant 0 : index
            %swap3A_1207 = tpu.vector_load %arg24[%swap3A_1205, %swap3A_1206] {strides = array<i32>} : memref<32x128xf32, #tpu.memory_space<vmem>>, vector<1x16xf32>,
            %swap3A_1208 = vector.shape_cast %swap3A_1207 : vector<1x16xf32> to vector<16xf32>
            %swap3A_1209 = vector.shape_cast %mul3A_1204 : vector<16xf32> to vector<1x16xf32>
            tpu.vector_store %arg24[%swap3A_1205, %swap3A_1206], %swap3A_1209 {strides = array<i32>} : memref<32x128xf32, #tpu.memory_space<vmem>>, vector<1x16xf32>,
            %mul3A_1210 = arith.mulf %exp3A_1203, %get3A_1045 : vector<16xf32>
            %swap3A_1211 = arith.index_cast %scan3A_343 : i32 to index
            %swap3A_1212 = arith.constant 16 : index
            %swap3A_1213 = tpu.vector_load %arg24[%swap3A_1211, %swap3A_1212] {strides = array<i32>} : memref<32x128xf32, #tpu.memory_space<vmem>>, vector<1x16xf32>,
            %swap3A_1214 = vector.shape_cast %swap3A_1213 : vector<1x16xf32> to vector<16xf32>
            %swap3A_1215 = vector.shape_cast %mul3A_1210 : vector<16xf32> to vector<1x16xf32>
            tpu.vector_store %arg24[%swap3A_1211, %swap3A_1212], %swap3A_1215 {strides = array<i32>} : memref<32x128xf32, #tpu.memory_space<vmem>>, vector<1x16xf32>,
            %mul3A_1216 = arith.mulf %exp3A_1203, %get3A_1060 : vector<16xf32>
            %swap3A_1217 = arith.index_cast %scan3A_343 : i32 to index
            %swap3A_1218 = arith.constant 32 : index
            %swap3A_1219 = tpu.vector_load %arg24[%swap3A_1217, %swap3A_1218] {strides = array<i32>} : memref<32x128xf32, #tpu.memory_space<vmem>>, vector<1x16xf32>,
            %swap3A_1220 = vector.shape_cast %swap3A_1219 : vector<1x16xf32> to vector<16xf32>
            %swap3A_1221 = vector.shape_cast %mul3A_1216 : vector<16xf32> to vector<1x16xf32>
            tpu.vector_store %arg24[%swap3A_1217, %swap3A_1218], %swap3A_1221 {strides = array<i32>} : memref<32x128xf32, #tpu.memory_space<vmem>>, vector<1x16xf32>,
            %mul3A_1222 = arith.mulf %exp3A_1203, %get3A_1075 : vector<16xf32>
            %swap3A_1223 = arith.index_cast %scan3A_343 : i32 to index
            %swap3A_1224 = arith.constant 48 : index
            %swap3A_1225 = tpu.vector_load %arg24[%swap3A_1223, %swap3A_1224] {strides = array<i32>} : memref<32x128xf32, #tpu.memory_space<vmem>>, vector<1x16xf32>,
            %swap3A_1226 = vector.shape_cast %swap3A_1225 : vector<1x16xf32> to vector<16xf32>
            %swap3A_1227 = vector.shape_cast %mul3A_1222 : vector<16xf32> to vector<1x16xf32>
            tpu.vector_store %arg24[%swap3A_1223, %swap3A_1224], %swap3A_1227 {strides = array<i32>} : memref<32x128xf32, #tpu.memory_space<vmem>>, vector<1x16xf32>,
            %mul3A_1228 = arith.mulf %exp3A_1203, %get3A_1090 : vector<16xf32>
            %swap3A_1229 = arith.index_cast %scan3A_343 : i32 to index
            %swap3A_1230 = arith.constant 64 : index
            %swap3A_1231 = tpu.vector_load %arg24[%swap3A_1229, %swap3A_1230] {strides = array<i32>} : memref<32x128xf32, #tpu.memory_space<vmem>>, vector<1x16xf32>,
            %swap3A_1232 = vector.shape_cast %swap3A_1231 : vector<1x16xf32> to vector<16xf32>
            %swap3A_1233 = vector.shape_cast %mul3A_1228 : vector<16xf32> to vector<1x16xf32>
            tpu.vector_store %arg24[%swap3A_1229, %swap3A_1230], %swap3A_1233 {strides = array<i32>} : memref<32x128xf32, #tpu.memory_space<vmem>>, vector<1x16xf32>,
            %mul3A_1234 = arith.mulf %exp3A_1203, %get3A_1105 : vector<16xf32>
            %swap3A_1235 = arith.index_cast %scan3A_343 : i32 to index
            %swap3A_1236 = arith.constant 80 : index
            %swap3A_1237 = tpu.vector_load %arg24[%swap3A_1235, %swap3A_1236] {strides = array<i32>} : memref<32x128xf32, #tpu.memory_space<vmem>>, vector<1x16xf32>,
            %swap3A_1238 = vector.shape_cast %swap3A_1237 : vector<1x16xf32> to vector<16xf32>
            %swap3A_1239 = vector.shape_cast %mul3A_1234 : vector<16xf32> to vector<1x16xf32>
            tpu.vector_store %arg24[%swap3A_1235, %swap3A_1236], %swap3A_1239 {strides = array<i32>} : memref<32x128xf32, #tpu.memory_space<vmem>>, vector<1x16xf32>,
            %mul3A_1240 = arith.mulf %exp3A_1203, %get3A_1120 : vector<16xf32>
            %swap3A_1241 = arith.index_cast %scan3A_343 : i32 to index
            %swap3A_1242 = arith.constant 96 : index
            %swap3A_1243 = tpu.vector_load %arg24[%swap3A_1241, %swap3A_1242] {strides = array<i32>} : memref<32x128xf32, #tpu.memory_space<vmem>>, vector<1x16xf32>,
            %swap3A_1244 = vector.shape_cast %swap3A_1243 : vector<1x16xf32> to vector<16xf32>
            %swap3A_1245 = vector.shape_cast %mul3A_1240 : vector<16xf32> to vector<1x16xf32>
            tpu.vector_store %arg24[%swap3A_1241, %swap3A_1242], %swap3A_1245 {strides = array<i32>} : memref<32x128xf32, #tpu.memory_space<vmem>>, vector<1x16xf32>,
            %mul3A_1246 = arith.mulf %exp3A_1203, %get3A_1135 : vector<16xf32>
            %swap3A_1247 = arith.index_cast %scan3A_343 : i32 to index
            %swap3A_1248 = arith.constant 112 : index
            %swap3A_1249 = tpu.vector_load %arg24[%swap3A_1247, %swap3A_1248] {strides = array<i32>} : memref<32x128xf32, #tpu.memory_space<vmem>>, vector<1x16xf32>,
            %swap3A_1250 = vector.shape_cast %swap3A_1249 : vector<1x16xf32> to vector<16xf32>
            %swap3A_1251 = vector.shape_cast %mul3A_1246 : vector<16xf32> to vector<1x16xf32>
            tpu.vector_store %arg24[%swap3A_1247, %swap3A_1248], %swap3A_1251 {strides = array<i32>} : memref<32x128xf32, #tpu.memory_space<vmem>>, vector<1x16xf32>,
            %eq3A_1252 = arith.constant 3 : i32
            %eq3A_1253 = vector.broadcast %eq3A_1252 : i32 to vector<16xi32>
            %eq3A_1254 = arith.cmpi eq, %iota3A, %eq3A_1253 : vector<16xi32>
            %select_n3A_1255 = arith.select %eq3A_1254, %exp3A_1203, %select_n3A_1026 : vector<16xi1>, vector<16xf32>
            %swap3A_1256 = arith.index_cast %scan3A_343 : i32 to index
            %swap3A_1257 = arith.constant 0 : index
            %swap3A_1258 = tpu.vector_load %arg25[%swap3A_1256, %swap3A_1257] {strides = array<i32>} : memref<32x128xf32, #tpu.memory_space<vmem>>, vector<1x16xf32>,
            %swap3A_1259 = vector.shape_cast %swap3A_1258 : vector<1x16xf32> to vector<16xf32>
            %swap3A_1260 = vector.shape_cast %select_n3A_1255 : vector<16xf32> to vector<1x16xf32>
            tpu.vector_store %arg25[%swap3A_1256, %swap3A_1257], %swap3A_1260 {strides = array<i32>} : memref<32x128xf32, #tpu.memory_space<vmem>>, vector<1x16xf32>,
            %scan3A_1261 = arith.constant 0 : i32
            scf.yield %scan3A_1261 : i32
          }
          %scan3A_311 = arith.constant 32 : i32
          %dma_start3A_312 = arith.constant 0 : i32
          %dma_start3A_313 = arith.constant 0 : i32
          %dma_start3A_314 = tpu.memref_slice %arg27[%dma_start3A_312, %dma_start3A_313] : memref<1288x128xf32, #tpu.memory_space<vmem_shared>> -> memref<1288x128xf32, #tpu.memory_space<vmem_shared>>
          tpu.enqueue_indirect_dma source(%arg21 : memref<32x128xf32, #tpu.memory_space<vmem>>) target(%dma_start3A_314 : memref<1288x128xf32, #tpu.memory_space<vmem_shared>>) offsets(%arg18 : memref<32xi32, #tpu.memory_space<vmem>>) semaphore(%arg34 : memref<!tpu.dma_semaphore, #tpu.memory_space<semaphore_mem>>) {add = true}
          %dma_start3A_315 = arith.constant 0 : i32
          %dma_start3A_316 = arith.constant 0 : i32
          %dma_start3A_317 = tpu.memref_slice %arg28[%dma_start3A_315, %dma_start3A_316] : memref<1288x128xf32, #tpu.memory_space<vmem_shared>> -> memref<1288x128xf32, #tpu.memory_space<vmem_shared>>
          tpu.enqueue_indirect_dma source(%arg22 : memref<32x128xf32, #tpu.memory_space<vmem>>) target(%dma_start3A_317 : memref<1288x128xf32, #tpu.memory_space<vmem_shared>>) offsets(%arg18 : memref<32xi32, #tpu.memory_space<vmem>>) semaphore(%arg34 : memref<!tpu.dma_semaphore, #tpu.memory_space<semaphore_mem>>) {add = true}
          %dma_start3A_318 = arith.constant 0 : i32
          %dma_start3A_319 = arith.constant 0 : i32
          %dma_start3A_320 = tpu.memref_slice %arg29[%dma_start3A_318, %dma_start3A_319] : memref<1288x128xf32, #tpu.memory_space<vmem_shared>> -> memref<1288x128xf32, #tpu.memory_space<vmem_shared>>
          tpu.enqueue_indirect_dma source(%arg23 : memref<32x128xf32, #tpu.memory_space<vmem>>) target(%dma_start3A_320 : memref<1288x128xf32, #tpu.memory_space<vmem_shared>>) offsets(%arg18 : memref<32xi32, #tpu.memory_space<vmem>>) semaphore(%arg34 : memref<!tpu.dma_semaphore, #tpu.memory_space<semaphore_mem>>) {add = true}
          %dma_start3A_321 = arith.constant 0 : i32
          %dma_start3A_322 = arith.constant 0 : i32
          %dma_start3A_323 = tpu.memref_slice %arg30[%dma_start3A_321, %dma_start3A_322] : memref<1288x128xf32, #tpu.memory_space<vmem_shared>> -> memref<1288x128xf32, #tpu.memory_space<vmem_shared>>
          tpu.enqueue_indirect_dma source(%arg24 : memref<32x128xf32, #tpu.memory_space<vmem>>) target(%dma_start3A_323 : memref<1288x128xf32, #tpu.memory_space<vmem_shared>>) offsets(%arg18 : memref<32xi32, #tpu.memory_space<vmem>>) semaphore(%arg34 : memref<!tpu.dma_semaphore, #tpu.memory_space<semaphore_mem>>) {add = true}
          %dma_start3A_324 = arith.constant 0 : i32
          %dma_start3A_325 = arith.constant 0 : i32
          %dma_start3A_326 = tpu.memref_slice %arg31[%dma_start3A_324, %dma_start3A_325] : memref<1288x128xf32, #tpu.memory_space<vmem_shared>> -> memref<1288x128xf32, #tpu.memory_space<vmem_shared>>
          tpu.enqueue_indirect_dma source(%arg25 : memref<32x128xf32, #tpu.memory_space<vmem>>) target(%dma_start3A_326 : memref<1288x128xf32, #tpu.memory_space<vmem_shared>>) offsets(%arg18 : memref<32xi32, #tpu.memory_space<vmem>>) semaphore(%arg34 : memref<!tpu.dma_semaphore, #tpu.memory_space<semaphore_mem>>) {add = true}
          %dma_wait3A_327 = arith.constant 0 : i32
          %dma_wait3A_328 = arith.constant 0 : i32
          %dma_wait3A_329 = tpu.memref_slice %arg27[%dma_wait3A_327, %dma_wait3A_328] : memref<1288x128xf32, #tpu.memory_space<vmem_shared>> -> memref<1288x128xf32, #tpu.memory_space<vmem_shared>>
          tpu.wait_indirect_dma semaphore(%arg34 : memref<!tpu.dma_semaphore, #tpu.memory_space<semaphore_mem>>) src(%arg21 : memref<32x128xf32, #tpu.memory_space<vmem>>) dst(%dma_wait3A_329 : memref<1288x128xf32, #tpu.memory_space<vmem_shared>>)
          %dma_wait3A_330 = arith.constant 0 : i32
          %dma_wait3A_331 = arith.constant 0 : i32
          %dma_wait3A_332 = tpu.memref_slice %arg28[%dma_wait3A_330, %dma_wait3A_331] : memref<1288x128xf32, #tpu.memory_space<vmem_shared>> -> memref<1288x128xf32, #tpu.memory_space<vmem_shared>>
          tpu.wait_indirect_dma semaphore(%arg34 : memref<!tpu.dma_semaphore, #tpu.memory_space<semaphore_mem>>) src(%arg22 : memref<32x128xf32, #tpu.memory_space<vmem>>) dst(%dma_wait3A_332 : memref<1288x128xf32, #tpu.memory_space<vmem_shared>>)
          %dma_wait3A_333 = arith.constant 0 : i32
          %dma_wait3A_334 = arith.constant 0 : i32
          %dma_wait3A_335 = tpu.memref_slice %arg29[%dma_wait3A_333, %dma_wait3A_334] : memref<1288x128xf32, #tpu.memory_space<vmem_shared>> -> memref<1288x128xf32, #tpu.memory_space<vmem_shared>>
          tpu.wait_indirect_dma semaphore(%arg34 : memref<!tpu.dma_semaphore, #tpu.memory_space<semaphore_mem>>) src(%arg23 : memref<32x128xf32, #tpu.memory_space<vmem>>) dst(%dma_wait3A_335 : memref<1288x128xf32, #tpu.memory_space<vmem_shared>>)
          %dma_wait3A_336 = arith.constant 0 : i32
          %dma_wait3A_337 = arith.constant 0 : i32
          %dma_wait3A_338 = tpu.memref_slice %arg30[%dma_wait3A_336, %dma_wait3A_337] : memref<1288x128xf32, #tpu.memory_space<vmem_shared>> -> memref<1288x128xf32, #tpu.memory_space<vmem_shared>>
          tpu.wait_indirect_dma semaphore(%arg34 : memref<!tpu.dma_semaphore, #tpu.memory_space<semaphore_mem>>) src(%arg24 : memref<32x128xf32, #tpu.memory_space<vmem>>) dst(%dma_wait3A_338 : memref<1288x128xf32, #tpu.memory_space<vmem_shared>>)
          %dma_wait3A_339 = arith.constant 0 : i32
          %dma_wait3A_340 = arith.constant 0 : i32
          %dma_wait3A_341 = tpu.memref_slice %arg31[%dma_wait3A_339, %dma_wait3A_340] : memref<1288x128xf32, #tpu.memory_space<vmem_shared>> -> memref<1288x128xf32, #tpu.memory_space<vmem_shared>>
          tpu.wait_indirect_dma semaphore(%arg34 : memref<!tpu.dma_semaphore, #tpu.memory_space<semaphore_mem>>) src(%arg25 : memref<32x128xf32, #tpu.memory_space<vmem>>) dst(%dma_wait3A_341 : memref<1288x128xf32, #tpu.memory_space<vmem_shared>>)
          %while3A_342 = arith.constant 0 : i32
          scf.yield %while3A_342 : i32
        }
        %while3A_266 = arith.constant 1 : i32
        %while3A_267 = scf.for %while3A_269 = %while3A_263 to %while3A_259 step %while3A_266 iter_args(%while3A_270 = %while3A_265) -> (i32)  : i32 {
          %mul3A_271 = arith.constant 32 : i32
          %mul3A_272 = arith.muli %while3A_269, %mul3A_271 : i32
          %add3A_273 = arith.constant 0 : i32
          %add3A_274 = arith.addi %mul3A_272, %add3A_273 : i32
          %get3A_275 = arith.index_cast %add3A_274 : i32 to index
          %get3A_276 = tpu.vector_load %arg17[%get3A_275] {strides = array<i32>} : memref<2048xi32, #tpu.memory_space<vmem>>, vector<16xi32>,
          %get3A_277 = vector.shape_cast %get3A_276 : vector<16xi32> to vector<16xi32>
          %swap3A_278 = arith.constant 0 : index
          %swap3A_279 = tpu.vector_load %arg18[%swap3A_278] {strides = array<i32>} : memref<32xi32, #tpu.memory_space<vmem>>, vector<16xi32>,
          %swap3A_280 = vector.shape_cast %swap3A_279 : vector<16xi32> to vector<16xi32>
          %swap3A_281 = vector.shape_cast %get3A_277 : vector<16xi32> to vector<16xi32>
          tpu.vector_store %arg18[%swap3A_278], %swap3A_281 {strides = array<i32>} : memref<32xi32, #tpu.memory_space<vmem>>, vector<16xi32>,
          %add3A_282 = arith.constant 16 : i32
          %add3A_283 = arith.addi %mul3A_272, %add3A_282 : i32
          %get3A_284 = arith.index_cast %add3A_283 : i32 to index
          %get3A_285 = tpu.vector_load %arg17[%get3A_284] {strides = array<i32>} : memref<2048xi32, #tpu.memory_space<vmem>>, vector<16xi32>,
          %get3A_286 = vector.shape_cast %get3A_285 : vector<16xi32> to vector<16xi32>
          %swap3A_287 = arith.constant 16 : index
          %swap3A_288 = tpu.vector_load %arg18[%swap3A_287] {strides = array<i32>} : memref<32xi32, #tpu.memory_space<vmem>>, vector<16xi32>,
          %swap3A_289 = vector.shape_cast %swap3A_288 : vector<16xi32> to vector<16xi32>
          %swap3A_290 = vector.shape_cast %get3A_286 : vector<16xi32> to vector<16xi32>
          tpu.vector_store %arg18[%swap3A_287], %swap3A_290 {strides = array<i32>} : memref<32xi32, #tpu.memory_space<vmem>>, vector<16xi32>,
          %dma_start3A = tpu.memref_slice %arg15[%mul3A_272] : memref<2048xi32, #tpu.memory_space<vmem>> -> memref<32xi32, #tpu.memory_space<vmem>>
          %dma_start3A_291 = arith.constant 0 : i32
          %dma_start3A_292 = arith.constant 0 : i32
          %dma_start3A_293 = tpu.memref_slice %arg2[%dma_start3A_291, %dma_start3A_292] : memref<10000x512xf32, #tpu.memory_space<hbm>> -> memref<10000x512xf32, #tpu.memory_space<hbm>>
          tpu.enqueue_indirect_dma source(%dma_start3A_293 : memref<10000x512xf32, #tpu.memory_space<hbm>>) target(%arg19 : memref<32x512xf32, #tpu.memory_space<vmem>>) offsets(%dma_start3A : memref<32xi32, #tpu.memory_space<vmem>>) semaphore(%arg32 : memref<!tpu.dma_semaphore, #tpu.memory_space<semaphore_mem>>)
          %dma_start3A_294 = tpu.memref_slice %arg16[%mul3A_272] : memref<2048xi32, #tpu.memory_space<vmem>> -> memref<32xi32, #tpu.memory_space<vmem>>
          %dma_start3A_295 = arith.constant 0 : i32
          %dma_start3A_296 = arith.constant 0 : i32
          %dma_start3A_297 = tpu.memref_slice %arg3[%dma_start3A_295, %dma_start3A_296] : memref<10000x512xf32, #tpu.memory_space<hbm>> -> memref<10000x512xf32, #tpu.memory_space<hbm>>
          tpu.enqueue_indirect_dma source(%dma_start3A_297 : memref<10000x512xf32, #tpu.memory_space<hbm>>) target(%arg20 : memref<32x512xf32, #tpu.memory_space<vmem>>) offsets(%dma_start3A_294 : memref<32xi32, #tpu.memory_space<vmem>>) semaphore(%arg33 : memref<!tpu.dma_semaphore, #tpu.memory_space<semaphore_mem>>)
          %dma_wait3A = tpu.memref_slice %arg15[%mul3A_272] : memref<2048xi32, #tpu.memory_space<vmem>> -> memref<32xi32, #tpu.memory_space<vmem>>
          %dma_wait3A_298 = arith.constant 0 : i32
          %dma_wait3A_299 = arith.constant 0 : i32
          %dma_wait3A_300 = tpu.memref_slice %arg2[%dma_wait3A_298, %dma_wait3A_299] : memref<10000x512xf32, #tpu.memory_space<hbm>> -> memref<10000x512xf32, #tpu.memory_space<hbm>>
          tpu.wait_indirect_dma semaphore(%arg32 : memref<!tpu.dma_semaphore, #tpu.memory_space<semaphore_mem>>) src(%dma_wait3A_300 : memref<10000x512xf32, #tpu.memory_space<hbm>>) dst(%arg19 : memref<32x512xf32, #tpu.memory_space<vmem>>)
          %dma_wait3A_301 = tpu.memref_slice %arg16[%mul3A_272] : memref<2048xi32, #tpu.memory_space<vmem>> -> memref<32xi32, #tpu.memory_space<vmem>>
          %dma_wait3A_302 = arith.constant 0 : i32
          %dma_wait3A_303 = arith.constant 0 : i32
          %dma_wait3A_304 = tpu.memref_slice %arg3[%dma_wait3A_302, %dma_wait3A_303] : memref<10000x512xf32, #tpu.memory_space<hbm>> -> memref<10000x512xf32, #tpu.memory_space<hbm>>
          tpu.wait_indirect_dma semaphore(%arg33 : memref<!tpu.dma_semaphore, #tpu.memory_space<semaphore_mem>>) src(%dma_wait3A_304 : memref<10000x512xf32, #tpu.memory_space<hbm>>) dst(%arg20 : memref<32x512xf32, #tpu.memory_space<vmem>>)
          %scan3A_305 = arith.constant 0 : i32
          %scan3A_306 = arith.constant 0 : i32
          %scan3A_307 = arith.constant 32 : i32
          %scan3A_308 = arith.addi %scan3A_306, %scan3A_307 : i32
          %scan3A_309 = arith.constant 1 : i32
          %scan3A_310 = scf.for %scan3A_343 = %scan3A_306 to %scan3A_308 step %scan3A_309 iter_args(%scan3A_344 = %scan3A_305) -> (i32)  : i32 {
            %get3A_345 = arith.index_cast %scan3A_343 : i32 to index
            %get3A_346 = arith.constant 0 : index
            %get3A_347 = tpu.vector_load %arg19[%get3A_345, %get3A_346] {strides = array<i32>} : memref<32x512xf32, #tpu.memory_space<vmem>>, vector<1x16xf32>,
            %get3A_348 = vector.shape_cast %get3A_347 : vector<1x16xf32> to vector<16xf32>
            %get3A_349 = arith.index_cast %scan3A_343 : i32 to index
            %get3A_350 = arith.constant 0 : index
            %get3A_351 = tpu.vector_load %arg20[%get3A_349, %get3A_350] {strides = array<i32>} : memref<32x512xf32, #tpu.memory_space<vmem>>, vector<1x16xf32>,
            %get3A_352 = vector.shape_cast %get3A_351 : vector<1x16xf32> to vector<16xf32>
            %add3A_353 = arith.addf %get3A_348, %get3A_352 : vector<16xf32>
            %mul3A_354 = arith.constant 2.000000e-01 : f32
            %mul3A_355 = vector.broadcast %mul3A_354 : f32 to vector<16xf32>
            %mul3A_356 = arith.mulf %mul3A_355, %add3A_353 : vector<16xf32>
            %max3A = arith.maximumf %add3A_353, %mul3A_356 : vector<16xf32>
            %mul3A_357 = arith.mulf %max3A, %get3A_1 : vector<16xf32>
            %add3A_358 = arith.addf %broadcast_in_dim3A_97, %mul3A_357 : vector<16xf32>
            %get3A_359 = arith.index_cast %scan3A_343 : i32 to index
            %get3A_360 = arith.constant 16 : index
            %get3A_361 = tpu.vector_load %arg19[%get3A_359, %get3A_360] {strides = array<i32>} : memref<32x512xf32, #tpu.memory_space<vmem>>, vector<1x16xf32>,
            %get3A_362 = vector.shape_cast %get3A_361 : vector<1x16xf32> to vector<16xf32>
            %get3A_363 = arith.index_cast %scan3A_343 : i32 to index
            %get3A_364 = arith.constant 16 : index
            %get3A_365 = tpu.vector_load %arg20[%get3A_363, %get3A_364] {strides = array<i32>} : memref<32x512xf32, #tpu.memory_space<vmem>>, vector<1x16xf32>,
            %get3A_366 = vector.shape_cast %get3A_365 : vector<1x16xf32> to vector<16xf32>
            %add3A_367 = arith.addf %get3A_362, %get3A_366 : vector<16xf32>
            %mul3A_368 = arith.constant 2.000000e-01 : f32
            %mul3A_369 = vector.broadcast %mul3A_368 : f32 to vector<16xf32>
            %mul3A_370 = arith.mulf %mul3A_369, %add3A_367 : vector<16xf32>
            %max3A_371 = arith.maximumf %add3A_367, %mul3A_370 : vector<16xf32>
            %mul3A_372 = arith.mulf %max3A_371, %get3A_4 : vector<16xf32>
            %add3A_373 = arith.addf %add3A_358, %mul3A_372 : vector<16xf32>
            %get3A_374 = arith.index_cast %scan3A_343 : i32 to index
            %get3A_375 = arith.constant 32 : index
            %get3A_376 = tpu.vector_load %arg19[%get3A_374, %get3A_375] {strides = array<i32>} : memref<32x512xf32, #tpu.memory_space<vmem>>, vector<1x16xf32>,
            %get3A_377 = vector.shape_cast %get3A_376 : vector<1x16xf32> to vector<16xf32>
            %get3A_378 = arith.index_cast %scan3A_343 : i32 to index
            %get3A_379 = arith.constant 32 : index
            %get3A_380 = tpu.vector_load %arg20[%get3A_378, %get3A_379] {strides = array<i32>} : memref<32x512xf32, #tpu.memory_space<vmem>>, vector<1x16xf32>,
            %get3A_381 = vector.shape_cast %get3A_380 : vector<1x16xf32> to vector<16xf32>
            %add3A_382 = arith.addf %get3A_377, %get3A_381 : vector<16xf32>
            %mul3A_383 = arith.constant 2.000000e-01 : f32
            %mul3A_384 = vector.broadcast %mul3A_383 : f32 to vector<16xf32>
            %mul3A_385 = arith.mulf %mul3A_384, %add3A_382 : vector<16xf32>
            %max3A_386 = arith.maximumf %add3A_382, %mul3A_385 : vector<16xf32>
            %mul3A_387 = arith.mulf %max3A_386, %get3A_7 : vector<16xf32>
            %add3A_388 = arith.addf %add3A_373, %mul3A_387 : vector<16xf32>
            %get3A_389 = arith.index_cast %scan3A_343 : i32 to index
            %get3A_390 = arith.constant 48 : index
            %get3A_391 = tpu.vector_load %arg19[%get3A_389, %get3A_390] {strides = array<i32>} : memref<32x512xf32, #tpu.memory_space<vmem>>, vector<1x16xf32>,
            %get3A_392 = vector.shape_cast %get3A_391 : vector<1x16xf32> to vector<16xf32>
            %get3A_393 = arith.index_cast %scan3A_343 : i32 to index
            %get3A_394 = arith.constant 48 : index
            %get3A_395 = tpu.vector_load %arg20[%get3A_393, %get3A_394] {strides = array<i32>} : memref<32x512xf32, #tpu.memory_space<vmem>>, vector<1x16xf32>,
            %get3A_396 = vector.shape_cast %get3A_395 : vector<1x16xf32> to vector<16xf32>
            %add3A_397 = arith.addf %get3A_392, %get3A_396 : vector<16xf32>
            %mul3A_398 = arith.constant 2.000000e-01 : f32
            %mul3A_399 = vector.broadcast %mul3A_398 : f32 to vector<16xf32>
            %mul3A_400 = arith.mulf %mul3A_399, %add3A_397 : vector<16xf32>
            %max3A_401 = arith.maximumf %add3A_397, %mul3A_400 : vector<16xf32>
            %mul3A_402 = arith.mulf %max3A_401, %get3A_10 : vector<16xf32>
            %add3A_403 = arith.addf %add3A_388, %mul3A_402 : vector<16xf32>
            %get3A_404 = arith.index_cast %scan3A_343 : i32 to index
            %get3A_405 = arith.constant 64 : index
            %get3A_406 = tpu.vector_load %arg19[%get3A_404, %get3A_405] {strides = array<i32>} : memref<32x512xf32, #tpu.memory_space<vmem>>, vector<1x16xf32>,
            %get3A_407 = vector.shape_cast %get3A_406 : vector<1x16xf32> to vector<16xf32>
            %get3A_408 = arith.index_cast %scan3A_343 : i32 to index
            %get3A_409 = arith.constant 64 : index
            %get3A_410 = tpu.vector_load %arg20[%get3A_408, %get3A_409] {strides = array<i32>} : memref<32x512xf32, #tpu.memory_space<vmem>>, vector<1x16xf32>,
            %get3A_411 = vector.shape_cast %get3A_410 : vector<1x16xf32> to vector<16xf32>
            %add3A_412 = arith.addf %get3A_407, %get3A_411 : vector<16xf32>
            %mul3A_413 = arith.constant 2.000000e-01 : f32
            %mul3A_414 = vector.broadcast %mul3A_413 : f32 to vector<16xf32>
            %mul3A_415 = arith.mulf %mul3A_414, %add3A_412 : vector<16xf32>
            %max3A_416 = arith.maximumf %add3A_412, %mul3A_415 : vector<16xf32>
            %mul3A_417 = arith.mulf %max3A_416, %get3A_13 : vector<16xf32>
            %add3A_418 = arith.addf %add3A_403, %mul3A_417 : vector<16xf32>
            %get3A_419 = arith.index_cast %scan3A_343 : i32 to index
            %get3A_420 = arith.constant 80 : index
            %get3A_421 = tpu.vector_load %arg19[%get3A_419, %get3A_420] {strides = array<i32>} : memref<32x512xf32, #tpu.memory_space<vmem>>, vector<1x16xf32>,
            %get3A_422 = vector.shape_cast %get3A_421 : vector<1x16xf32> to vector<16xf32>
            %get3A_423 = arith.index_cast %scan3A_343 : i32 to index
            %get3A_424 = arith.constant 80 : index
            %get3A_425 = tpu.vector_load %arg20[%get3A_423, %get3A_424] {strides = array<i32>} : memref<32x512xf32, #tpu.memory_space<vmem>>, vector<1x16xf32>,
            %get3A_426 = vector.shape_cast %get3A_425 : vector<1x16xf32> to vector<16xf32>
            %add3A_427 = arith.addf %get3A_422, %get3A_426 : vector<16xf32>
            %mul3A_428 = arith.constant 2.000000e-01 : f32
            %mul3A_429 = vector.broadcast %mul3A_428 : f32 to vector<16xf32>
            %mul3A_430 = arith.mulf %mul3A_429, %add3A_427 : vector<16xf32>
            %max3A_431 = arith.maximumf %add3A_427, %mul3A_430 : vector<16xf32>
            %mul3A_432 = arith.mulf %max3A_431, %get3A_16 : vector<16xf32>
            %add3A_433 = arith.addf %add3A_418, %mul3A_432 : vector<16xf32>
            %get3A_434 = arith.index_cast %scan3A_343 : i32 to index
            %get3A_435 = arith.constant 96 : index
            %get3A_436 = tpu.vector_load %arg19[%get3A_434, %get3A_435] {strides = array<i32>} : memref<32x512xf32, #tpu.memory_space<vmem>>, vector<1x16xf32>,
            %get3A_437 = vector.shape_cast %get3A_436 : vector<1x16xf32> to vector<16xf32>
            %get3A_438 = arith.index_cast %scan3A_343 : i32 to index
            %get3A_439 = arith.constant 96 : index
            %get3A_440 = tpu.vector_load %arg20[%get3A_438, %get3A_439] {strides = array<i32>} : memref<32x512xf32, #tpu.memory_space<vmem>>, vector<1x16xf32>,
            %get3A_441 = vector.shape_cast %get3A_440 : vector<1x16xf32> to vector<16xf32>
            %add3A_442 = arith.addf %get3A_437, %get3A_441 : vector<16xf32>
            %mul3A_443 = arith.constant 2.000000e-01 : f32
            %mul3A_444 = vector.broadcast %mul3A_443 : f32 to vector<16xf32>
            %mul3A_445 = arith.mulf %mul3A_444, %add3A_442 : vector<16xf32>
            %max3A_446 = arith.maximumf %add3A_442, %mul3A_445 : vector<16xf32>
            %mul3A_447 = arith.mulf %max3A_446, %get3A_19 : vector<16xf32>
            %add3A_448 = arith.addf %add3A_433, %mul3A_447 : vector<16xf32>
            %get3A_449 = arith.index_cast %scan3A_343 : i32 to index
            %get3A_450 = arith.constant 112 : index
            %get3A_451 = tpu.vector_load %arg19[%get3A_449, %get3A_450] {strides = array<i32>} : memref<32x512xf32, #tpu.memory_space<vmem>>, vector<1x16xf32>,
            %get3A_452 = vector.shape_cast %get3A_451 : vector<1x16xf32> to vector<16xf32>
            %get3A_453 = arith.index_cast %scan3A_343 : i32 to index
            %get3A_454 = arith.constant 112 : index
            %get3A_455 = tpu.vector_load %arg20[%get3A_453, %get3A_454] {strides = array<i32>} : memref<32x512xf32, #tpu.memory_space<vmem>>, vector<1x16xf32>,
            %get3A_456 = vector.shape_cast %get3A_455 : vector<1x16xf32> to vector<16xf32>
            %add3A_457 = arith.addf %get3A_452, %get3A_456 : vector<16xf32>
            %mul3A_458 = arith.constant 2.000000e-01 : f32
            %mul3A_459 = vector.broadcast %mul3A_458 : f32 to vector<16xf32>
            %mul3A_460 = arith.mulf %mul3A_459, %add3A_457 : vector<16xf32>
            %max3A_461 = arith.maximumf %add3A_457, %mul3A_460 : vector<16xf32>
            %mul3A_462 = arith.mulf %max3A_461, %get3A_22 : vector<16xf32>
            %add3A_463 = arith.addf %add3A_448, %mul3A_462 : vector<16xf32>
            %xor3A = arith.constant 8 : i32
            %xor3A_464 = vector.broadcast %xor3A : i32 to vector<16xi32>
            %xor3A_465 = arith.xori %iota3A, %xor3A_464 : vector<16xi32>
            %lt3A = arith.constant 0 : i32
            %lt3A_466 = vector.broadcast %lt3A : i32 to vector<16xi32>
            %lt3A_467 = arith.cmpi slt, %xor3A_465, %lt3A_466 : vector<16xi32>
            %add3A_468 = arith.constant 16 : i32
            %add3A_469 = vector.broadcast %add3A_468 : i32 to vector<16xi32>
            %add3A_470 = arith.addi %xor3A_465, %add3A_469 : vector<16xi32>
            %select_n3A_471 = arith.select %lt3A_467, %add3A_470, %xor3A_465 : vector<16xi1>, vector<16xi32>
            %broadcast_in_dim3A_472 = vector.shape_cast %select_n3A_471 : vector<16xi32> to vector<16x1xi32>
            %gather3A = vector.shape_cast %broadcast_in_dim3A_472 : vector<16x1xi32> to vector<16xi32>
            %gather3A_473 = tpu.dynamic_gather %add3A_463[%gather3A] in [0] : vector<16xf32>, vector<16xi32> -> vector<16xf32>
            %add3A_474 = arith.addf %add3A_463, %gather3A_473 : vector<16xf32>
            %xor3A_475 = arith.constant 4 : i32
            %xor3A_476 = vector.broadcast %xor3A_475 : i32 to vector<16xi32>
            %xor3A_477 = arith.xori %iota3A, %xor3A_476 : vector<16xi32>
            %lt3A_478 = arith.constant 0 : i32
            %lt3A_479 = vector.broadcast %lt3A_478 : i32 to vector<16xi32>
            %lt3A_480 = arith.cmpi slt, %xor3A_477, %lt3A_479 : vector<16xi32>
            %add3A_481 = arith.constant 16 : i32
            %add3A_482 = vector.broadcast %add3A_481 : i32 to vector<16xi32>
            %add3A_483 = arith.addi %xor3A_477, %add3A_482 : vector<16xi32>
            %select_n3A_484 = arith.select %lt3A_480, %add3A_483, %xor3A_477 : vector<16xi1>, vector<16xi32>
            %broadcast_in_dim3A_485 = vector.shape_cast %select_n3A_484 : vector<16xi32> to vector<16x1xi32>
            %gather3A_486 = vector.shape_cast %broadcast_in_dim3A_485 : vector<16x1xi32> to vector<16xi32>
            %gather3A_487 = tpu.dynamic_gather %add3A_474[%gather3A_486] in [0] : vector<16xf32>, vector<16xi32> -> vector<16xf32>
            %add3A_488 = arith.addf %add3A_474, %gather3A_487 : vector<16xf32>
            %xor3A_489 = arith.constant 2 : i32
            %xor3A_490 = vector.broadcast %xor3A_489 : i32 to vector<16xi32>
            %xor3A_491 = arith.xori %iota3A, %xor3A_490 : vector<16xi32>
            %lt3A_492 = arith.constant 0 : i32
            %lt3A_493 = vector.broadcast %lt3A_492 : i32 to vector<16xi32>
            %lt3A_494 = arith.cmpi slt, %xor3A_491, %lt3A_493 : vector<16xi32>
            %add3A_495 = arith.constant 16 : i32
            %add3A_496 = vector.broadcast %add3A_495 : i32 to vector<16xi32>
            %add3A_497 = arith.addi %xor3A_491, %add3A_496 : vector<16xi32>
            %select_n3A_498 = arith.select %lt3A_494, %add3A_497, %xor3A_491 : vector<16xi1>, vector<16xi32>
            %broadcast_in_dim3A_499 = vector.shape_cast %select_n3A_498 : vector<16xi32> to vector<16x1xi32>
            %gather3A_500 = vector.shape_cast %broadcast_in_dim3A_499 : vector<16x1xi32> to vector<16xi32>
            %gather3A_501 = tpu.dynamic_gather %add3A_488[%gather3A_500] in [0] : vector<16xf32>, vector<16xi32> -> vector<16xf32>
            %add3A_502 = arith.addf %add3A_488, %gather3A_501 : vector<16xf32>
            %xor3A_503 = arith.constant 1 : i32
            %xor3A_504 = vector.broadcast %xor3A_503 : i32 to vector<16xi32>
            %xor3A_505 = arith.xori %iota3A, %xor3A_504 : vector<16xi32>
            %lt3A_506 = arith.constant 0 : i32
            %lt3A_507 = vector.broadcast %lt3A_506 : i32 to vector<16xi32>
            %lt3A_508 = arith.cmpi slt, %xor3A_505, %lt3A_507 : vector<16xi32>
            %add3A_509 = arith.constant 16 : i32
            %add3A_510 = vector.broadcast %add3A_509 : i32 to vector<16xi32>
            %add3A_511 = arith.addi %xor3A_505, %add3A_510 : vector<16xi32>
            %select_n3A_512 = arith.select %lt3A_508, %add3A_511, %xor3A_505 : vector<16xi1>, vector<16xi32>
            %broadcast_in_dim3A_513 = vector.shape_cast %select_n3A_512 : vector<16xi32> to vector<16x1xi32>
            %gather3A_514 = vector.shape_cast %broadcast_in_dim3A_513 : vector<16x1xi32> to vector<16xi32>
            %gather3A_515 = tpu.dynamic_gather %add3A_502[%gather3A_514] in [0] : vector<16xf32>, vector<16xi32> -> vector<16xf32>
            %add3A_516 = arith.addf %add3A_502, %gather3A_515 : vector<16xf32>
            %exp3A = math.exp %add3A_516 : vector<16xf32>
            %mul3A_517 = arith.mulf %exp3A, %get3A_348 : vector<16xf32>
            %swap3A_518 = arith.index_cast %scan3A_343 : i32 to index
            %swap3A_519 = arith.constant 0 : index
            %swap3A_520 = tpu.vector_load %arg21[%swap3A_518, %swap3A_519] {strides = array<i32>} : memref<32x128xf32, #tpu.memory_space<vmem>>, vector<1x16xf32>,
            %swap3A_521 = vector.shape_cast %swap3A_520 : vector<1x16xf32> to vector<16xf32>
            %swap3A_522 = vector.shape_cast %mul3A_517 : vector<16xf32> to vector<1x16xf32>
            tpu.vector_store %arg21[%swap3A_518, %swap3A_519], %swap3A_522 {strides = array<i32>} : memref<32x128xf32, #tpu.memory_space<vmem>>, vector<1x16xf32>,
            %mul3A_523 = arith.mulf %exp3A, %get3A_362 : vector<16xf32>
            %swap3A_524 = arith.index_cast %scan3A_343 : i32 to index
            %swap3A_525 = arith.constant 16 : index
            %swap3A_526 = tpu.vector_load %arg21[%swap3A_524, %swap3A_525] {strides = array<i32>} : memref<32x128xf32, #tpu.memory_space<vmem>>, vector<1x16xf32>,
            %swap3A_527 = vector.shape_cast %swap3A_526 : vector<1x16xf32> to vector<16xf32>
            %swap3A_528 = vector.shape_cast %mul3A_523 : vector<16xf32> to vector<1x16xf32>
            tpu.vector_store %arg21[%swap3A_524, %swap3A_525], %swap3A_528 {strides = array<i32>} : memref<32x128xf32, #tpu.memory_space<vmem>>, vector<1x16xf32>,
            %mul3A_529 = arith.mulf %exp3A, %get3A_377 : vector<16xf32>
            %swap3A_530 = arith.index_cast %scan3A_343 : i32 to index
            %swap3A_531 = arith.constant 32 : index
            %swap3A_532 = tpu.vector_load %arg21[%swap3A_530, %swap3A_531] {strides = array<i32>} : memref<32x128xf32, #tpu.memory_space<vmem>>, vector<1x16xf32>,
            %swap3A_533 = vector.shape_cast %swap3A_532 : vector<1x16xf32> to vector<16xf32>
            %swap3A_534 = vector.shape_cast %mul3A_529 : vector<16xf32> to vector<1x16xf32>
            tpu.vector_store %arg21[%swap3A_530, %swap3A_531], %swap3A_534 {strides = array<i32>} : memref<32x128xf32, #tpu.memory_space<vmem>>, vector<1x16xf32>,
            %mul3A_535 = arith.mulf %exp3A, %get3A_392 : vector<16xf32>
            %swap3A_536 = arith.index_cast %scan3A_343 : i32 to index
            %swap3A_537 = arith.constant 48 : index
            %swap3A_538 = tpu.vector_load %arg21[%swap3A_536, %swap3A_537] {strides = array<i32>} : memref<32x128xf32, #tpu.memory_space<vmem>>, vector<1x16xf32>,
            %swap3A_539 = vector.shape_cast %swap3A_538 : vector<1x16xf32> to vector<16xf32>
            %swap3A_540 = vector.shape_cast %mul3A_535 : vector<16xf32> to vector<1x16xf32>
            tpu.vector_store %arg21[%swap3A_536, %swap3A_537], %swap3A_540 {strides = array<i32>} : memref<32x128xf32, #tpu.memory_space<vmem>>, vector<1x16xf32>,
            %mul3A_541 = arith.mulf %exp3A, %get3A_407 : vector<16xf32>
            %swap3A_542 = arith.index_cast %scan3A_343 : i32 to index
            %swap3A_543 = arith.constant 64 : index
            %swap3A_544 = tpu.vector_load %arg21[%swap3A_542, %swap3A_543] {strides = array<i32>} : memref<32x128xf32, #tpu.memory_space<vmem>>, vector<1x16xf32>,
            %swap3A_545 = vector.shape_cast %swap3A_544 : vector<1x16xf32> to vector<16xf32>
            %swap3A_546 = vector.shape_cast %mul3A_541 : vector<16xf32> to vector<1x16xf32>
            tpu.vector_store %arg21[%swap3A_542, %swap3A_543], %swap3A_546 {strides = array<i32>} : memref<32x128xf32, #tpu.memory_space<vmem>>, vector<1x16xf32>,
            %mul3A_547 = arith.mulf %exp3A, %get3A_422 : vector<16xf32>
            %swap3A_548 = arith.index_cast %scan3A_343 : i32 to index
            %swap3A_549 = arith.constant 80 : index
            %swap3A_550 = tpu.vector_load %arg21[%swap3A_548, %swap3A_549] {strides = array<i32>} : memref<32x128xf32, #tpu.memory_space<vmem>>, vector<1x16xf32>,
            %swap3A_551 = vector.shape_cast %swap3A_550 : vector<1x16xf32> to vector<16xf32>
            %swap3A_552 = vector.shape_cast %mul3A_547 : vector<16xf32> to vector<1x16xf32>
            tpu.vector_store %arg21[%swap3A_548, %swap3A_549], %swap3A_552 {strides = array<i32>} : memref<32x128xf32, #tpu.memory_space<vmem>>, vector<1x16xf32>,
            %mul3A_553 = arith.mulf %exp3A, %get3A_437 : vector<16xf32>
            %swap3A_554 = arith.index_cast %scan3A_343 : i32 to index
            %swap3A_555 = arith.constant 96 : index
            %swap3A_556 = tpu.vector_load %arg21[%swap3A_554, %swap3A_555] {strides = array<i32>} : memref<32x128xf32, #tpu.memory_space<vmem>>, vector<1x16xf32>,
            %swap3A_557 = vector.shape_cast %swap3A_556 : vector<1x16xf32> to vector<16xf32>
            %swap3A_558 = vector.shape_cast %mul3A_553 : vector<16xf32> to vector<1x16xf32>
            tpu.vector_store %arg21[%swap3A_554, %swap3A_555], %swap3A_558 {strides = array<i32>} : memref<32x128xf32, #tpu.memory_space<vmem>>, vector<1x16xf32>,
            %mul3A_559 = arith.mulf %exp3A, %get3A_452 : vector<16xf32>
            %swap3A_560 = arith.index_cast %scan3A_343 : i32 to index
            %swap3A_561 = arith.constant 112 : index
            %swap3A_562 = tpu.vector_load %arg21[%swap3A_560, %swap3A_561] {strides = array<i32>} : memref<32x128xf32, #tpu.memory_space<vmem>>, vector<1x16xf32>,
            %swap3A_563 = vector.shape_cast %swap3A_562 : vector<1x16xf32> to vector<16xf32>
            %swap3A_564 = vector.shape_cast %mul3A_559 : vector<16xf32> to vector<1x16xf32>
            tpu.vector_store %arg21[%swap3A_560, %swap3A_561], %swap3A_564 {strides = array<i32>} : memref<32x128xf32, #tpu.memory_space<vmem>>, vector<1x16xf32>,
            %eq3A_565 = arith.constant 0 : i32
            %eq3A_566 = vector.broadcast %eq3A_565 : i32 to vector<16xi32>
            %eq3A_567 = arith.cmpi eq, %iota3A, %eq3A_566 : vector<16xi32>
            %select_n3A_568 = arith.select %eq3A_567, %exp3A, %broadcast_in_dim3A_97 : vector<16xi1>, vector<16xf32>
            %get3A_569 = arith.index_cast %scan3A_343 : i32 to index
            %get3A_570 = arith.constant 128 : index
            %get3A_571 = tpu.vector_load %arg19[%get3A_569, %get3A_570] {strides = array<i32>} : memref<32x512xf32, #tpu.memory_space<vmem>>, vector<1x16xf32>,
            %get3A_572 = vector.shape_cast %get3A_571 : vector<1x16xf32> to vector<16xf32>
            %get3A_573 = arith.index_cast %scan3A_343 : i32 to index
            %get3A_574 = arith.constant 128 : index
            %get3A_575 = tpu.vector_load %arg20[%get3A_573, %get3A_574] {strides = array<i32>} : memref<32x512xf32, #tpu.memory_space<vmem>>, vector<1x16xf32>,
            %get3A_576 = vector.shape_cast %get3A_575 : vector<1x16xf32> to vector<16xf32>
            %add3A_577 = arith.addf %get3A_572, %get3A_576 : vector<16xf32>
            %mul3A_578 = arith.constant 2.000000e-01 : f32
            %mul3A_579 = vector.broadcast %mul3A_578 : f32 to vector<16xf32>
            %mul3A_580 = arith.mulf %mul3A_579, %add3A_577 : vector<16xf32>
            %max3A_581 = arith.maximumf %add3A_577, %mul3A_580 : vector<16xf32>
            %mul3A_582 = arith.mulf %max3A_581, %get3A_25 : vector<16xf32>
            %add3A_583 = arith.addf %broadcast_in_dim3A_97, %mul3A_582 : vector<16xf32>
            %get3A_584 = arith.index_cast %scan3A_343 : i32 to index
            %get3A_585 = arith.constant 144 : index
            %get3A_586 = tpu.vector_load %arg19[%get3A_584, %get3A_585] {strides = array<i32>} : memref<32x512xf32, #tpu.memory_space<vmem>>, vector<1x16xf32>,
            %get3A_587 = vector.shape_cast %get3A_586 : vector<1x16xf32> to vector<16xf32>
            %get3A_588 = arith.index_cast %scan3A_343 : i32 to index
            %get3A_589 = arith.constant 144 : index
            %get3A_590 = tpu.vector_load %arg20[%get3A_588, %get3A_589] {strides = array<i32>} : memref<32x512xf32, #tpu.memory_space<vmem>>, vector<1x16xf32>,
            %get3A_591 = vector.shape_cast %get3A_590 : vector<1x16xf32> to vector<16xf32>
            %add3A_592 = arith.addf %get3A_587, %get3A_591 : vector<16xf32>
            %mul3A_593 = arith.constant 2.000000e-01 : f32
            %mul3A_594 = vector.broadcast %mul3A_593 : f32 to vector<16xf32>
            %mul3A_595 = arith.mulf %mul3A_594, %add3A_592 : vector<16xf32>
            %max3A_596 = arith.maximumf %add3A_592, %mul3A_595 : vector<16xf32>
            %mul3A_597 = arith.mulf %max3A_596, %get3A_28 : vector<16xf32>
            %add3A_598 = arith.addf %add3A_583, %mul3A_597 : vector<16xf32>
            %get3A_599 = arith.index_cast %scan3A_343 : i32 to index
            %get3A_600 = arith.constant 160 : index
            %get3A_601 = tpu.vector_load %arg19[%get3A_599, %get3A_600] {strides = array<i32>} : memref<32x512xf32, #tpu.memory_space<vmem>>, vector<1x16xf32>,
            %get3A_602 = vector.shape_cast %get3A_601 : vector<1x16xf32> to vector<16xf32>
            %get3A_603 = arith.index_cast %scan3A_343 : i32 to index
            %get3A_604 = arith.constant 160 : index
            %get3A_605 = tpu.vector_load %arg20[%get3A_603, %get3A_604] {strides = array<i32>} : memref<32x512xf32, #tpu.memory_space<vmem>>, vector<1x16xf32>,
            %get3A_606 = vector.shape_cast %get3A_605 : vector<1x16xf32> to vector<16xf32>
            %add3A_607 = arith.addf %get3A_602, %get3A_606 : vector<16xf32>
            %mul3A_608 = arith.constant 2.000000e-01 : f32
            %mul3A_609 = vector.broadcast %mul3A_608 : f32 to vector<16xf32>
            %mul3A_610 = arith.mulf %mul3A_609, %add3A_607 : vector<16xf32>
            %max3A_611 = arith.maximumf %add3A_607, %mul3A_610 : vector<16xf32>
            %mul3A_612 = arith.mulf %max3A_611, %get3A_31 : vector<16xf32>
            %add3A_613 = arith.addf %add3A_598, %mul3A_612 : vector<16xf32>
            %get3A_614 = arith.index_cast %scan3A_343 : i32 to index
            %get3A_615 = arith.constant 176 : index
            %get3A_616 = tpu.vector_load %arg19[%get3A_614, %get3A_615] {strides = array<i32>} : memref<32x512xf32, #tpu.memory_space<vmem>>, vector<1x16xf32>,
            %get3A_617 = vector.shape_cast %get3A_616 : vector<1x16xf32> to vector<16xf32>
            %get3A_618 = arith.index_cast %scan3A_343 : i32 to index
            %get3A_619 = arith.constant 176 : index
            %get3A_620 = tpu.vector_load %arg20[%get3A_618, %get3A_619] {strides = array<i32>} : memref<32x512xf32, #tpu.memory_space<vmem>>, vector<1x16xf32>,
            %get3A_621 = vector.shape_cast %get3A_620 : vector<1x16xf32> to vector<16xf32>
            %add3A_622 = arith.addf %get3A_617, %get3A_621 : vector<16xf32>
            %mul3A_623 = arith.constant 2.000000e-01 : f32
            %mul3A_624 = vector.broadcast %mul3A_623 : f32 to vector<16xf32>
            %mul3A_625 = arith.mulf %mul3A_624, %add3A_622 : vector<16xf32>
            %max3A_626 = arith.maximumf %add3A_622, %mul3A_625 : vector<16xf32>
            %mul3A_627 = arith.mulf %max3A_626, %get3A_34 : vector<16xf32>
            %add3A_628 = arith.addf %add3A_613, %mul3A_627 : vector<16xf32>
            %get3A_629 = arith.index_cast %scan3A_343 : i32 to index
            %get3A_630 = arith.constant 192 : index
            %get3A_631 = tpu.vector_load %arg19[%get3A_629, %get3A_630] {strides = array<i32>} : memref<32x512xf32, #tpu.memory_space<vmem>>, vector<1x16xf32>,
            %get3A_632 = vector.shape_cast %get3A_631 : vector<1x16xf32> to vector<16xf32>
            %get3A_633 = arith.index_cast %scan3A_343 : i32 to index
            %get3A_634 = arith.constant 192 : index
            %get3A_635 = tpu.vector_load %arg20[%get3A_633, %get3A_634] {strides = array<i32>} : memref<32x512xf32, #tpu.memory_space<vmem>>, vector<1x16xf32>,
            %get3A_636 = vector.shape_cast %get3A_635 : vector<1x16xf32> to vector<16xf32>
            %add3A_637 = arith.addf %get3A_632, %get3A_636 : vector<16xf32>
            %mul3A_638 = arith.constant 2.000000e-01 : f32
            %mul3A_639 = vector.broadcast %mul3A_638 : f32 to vector<16xf32>
            %mul3A_640 = arith.mulf %mul3A_639, %add3A_637 : vector<16xf32>
            %max3A_641 = arith.maximumf %add3A_637, %mul3A_640 : vector<16xf32>
            %mul3A_642 = arith.mulf %max3A_641, %get3A_37 : vector<16xf32>
            %add3A_643 = arith.addf %add3A_628, %mul3A_642 : vector<16xf32>
            %get3A_644 = arith.index_cast %scan3A_343 : i32 to index
            %get3A_645 = arith.constant 208 : index
            %get3A_646 = tpu.vector_load %arg19[%get3A_644, %get3A_645] {strides = array<i32>} : memref<32x512xf32, #tpu.memory_space<vmem>>, vector<1x16xf32>,
            %get3A_647 = vector.shape_cast %get3A_646 : vector<1x16xf32> to vector<16xf32>
            %get3A_648 = arith.index_cast %scan3A_343 : i32 to index
            %get3A_649 = arith.constant 208 : index
            %get3A_650 = tpu.vector_load %arg20[%get3A_648, %get3A_649] {strides = array<i32>} : memref<32x512xf32, #tpu.memory_space<vmem>>, vector<1x16xf32>,
            %get3A_651 = vector.shape_cast %get3A_650 : vector<1x16xf32> to vector<16xf32>
            %add3A_652 = arith.addf %get3A_647, %get3A_651 : vector<16xf32>
            %mul3A_653 = arith.constant 2.000000e-01 : f32
            %mul3A_654 = vector.broadcast %mul3A_653 : f32 to vector<16xf32>
            %mul3A_655 = arith.mulf %mul3A_654, %add3A_652 : vector<16xf32>
            %max3A_656 = arith.maximumf %add3A_652, %mul3A_655 : vector<16xf32>
            %mul3A_657 = arith.mulf %max3A_656, %get3A_40 : vector<16xf32>
            %add3A_658 = arith.addf %add3A_643, %mul3A_657 : vector<16xf32>
            %get3A_659 = arith.index_cast %scan3A_343 : i32 to index
            %get3A_660 = arith.constant 224 : index
            %get3A_661 = tpu.vector_load %arg19[%get3A_659, %get3A_660] {strides = array<i32>} : memref<32x512xf32, #tpu.memory_space<vmem>>, vector<1x16xf32>,
            %get3A_662 = vector.shape_cast %get3A_661 : vector<1x16xf32> to vector<16xf32>
            %get3A_663 = arith.index_cast %scan3A_343 : i32 to index
            %get3A_664 = arith.constant 224 : index
            %get3A_665 = tpu.vector_load %arg20[%get3A_663, %get3A_664] {strides = array<i32>} : memref<32x512xf32, #tpu.memory_space<vmem>>, vector<1x16xf32>,
            %get3A_666 = vector.shape_cast %get3A_665 : vector<1x16xf32> to vector<16xf32>
            %add3A_667 = arith.addf %get3A_662, %get3A_666 : vector<16xf32>
            %mul3A_668 = arith.constant 2.000000e-01 : f32
            %mul3A_669 = vector.broadcast %mul3A_668 : f32 to vector<16xf32>
            %mul3A_670 = arith.mulf %mul3A_669, %add3A_667 : vector<16xf32>
            %max3A_671 = arith.maximumf %add3A_667, %mul3A_670 : vector<16xf32>
            %mul3A_672 = arith.mulf %max3A_671, %get3A_43 : vector<16xf32>
            %add3A_673 = arith.addf %add3A_658, %mul3A_672 : vector<16xf32>
            %get3A_674 = arith.index_cast %scan3A_343 : i32 to index
            %get3A_675 = arith.constant 240 : index
            %get3A_676 = tpu.vector_load %arg19[%get3A_674, %get3A_675] {strides = array<i32>} : memref<32x512xf32, #tpu.memory_space<vmem>>, vector<1x16xf32>,
            %get3A_677 = vector.shape_cast %get3A_676 : vector<1x16xf32> to vector<16xf32>
            %get3A_678 = arith.index_cast %scan3A_343 : i32 to index
            %get3A_679 = arith.constant 240 : index
            %get3A_680 = tpu.vector_load %arg20[%get3A_678, %get3A_679] {strides = array<i32>} : memref<32x512xf32, #tpu.memory_space<vmem>>, vector<1x16xf32>,
            %get3A_681 = vector.shape_cast %get3A_680 : vector<1x16xf32> to vector<16xf32>
            %add3A_682 = arith.addf %get3A_677, %get3A_681 : vector<16xf32>
            %mul3A_683 = arith.constant 2.000000e-01 : f32
            %mul3A_684 = vector.broadcast %mul3A_683 : f32 to vector<16xf32>
            %mul3A_685 = arith.mulf %mul3A_684, %add3A_682 : vector<16xf32>
            %max3A_686 = arith.maximumf %add3A_682, %mul3A_685 : vector<16xf32>
            %mul3A_687 = arith.mulf %max3A_686, %get3A_46 : vector<16xf32>
            %add3A_688 = arith.addf %add3A_673, %mul3A_687 : vector<16xf32>
            %xor3A_689 = arith.constant 8 : i32
            %xor3A_690 = vector.broadcast %xor3A_689 : i32 to vector<16xi32>
            %xor3A_691 = arith.xori %iota3A, %xor3A_690 : vector<16xi32>
            %lt3A_692 = arith.constant 0 : i32
            %lt3A_693 = vector.broadcast %lt3A_692 : i32 to vector<16xi32>
            %lt3A_694 = arith.cmpi slt, %xor3A_691, %lt3A_693 : vector<16xi32>
            %add3A_695 = arith.constant 16 : i32
            %add3A_696 = vector.broadcast %add3A_695 : i32 to vector<16xi32>
            %add3A_697 = arith.addi %xor3A_691, %add3A_696 : vector<16xi32>
            %select_n3A_698 = arith.select %lt3A_694, %add3A_697, %xor3A_691 : vector<16xi1>, vector<16xi32>
            %broadcast_in_dim3A_699 = vector.shape_cast %select_n3A_698 : vector<16xi32> to vector<16x1xi32>
            %gather3A_700 = vector.shape_cast %broadcast_in_dim3A_699 : vector<16x1xi32> to vector<16xi32>
            %gather3A_701 = tpu.dynamic_gather %add3A_688[%gather3A_700] in [0] : vector<16xf32>, vector<16xi32> -> vector<16xf32>
            %add3A_702 = arith.addf %add3A_688, %gather3A_701 : vector<16xf32>
            %xor3A_703 = arith.constant 4 : i32
            %xor3A_704 = vector.broadcast %xor3A_703 : i32 to vector<16xi32>
            %xor3A_705 = arith.xori %iota3A, %xor3A_704 : vector<16xi32>
            %lt3A_706 = arith.constant 0 : i32
            %lt3A_707 = vector.broadcast %lt3A_706 : i32 to vector<16xi32>
            %lt3A_708 = arith.cmpi slt, %xor3A_705, %lt3A_707 : vector<16xi32>
            %add3A_709 = arith.constant 16 : i32
            %add3A_710 = vector.broadcast %add3A_709 : i32 to vector<16xi32>
            %add3A_711 = arith.addi %xor3A_705, %add3A_710 : vector<16xi32>
            %select_n3A_712 = arith.select %lt3A_708, %add3A_711, %xor3A_705 : vector<16xi1>, vector<16xi32>
            %broadcast_in_dim3A_713 = vector.shape_cast %select_n3A_712 : vector<16xi32> to vector<16x1xi32>
            %gather3A_714 = vector.shape_cast %broadcast_in_dim3A_713 : vector<16x1xi32> to vector<16xi32>
            %gather3A_715 = tpu.dynamic_gather %add3A_702[%gather3A_714] in [0] : vector<16xf32>, vector<16xi32> -> vector<16xf32>
            %add3A_716 = arith.addf %add3A_702, %gather3A_715 : vector<16xf32>
            %xor3A_717 = arith.constant 2 : i32
            %xor3A_718 = vector.broadcast %xor3A_717 : i32 to vector<16xi32>
            %xor3A_719 = arith.xori %iota3A, %xor3A_718 : vector<16xi32>
            %lt3A_720 = arith.constant 0 : i32
            %lt3A_721 = vector.broadcast %lt3A_720 : i32 to vector<16xi32>
            %lt3A_722 = arith.cmpi slt, %xor3A_719, %lt3A_721 : vector<16xi32>
            %add3A_723 = arith.constant 16 : i32
            %add3A_724 = vector.broadcast %add3A_723 : i32 to vector<16xi32>
            %add3A_725 = arith.addi %xor3A_719, %add3A_724 : vector<16xi32>
            %select_n3A_726 = arith.select %lt3A_722, %add3A_725, %xor3A_719 : vector<16xi1>, vector<16xi32>
            %broadcast_in_dim3A_727 = vector.shape_cast %select_n3A_726 : vector<16xi32> to vector<16x1xi32>
            %gather3A_728 = vector.shape_cast %broadcast_in_dim3A_727 : vector<16x1xi32> to vector<16xi32>
            %gather3A_729 = tpu.dynamic_gather %add3A_716[%gather3A_728] in [0] : vector<16xf32>, vector<16xi32> -> vector<16xf32>
            %add3A_730 = arith.addf %add3A_716, %gather3A_729 : vector<16xf32>
            %xor3A_731 = arith.constant 1 : i32
            %xor3A_732 = vector.broadcast %xor3A_731 : i32 to vector<16xi32>
            %xor3A_733 = arith.xori %iota3A, %xor3A_732 : vector<16xi32>
            %lt3A_734 = arith.constant 0 : i32
            %lt3A_735 = vector.broadcast %lt3A_734 : i32 to vector<16xi32>
            %lt3A_736 = arith.cmpi slt, %xor3A_733, %lt3A_735 : vector<16xi32>
            %add3A_737 = arith.constant 16 : i32
            %add3A_738 = vector.broadcast %add3A_737 : i32 to vector<16xi32>
            %add3A_739 = arith.addi %xor3A_733, %add3A_738 : vector<16xi32>
            %select_n3A_740 = arith.select %lt3A_736, %add3A_739, %xor3A_733 : vector<16xi1>, vector<16xi32>
            %broadcast_in_dim3A_741 = vector.shape_cast %select_n3A_740 : vector<16xi32> to vector<16x1xi32>
            %gather3A_742 = vector.shape_cast %broadcast_in_dim3A_741 : vector<16x1xi32> to vector<16xi32>
            %gather3A_743 = tpu.dynamic_gather %add3A_730[%gather3A_742] in [0] : vector<16xf32>, vector<16xi32> -> vector<16xf32>
            %add3A_744 = arith.addf %add3A_730, %gather3A_743 : vector<16xf32>
            %exp3A_745 = math.exp %add3A_744 : vector<16xf32>
            %mul3A_746 = arith.mulf %exp3A_745, %get3A_572 : vector<16xf32>
            %swap3A_747 = arith.index_cast %scan3A_343 : i32 to index
            %swap3A_748 = arith.constant 0 : index
            %swap3A_749 = tpu.vector_load %arg22[%swap3A_747, %swap3A_748] {strides = array<i32>} : memref<32x128xf32, #tpu.memory_space<vmem>>, vector<1x16xf32>,
            %swap3A_750 = vector.shape_cast %swap3A_749 : vector<1x16xf32> to vector<16xf32>
            %swap3A_751 = vector.shape_cast %mul3A_746 : vector<16xf32> to vector<1x16xf32>
            tpu.vector_store %arg22[%swap3A_747, %swap3A_748], %swap3A_751 {strides = array<i32>} : memref<32x128xf32, #tpu.memory_space<vmem>>, vector<1x16xf32>,
            %mul3A_752 = arith.mulf %exp3A_745, %get3A_587 : vector<16xf32>
            %swap3A_753 = arith.index_cast %scan3A_343 : i32 to index
            %swap3A_754 = arith.constant 16 : index
            %swap3A_755 = tpu.vector_load %arg22[%swap3A_753, %swap3A_754] {strides = array<i32>} : memref<32x128xf32, #tpu.memory_space<vmem>>, vector<1x16xf32>,
            %swap3A_756 = vector.shape_cast %swap3A_755 : vector<1x16xf32> to vector<16xf32>
            %swap3A_757 = vector.shape_cast %mul3A_752 : vector<16xf32> to vector<1x16xf32>
            tpu.vector_store %arg22[%swap3A_753, %swap3A_754], %swap3A_757 {strides = array<i32>} : memref<32x128xf32, #tpu.memory_space<vmem>>, vector<1x16xf32>,
            %mul3A_758 = arith.mulf %exp3A_745, %get3A_602 : vector<16xf32>
            %swap3A_759 = arith.index_cast %scan3A_343 : i32 to index
            %swap3A_760 = arith.constant 32 : index
            %swap3A_761 = tpu.vector_load %arg22[%swap3A_759, %swap3A_760] {strides = array<i32>} : memref<32x128xf32, #tpu.memory_space<vmem>>, vector<1x16xf32>,
            %swap3A_762 = vector.shape_cast %swap3A_761 : vector<1x16xf32> to vector<16xf32>
            %swap3A_763 = vector.shape_cast %mul3A_758 : vector<16xf32> to vector<1x16xf32>
            tpu.vector_store %arg22[%swap3A_759, %swap3A_760], %swap3A_763 {strides = array<i32>} : memref<32x128xf32, #tpu.memory_space<vmem>>, vector<1x16xf32>,
            %mul3A_764 = arith.mulf %exp3A_745, %get3A_617 : vector<16xf32>
            %swap3A_765 = arith.index_cast %scan3A_343 : i32 to index
            %swap3A_766 = arith.constant 48 : index
            %swap3A_767 = tpu.vector_load %arg22[%swap3A_765, %swap3A_766] {strides = array<i32>} : memref<32x128xf32, #tpu.memory_space<vmem>>, vector<1x16xf32>,
            %swap3A_768 = vector.shape_cast %swap3A_767 : vector<1x16xf32> to vector<16xf32>
            %swap3A_769 = vector.shape_cast %mul3A_764 : vector<16xf32> to vector<1x16xf32>
            tpu.vector_store %arg22[%swap3A_765, %swap3A_766], %swap3A_769 {strides = array<i32>} : memref<32x128xf32, #tpu.memory_space<vmem>>, vector<1x16xf32>,
            %mul3A_770 = arith.mulf %exp3A_745, %get3A_632 : vector<16xf32>
            %swap3A_771 = arith.index_cast %scan3A_343 : i32 to index
            %swap3A_772 = arith.constant 64 : index
            %swap3A_773 = tpu.vector_load %arg22[%swap3A_771, %swap3A_772] {strides = array<i32>} : memref<32x128xf32, #tpu.memory_space<vmem>>, vector<1x16xf32>,
            %swap3A_774 = vector.shape_cast %swap3A_773 : vector<1x16xf32> to vector<16xf32>
            %swap3A_775 = vector.shape_cast %mul3A_770 : vector<16xf32> to vector<1x16xf32>
            tpu.vector_store %arg22[%swap3A_771, %swap3A_772], %swap3A_775 {strides = array<i32>} : memref<32x128xf32, #tpu.memory_space<vmem>>, vector<1x16xf32>,
            %mul3A_776 = arith.mulf %exp3A_745, %get3A_647 : vector<16xf32>
            %swap3A_777 = arith.index_cast %scan3A_343 : i32 to index
            %swap3A_778 = arith.constant 80 : index
            %swap3A_779 = tpu.vector_load %arg22[%swap3A_777, %swap3A_778] {strides = array<i32>} : memref<32x128xf32, #tpu.memory_space<vmem>>, vector<1x16xf32>,
            %swap3A_780 = vector.shape_cast %swap3A_779 : vector<1x16xf32> to vector<16xf32>
            %swap3A_781 = vector.shape_cast %mul3A_776 : vector<16xf32> to vector<1x16xf32>
            tpu.vector_store %arg22[%swap3A_777, %swap3A_778], %swap3A_781 {strides = array<i32>} : memref<32x128xf32, #tpu.memory_space<vmem>>, vector<1x16xf32>,
            %mul3A_782 = arith.mulf %exp3A_745, %get3A_662 : vector<16xf32>
            %swap3A_783 = arith.index_cast %scan3A_343 : i32 to index
            %swap3A_784 = arith.constant 96 : index
            %swap3A_785 = tpu.vector_load %arg22[%swap3A_783, %swap3A_784] {strides = array<i32>} : memref<32x128xf32, #tpu.memory_space<vmem>>, vector<1x16xf32>,
            %swap3A_786 = vector.shape_cast %swap3A_785 : vector<1x16xf32> to vector<16xf32>
            %swap3A_787 = vector.shape_cast %mul3A_782 : vector<16xf32> to vector<1x16xf32>
            tpu.vector_store %arg22[%swap3A_783, %swap3A_784], %swap3A_787 {strides = array<i32>} : memref<32x128xf32, #tpu.memory_space<vmem>>, vector<1x16xf32>,
            %mul3A_788 = arith.mulf %exp3A_745, %get3A_677 : vector<16xf32>
            %swap3A_789 = arith.index_cast %scan3A_343 : i32 to index
            %swap3A_790 = arith.constant 112 : index
            %swap3A_791 = tpu.vector_load %arg22[%swap3A_789, %swap3A_790] {strides = array<i32>} : memref<32x128xf32, #tpu.memory_space<vmem>>, vector<1x16xf32>,
            %swap3A_792 = vector.shape_cast %swap3A_791 : vector<1x16xf32> to vector<16xf32>
            %swap3A_793 = vector.shape_cast %mul3A_788 : vector<16xf32> to vector<1x16xf32>
            tpu.vector_store %arg22[%swap3A_789, %swap3A_790], %swap3A_793 {strides = array<i32>} : memref<32x128xf32, #tpu.memory_space<vmem>>, vector<1x16xf32>,
            %eq3A_794 = arith.constant 1 : i32
            %eq3A_795 = vector.broadcast %eq3A_794 : i32 to vector<16xi32>
            %eq3A_796 = arith.cmpi eq, %iota3A, %eq3A_795 : vector<16xi32>
            %select_n3A_797 = arith.select %eq3A_796, %exp3A_745, %select_n3A_568 : vector<16xi1>, vector<16xf32>
            %get3A_798 = arith.index_cast %scan3A_343 : i32 to index
            %get3A_799 = arith.constant 256 : index
            %get3A_800 = tpu.vector_load %arg19[%get3A_798, %get3A_799] {strides = array<i32>} : memref<32x512xf32, #tpu.memory_space<vmem>>, vector<1x16xf32>,
            %get3A_801 = vector.shape_cast %get3A_800 : vector<1x16xf32> to vector<16xf32>
            %get3A_802 = arith.index_cast %scan3A_343 : i32 to index
            %get3A_803 = arith.constant 256 : index
            %get3A_804 = tpu.vector_load %arg20[%get3A_802, %get3A_803] {strides = array<i32>} : memref<32x512xf32, #tpu.memory_space<vmem>>, vector<1x16xf32>,
            %get3A_805 = vector.shape_cast %get3A_804 : vector<1x16xf32> to vector<16xf32>
            %add3A_806 = arith.addf %get3A_801, %get3A_805 : vector<16xf32>
            %mul3A_807 = arith.constant 2.000000e-01 : f32
            %mul3A_808 = vector.broadcast %mul3A_807 : f32 to vector<16xf32>
            %mul3A_809 = arith.mulf %mul3A_808, %add3A_806 : vector<16xf32>
            %max3A_810 = arith.maximumf %add3A_806, %mul3A_809 : vector<16xf32>
            %mul3A_811 = arith.mulf %max3A_810, %get3A_49 : vector<16xf32>
            %add3A_812 = arith.addf %broadcast_in_dim3A_97, %mul3A_811 : vector<16xf32>
            %get3A_813 = arith.index_cast %scan3A_343 : i32 to index
            %get3A_814 = arith.constant 272 : index
            %get3A_815 = tpu.vector_load %arg19[%get3A_813, %get3A_814] {strides = array<i32>} : memref<32x512xf32, #tpu.memory_space<vmem>>, vector<1x16xf32>,
            %get3A_816 = vector.shape_cast %get3A_815 : vector<1x16xf32> to vector<16xf32>
            %get3A_817 = arith.index_cast %scan3A_343 : i32 to index
            %get3A_818 = arith.constant 272 : index
            %get3A_819 = tpu.vector_load %arg20[%get3A_817, %get3A_818] {strides = array<i32>} : memref<32x512xf32, #tpu.memory_space<vmem>>, vector<1x16xf32>,
            %get3A_820 = vector.shape_cast %get3A_819 : vector<1x16xf32> to vector<16xf32>
            %add3A_821 = arith.addf %get3A_816, %get3A_820 : vector<16xf32>
            %mul3A_822 = arith.constant 2.000000e-01 : f32
            %mul3A_823 = vector.broadcast %mul3A_822 : f32 to vector<16xf32>
            %mul3A_824 = arith.mulf %mul3A_823, %add3A_821 : vector<16xf32>
            %max3A_825 = arith.maximumf %add3A_821, %mul3A_824 : vector<16xf32>
            %mul3A_826 = arith.mulf %max3A_825, %get3A_52 : vector<16xf32>
            %add3A_827 = arith.addf %add3A_812, %mul3A_826 : vector<16xf32>
            %get3A_828 = arith.index_cast %scan3A_343 : i32 to index
            %get3A_829 = arith.constant 288 : index
            %get3A_830 = tpu.vector_load %arg19[%get3A_828, %get3A_829] {strides = array<i32>} : memref<32x512xf32, #tpu.memory_space<vmem>>, vector<1x16xf32>,
            %get3A_831 = vector.shape_cast %get3A_830 : vector<1x16xf32> to vector<16xf32>
            %get3A_832 = arith.index_cast %scan3A_343 : i32 to index
            %get3A_833 = arith.constant 288 : index
            %get3A_834 = tpu.vector_load %arg20[%get3A_832, %get3A_833] {strides = array<i32>} : memref<32x512xf32, #tpu.memory_space<vmem>>, vector<1x16xf32>,
            %get3A_835 = vector.shape_cast %get3A_834 : vector<1x16xf32> to vector<16xf32>
            %add3A_836 = arith.addf %get3A_831, %get3A_835 : vector<16xf32>
            %mul3A_837 = arith.constant 2.000000e-01 : f32
            %mul3A_838 = vector.broadcast %mul3A_837 : f32 to vector<16xf32>
            %mul3A_839 = arith.mulf %mul3A_838, %add3A_836 : vector<16xf32>
            %max3A_840 = arith.maximumf %add3A_836, %mul3A_839 : vector<16xf32>
            %mul3A_841 = arith.mulf %max3A_840, %get3A_55 : vector<16xf32>
            %add3A_842 = arith.addf %add3A_827, %mul3A_841 : vector<16xf32>
            %get3A_843 = arith.index_cast %scan3A_343 : i32 to index
            %get3A_844 = arith.constant 304 : index
            %get3A_845 = tpu.vector_load %arg19[%get3A_843, %get3A_844] {strides = array<i32>} : memref<32x512xf32, #tpu.memory_space<vmem>>, vector<1x16xf32>,
            %get3A_846 = vector.shape_cast %get3A_845 : vector<1x16xf32> to vector<16xf32>
            %get3A_847 = arith.index_cast %scan3A_343 : i32 to index
            %get3A_848 = arith.constant 304 : index
            %get3A_849 = tpu.vector_load %arg20[%get3A_847, %get3A_848] {strides = array<i32>} : memref<32x512xf32, #tpu.memory_space<vmem>>, vector<1x16xf32>,
            %get3A_850 = vector.shape_cast %get3A_849 : vector<1x16xf32> to vector<16xf32>
            %add3A_851 = arith.addf %get3A_846, %get3A_850 : vector<16xf32>
            %mul3A_852 = arith.constant 2.000000e-01 : f32
            %mul3A_853 = vector.broadcast %mul3A_852 : f32 to vector<16xf32>
            %mul3A_854 = arith.mulf %mul3A_853, %add3A_851 : vector<16xf32>
            %max3A_855 = arith.maximumf %add3A_851, %mul3A_854 : vector<16xf32>
            %mul3A_856 = arith.mulf %max3A_855, %get3A_58 : vector<16xf32>
            %add3A_857 = arith.addf %add3A_842, %mul3A_856 : vector<16xf32>
            %get3A_858 = arith.index_cast %scan3A_343 : i32 to index
            %get3A_859 = arith.constant 320 : index
            %get3A_860 = tpu.vector_load %arg19[%get3A_858, %get3A_859] {strides = array<i32>} : memref<32x512xf32, #tpu.memory_space<vmem>>, vector<1x16xf32>,
            %get3A_861 = vector.shape_cast %get3A_860 : vector<1x16xf32> to vector<16xf32>
            %get3A_862 = arith.index_cast %scan3A_343 : i32 to index
            %get3A_863 = arith.constant 320 : index
            %get3A_864 = tpu.vector_load %arg20[%get3A_862, %get3A_863] {strides = array<i32>} : memref<32x512xf32, #tpu.memory_space<vmem>>, vector<1x16xf32>,
            %get3A_865 = vector.shape_cast %get3A_864 : vector<1x16xf32> to vector<16xf32>
            %add3A_866 = arith.addf %get3A_861, %get3A_865 : vector<16xf32>
            %mul3A_867 = arith.constant 2.000000e-01 : f32
            %mul3A_868 = vector.broadcast %mul3A_867 : f32 to vector<16xf32>
            %mul3A_869 = arith.mulf %mul3A_868, %add3A_866 : vector<16xf32>
            %max3A_870 = arith.maximumf %add3A_866, %mul3A_869 : vector<16xf32>
            %mul3A_871 = arith.mulf %max3A_870, %get3A_61 : vector<16xf32>
            %add3A_872 = arith.addf %add3A_857, %mul3A_871 : vector<16xf32>
            %get3A_873 = arith.index_cast %scan3A_343 : i32 to index
            %get3A_874 = arith.constant 336 : index
            %get3A_875 = tpu.vector_load %arg19[%get3A_873, %get3A_874] {strides = array<i32>} : memref<32x512xf32, #tpu.memory_space<vmem>>, vector<1x16xf32>,
            %get3A_876 = vector.shape_cast %get3A_875 : vector<1x16xf32> to vector<16xf32>
            %get3A_877 = arith.index_cast %scan3A_343 : i32 to index
            %get3A_878 = arith.constant 336 : index
            %get3A_879 = tpu.vector_load %arg20[%get3A_877, %get3A_878] {strides = array<i32>} : memref<32x512xf32, #tpu.memory_space<vmem>>, vector<1x16xf32>,
            %get3A_880 = vector.shape_cast %get3A_879 : vector<1x16xf32> to vector<16xf32>
            %add3A_881 = arith.addf %get3A_876, %get3A_880 : vector<16xf32>
            %mul3A_882 = arith.constant 2.000000e-01 : f32
            %mul3A_883 = vector.broadcast %mul3A_882 : f32 to vector<16xf32>
            %mul3A_884 = arith.mulf %mul3A_883, %add3A_881 : vector<16xf32>
            %max3A_885 = arith.maximumf %add3A_881, %mul3A_884 : vector<16xf32>
            %mul3A_886 = arith.mulf %max3A_885, %get3A_64 : vector<16xf32>
            %add3A_887 = arith.addf %add3A_872, %mul3A_886 : vector<16xf32>
            %get3A_888 = arith.index_cast %scan3A_343 : i32 to index
            %get3A_889 = arith.constant 352 : index
            %get3A_890 = tpu.vector_load %arg19[%get3A_888, %get3A_889] {strides = array<i32>} : memref<32x512xf32, #tpu.memory_space<vmem>>, vector<1x16xf32>,
            %get3A_891 = vector.shape_cast %get3A_890 : vector<1x16xf32> to vector<16xf32>
            %get3A_892 = arith.index_cast %scan3A_343 : i32 to index
            %get3A_893 = arith.constant 352 : index
            %get3A_894 = tpu.vector_load %arg20[%get3A_892, %get3A_893] {strides = array<i32>} : memref<32x512xf32, #tpu.memory_space<vmem>>, vector<1x16xf32>,
            %get3A_895 = vector.shape_cast %get3A_894 : vector<1x16xf32> to vector<16xf32>
            %add3A_896 = arith.addf %get3A_891, %get3A_895 : vector<16xf32>
            %mul3A_897 = arith.constant 2.000000e-01 : f32
            %mul3A_898 = vector.broadcast %mul3A_897 : f32 to vector<16xf32>
            %mul3A_899 = arith.mulf %mul3A_898, %add3A_896 : vector<16xf32>
            %max3A_900 = arith.maximumf %add3A_896, %mul3A_899 : vector<16xf32>
            %mul3A_901 = arith.mulf %max3A_900, %get3A_67 : vector<16xf32>
            %add3A_902 = arith.addf %add3A_887, %mul3A_901 : vector<16xf32>
            %get3A_903 = arith.index_cast %scan3A_343 : i32 to index
            %get3A_904 = arith.constant 368 : index
            %get3A_905 = tpu.vector_load %arg19[%get3A_903, %get3A_904] {strides = array<i32>} : memref<32x512xf32, #tpu.memory_space<vmem>>, vector<1x16xf32>,
            %get3A_906 = vector.shape_cast %get3A_905 : vector<1x16xf32> to vector<16xf32>
            %get3A_907 = arith.index_cast %scan3A_343 : i32 to index
            %get3A_908 = arith.constant 368 : index
            %get3A_909 = tpu.vector_load %arg20[%get3A_907, %get3A_908] {strides = array<i32>} : memref<32x512xf32, #tpu.memory_space<vmem>>, vector<1x16xf32>,
            %get3A_910 = vector.shape_cast %get3A_909 : vector<1x16xf32> to vector<16xf32>
            %add3A_911 = arith.addf %get3A_906, %get3A_910 : vector<16xf32>
            %mul3A_912 = arith.constant 2.000000e-01 : f32
            %mul3A_913 = vector.broadcast %mul3A_912 : f32 to vector<16xf32>
            %mul3A_914 = arith.mulf %mul3A_913, %add3A_911 : vector<16xf32>
            %max3A_915 = arith.maximumf %add3A_911, %mul3A_914 : vector<16xf32>
            %mul3A_916 = arith.mulf %max3A_915, %get3A_70 : vector<16xf32>
            %add3A_917 = arith.addf %add3A_902, %mul3A_916 : vector<16xf32>
            %xor3A_918 = arith.constant 8 : i32
            %xor3A_919 = vector.broadcast %xor3A_918 : i32 to vector<16xi32>
            %xor3A_920 = arith.xori %iota3A, %xor3A_919 : vector<16xi32>
            %lt3A_921 = arith.constant 0 : i32
            %lt3A_922 = vector.broadcast %lt3A_921 : i32 to vector<16xi32>
            %lt3A_923 = arith.cmpi slt, %xor3A_920, %lt3A_922 : vector<16xi32>
            %add3A_924 = arith.constant 16 : i32
            %add3A_925 = vector.broadcast %add3A_924 : i32 to vector<16xi32>
            %add3A_926 = arith.addi %xor3A_920, %add3A_925 : vector<16xi32>
            %select_n3A_927 = arith.select %lt3A_923, %add3A_926, %xor3A_920 : vector<16xi1>, vector<16xi32>
            %broadcast_in_dim3A_928 = vector.shape_cast %select_n3A_927 : vector<16xi32> to vector<16x1xi32>
            %gather3A_929 = vector.shape_cast %broadcast_in_dim3A_928 : vector<16x1xi32> to vector<16xi32>
            %gather3A_930 = tpu.dynamic_gather %add3A_917[%gather3A_929] in [0] : vector<16xf32>, vector<16xi32> -> vector<16xf32>
            %add3A_931 = arith.addf %add3A_917, %gather3A_930 : vector<16xf32>
            %xor3A_932 = arith.constant 4 : i32
            %xor3A_933 = vector.broadcast %xor3A_932 : i32 to vector<16xi32>
            %xor3A_934 = arith.xori %iota3A, %xor3A_933 : vector<16xi32>
            %lt3A_935 = arith.constant 0 : i32
            %lt3A_936 = vector.broadcast %lt3A_935 : i32 to vector<16xi32>
            %lt3A_937 = arith.cmpi slt, %xor3A_934, %lt3A_936 : vector<16xi32>
            %add3A_938 = arith.constant 16 : i32
            %add3A_939 = vector.broadcast %add3A_938 : i32 to vector<16xi32>
            %add3A_940 = arith.addi %xor3A_934, %add3A_939 : vector<16xi32>
            %select_n3A_941 = arith.select %lt3A_937, %add3A_940, %xor3A_934 : vector<16xi1>, vector<16xi32>
            %broadcast_in_dim3A_942 = vector.shape_cast %select_n3A_941 : vector<16xi32> to vector<16x1xi32>
            %gather3A_943 = vector.shape_cast %broadcast_in_dim3A_942 : vector<16x1xi32> to vector<16xi32>
            %gather3A_944 = tpu.dynamic_gather %add3A_931[%gather3A_943] in [0] : vector<16xf32>, vector<16xi32> -> vector<16xf32>
            %add3A_945 = arith.addf %add3A_931, %gather3A_944 : vector<16xf32>
            %xor3A_946 = arith.constant 2 : i32
            %xor3A_947 = vector.broadcast %xor3A_946 : i32 to vector<16xi32>
            %xor3A_948 = arith.xori %iota3A, %xor3A_947 : vector<16xi32>
            %lt3A_949 = arith.constant 0 : i32
            %lt3A_950 = vector.broadcast %lt3A_949 : i32 to vector<16xi32>
            %lt3A_951 = arith.cmpi slt, %xor3A_948, %lt3A_950 : vector<16xi32>
            %add3A_952 = arith.constant 16 : i32
            %add3A_953 = vector.broadcast %add3A_952 : i32 to vector<16xi32>
            %add3A_954 = arith.addi %xor3A_948, %add3A_953 : vector<16xi32>
            %select_n3A_955 = arith.select %lt3A_951, %add3A_954, %xor3A_948 : vector<16xi1>, vector<16xi32>
            %broadcast_in_dim3A_956 = vector.shape_cast %select_n3A_955 : vector<16xi32> to vector<16x1xi32>
            %gather3A_957 = vector.shape_cast %broadcast_in_dim3A_956 : vector<16x1xi32> to vector<16xi32>
            %gather3A_958 = tpu.dynamic_gather %add3A_945[%gather3A_957] in [0] : vector<16xf32>, vector<16xi32> -> vector<16xf32>
            %add3A_959 = arith.addf %add3A_945, %gather3A_958 : vector<16xf32>
            %xor3A_960 = arith.constant 1 : i32
            %xor3A_961 = vector.broadcast %xor3A_960 : i32 to vector<16xi32>
            %xor3A_962 = arith.xori %iota3A, %xor3A_961 : vector<16xi32>
            %lt3A_963 = arith.constant 0 : i32
            %lt3A_964 = vector.broadcast %lt3A_963 : i32 to vector<16xi32>
            %lt3A_965 = arith.cmpi slt, %xor3A_962, %lt3A_964 : vector<16xi32>
            %add3A_966 = arith.constant 16 : i32
            %add3A_967 = vector.broadcast %add3A_966 : i32 to vector<16xi32>
            %add3A_968 = arith.addi %xor3A_962, %add3A_967 : vector<16xi32>
            %select_n3A_969 = arith.select %lt3A_965, %add3A_968, %xor3A_962 : vector<16xi1>, vector<16xi32>
            %broadcast_in_dim3A_970 = vector.shape_cast %select_n3A_969 : vector<16xi32> to vector<16x1xi32>
            %gather3A_971 = vector.shape_cast %broadcast_in_dim3A_970 : vector<16x1xi32> to vector<16xi32>
            %gather3A_972 = tpu.dynamic_gather %add3A_959[%gather3A_971] in [0] : vector<16xf32>, vector<16xi32> -> vector<16xf32>
            %add3A_973 = arith.addf %add3A_959, %gather3A_972 : vector<16xf32>
            %exp3A_974 = math.exp %add3A_973 : vector<16xf32>
            %mul3A_975 = arith.mulf %exp3A_974, %get3A_801 : vector<16xf32>
            %swap3A_976 = arith.index_cast %scan3A_343 : i32 to index
            %swap3A_977 = arith.constant 0 : index
            %swap3A_978 = tpu.vector_load %arg23[%swap3A_976, %swap3A_977] {strides = array<i32>} : memref<32x128xf32, #tpu.memory_space<vmem>>, vector<1x16xf32>,
            %swap3A_979 = vector.shape_cast %swap3A_978 : vector<1x16xf32> to vector<16xf32>
            %swap3A_980 = vector.shape_cast %mul3A_975 : vector<16xf32> to vector<1x16xf32>
            tpu.vector_store %arg23[%swap3A_976, %swap3A_977], %swap3A_980 {strides = array<i32>} : memref<32x128xf32, #tpu.memory_space<vmem>>, vector<1x16xf32>,
            %mul3A_981 = arith.mulf %exp3A_974, %get3A_816 : vector<16xf32>
            %swap3A_982 = arith.index_cast %scan3A_343 : i32 to index
            %swap3A_983 = arith.constant 16 : index
            %swap3A_984 = tpu.vector_load %arg23[%swap3A_982, %swap3A_983] {strides = array<i32>} : memref<32x128xf32, #tpu.memory_space<vmem>>, vector<1x16xf32>,
            %swap3A_985 = vector.shape_cast %swap3A_984 : vector<1x16xf32> to vector<16xf32>
            %swap3A_986 = vector.shape_cast %mul3A_981 : vector<16xf32> to vector<1x16xf32>
            tpu.vector_store %arg23[%swap3A_982, %swap3A_983], %swap3A_986 {strides = array<i32>} : memref<32x128xf32, #tpu.memory_space<vmem>>, vector<1x16xf32>,
            %mul3A_987 = arith.mulf %exp3A_974, %get3A_831 : vector<16xf32>
            %swap3A_988 = arith.index_cast %scan3A_343 : i32 to index
            %swap3A_989 = arith.constant 32 : index
            %swap3A_990 = tpu.vector_load %arg23[%swap3A_988, %swap3A_989] {strides = array<i32>} : memref<32x128xf32, #tpu.memory_space<vmem>>, vector<1x16xf32>,
            %swap3A_991 = vector.shape_cast %swap3A_990 : vector<1x16xf32> to vector<16xf32>
            %swap3A_992 = vector.shape_cast %mul3A_987 : vector<16xf32> to vector<1x16xf32>
            tpu.vector_store %arg23[%swap3A_988, %swap3A_989], %swap3A_992 {strides = array<i32>} : memref<32x128xf32, #tpu.memory_space<vmem>>, vector<1x16xf32>,
            %mul3A_993 = arith.mulf %exp3A_974, %get3A_846 : vector<16xf32>
            %swap3A_994 = arith.index_cast %scan3A_343 : i32 to index
            %swap3A_995 = arith.constant 48 : index
            %swap3A_996 = tpu.vector_load %arg23[%swap3A_994, %swap3A_995] {strides = array<i32>} : memref<32x128xf32, #tpu.memory_space<vmem>>, vector<1x16xf32>,
            %swap3A_997 = vector.shape_cast %swap3A_996 : vector<1x16xf32> to vector<16xf32>
            %swap3A_998 = vector.shape_cast %mul3A_993 : vector<16xf32> to vector<1x16xf32>
            tpu.vector_store %arg23[%swap3A_994, %swap3A_995], %swap3A_998 {strides = array<i32>} : memref<32x128xf32, #tpu.memory_space<vmem>>, vector<1x16xf32>,
            %mul3A_999 = arith.mulf %exp3A_974, %get3A_861 : vector<16xf32>
            %swap3A_1000 = arith.index_cast %scan3A_343 : i32 to index
            %swap3A_1001 = arith.constant 64 : index
            %swap3A_1002 = tpu.vector_load %arg23[%swap3A_1000, %swap3A_1001] {strides = array<i32>} : memref<32x128xf32, #tpu.memory_space<vmem>>, vector<1x16xf32>,
            %swap3A_1003 = vector.shape_cast %swap3A_1002 : vector<1x16xf32> to vector<16xf32>
            %swap3A_1004 = vector.shape_cast %mul3A_999 : vector<16xf32> to vector<1x16xf32>
            tpu.vector_store %arg23[%swap3A_1000, %swap3A_1001], %swap3A_1004 {strides = array<i32>} : memref<32x128xf32, #tpu.memory_space<vmem>>, vector<1x16xf32>,
            %mul3A_1005 = arith.mulf %exp3A_974, %get3A_876 : vector<16xf32>
            %swap3A_1006 = arith.index_cast %scan3A_343 : i32 to index
            %swap3A_1007 = arith.constant 80 : index
            %swap3A_1008 = tpu.vector_load %arg23[%swap3A_1006, %swap3A_1007] {strides = array<i32>} : memref<32x128xf32, #tpu.memory_space<vmem>>, vector<1x16xf32>,
            %swap3A_1009 = vector.shape_cast %swap3A_1008 : vector<1x16xf32> to vector<16xf32>
            %swap3A_1010 = vector.shape_cast %mul3A_1005 : vector<16xf32> to vector<1x16xf32>
            tpu.vector_store %arg23[%swap3A_1006, %swap3A_1007], %swap3A_1010 {strides = array<i32>} : memref<32x128xf32, #tpu.memory_space<vmem>>, vector<1x16xf32>,
            %mul3A_1011 = arith.mulf %exp3A_974, %get3A_891 : vector<16xf32>
            %swap3A_1012 = arith.index_cast %scan3A_343 : i32 to index
            %swap3A_1013 = arith.constant 96 : index
            %swap3A_1014 = tpu.vector_load %arg23[%swap3A_1012, %swap3A_1013] {strides = array<i32>} : memref<32x128xf32, #tpu.memory_space<vmem>>, vector<1x16xf32>,
            %swap3A_1015 = vector.shape_cast %swap3A_1014 : vector<1x16xf32> to vector<16xf32>
            %swap3A_1016 = vector.shape_cast %mul3A_1011 : vector<16xf32> to vector<1x16xf32>
            tpu.vector_store %arg23[%swap3A_1012, %swap3A_1013], %swap3A_1016 {strides = array<i32>} : memref<32x128xf32, #tpu.memory_space<vmem>>, vector<1x16xf32>,
            %mul3A_1017 = arith.mulf %exp3A_974, %get3A_906 : vector<16xf32>
            %swap3A_1018 = arith.index_cast %scan3A_343 : i32 to index
            %swap3A_1019 = arith.constant 112 : index
            %swap3A_1020 = tpu.vector_load %arg23[%swap3A_1018, %swap3A_1019] {strides = array<i32>} : memref<32x128xf32, #tpu.memory_space<vmem>>, vector<1x16xf32>,
            %swap3A_1021 = vector.shape_cast %swap3A_1020 : vector<1x16xf32> to vector<16xf32>
            %swap3A_1022 = vector.shape_cast %mul3A_1017 : vector<16xf32> to vector<1x16xf32>
            tpu.vector_store %arg23[%swap3A_1018, %swap3A_1019], %swap3A_1022 {strides = array<i32>} : memref<32x128xf32, #tpu.memory_space<vmem>>, vector<1x16xf32>,
            %eq3A_1023 = arith.constant 2 : i32
            %eq3A_1024 = vector.broadcast %eq3A_1023 : i32 to vector<16xi32>
            %eq3A_1025 = arith.cmpi eq, %iota3A, %eq3A_1024 : vector<16xi32>
            %select_n3A_1026 = arith.select %eq3A_1025, %exp3A_974, %select_n3A_797 : vector<16xi1>, vector<16xf32>
            %get3A_1027 = arith.index_cast %scan3A_343 : i32 to index
            %get3A_1028 = arith.constant 384 : index
            %get3A_1029 = tpu.vector_load %arg19[%get3A_1027, %get3A_1028] {strides = array<i32>} : memref<32x512xf32, #tpu.memory_space<vmem>>, vector<1x16xf32>,
            %get3A_1030 = vector.shape_cast %get3A_1029 : vector<1x16xf32> to vector<16xf32>
            %get3A_1031 = arith.index_cast %scan3A_343 : i32 to index
            %get3A_1032 = arith.constant 384 : index
            %get3A_1033 = tpu.vector_load %arg20[%get3A_1031, %get3A_1032] {strides = array<i32>} : memref<32x512xf32, #tpu.memory_space<vmem>>, vector<1x16xf32>,
            %get3A_1034 = vector.shape_cast %get3A_1033 : vector<1x16xf32> to vector<16xf32>
            %add3A_1035 = arith.addf %get3A_1030, %get3A_1034 : vector<16xf32>
            %mul3A_1036 = arith.constant 2.000000e-01 : f32
            %mul3A_1037 = vector.broadcast %mul3A_1036 : f32 to vector<16xf32>
            %mul3A_1038 = arith.mulf %mul3A_1037, %add3A_1035 : vector<16xf32>
            %max3A_1039 = arith.maximumf %add3A_1035, %mul3A_1038 : vector<16xf32>
            %mul3A_1040 = arith.mulf %max3A_1039, %get3A_73 : vector<16xf32>
            %add3A_1041 = arith.addf %broadcast_in_dim3A_97, %mul3A_1040 : vector<16xf32>
            %get3A_1042 = arith.index_cast %scan3A_343 : i32 to index
            %get3A_1043 = arith.constant 400 : index
            %get3A_1044 = tpu.vector_load %arg19[%get3A_1042, %get3A_1043] {strides = array<i32>} : memref<32x512xf32, #tpu.memory_space<vmem>>, vector<1x16xf32>,
            %get3A_1045 = vector.shape_cast %get3A_1044 : vector<1x16xf32> to vector<16xf32>
            %get3A_1046 = arith.index_cast %scan3A_343 : i32 to index
            %get3A_1047 = arith.constant 400 : index
            %get3A_1048 = tpu.vector_load %arg20[%get3A_1046, %get3A_1047] {strides = array<i32>} : memref<32x512xf32, #tpu.memory_space<vmem>>, vector<1x16xf32>,
            %get3A_1049 = vector.shape_cast %get3A_1048 : vector<1x16xf32> to vector<16xf32>
            %add3A_1050 = arith.addf %get3A_1045, %get3A_1049 : vector<16xf32>
            %mul3A_1051 = arith.constant 2.000000e-01 : f32
            %mul3A_1052 = vector.broadcast %mul3A_1051 : f32 to vector<16xf32>
            %mul3A_1053 = arith.mulf %mul3A_1052, %add3A_1050 : vector<16xf32>
            %max3A_1054 = arith.maximumf %add3A_1050, %mul3A_1053 : vector<16xf32>
            %mul3A_1055 = arith.mulf %max3A_1054, %get3A_76 : vector<16xf32>
            %add3A_1056 = arith.addf %add3A_1041, %mul3A_1055 : vector<16xf32>
            %get3A_1057 = arith.index_cast %scan3A_343 : i32 to index
            %get3A_1058 = arith.constant 416 : index
            %get3A_1059 = tpu.vector_load %arg19[%get3A_1057, %get3A_1058] {strides = array<i32>} : memref<32x512xf32, #tpu.memory_space<vmem>>, vector<1x16xf32>,
            %get3A_1060 = vector.shape_cast %get3A_1059 : vector<1x16xf32> to vector<16xf32>
            %get3A_1061 = arith.index_cast %scan3A_343 : i32 to index
            %get3A_1062 = arith.constant 416 : index
            %get3A_1063 = tpu.vector_load %arg20[%get3A_1061, %get3A_1062] {strides = array<i32>} : memref<32x512xf32, #tpu.memory_space<vmem>>, vector<1x16xf32>,
            %get3A_1064 = vector.shape_cast %get3A_1063 : vector<1x16xf32> to vector<16xf32>
            %add3A_1065 = arith.addf %get3A_1060, %get3A_1064 : vector<16xf32>
            %mul3A_1066 = arith.constant 2.000000e-01 : f32
            %mul3A_1067 = vector.broadcast %mul3A_1066 : f32 to vector<16xf32>
            %mul3A_1068 = arith.mulf %mul3A_1067, %add3A_1065 : vector<16xf32>
            %max3A_1069 = arith.maximumf %add3A_1065, %mul3A_1068 : vector<16xf32>
            %mul3A_1070 = arith.mulf %max3A_1069, %get3A_79 : vector<16xf32>
            %add3A_1071 = arith.addf %add3A_1056, %mul3A_1070 : vector<16xf32>
            %get3A_1072 = arith.index_cast %scan3A_343 : i32 to index
            %get3A_1073 = arith.constant 432 : index
            %get3A_1074 = tpu.vector_load %arg19[%get3A_1072, %get3A_1073] {strides = array<i32>} : memref<32x512xf32, #tpu.memory_space<vmem>>, vector<1x16xf32>,
            %get3A_1075 = vector.shape_cast %get3A_1074 : vector<1x16xf32> to vector<16xf32>
            %get3A_1076 = arith.index_cast %scan3A_343 : i32 to index
            %get3A_1077 = arith.constant 432 : index
            %get3A_1078 = tpu.vector_load %arg20[%get3A_1076, %get3A_1077] {strides = array<i32>} : memref<32x512xf32, #tpu.memory_space<vmem>>, vector<1x16xf32>,
            %get3A_1079 = vector.shape_cast %get3A_1078 : vector<1x16xf32> to vector<16xf32>
            %add3A_1080 = arith.addf %get3A_1075, %get3A_1079 : vector<16xf32>
            %mul3A_1081 = arith.constant 2.000000e-01 : f32
            %mul3A_1082 = vector.broadcast %mul3A_1081 : f32 to vector<16xf32>
            %mul3A_1083 = arith.mulf %mul3A_1082, %add3A_1080 : vector<16xf32>
            %max3A_1084 = arith.maximumf %add3A_1080, %mul3A_1083 : vector<16xf32>
            %mul3A_1085 = arith.mulf %max3A_1084, %get3A_82 : vector<16xf32>
            %add3A_1086 = arith.addf %add3A_1071, %mul3A_1085 : vector<16xf32>
            %get3A_1087 = arith.index_cast %scan3A_343 : i32 to index
            %get3A_1088 = arith.constant 448 : index
            %get3A_1089 = tpu.vector_load %arg19[%get3A_1087, %get3A_1088] {strides = array<i32>} : memref<32x512xf32, #tpu.memory_space<vmem>>, vector<1x16xf32>,
            %get3A_1090 = vector.shape_cast %get3A_1089 : vector<1x16xf32> to vector<16xf32>
            %get3A_1091 = arith.index_cast %scan3A_343 : i32 to index
            %get3A_1092 = arith.constant 448 : index
            %get3A_1093 = tpu.vector_load %arg20[%get3A_1091, %get3A_1092] {strides = array<i32>} : memref<32x512xf32, #tpu.memory_space<vmem>>, vector<1x16xf32>,
            %get3A_1094 = vector.shape_cast %get3A_1093 : vector<1x16xf32> to vector<16xf32>
            %add3A_1095 = arith.addf %get3A_1090, %get3A_1094 : vector<16xf32>
            %mul3A_1096 = arith.constant 2.000000e-01 : f32
            %mul3A_1097 = vector.broadcast %mul3A_1096 : f32 to vector<16xf32>
            %mul3A_1098 = arith.mulf %mul3A_1097, %add3A_1095 : vector<16xf32>
            %max3A_1099 = arith.maximumf %add3A_1095, %mul3A_1098 : vector<16xf32>
            %mul3A_1100 = arith.mulf %max3A_1099, %get3A_85 : vector<16xf32>
            %add3A_1101 = arith.addf %add3A_1086, %mul3A_1100 : vector<16xf32>
            %get3A_1102 = arith.index_cast %scan3A_343 : i32 to index
            %get3A_1103 = arith.constant 464 : index
            %get3A_1104 = tpu.vector_load %arg19[%get3A_1102, %get3A_1103] {strides = array<i32>} : memref<32x512xf32, #tpu.memory_space<vmem>>, vector<1x16xf32>,
            %get3A_1105 = vector.shape_cast %get3A_1104 : vector<1x16xf32> to vector<16xf32>
            %get3A_1106 = arith.index_cast %scan3A_343 : i32 to index
            %get3A_1107 = arith.constant 464 : index
            %get3A_1108 = tpu.vector_load %arg20[%get3A_1106, %get3A_1107] {strides = array<i32>} : memref<32x512xf32, #tpu.memory_space<vmem>>, vector<1x16xf32>,
            %get3A_1109 = vector.shape_cast %get3A_1108 : vector<1x16xf32> to vector<16xf32>
            %add3A_1110 = arith.addf %get3A_1105, %get3A_1109 : vector<16xf32>
            %mul3A_1111 = arith.constant 2.000000e-01 : f32
            %mul3A_1112 = vector.broadcast %mul3A_1111 : f32 to vector<16xf32>
            %mul3A_1113 = arith.mulf %mul3A_1112, %add3A_1110 : vector<16xf32>
            %max3A_1114 = arith.maximumf %add3A_1110, %mul3A_1113 : vector<16xf32>
            %mul3A_1115 = arith.mulf %max3A_1114, %get3A_88 : vector<16xf32>
            %add3A_1116 = arith.addf %add3A_1101, %mul3A_1115 : vector<16xf32>
            %get3A_1117 = arith.index_cast %scan3A_343 : i32 to index
            %get3A_1118 = arith.constant 480 : index
            %get3A_1119 = tpu.vector_load %arg19[%get3A_1117, %get3A_1118] {strides = array<i32>} : memref<32x512xf32, #tpu.memory_space<vmem>>, vector<1x16xf32>,
            %get3A_1120 = vector.shape_cast %get3A_1119 : vector<1x16xf32> to vector<16xf32>
            %get3A_1121 = arith.index_cast %scan3A_343 : i32 to index
            %get3A_1122 = arith.constant 480 : index
            %get3A_1123 = tpu.vector_load %arg20[%get3A_1121, %get3A_1122] {strides = array<i32>} : memref<32x512xf32, #tpu.memory_space<vmem>>, vector<1x16xf32>,
            %get3A_1124 = vector.shape_cast %get3A_1123 : vector<1x16xf32> to vector<16xf32>
            %add3A_1125 = arith.addf %get3A_1120, %get3A_1124 : vector<16xf32>
            %mul3A_1126 = arith.constant 2.000000e-01 : f32
            %mul3A_1127 = vector.broadcast %mul3A_1126 : f32 to vector<16xf32>
            %mul3A_1128 = arith.mulf %mul3A_1127, %add3A_1125 : vector<16xf32>
            %max3A_1129 = arith.maximumf %add3A_1125, %mul3A_1128 : vector<16xf32>
            %mul3A_1130 = arith.mulf %max3A_1129, %get3A_91 : vector<16xf32>
            %add3A_1131 = arith.addf %add3A_1116, %mul3A_1130 : vector<16xf32>
            %get3A_1132 = arith.index_cast %scan3A_343 : i32 to index
            %get3A_1133 = arith.constant 496 : index
            %get3A_1134 = tpu.vector_load %arg19[%get3A_1132, %get3A_1133] {strides = array<i32>} : memref<32x512xf32, #tpu.memory_space<vmem>>, vector<1x16xf32>,
            %get3A_1135 = vector.shape_cast %get3A_1134 : vector<1x16xf32> to vector<16xf32>
            %get3A_1136 = arith.index_cast %scan3A_343 : i32 to index
            %get3A_1137 = arith.constant 496 : index
            %get3A_1138 = tpu.vector_load %arg20[%get3A_1136, %get3A_1137] {strides = array<i32>} : memref<32x512xf32, #tpu.memory_space<vmem>>, vector<1x16xf32>,
            %get3A_1139 = vector.shape_cast %get3A_1138 : vector<1x16xf32> to vector<16xf32>
            %add3A_1140 = arith.addf %get3A_1135, %get3A_1139 : vector<16xf32>
            %mul3A_1141 = arith.constant 2.000000e-01 : f32
            %mul3A_1142 = vector.broadcast %mul3A_1141 : f32 to vector<16xf32>
            %mul3A_1143 = arith.mulf %mul3A_1142, %add3A_1140 : vector<16xf32>
            %max3A_1144 = arith.maximumf %add3A_1140, %mul3A_1143 : vector<16xf32>
            %mul3A_1145 = arith.mulf %max3A_1144, %get3A_94 : vector<16xf32>
            %add3A_1146 = arith.addf %add3A_1131, %mul3A_1145 : vector<16xf32>
            %xor3A_1147 = arith.constant 8 : i32
            %xor3A_1148 = vector.broadcast %xor3A_1147 : i32 to vector<16xi32>
            %xor3A_1149 = arith.xori %iota3A, %xor3A_1148 : vector<16xi32>
            %lt3A_1150 = arith.constant 0 : i32
            %lt3A_1151 = vector.broadcast %lt3A_1150 : i32 to vector<16xi32>
            %lt3A_1152 = arith.cmpi slt, %xor3A_1149, %lt3A_1151 : vector<16xi32>
            %add3A_1153 = arith.constant 16 : i32
            %add3A_1154 = vector.broadcast %add3A_1153 : i32 to vector<16xi32>
            %add3A_1155 = arith.addi %xor3A_1149, %add3A_1154 : vector<16xi32>
            %select_n3A_1156 = arith.select %lt3A_1152, %add3A_1155, %xor3A_1149 : vector<16xi1>, vector<16xi32>
            %broadcast_in_dim3A_1157 = vector.shape_cast %select_n3A_1156 : vector<16xi32> to vector<16x1xi32>
            %gather3A_1158 = vector.shape_cast %broadcast_in_dim3A_1157 : vector<16x1xi32> to vector<16xi32>
            %gather3A_1159 = tpu.dynamic_gather %add3A_1146[%gather3A_1158] in [0] : vector<16xf32>, vector<16xi32> -> vector<16xf32>
            %add3A_1160 = arith.addf %add3A_1146, %gather3A_1159 : vector<16xf32>
            %xor3A_1161 = arith.constant 4 : i32
            %xor3A_1162 = vector.broadcast %xor3A_1161 : i32 to vector<16xi32>
            %xor3A_1163 = arith.xori %iota3A, %xor3A_1162 : vector<16xi32>
            %lt3A_1164 = arith.constant 0 : i32
            %lt3A_1165 = vector.broadcast %lt3A_1164 : i32 to vector<16xi32>
            %lt3A_1166 = arith.cmpi slt, %xor3A_1163, %lt3A_1165 : vector<16xi32>
            %add3A_1167 = arith.constant 16 : i32
            %add3A_1168 = vector.broadcast %add3A_1167 : i32 to vector<16xi32>
            %add3A_1169 = arith.addi %xor3A_1163, %add3A_1168 : vector<16xi32>
            %select_n3A_1170 = arith.select %lt3A_1166, %add3A_1169, %xor3A_1163 : vector<16xi1>, vector<16xi32>
            %broadcast_in_dim3A_1171 = vector.shape_cast %select_n3A_1170 : vector<16xi32> to vector<16x1xi32>
            %gather3A_1172 = vector.shape_cast %broadcast_in_dim3A_1171 : vector<16x1xi32> to vector<16xi32>
            %gather3A_1173 = tpu.dynamic_gather %add3A_1160[%gather3A_1172] in [0] : vector<16xf32>, vector<16xi32> -> vector<16xf32>
            %add3A_1174 = arith.addf %add3A_1160, %gather3A_1173 : vector<16xf32>
            %xor3A_1175 = arith.constant 2 : i32
            %xor3A_1176 = vector.broadcast %xor3A_1175 : i32 to vector<16xi32>
            %xor3A_1177 = arith.xori %iota3A, %xor3A_1176 : vector<16xi32>
            %lt3A_1178 = arith.constant 0 : i32
            %lt3A_1179 = vector.broadcast %lt3A_1178 : i32 to vector<16xi32>
            %lt3A_1180 = arith.cmpi slt, %xor3A_1177, %lt3A_1179 : vector<16xi32>
            %add3A_1181 = arith.constant 16 : i32
            %add3A_1182 = vector.broadcast %add3A_1181 : i32 to vector<16xi32>
            %add3A_1183 = arith.addi %xor3A_1177, %add3A_1182 : vector<16xi32>
            %select_n3A_1184 = arith.select %lt3A_1180, %add3A_1183, %xor3A_1177 : vector<16xi1>, vector<16xi32>
            %broadcast_in_dim3A_1185 = vector.shape_cast %select_n3A_1184 : vector<16xi32> to vector<16x1xi32>
            %gather3A_1186 = vector.shape_cast %broadcast_in_dim3A_1185 : vector<16x1xi32> to vector<16xi32>
            %gather3A_1187 = tpu.dynamic_gather %add3A_1174[%gather3A_1186] in [0] : vector<16xf32>, vector<16xi32> -> vector<16xf32>
            %add3A_1188 = arith.addf %add3A_1174, %gather3A_1187 : vector<16xf32>
            %xor3A_1189 = arith.constant 1 : i32
            %xor3A_1190 = vector.broadcast %xor3A_1189 : i32 to vector<16xi32>
            %xor3A_1191 = arith.xori %iota3A, %xor3A_1190 : vector<16xi32>
            %lt3A_1192 = arith.constant 0 : i32
            %lt3A_1193 = vector.broadcast %lt3A_1192 : i32 to vector<16xi32>
            %lt3A_1194 = arith.cmpi slt, %xor3A_1191, %lt3A_1193 : vector<16xi32>
            %add3A_1195 = arith.constant 16 : i32
            %add3A_1196 = vector.broadcast %add3A_1195 : i32 to vector<16xi32>
            %add3A_1197 = arith.addi %xor3A_1191, %add3A_1196 : vector<16xi32>
            %select_n3A_1198 = arith.select %lt3A_1194, %add3A_1197, %xor3A_1191 : vector<16xi1>, vector<16xi32>
            %broadcast_in_dim3A_1199 = vector.shape_cast %select_n3A_1198 : vector<16xi32> to vector<16x1xi32>
            %gather3A_1200 = vector.shape_cast %broadcast_in_dim3A_1199 : vector<16x1xi32> to vector<16xi32>
            %gather3A_1201 = tpu.dynamic_gather %add3A_1188[%gather3A_1200] in [0] : vector<16xf32>, vector<16xi32> -> vector<16xf32>
            %add3A_1202 = arith.addf %add3A_1188, %gather3A_1201 : vector<16xf32>
            %exp3A_1203 = math.exp %add3A_1202 : vector<16xf32>
            %mul3A_1204 = arith.mulf %exp3A_1203, %get3A_1030 : vector<16xf32>
            %swap3A_1205 = arith.index_cast %scan3A_343 : i32 to index
            %swap3A_1206 = arith.constant 0 : index
            %swap3A_1207 = tpu.vector_load %arg24[%swap3A_1205, %swap3A_1206] {strides = array<i32>} : memref<32x128xf32, #tpu.memory_space<vmem>>, vector<1x16xf32>,
            %swap3A_1208 = vector.shape_cast %swap3A_1207 : vector<1x16xf32> to vector<16xf32>
            %swap3A_1209 = vector.shape_cast %mul3A_1204 : vector<16xf32> to vector<1x16xf32>
            tpu.vector_store %arg24[%swap3A_1205, %swap3A_1206], %swap3A_1209 {strides = array<i32>} : memref<32x128xf32, #tpu.memory_space<vmem>>, vector<1x16xf32>,
            %mul3A_1210 = arith.mulf %exp3A_1203, %get3A_1045 : vector<16xf32>
            %swap3A_1211 = arith.index_cast %scan3A_343 : i32 to index
            %swap3A_1212 = arith.constant 16 : index
            %swap3A_1213 = tpu.vector_load %arg24[%swap3A_1211, %swap3A_1212] {strides = array<i32>} : memref<32x128xf32, #tpu.memory_space<vmem>>, vector<1x16xf32>,
            %swap3A_1214 = vector.shape_cast %swap3A_1213 : vector<1x16xf32> to vector<16xf32>
            %swap3A_1215 = vector.shape_cast %mul3A_1210 : vector<16xf32> to vector<1x16xf32>
            tpu.vector_store %arg24[%swap3A_1211, %swap3A_1212], %swap3A_1215 {strides = array<i32>} : memref<32x128xf32, #tpu.memory_space<vmem>>, vector<1x16xf32>,
            %mul3A_1216 = arith.mulf %exp3A_1203, %get3A_1060 : vector<16xf32>
            %swap3A_1217 = arith.index_cast %scan3A_343 : i32 to index
            %swap3A_1218 = arith.constant 32 : index
            %swap3A_1219 = tpu.vector_load %arg24[%swap3A_1217, %swap3A_1218] {strides = array<i32>} : memref<32x128xf32, #tpu.memory_space<vmem>>, vector<1x16xf32>,
            %swap3A_1220 = vector.shape_cast %swap3A_1219 : vector<1x16xf32> to vector<16xf32>
            %swap3A_1221 = vector.shape_cast %mul3A_1216 : vector<16xf32> to vector<1x16xf32>
            tpu.vector_store %arg24[%swap3A_1217, %swap3A_1218], %swap3A_1221 {strides = array<i32>} : memref<32x128xf32, #tpu.memory_space<vmem>>, vector<1x16xf32>,
            %mul3A_1222 = arith.mulf %exp3A_1203, %get3A_1075 : vector<16xf32>
            %swap3A_1223 = arith.index_cast %scan3A_343 : i32 to index
            %swap3A_1224 = arith.constant 48 : index
            %swap3A_1225 = tpu.vector_load %arg24[%swap3A_1223, %swap3A_1224] {strides = array<i32>} : memref<32x128xf32, #tpu.memory_space<vmem>>, vector<1x16xf32>,
            %swap3A_1226 = vector.shape_cast %swap3A_1225 : vector<1x16xf32> to vector<16xf32>
            %swap3A_1227 = vector.shape_cast %mul3A_1222 : vector<16xf32> to vector<1x16xf32>
            tpu.vector_store %arg24[%swap3A_1223, %swap3A_1224], %swap3A_1227 {strides = array<i32>} : memref<32x128xf32, #tpu.memory_space<vmem>>, vector<1x16xf32>,
            %mul3A_1228 = arith.mulf %exp3A_1203, %get3A_1090 : vector<16xf32>
            %swap3A_1229 = arith.index_cast %scan3A_343 : i32 to index
            %swap3A_1230 = arith.constant 64 : index
            %swap3A_1231 = tpu.vector_load %arg24[%swap3A_1229, %swap3A_1230] {strides = array<i32>} : memref<32x128xf32, #tpu.memory_space<vmem>>, vector<1x16xf32>,
            %swap3A_1232 = vector.shape_cast %swap3A_1231 : vector<1x16xf32> to vector<16xf32>
            %swap3A_1233 = vector.shape_cast %mul3A_1228 : vector<16xf32> to vector<1x16xf32>
            tpu.vector_store %arg24[%swap3A_1229, %swap3A_1230], %swap3A_1233 {strides = array<i32>} : memref<32x128xf32, #tpu.memory_space<vmem>>, vector<1x16xf32>,
            %mul3A_1234 = arith.mulf %exp3A_1203, %get3A_1105 : vector<16xf32>
            %swap3A_1235 = arith.index_cast %scan3A_343 : i32 to index
            %swap3A_1236 = arith.constant 80 : index
            %swap3A_1237 = tpu.vector_load %arg24[%swap3A_1235, %swap3A_1236] {strides = array<i32>} : memref<32x128xf32, #tpu.memory_space<vmem>>, vector<1x16xf32>,
            %swap3A_1238 = vector.shape_cast %swap3A_1237 : vector<1x16xf32> to vector<16xf32>
            %swap3A_1239 = vector.shape_cast %mul3A_1234 : vector<16xf32> to vector<1x16xf32>
            tpu.vector_store %arg24[%swap3A_1235, %swap3A_1236], %swap3A_1239 {strides = array<i32>} : memref<32x128xf32, #tpu.memory_space<vmem>>, vector<1x16xf32>,
            %mul3A_1240 = arith.mulf %exp3A_1203, %get3A_1120 : vector<16xf32>
            %swap3A_1241 = arith.index_cast %scan3A_343 : i32 to index
            %swap3A_1242 = arith.constant 96 : index
            %swap3A_1243 = tpu.vector_load %arg24[%swap3A_1241, %swap3A_1242] {strides = array<i32>} : memref<32x128xf32, #tpu.memory_space<vmem>>, vector<1x16xf32>,
            %swap3A_1244 = vector.shape_cast %swap3A_1243 : vector<1x16xf32> to vector<16xf32>
            %swap3A_1245 = vector.shape_cast %mul3A_1240 : vector<16xf32> to vector<1x16xf32>
            tpu.vector_store %arg24[%swap3A_1241, %swap3A_1242], %swap3A_1245 {strides = array<i32>} : memref<32x128xf32, #tpu.memory_space<vmem>>, vector<1x16xf32>,
            %mul3A_1246 = arith.mulf %exp3A_1203, %get3A_1135 : vector<16xf32>
            %swap3A_1247 = arith.index_cast %scan3A_343 : i32 to index
            %swap3A_1248 = arith.constant 112 : index
            %swap3A_1249 = tpu.vector_load %arg24[%swap3A_1247, %swap3A_1248] {strides = array<i32>} : memref<32x128xf32, #tpu.memory_space<vmem>>, vector<1x16xf32>,
            %swap3A_1250 = vector.shape_cast %swap3A_1249 : vector<1x16xf32> to vector<16xf32>
            %swap3A_1251 = vector.shape_cast %mul3A_1246 : vector<16xf32> to vector<1x16xf32>
            tpu.vector_store %arg24[%swap3A_1247, %swap3A_1248], %swap3A_1251 {strides = array<i32>} : memref<32x128xf32, #tpu.memory_space<vmem>>, vector<1x16xf32>,
            %eq3A_1252 = arith.constant 3 : i32
            %eq3A_1253 = vector.broadcast %eq3A_1252 : i32 to vector<16xi32>
            %eq3A_1254 = arith.cmpi eq, %iota3A, %eq3A_1253 : vector<16xi32>
            %select_n3A_1255 = arith.select %eq3A_1254, %exp3A_1203, %select_n3A_1026 : vector<16xi1>, vector<16xf32>
            %swap3A_1256 = arith.index_cast %scan3A_343 : i32 to index
            %swap3A_1257 = arith.constant 0 : index
            %swap3A_1258 = tpu.vector_load %arg25[%swap3A_1256, %swap3A_1257] {strides = array<i32>} : memref<32x128xf32, #tpu.memory_space<vmem>>, vector<1x16xf32>,
            %swap3A_1259 = vector.shape_cast %swap3A_1258 : vector<1x16xf32> to vector<16xf32>
            %swap3A_1260 = vector.shape_cast %select_n3A_1255 : vector<16xf32> to vector<1x16xf32>
            tpu.vector_store %arg25[%swap3A_1256, %swap3A_1257], %swap3A_1260 {strides = array<i32>} : memref<32x128xf32, #tpu.memory_space<vmem>>, vector<1x16xf32>,
            %scan3A_1261 = arith.constant 0 : i32
            scf.yield %scan3A_1261 : i32
          }
          %scan3A_311 = arith.constant 32 : i32
          %dma_start3A_312 = arith.constant 0 : i32
          %dma_start3A_313 = arith.constant 0 : i32
          %dma_start3A_314 = tpu.memref_slice %arg27[%dma_start3A_312, %dma_start3A_313] : memref<1288x128xf32, #tpu.memory_space<vmem_shared>> -> memref<1288x128xf32, #tpu.memory_space<vmem_shared>>
          tpu.enqueue_indirect_dma source(%arg21 : memref<32x128xf32, #tpu.memory_space<vmem>>) target(%dma_start3A_314 : memref<1288x128xf32, #tpu.memory_space<vmem_shared>>) offsets(%arg18 : memref<32xi32, #tpu.memory_space<vmem>>) semaphore(%arg34 : memref<!tpu.dma_semaphore, #tpu.memory_space<semaphore_mem>>) {add = true}
          %dma_start3A_315 = arith.constant 0 : i32
          %dma_start3A_316 = arith.constant 0 : i32
          %dma_start3A_317 = tpu.memref_slice %arg28[%dma_start3A_315, %dma_start3A_316] : memref<1288x128xf32, #tpu.memory_space<vmem_shared>> -> memref<1288x128xf32, #tpu.memory_space<vmem_shared>>
          tpu.enqueue_indirect_dma source(%arg22 : memref<32x128xf32, #tpu.memory_space<vmem>>) target(%dma_start3A_317 : memref<1288x128xf32, #tpu.memory_space<vmem_shared>>) offsets(%arg18 : memref<32xi32, #tpu.memory_space<vmem>>) semaphore(%arg34 : memref<!tpu.dma_semaphore, #tpu.memory_space<semaphore_mem>>) {add = true}
          %dma_start3A_318 = arith.constant 0 : i32
          %dma_start3A_319 = arith.constant 0 : i32
          %dma_start3A_320 = tpu.memref_slice %arg29[%dma_start3A_318, %dma_start3A_319] : memref<1288x128xf32, #tpu.memory_space<vmem_shared>> -> memref<1288x128xf32, #tpu.memory_space<vmem_shared>>
          tpu.enqueue_indirect_dma source(%arg23 : memref<32x128xf32, #tpu.memory_space<vmem>>) target(%dma_start3A_320 : memref<1288x128xf32, #tpu.memory_space<vmem_shared>>) offsets(%arg18 : memref<32xi32, #tpu.memory_space<vmem>>) semaphore(%arg34 : memref<!tpu.dma_semaphore, #tpu.memory_space<semaphore_mem>>) {add = true}
          %dma_start3A_321 = arith.constant 0 : i32
          %dma_start3A_322 = arith.constant 0 : i32
          %dma_start3A_323 = tpu.memref_slice %arg30[%dma_start3A_321, %dma_start3A_322] : memref<1288x128xf32, #tpu.memory_space<vmem_shared>> -> memref<1288x128xf32, #tpu.memory_space<vmem_shared>>
          tpu.enqueue_indirect_dma source(%arg24 : memref<32x128xf32, #tpu.memory_space<vmem>>) target(%dma_start3A_323 : memref<1288x128xf32, #tpu.memory_space<vmem_shared>>) offsets(%arg18 : memref<32xi32, #tpu.memory_space<vmem>>) semaphore(%arg34 : memref<!tpu.dma_semaphore, #tpu.memory_space<semaphore_mem>>) {add = true}
          %dma_start3A_324 = arith.constant 0 : i32
          %dma_start3A_325 = arith.constant 0 : i32
          %dma_start3A_326 = tpu.memref_slice %arg31[%dma_start3A_324, %dma_start3A_325] : memref<1288x128xf32, #tpu.memory_space<vmem_shared>> -> memref<1288x128xf32, #tpu.memory_space<vmem_shared>>
          tpu.enqueue_indirect_dma source(%arg25 : memref<32x128xf32, #tpu.memory_space<vmem>>) target(%dma_start3A_326 : memref<1288x128xf32, #tpu.memory_space<vmem_shared>>) offsets(%arg18 : memref<32xi32, #tpu.memory_space<vmem>>) semaphore(%arg34 : memref<!tpu.dma_semaphore, #tpu.memory_space<semaphore_mem>>) {add = true}
          %dma_wait3A_327 = arith.constant 0 : i32
          %dma_wait3A_328 = arith.constant 0 : i32
          %dma_wait3A_329 = tpu.memref_slice %arg27[%dma_wait3A_327, %dma_wait3A_328] : memref<1288x128xf32, #tpu.memory_space<vmem_shared>> -> memref<1288x128xf32, #tpu.memory_space<vmem_shared>>
          tpu.wait_indirect_dma semaphore(%arg34 : memref<!tpu.dma_semaphore, #tpu.memory_space<semaphore_mem>>) src(%arg21 : memref<32x128xf32, #tpu.memory_space<vmem>>) dst(%dma_wait3A_329 : memref<1288x128xf32, #tpu.memory_space<vmem_shared>>)
          %dma_wait3A_330 = arith.constant 0 : i32
          %dma_wait3A_331 = arith.constant 0 : i32
          %dma_wait3A_332 = tpu.memref_slice %arg28[%dma_wait3A_330, %dma_wait3A_331] : memref<1288x128xf32, #tpu.memory_space<vmem_shared>> -> memref<1288x128xf32, #tpu.memory_space<vmem_shared>>
          tpu.wait_indirect_dma semaphore(%arg34 : memref<!tpu.dma_semaphore, #tpu.memory_space<semaphore_mem>>) src(%arg22 : memref<32x128xf32, #tpu.memory_space<vmem>>) dst(%dma_wait3A_332 : memref<1288x128xf32, #tpu.memory_space<vmem_shared>>)
          %dma_wait3A_333 = arith.constant 0 : i32
          %dma_wait3A_334 = arith.constant 0 : i32
          %dma_wait3A_335 = tpu.memref_slice %arg29[%dma_wait3A_333, %dma_wait3A_334] : memref<1288x128xf32, #tpu.memory_space<vmem_shared>> -> memref<1288x128xf32, #tpu.memory_space<vmem_shared>>
          tpu.wait_indirect_dma semaphore(%arg34 : memref<!tpu.dma_semaphore, #tpu.memory_space<semaphore_mem>>) src(%arg23 : memref<32x128xf32, #tpu.memory_space<vmem>>) dst(%dma_wait3A_335 : memref<1288x128xf32, #tpu.memory_space<vmem_shared>>)
          %dma_wait3A_336 = arith.constant 0 : i32
          %dma_wait3A_337 = arith.constant 0 : i32
          %dma_wait3A_338 = tpu.memref_slice %arg30[%dma_wait3A_336, %dma_wait3A_337] : memref<1288x128xf32, #tpu.memory_space<vmem_shared>> -> memref<1288x128xf32, #tpu.memory_space<vmem_shared>>
          tpu.wait_indirect_dma semaphore(%arg34 : memref<!tpu.dma_semaphore, #tpu.memory_space<semaphore_mem>>) src(%arg24 : memref<32x128xf32, #tpu.memory_space<vmem>>) dst(%dma_wait3A_338 : memref<1288x128xf32, #tpu.memory_space<vmem_shared>>)
          %dma_wait3A_339 = arith.constant 0 : i32
          %dma_wait3A_340 = arith.constant 0 : i32
          %dma_wait3A_341 = tpu.memref_slice %arg31[%dma_wait3A_339, %dma_wait3A_340] : memref<1288x128xf32, #tpu.memory_space<vmem_shared>> -> memref<1288x128xf32, #tpu.memory_space<vmem_shared>>
          tpu.wait_indirect_dma semaphore(%arg34 : memref<!tpu.dma_semaphore, #tpu.memory_space<semaphore_mem>>) src(%arg25 : memref<32x128xf32, #tpu.memory_space<vmem>>) dst(%dma_wait3A_341 : memref<1288x128xf32, #tpu.memory_space<vmem_shared>>)
          %while3A_342 = arith.constant 0 : i32
          scf.yield %while3A_342 : i32
        }
        %scan3A_268 = arith.constant 0 : i32
        scf.yield %scan3A_268 : i32
      }
      %scan3A_146 = arith.constant 10 : i32
      %barrier3A_147 = arith.constant 0 : index
      tpu.barrier barrier_id(%barrier3A_147)
      %mul3A_148 = arith.constant 80 : i32
      %mul3A_149 = arith.muli %arg1, %mul3A_148 : i32
      %mul3A_150 = arith.constant 80 : i32
      %mul3A_151 = arith.muli %arg1, %mul3A_150 : i32
      "tpu.region"() ({
        %run_scoped3A = tpu.sem_alloc : memref<!tpu.dma_semaphore, #tpu.memory_space<semaphore_mem>>
        %dma_start3A = arith.constant 0 : i32
        %dma_start3A_170 = tpu.memref_slice %arg8[%add3A, %mul3A_151, %dma_start3A] : memref<8x1280x128xf32, #tpu.memory_space<hbm>> -> memref<1x80x128xf32, #tpu.memory_space<hbm>>
        %dma_start3A_171 = tpu.memref_squeeze %dma_start3A_170 : memref<1x80x128xf32, #tpu.memory_space<hbm>> -> memref<80x128xf32, #tpu.memory_space<hbm>>
        %dma_start3A_172 = arith.constant 0 : i32
        %dma_start3A_173 = tpu.memref_slice %arg27[%mul3A_149, %dma_start3A_172] : memref<1288x128xf32, #tpu.memory_space<vmem_shared>> -> memref<80x128xf32, #tpu.memory_space<vmem_shared>>
        tpu.enqueue_dma source(%dma_start3A_173 : memref<80x128xf32, #tpu.memory_space<vmem_shared>>) target(%dma_start3A_171 : memref<80x128xf32, #tpu.memory_space<hbm>>) target_semaphore(%run_scoped3A : memref<!tpu.dma_semaphore, #tpu.memory_space<semaphore_mem>>)
        %dma_wait3A = arith.constant 0 : i32
        %dma_wait3A_174 = tpu.memref_slice %arg8[%add3A, %mul3A_151, %dma_wait3A] : memref<8x1280x128xf32, #tpu.memory_space<hbm>> -> memref<1x80x128xf32, #tpu.memory_space<hbm>>
        %dma_wait3A_175 = tpu.memref_squeeze %dma_wait3A_174 : memref<1x80x128xf32, #tpu.memory_space<hbm>> -> memref<80x128xf32, #tpu.memory_space<hbm>>
        %dma_wait3A_176 = arith.constant 0 : i32
        %dma_wait3A_177 = tpu.memref_slice %arg27[%mul3A_149, %dma_wait3A_176] : memref<1288x128xf32, #tpu.memory_space<vmem_shared>> -> memref<80x128xf32, #tpu.memory_space<vmem_shared>>
        tpu.wait_dma2 semaphore(%run_scoped3A : memref<!tpu.dma_semaphore, #tpu.memory_space<semaphore_mem>>) src(%dma_wait3A_177 : memref<80x128xf32, #tpu.memory_space<vmem_shared>>) dst(%dma_wait3A_175 : memref<80x128xf32, #tpu.memory_space<hbm>>)
        tpu.yield
      }) : () -> ()
      %mul3A_152 = arith.constant 80 : i32
      %mul3A_153 = arith.muli %arg1, %mul3A_152 : i32
      %mul3A_154 = arith.constant 80 : i32
      %mul3A_155 = arith.muli %arg1, %mul3A_154 : i32
      "tpu.region"() ({
        %run_scoped3A = tpu.sem_alloc : memref<!tpu.dma_semaphore, #tpu.memory_space<semaphore_mem>>
        %dma_start3A = arith.constant 0 : i32
        %dma_start3A_170 = tpu.memref_slice %arg9[%add3A, %mul3A_155, %dma_start3A] : memref<8x1280x128xf32, #tpu.memory_space<hbm>> -> memref<1x80x128xf32, #tpu.memory_space<hbm>>
        %dma_start3A_171 = tpu.memref_squeeze %dma_start3A_170 : memref<1x80x128xf32, #tpu.memory_space<hbm>> -> memref<80x128xf32, #tpu.memory_space<hbm>>
        %dma_start3A_172 = arith.constant 0 : i32
        %dma_start3A_173 = tpu.memref_slice %arg28[%mul3A_153, %dma_start3A_172] : memref<1288x128xf32, #tpu.memory_space<vmem_shared>> -> memref<80x128xf32, #tpu.memory_space<vmem_shared>>
        tpu.enqueue_dma source(%dma_start3A_173 : memref<80x128xf32, #tpu.memory_space<vmem_shared>>) target(%dma_start3A_171 : memref<80x128xf32, #tpu.memory_space<hbm>>) target_semaphore(%run_scoped3A : memref<!tpu.dma_semaphore, #tpu.memory_space<semaphore_mem>>)
        %dma_wait3A = arith.constant 0 : i32
        %dma_wait3A_174 = tpu.memref_slice %arg9[%add3A, %mul3A_155, %dma_wait3A] : memref<8x1280x128xf32, #tpu.memory_space<hbm>> -> memref<1x80x128xf32, #tpu.memory_space<hbm>>
        %dma_wait3A_175 = tpu.memref_squeeze %dma_wait3A_174 : memref<1x80x128xf32, #tpu.memory_space<hbm>> -> memref<80x128xf32, #tpu.memory_space<hbm>>
        %dma_wait3A_176 = arith.constant 0 : i32
        %dma_wait3A_177 = tpu.memref_slice %arg28[%mul3A_153, %dma_wait3A_176] : memref<1288x128xf32, #tpu.memory_space<vmem_shared>> -> memref<80x128xf32, #tpu.memory_space<vmem_shared>>
        tpu.wait_dma2 semaphore(%run_scoped3A : memref<!tpu.dma_semaphore, #tpu.memory_space<semaphore_mem>>) src(%dma_wait3A_177 : memref<80x128xf32, #tpu.memory_space<vmem_shared>>) dst(%dma_wait3A_175 : memref<80x128xf32, #tpu.memory_space<hbm>>)
        tpu.yield
      }) : () -> ()
      %mul3A_156 = arith.constant 80 : i32
      %mul3A_157 = arith.muli %arg1, %mul3A_156 : i32
      %mul3A_158 = arith.constant 80 : i32
      %mul3A_159 = arith.muli %arg1, %mul3A_158 : i32
      "tpu.region"() ({
        %run_scoped3A = tpu.sem_alloc : memref<!tpu.dma_semaphore, #tpu.memory_space<semaphore_mem>>
        %dma_start3A = arith.constant 0 : i32
        %dma_start3A_170 = tpu.memref_slice %arg10[%add3A, %mul3A_159, %dma_start3A] : memref<8x1280x128xf32, #tpu.memory_space<hbm>> -> memref<1x80x128xf32, #tpu.memory_space<hbm>>
        %dma_start3A_171 = tpu.memref_squeeze %dma_start3A_170 : memref<1x80x128xf32, #tpu.memory_space<hbm>> -> memref<80x128xf32, #tpu.memory_space<hbm>>
        %dma_start3A_172 = arith.constant 0 : i32
        %dma_start3A_173 = tpu.memref_slice %arg29[%mul3A_157, %dma_start3A_172] : memref<1288x128xf32, #tpu.memory_space<vmem_shared>> -> memref<80x128xf32, #tpu.memory_space<vmem_shared>>
        tpu.enqueue_dma source(%dma_start3A_173 : memref<80x128xf32, #tpu.memory_space<vmem_shared>>) target(%dma_start3A_171 : memref<80x128xf32, #tpu.memory_space<hbm>>) target_semaphore(%run_scoped3A : memref<!tpu.dma_semaphore, #tpu.memory_space<semaphore_mem>>)
        %dma_wait3A = arith.constant 0 : i32
        %dma_wait3A_174 = tpu.memref_slice %arg10[%add3A, %mul3A_159, %dma_wait3A] : memref<8x1280x128xf32, #tpu.memory_space<hbm>> -> memref<1x80x128xf32, #tpu.memory_space<hbm>>
        %dma_wait3A_175 = tpu.memref_squeeze %dma_wait3A_174 : memref<1x80x128xf32, #tpu.memory_space<hbm>> -> memref<80x128xf32, #tpu.memory_space<hbm>>
        %dma_wait3A_176 = arith.constant 0 : i32
        %dma_wait3A_177 = tpu.memref_slice %arg29[%mul3A_157, %dma_wait3A_176] : memref<1288x128xf32, #tpu.memory_space<vmem_shared>> -> memref<80x128xf32, #tpu.memory_space<vmem_shared>>
        tpu.wait_dma2 semaphore(%run_scoped3A : memref<!tpu.dma_semaphore, #tpu.memory_space<semaphore_mem>>) src(%dma_wait3A_177 : memref<80x128xf32, #tpu.memory_space<vmem_shared>>) dst(%dma_wait3A_175 : memref<80x128xf32, #tpu.memory_space<hbm>>)
        tpu.yield
      }) : () -> ()
      %mul3A_160 = arith.constant 80 : i32
      %mul3A_161 = arith.muli %arg1, %mul3A_160 : i32
      %mul3A_162 = arith.constant 80 : i32
      %mul3A_163 = arith.muli %arg1, %mul3A_162 : i32
      "tpu.region"() ({
        %run_scoped3A = tpu.sem_alloc : memref<!tpu.dma_semaphore, #tpu.memory_space<semaphore_mem>>
        %dma_start3A = arith.constant 0 : i32
        %dma_start3A_170 = tpu.memref_slice %arg11[%add3A, %mul3A_163, %dma_start3A] : memref<8x1280x128xf32, #tpu.memory_space<hbm>> -> memref<1x80x128xf32, #tpu.memory_space<hbm>>
        %dma_start3A_171 = tpu.memref_squeeze %dma_start3A_170 : memref<1x80x128xf32, #tpu.memory_space<hbm>> -> memref<80x128xf32, #tpu.memory_space<hbm>>
        %dma_start3A_172 = arith.constant 0 : i32
        %dma_start3A_173 = tpu.memref_slice %arg30[%mul3A_161, %dma_start3A_172] : memref<1288x128xf32, #tpu.memory_space<vmem_shared>> -> memref<80x128xf32, #tpu.memory_space<vmem_shared>>
        tpu.enqueue_dma source(%dma_start3A_173 : memref<80x128xf32, #tpu.memory_space<vmem_shared>>) target(%dma_start3A_171 : memref<80x128xf32, #tpu.memory_space<hbm>>) target_semaphore(%run_scoped3A : memref<!tpu.dma_semaphore, #tpu.memory_space<semaphore_mem>>)
        %dma_wait3A = arith.constant 0 : i32
        %dma_wait3A_174 = tpu.memref_slice %arg11[%add3A, %mul3A_163, %dma_wait3A] : memref<8x1280x128xf32, #tpu.memory_space<hbm>> -> memref<1x80x128xf32, #tpu.memory_space<hbm>>
        %dma_wait3A_175 = tpu.memref_squeeze %dma_wait3A_174 : memref<1x80x128xf32, #tpu.memory_space<hbm>> -> memref<80x128xf32, #tpu.memory_space<hbm>>
        %dma_wait3A_176 = arith.constant 0 : i32
        %dma_wait3A_177 = tpu.memref_slice %arg30[%mul3A_161, %dma_wait3A_176] : memref<1288x128xf32, #tpu.memory_space<vmem_shared>> -> memref<80x128xf32, #tpu.memory_space<vmem_shared>>
        tpu.wait_dma2 semaphore(%run_scoped3A : memref<!tpu.dma_semaphore, #tpu.memory_space<semaphore_mem>>) src(%dma_wait3A_177 : memref<80x128xf32, #tpu.memory_space<vmem_shared>>) dst(%dma_wait3A_175 : memref<80x128xf32, #tpu.memory_space<hbm>>)
        tpu.yield
      }) : () -> ()
      %mul3A_164 = arith.constant 80 : i32
      %mul3A_165 = arith.muli %arg1, %mul3A_164 : i32
      %mul3A_166 = arith.constant 80 : i32
      %mul3A_167 = arith.muli %arg1, %mul3A_166 : i32
      "tpu.region"() ({
        %run_scoped3A = tpu.sem_alloc : memref<!tpu.dma_semaphore, #tpu.memory_space<semaphore_mem>>
        %dma_start3A = arith.constant 0 : i32
        %dma_start3A_170 = tpu.memref_slice %arg12[%add3A, %mul3A_167, %dma_start3A] : memref<8x1280x128xf32, #tpu.memory_space<hbm>> -> memref<1x80x128xf32, #tpu.memory_space<hbm>>
        %dma_start3A_171 = tpu.memref_squeeze %dma_start3A_170 : memref<1x80x128xf32, #tpu.memory_space<hbm>> -> memref<80x128xf32, #tpu.memory_space<hbm>>
        %dma_start3A_172 = arith.constant 0 : i32
        %dma_start3A_173 = tpu.memref_slice %arg31[%mul3A_165, %dma_start3A_172] : memref<1288x128xf32, #tpu.memory_space<vmem_shared>> -> memref<80x128xf32, #tpu.memory_space<vmem_shared>>
        tpu.enqueue_dma source(%dma_start3A_173 : memref<80x128xf32, #tpu.memory_space<vmem_shared>>) target(%dma_start3A_171 : memref<80x128xf32, #tpu.memory_space<hbm>>) target_semaphore(%run_scoped3A : memref<!tpu.dma_semaphore, #tpu.memory_space<semaphore_mem>>)
        %dma_wait3A = arith.constant 0 : i32
        %dma_wait3A_174 = tpu.memref_slice %arg12[%add3A, %mul3A_167, %dma_wait3A] : memref<8x1280x128xf32, #tpu.memory_space<hbm>> -> memref<1x80x128xf32, #tpu.memory_space<hbm>>
        %dma_wait3A_175 = tpu.memref_squeeze %dma_wait3A_174 : memref<1x80x128xf32, #tpu.memory_space<hbm>> -> memref<80x128xf32, #tpu.memory_space<hbm>>
        %dma_wait3A_176 = arith.constant 0 : i32
        %dma_wait3A_177 = tpu.memref_slice %arg31[%mul3A_165, %dma_wait3A_176] : memref<1288x128xf32, #tpu.memory_space<vmem_shared>> -> memref<80x128xf32, #tpu.memory_space<vmem_shared>>
        tpu.wait_dma2 semaphore(%run_scoped3A : memref<!tpu.dma_semaphore, #tpu.memory_space<semaphore_mem>>) src(%dma_wait3A_177 : memref<80x128xf32, #tpu.memory_space<vmem_shared>>) dst(%dma_wait3A_175 : memref<80x128xf32, #tpu.memory_space<hbm>>)
        tpu.yield
      }) : () -> ()
      %barrier3A_168 = arith.constant 0 : index
      tpu.barrier barrier_id(%barrier3A_168)
      %scan3A_169 = arith.constant 0 : i32
      scf.yield %scan3A_169 : i32
    }
    %scan3A_112 = arith.constant 4 : i32
    return
  }
}

#map = affine_map<(d0, d1) -> (0, 0)>
#map1 = affine_map<(d0, d1) -> (0)>
#map2 = affine_map<(d0, d1) -> (0, 0, 0)>
module attributes {stable_mosaic.version = 14 : i64} {
  func.func @body(%arg0: i32, %arg1: i32, %arg2: memref<10240x128xf32, #tpu.memory_space<hbm>>, %arg3: memref<10240x128xf32, #tpu.memory_space<hbm>>, %arg4: memref<320000xi32, #tpu.memory_space<hbm>>, %arg5: memref<320000xi32, #tpu.memory_space<hbm>>, %arg6: memref<128xf32, #tpu.memory_space<hbm>>, %arg7: memref<5120x128xf32, #tpu.memory_space<hbm>>, %arg8: memref<2x5120x128xf32, #tpu.memory_space<hbm>>, %arg9: memref<2x5120x128xf32, #tpu.memory_space<hbm>>, %arg10: memref<2000xi32, #tpu.memory_space<vmem>>, %arg11: memref<2000xi32, #tpu.memory_space<vmem>>, %arg12: memref<2080xi32, #tpu.memory_space<vmem>>, %arg13: memref<2080xi32, #tpu.memory_space<vmem>>, %arg14: memref<2080xi32, #tpu.memory_space<vmem>>, %arg15: memref<64xi32, #tpu.memory_space<vmem>>, %arg16: memref<64x128xf32, #tpu.memory_space<vmem>>, %arg17: memref<64x128xf32, #tpu.memory_space<vmem>>, %arg18: memref<64x128xf32, #tpu.memory_space<vmem>>, %arg19: memref<64x128xf32, #tpu.memory_space<vmem>>, %arg20: memref<128xf32, #tpu.memory_space<vmem>>, %arg21: memref<5128x128xf32, #tpu.memory_space<vmem_shared>>, %arg22: memref<5128x128xf32, #tpu.memory_space<vmem_shared>>, %arg23: memref<!tpu.dma_semaphore, #tpu.memory_space<semaphore_mem>>, %arg24: memref<!tpu.dma_semaphore, #tpu.memory_space<semaphore_mem>>, %arg25: memref<!tpu.dma_semaphore, #tpu.memory_space<semaphore_mem>>) attributes {dimension_semantics = [#tpu.dimension_semantics<core_parallel>, #tpu.dimension_semantics<subcore_parallel>], iteration_bounds = array<i64: 2, 16>, scalar_prefetch = 0 : i64, scratch_operands = 16 : i64, tpu.core_type = #tpu.core_type<sc_vector_subcore>, window_params = [{transform_indices = #map}, {transform_indices = #map}, {transform_indices = #map1}, {transform_indices = #map1}, {transform_indices = #map1}, {transform_indices = #map}, {transform_indices = #map2}, {transform_indices = #map2}]} {
    "tpu.region"() ({
      %run_scoped3A = tpu.sem_alloc : memref<!tpu.dma_semaphore, #tpu.memory_space<semaphore_mem>>
      tpu.enqueue_dma source(%arg6 : memref<128xf32, #tpu.memory_space<hbm>>) target(%arg20 : memref<128xf32, #tpu.memory_space<vmem>>) target_semaphore(%run_scoped3A : memref<!tpu.dma_semaphore, #tpu.memory_space<semaphore_mem>>)
      tpu.wait_dma2 semaphore(%run_scoped3A : memref<!tpu.dma_semaphore, #tpu.memory_space<semaphore_mem>>) src(%arg6 : memref<128xf32, #tpu.memory_space<hbm>>) dst(%arg20 : memref<128xf32, #tpu.memory_space<vmem>>)
      tpu.yield
    }) : () -> ()
    %get3A = arith.constant 0 : index
    %get3A_0 = tpu.vector_load %arg20[%get3A] {strides = array<i32>} : memref<128xf32, #tpu.memory_space<vmem>>, vector<16xf32>,
    %get3A_1 = vector.shape_cast %get3A_0 : vector<16xf32> to vector<16xf32>
    %get3A_2 = arith.constant 16 : index
    %get3A_3 = tpu.vector_load %arg20[%get3A_2] {strides = array<i32>} : memref<128xf32, #tpu.memory_space<vmem>>, vector<16xf32>,
    %get3A_4 = vector.shape_cast %get3A_3 : vector<16xf32> to vector<16xf32>
    %get3A_5 = arith.constant 32 : index
    %get3A_6 = tpu.vector_load %arg20[%get3A_5] {strides = array<i32>} : memref<128xf32, #tpu.memory_space<vmem>>, vector<16xf32>,
    %get3A_7 = vector.shape_cast %get3A_6 : vector<16xf32> to vector<16xf32>
    %get3A_8 = arith.constant 48 : index
    %get3A_9 = tpu.vector_load %arg20[%get3A_8] {strides = array<i32>} : memref<128xf32, #tpu.memory_space<vmem>>, vector<16xf32>,
    %get3A_10 = vector.shape_cast %get3A_9 : vector<16xf32> to vector<16xf32>
    %get3A_11 = arith.constant 64 : index
    %get3A_12 = tpu.vector_load %arg20[%get3A_11] {strides = array<i32>} : memref<128xf32, #tpu.memory_space<vmem>>, vector<16xf32>,
    %get3A_13 = vector.shape_cast %get3A_12 : vector<16xf32> to vector<16xf32>
    %get3A_14 = arith.constant 80 : index
    %get3A_15 = tpu.vector_load %arg20[%get3A_14] {strides = array<i32>} : memref<128xf32, #tpu.memory_space<vmem>>, vector<16xf32>,
    %get3A_16 = vector.shape_cast %get3A_15 : vector<16xf32> to vector<16xf32>
    %get3A_17 = arith.constant 96 : index
    %get3A_18 = tpu.vector_load %arg20[%get3A_17] {strides = array<i32>} : memref<128xf32, #tpu.memory_space<vmem>>, vector<16xf32>,
    %get3A_19 = vector.shape_cast %get3A_18 : vector<16xf32> to vector<16xf32>
    %get3A_20 = arith.constant 112 : index
    %get3A_21 = tpu.vector_load %arg20[%get3A_20] {strides = array<i32>} : memref<128xf32, #tpu.memory_space<vmem>>, vector<16xf32>,
    %get3A_22 = vector.shape_cast %get3A_21 : vector<16xf32> to vector<16xf32>
    %iota3A = tpu.iota {dimensions = array<i32: 0>} : vector<16xi32>
    %broadcast_in_dim3A = arith.constant 0 : i32
    %broadcast_in_dim3A_23 = vector.broadcast %broadcast_in_dim3A : i32 to vector<16xi32>
    %broadcast_in_dim3A_24 = arith.constant 0.000000e+00 : f32
    %broadcast_in_dim3A_25 = vector.broadcast %broadcast_in_dim3A_24 : f32 to vector<16xf32>
    %broadcast_in_dim3A_26 = arith.constant 5120 : i32
    %broadcast_in_dim3A_27 = vector.broadcast %broadcast_in_dim3A_26 : i32 to vector<16xi32>
    %scan3A = arith.constant 0 : i32
    %scan3A_28 = arith.constant 0 : i32
    %scan3A_29 = arith.constant 64 : i32
    %scan3A_30 = arith.addi %scan3A_28, %scan3A_29 : i32
    %scan3A_31 = arith.constant 1 : i32
    %scan3A_32 = scf.for %scan3A_68 = %scan3A_28 to %scan3A_30 step %scan3A_31 iter_args(%scan3A_69 = %scan3A) -> (i32)  : i32 {
      %swap3A = arith.index_cast %scan3A_68 : i32 to index
      %swap3A_70 = arith.constant 16 : index
      %swap3A_71 = tpu.vector_load %arg19[%swap3A, %swap3A_70] {strides = array<i32>} : memref<64x128xf32, #tpu.memory_space<vmem>>, vector<1x16xf32>,
      %swap3A_72 = vector.shape_cast %swap3A_71 : vector<1x16xf32> to vector<16xf32>
      %swap3A_73 = vector.shape_cast %broadcast_in_dim3A_25 : vector<16xf32> to vector<1x16xf32>
      tpu.vector_store %arg19[%swap3A, %swap3A_70], %swap3A_73 {strides = array<i32>} : memref<64x128xf32, #tpu.memory_space<vmem>>, vector<1x16xf32>,
      %swap3A_74 = arith.index_cast %scan3A_68 : i32 to index
      %swap3A_75 = arith.constant 32 : index
      %swap3A_76 = tpu.vector_load %arg19[%swap3A_74, %swap3A_75] {strides = array<i32>} : memref<64x128xf32, #tpu.memory_space<vmem>>, vector<1x16xf32>,
      %swap3A_77 = vector.shape_cast %swap3A_76 : vector<1x16xf32> to vector<16xf32>
      %swap3A_78 = vector.shape_cast %broadcast_in_dim3A_25 : vector<16xf32> to vector<1x16xf32>
      tpu.vector_store %arg19[%swap3A_74, %swap3A_75], %swap3A_78 {strides = array<i32>} : memref<64x128xf32, #tpu.memory_space<vmem>>, vector<1x16xf32>,
      %swap3A_79 = arith.index_cast %scan3A_68 : i32 to index
      %swap3A_80 = arith.constant 48 : index
      %swap3A_81 = tpu.vector_load %arg19[%swap3A_79, %swap3A_80] {strides = array<i32>} : memref<64x128xf32, #tpu.memory_space<vmem>>, vector<1x16xf32>,
      %swap3A_82 = vector.shape_cast %swap3A_81 : vector<1x16xf32> to vector<16xf32>
      %swap3A_83 = vector.shape_cast %broadcast_in_dim3A_25 : vector<16xf32> to vector<1x16xf32>
      tpu.vector_store %arg19[%swap3A_79, %swap3A_80], %swap3A_83 {strides = array<i32>} : memref<64x128xf32, #tpu.memory_space<vmem>>, vector<1x16xf32>,
      %swap3A_84 = arith.index_cast %scan3A_68 : i32 to index
      %swap3A_85 = arith.constant 64 : index
      %swap3A_86 = tpu.vector_load %arg19[%swap3A_84, %swap3A_85] {strides = array<i32>} : memref<64x128xf32, #tpu.memory_space<vmem>>, vector<1x16xf32>,
      %swap3A_87 = vector.shape_cast %swap3A_86 : vector<1x16xf32> to vector<16xf32>
      %swap3A_88 = vector.shape_cast %broadcast_in_dim3A_25 : vector<16xf32> to vector<1x16xf32>
      tpu.vector_store %arg19[%swap3A_84, %swap3A_85], %swap3A_88 {strides = array<i32>} : memref<64x128xf32, #tpu.memory_space<vmem>>, vector<1x16xf32>,
      %swap3A_89 = arith.index_cast %scan3A_68 : i32 to index
      %swap3A_90 = arith.constant 80 : index
      %swap3A_91 = tpu.vector_load %arg19[%swap3A_89, %swap3A_90] {strides = array<i32>} : memref<64x128xf32, #tpu.memory_space<vmem>>, vector<1x16xf32>,
      %swap3A_92 = vector.shape_cast %swap3A_91 : vector<1x16xf32> to vector<16xf32>
      %swap3A_93 = vector.shape_cast %broadcast_in_dim3A_25 : vector<16xf32> to vector<1x16xf32>
      tpu.vector_store %arg19[%swap3A_89, %swap3A_90], %swap3A_93 {strides = array<i32>} : memref<64x128xf32, #tpu.memory_space<vmem>>, vector<1x16xf32>,
      %swap3A_94 = arith.index_cast %scan3A_68 : i32 to index
      %swap3A_95 = arith.constant 96 : index
      %swap3A_96 = tpu.vector_load %arg19[%swap3A_94, %swap3A_95] {strides = array<i32>} : memref<64x128xf32, #tpu.memory_space<vmem>>, vector<1x16xf32>,
      %swap3A_97 = vector.shape_cast %swap3A_96 : vector<1x16xf32> to vector<16xf32>
      %swap3A_98 = vector.shape_cast %broadcast_in_dim3A_25 : vector<16xf32> to vector<1x16xf32>
      tpu.vector_store %arg19[%swap3A_94, %swap3A_95], %swap3A_98 {strides = array<i32>} : memref<64x128xf32, #tpu.memory_space<vmem>>, vector<1x16xf32>,
      %swap3A_99 = arith.index_cast %scan3A_68 : i32 to index
      %swap3A_100 = arith.constant 112 : index
      %swap3A_101 = tpu.vector_load %arg19[%swap3A_99, %swap3A_100] {strides = array<i32>} : memref<64x128xf32, #tpu.memory_space<vmem>>, vector<1x16xf32>,
      %swap3A_102 = vector.shape_cast %swap3A_101 : vector<1x16xf32> to vector<16xf32>
      %swap3A_103 = vector.shape_cast %broadcast_in_dim3A_25 : vector<16xf32> to vector<1x16xf32>
      tpu.vector_store %arg19[%swap3A_99, %swap3A_100], %swap3A_103 {strides = array<i32>} : memref<64x128xf32, #tpu.memory_space<vmem>>, vector<1x16xf32>,
      %scan3A_104 = arith.constant 0 : i32
      scf.yield %scan3A_104 : i32
    }
    %scan3A_33 = arith.constant 64 : i32
    %scan3A_34 = arith.constant 0 : i32
    %scan3A_35 = arith.constant 0 : i32
    %mul3A = arith.constant 1 : i32
    %mul3A_36 = arith.muli %arg0, %mul3A : i32
    %add3A = arith.addi %mul3A_36, %scan3A_35 : i32
    %mul3A_37 = arith.constant 5120 : i32
    %mul3A_38 = arith.muli %add3A, %mul3A_37 : i32
    %mul3A_39 = arith.constant 320 : i32
    %mul3A_40 = arith.muli %arg1, %mul3A_39 : i32
    %mul3A_41 = arith.constant 320 : i32
    %mul3A_42 = arith.muli %arg1, %mul3A_41 : i32
    "tpu.region"() ({
      %run_scoped3A = tpu.sem_alloc : memref<!tpu.dma_semaphore, #tpu.memory_space<semaphore_mem>>
      %dma_start3A = arith.constant 0 : i32
      %dma_start3A_68 = tpu.memref_slice %arg21[%mul3A_42, %dma_start3A] : memref<5128x128xf32, #tpu.memory_space<vmem_shared>> -> memref<320x128xf32, #tpu.memory_space<vmem_shared>>
      %dma_start3A_69 = arith.constant 0 : i32
      %dma_start3A_70 = tpu.memref_slice %arg7[%mul3A_40, %dma_start3A_69] : memref<5120x128xf32, #tpu.memory_space<hbm>> -> memref<320x128xf32, #tpu.memory_space<hbm>>
      tpu.enqueue_dma source(%dma_start3A_70 : memref<320x128xf32, #tpu.memory_space<hbm>>) target(%dma_start3A_68 : memref<320x128xf32, #tpu.memory_space<vmem_shared>>) target_semaphore(%run_scoped3A : memref<!tpu.dma_semaphore, #tpu.memory_space<semaphore_mem>>)
      %dma_wait3A = arith.constant 0 : i32
      %dma_wait3A_71 = tpu.memref_slice %arg21[%mul3A_42, %dma_wait3A] : memref<5128x128xf32, #tpu.memory_space<vmem_shared>> -> memref<320x128xf32, #tpu.memory_space<vmem_shared>>
      %dma_wait3A_72 = arith.constant 0 : i32
      %dma_wait3A_73 = tpu.memref_slice %arg7[%mul3A_40, %dma_wait3A_72] : memref<5120x128xf32, #tpu.memory_space<hbm>> -> memref<320x128xf32, #tpu.memory_space<hbm>>
      tpu.wait_dma2 semaphore(%run_scoped3A : memref<!tpu.dma_semaphore, #tpu.memory_space<semaphore_mem>>) src(%dma_wait3A_73 : memref<320x128xf32, #tpu.memory_space<hbm>>) dst(%dma_wait3A_71 : memref<320x128xf32, #tpu.memory_space<vmem_shared>>)
      tpu.yield
    }) : () -> ()
    %mul3A_43 = arith.constant 320 : i32
    %mul3A_44 = arith.muli %arg1, %mul3A_43 : i32
    %mul3A_45 = arith.constant 320 : i32
    %mul3A_46 = arith.muli %arg1, %mul3A_45 : i32
    "tpu.region"() ({
      %run_scoped3A = tpu.sem_alloc : memref<!tpu.dma_semaphore, #tpu.memory_space<semaphore_mem>>
      %dma_start3A = arith.constant 0 : i32
      %dma_start3A_68 = tpu.memref_slice %arg22[%mul3A_46, %dma_start3A] : memref<5128x128xf32, #tpu.memory_space<vmem_shared>> -> memref<320x128xf32, #tpu.memory_space<vmem_shared>>
      %dma_start3A_69 = arith.constant 0 : i32
      %dma_start3A_70 = tpu.memref_slice %arg7[%mul3A_44, %dma_start3A_69] : memref<5120x128xf32, #tpu.memory_space<hbm>> -> memref<320x128xf32, #tpu.memory_space<hbm>>
      tpu.enqueue_dma source(%dma_start3A_70 : memref<320x128xf32, #tpu.memory_space<hbm>>) target(%dma_start3A_68 : memref<320x128xf32, #tpu.memory_space<vmem_shared>>) target_semaphore(%run_scoped3A : memref<!tpu.dma_semaphore, #tpu.memory_space<semaphore_mem>>)
      %dma_wait3A = arith.constant 0 : i32
      %dma_wait3A_71 = tpu.memref_slice %arg22[%mul3A_46, %dma_wait3A] : memref<5128x128xf32, #tpu.memory_space<vmem_shared>> -> memref<320x128xf32, #tpu.memory_space<vmem_shared>>
      %dma_wait3A_72 = arith.constant 0 : i32
      %dma_wait3A_73 = tpu.memref_slice %arg7[%mul3A_44, %dma_wait3A_72] : memref<5120x128xf32, #tpu.memory_space<hbm>> -> memref<320x128xf32, #tpu.memory_space<hbm>>
      tpu.wait_dma2 semaphore(%run_scoped3A : memref<!tpu.dma_semaphore, #tpu.memory_space<semaphore_mem>>) src(%dma_wait3A_73 : memref<320x128xf32, #tpu.memory_space<hbm>>) dst(%dma_wait3A_71 : memref<320x128xf32, #tpu.memory_space<vmem_shared>>)
      tpu.yield
    }) : () -> ()
    %eq3A = arith.constant 0 : i32
    %eq3A_47 = arith.cmpi eq, %arg1, %eq3A : i32
    %convert_element_type3A = arith.extui %eq3A_47 : i1 to i32
    %cond3A = arith.constant 0 : i32
    %cond3A_48 = arith.cmpi ne, %convert_element_type3A, %cond3A : i32
    scf.if %cond3A_48 {
      "tpu.region"() ({
        %run_scoped3A = tpu.sem_alloc : memref<!tpu.dma_semaphore, #tpu.memory_space<semaphore_mem>>
        %dma_start3A = arith.constant 5120 : i32
        %dma_start3A_68 = arith.constant 0 : i32
        %dma_start3A_69 = tpu.memref_slice %arg21[%dma_start3A, %dma_start3A_68] : memref<5128x128xf32, #tpu.memory_space<vmem_shared>> -> memref<8x128xf32, #tpu.memory_space<vmem_shared>>
        %dma_start3A_70 = arith.constant 0 : i32
        %dma_start3A_71 = arith.constant 0 : i32
        %dma_start3A_72 = tpu.memref_slice %arg7[%dma_start3A_70, %dma_start3A_71] : memref<5120x128xf32, #tpu.memory_space<hbm>> -> memref<8x128xf32, #tpu.memory_space<hbm>>
        tpu.enqueue_dma source(%dma_start3A_72 : memref<8x128xf32, #tpu.memory_space<hbm>>) target(%dma_start3A_69 : memref<8x128xf32, #tpu.memory_space<vmem_shared>>) target_semaphore(%run_scoped3A : memref<!tpu.dma_semaphore, #tpu.memory_space<semaphore_mem>>)
        %dma_wait3A = arith.constant 5120 : i32
        %dma_wait3A_73 = arith.constant 0 : i32
        %dma_wait3A_74 = tpu.memref_slice %arg21[%dma_wait3A, %dma_wait3A_73] : memref<5128x128xf32, #tpu.memory_space<vmem_shared>> -> memref<8x128xf32, #tpu.memory_space<vmem_shared>>
        %dma_wait3A_75 = arith.constant 0 : i32
        %dma_wait3A_76 = arith.constant 0 : i32
        %dma_wait3A_77 = tpu.memref_slice %arg7[%dma_wait3A_75, %dma_wait3A_76] : memref<5120x128xf32, #tpu.memory_space<hbm>> -> memref<8x128xf32, #tpu.memory_space<hbm>>
        tpu.wait_dma2 semaphore(%run_scoped3A : memref<!tpu.dma_semaphore, #tpu.memory_space<semaphore_mem>>) src(%dma_wait3A_77 : memref<8x128xf32, #tpu.memory_space<hbm>>) dst(%dma_wait3A_74 : memref<8x128xf32, #tpu.memory_space<vmem_shared>>)
        tpu.yield
      }) : () -> ()
      "tpu.region"() ({
        %run_scoped3A = tpu.sem_alloc : memref<!tpu.dma_semaphore, #tpu.memory_space<semaphore_mem>>
        %dma_start3A = arith.constant 5120 : i32
        %dma_start3A_68 = arith.constant 0 : i32
        %dma_start3A_69 = tpu.memref_slice %arg22[%dma_start3A, %dma_start3A_68] : memref<5128x128xf32, #tpu.memory_space<vmem_shared>> -> memref<8x128xf32, #tpu.memory_space<vmem_shared>>
        %dma_start3A_70 = arith.constant 0 : i32
        %dma_start3A_71 = arith.constant 0 : i32
        %dma_start3A_72 = tpu.memref_slice %arg7[%dma_start3A_70, %dma_start3A_71] : memref<5120x128xf32, #tpu.memory_space<hbm>> -> memref<8x128xf32, #tpu.memory_space<hbm>>
        tpu.enqueue_dma source(%dma_start3A_72 : memref<8x128xf32, #tpu.memory_space<hbm>>) target(%dma_start3A_69 : memref<8x128xf32, #tpu.memory_space<vmem_shared>>) target_semaphore(%run_scoped3A : memref<!tpu.dma_semaphore, #tpu.memory_space<semaphore_mem>>)
        %dma_wait3A = arith.constant 5120 : i32
        %dma_wait3A_73 = arith.constant 0 : i32
        %dma_wait3A_74 = tpu.memref_slice %arg22[%dma_wait3A, %dma_wait3A_73] : memref<5128x128xf32, #tpu.memory_space<vmem_shared>> -> memref<8x128xf32, #tpu.memory_space<vmem_shared>>
        %dma_wait3A_75 = arith.constant 0 : i32
        %dma_wait3A_76 = arith.constant 0 : i32
        %dma_wait3A_77 = tpu.memref_slice %arg7[%dma_wait3A_75, %dma_wait3A_76] : memref<5120x128xf32, #tpu.memory_space<hbm>> -> memref<8x128xf32, #tpu.memory_space<hbm>>
        tpu.wait_dma2 semaphore(%run_scoped3A : memref<!tpu.dma_semaphore, #tpu.memory_space<semaphore_mem>>) src(%dma_wait3A_77 : memref<8x128xf32, #tpu.memory_space<hbm>>) dst(%dma_wait3A_74 : memref<8x128xf32, #tpu.memory_space<vmem_shared>>)
        tpu.yield
      }) : () -> ()
    } else {
    }
    %barrier3A = arith.constant 0 : index
    tpu.barrier barrier_id(%barrier3A)
    %scan3A_49 = arith.constant 0 : i32
    %scan3A_50 = arith.constant 0 : i32
    %scan3A_51 = arith.constant 10 : i32
    %scan3A_52 = arith.addi %scan3A_50, %scan3A_51 : i32
    %scan3A_53 = arith.constant 1 : i32
    %scan3A_54 = scf.for %scan3A_68 = %scan3A_50 to %scan3A_52 step %scan3A_53 iter_args(%scan3A_69 = %scan3A_49) -> (i32)  : i32 {
      %mul3A_70 = arith.constant 20000 : i32
      %mul3A_71 = arith.muli %arg1, %mul3A_70 : i32
      %mul3A_72 = arith.constant 2000 : i32
      %mul3A_73 = arith.muli %scan3A_68, %mul3A_72 : i32
      %add3A_74 = arith.addi %mul3A_71, %mul3A_73 : i32
      "tpu.region"() ({
        %run_scoped3A = tpu.sem_alloc : memref<!tpu.dma_semaphore, #tpu.memory_space<semaphore_mem>>
        %dma_start3A = tpu.memref_slice %arg4[%add3A_74] : memref<320000xi32, #tpu.memory_space<hbm>> -> memref<2000xi32, #tpu.memory_space<hbm>>
        %dma_start3A_203 = tpu.memref_slice %arg4[%add3A_74] : memref<320000xi32, #tpu.memory_space<hbm>> -> memref<2000xi32, #tpu.memory_space<hbm>>
        tpu.enqueue_dma source(%dma_start3A_203 : memref<2000xi32, #tpu.memory_space<hbm>>) target(%arg10 : memref<2000xi32, #tpu.memory_space<vmem>>) target_semaphore(%run_scoped3A : memref<!tpu.dma_semaphore, #tpu.memory_space<semaphore_mem>>)
        %dma_wait3A = tpu.memref_slice %arg4[%add3A_74] : memref<320000xi32, #tpu.memory_space<hbm>> -> memref<2000xi32, #tpu.memory_space<hbm>>
        %dma_wait3A_204 = tpu.memref_slice %arg4[%add3A_74] : memref<320000xi32, #tpu.memory_space<hbm>> -> memref<2000xi32, #tpu.memory_space<hbm>>
        tpu.wait_dma2 semaphore(%run_scoped3A : memref<!tpu.dma_semaphore, #tpu.memory_space<semaphore_mem>>) src(%dma_wait3A_204 : memref<2000xi32, #tpu.memory_space<hbm>>) dst(%arg10 : memref<2000xi32, #tpu.memory_space<vmem>>)
        tpu.yield
      }) : () -> ()
      "tpu.region"() ({
        %run_scoped3A = tpu.sem_alloc : memref<!tpu.dma_semaphore, #tpu.memory_space<semaphore_mem>>
        %dma_start3A = tpu.memref_slice %arg5[%add3A_74] : memref<320000xi32, #tpu.memory_space<hbm>> -> memref<2000xi32, #tpu.memory_space<hbm>>
        %dma_start3A_203 = tpu.memref_slice %arg5[%add3A_74] : memref<320000xi32, #tpu.memory_space<hbm>> -> memref<2000xi32, #tpu.memory_space<hbm>>
        tpu.enqueue_dma source(%dma_start3A_203 : memref<2000xi32, #tpu.memory_space<hbm>>) target(%arg11 : memref<2000xi32, #tpu.memory_space<vmem>>) target_semaphore(%run_scoped3A : memref<!tpu.dma_semaphore, #tpu.memory_space<semaphore_mem>>)
        %dma_wait3A = tpu.memref_slice %arg5[%add3A_74] : memref<320000xi32, #tpu.memory_space<hbm>> -> memref<2000xi32, #tpu.memory_space<hbm>>
        %dma_wait3A_204 = tpu.memref_slice %arg5[%add3A_74] : memref<320000xi32, #tpu.memory_space<hbm>> -> memref<2000xi32, #tpu.memory_space<hbm>>
        tpu.wait_dma2 semaphore(%run_scoped3A : memref<!tpu.dma_semaphore, #tpu.memory_space<semaphore_mem>>) src(%dma_wait3A_204 : memref<2000xi32, #tpu.memory_space<hbm>>) dst(%arg11 : memref<2000xi32, #tpu.memory_space<vmem>>)
        tpu.yield
      }) : () -> ()
      %scan3A_75 = arith.constant 0 : i32
      %scan3A_76 = arith.constant 0 : i32
      %scan3A_77 = arith.constant 125 : i32
      %scan3A_78 = arith.addi %scan3A_76, %scan3A_77 : i32
      %scan3A_79 = arith.constant 1 : i32
      %scan3A_80 = scf.for %scan3A_203 = %scan3A_76 to %scan3A_78 step %scan3A_79 iter_args(%scan3A_204 = %scan3A_75) -> (i32)  : i32 {
        %mul3A_205 = arith.constant 16 : i32
        %mul3A_206 = arith.muli %mul3A_205, %scan3A_203 : i32
        %get3A_207 = arith.index_cast %mul3A_206 : i32 to index
        %get3A_208 = tpu.vector_load %arg11[%get3A_207] {strides = array<i32>} : memref<2000xi32, #tpu.memory_space<vmem>>, vector<16xi32>,
        %get3A_209 = vector.shape_cast %get3A_208 : vector<16xi32> to vector<16xi32>
        %mul3A_210 = arith.constant 16 : i32
        %mul3A_211 = arith.muli %mul3A_210, %scan3A_203 : i32
        %get3A_212 = arith.index_cast %mul3A_211 : i32 to index
        %get3A_213 = tpu.vector_load %arg10[%get3A_212] {strides = array<i32>} : memref<2000xi32, #tpu.memory_space<vmem>>, vector<16xi32>,
        %get3A_214 = vector.shape_cast %get3A_213 : vector<16xi32> to vector<16xi32>
        %ge3A = vector.broadcast %mul3A_38 : i32 to vector<16xi32>
        %ge3A_215 = arith.cmpi sge, %get3A_209, %ge3A : vector<16xi32>
        %add3A_216 = arith.constant 5120 : i32
        %add3A_217 = arith.addi %mul3A_38, %add3A_216 : i32
        %lt3A = vector.broadcast %add3A_217 : i32 to vector<16xi32>
        %lt3A_218 = arith.cmpi slt, %get3A_209, %lt3A : vector<16xi32>
        %and3A_219 = arith.andi %ge3A_215, %lt3A_218 : vector<16xi1>
        %jit3A_220 = arith.constant 1 : i32
        %jit3A_221 = arith.constant 0 : i32
        %broadcast_in_dim3A_222 = vector.broadcast %jit3A_220 : i32 to vector<16xi32>
        %broadcast_in_dim3A_223 = vector.broadcast %jit3A_221 : i32 to vector<16xi32>
        %select_n3A_224 = arith.select %and3A_219, %broadcast_in_dim3A_222, %broadcast_in_dim3A_223 : vector<16xi1>, vector<16xi32>
        %sub3A_225 = arith.constant 1 : i32
        %sub3A_226 = vector.broadcast %sub3A_225 : i32 to vector<16xi32>
        %sub3A_227 = arith.subi %iota3A, %sub3A_226 : vector<16xi32>
        %max3A = arith.constant 0 : i32
        %max3A_228 = vector.broadcast %max3A : i32 to vector<16xi32>
        %max3A_229 = arith.maxsi %sub3A_227, %max3A_228 : vector<16xi32>
        %lt3A_230 = arith.constant 0 : i32
        %lt3A_231 = vector.broadcast %lt3A_230 : i32 to vector<16xi32>
        %lt3A_232 = arith.cmpi slt, %max3A_229, %lt3A_231 : vector<16xi32>
        %add3A_233 = arith.constant 16 : i32
        %add3A_234 = vector.broadcast %add3A_233 : i32 to vector<16xi32>
        %add3A_235 = arith.addi %max3A_229, %add3A_234 : vector<16xi32>
        %select_n3A_236 = arith.select %lt3A_232, %add3A_235, %max3A_229 : vector<16xi1>, vector<16xi32>
        %broadcast_in_dim3A_237 = vector.shape_cast %select_n3A_236 : vector<16xi32> to vector<16x1xi32>
        %gather3A = vector.shape_cast %broadcast_in_dim3A_237 : vector<16x1xi32> to vector<16xi32>
        %gather3A_238 = tpu.dynamic_gather %select_n3A_224[%gather3A] in [0] : vector<16xi32>, vector<16xi32> -> vector<16xi32>
        %ge3A_239 = arith.constant 1 : i32
        %ge3A_240 = vector.broadcast %ge3A_239 : i32 to vector<16xi32>
        %ge3A_241 = arith.cmpi sge, %iota3A, %ge3A_240 : vector<16xi32>
        %jit3A_242 = arith.constant 0 : i32
        %broadcast_in_dim3A_243 = vector.broadcast %jit3A_242 : i32 to vector<16xi32>
        %select_n3A_244 = arith.select %ge3A_241, %gather3A_238, %broadcast_in_dim3A_243 : vector<16xi1>, vector<16xi32>
        %add3A_245 = arith.addi %select_n3A_224, %select_n3A_244 : vector<16xi32>
        %sub3A_246 = arith.constant 2 : i32
        %sub3A_247 = vector.broadcast %sub3A_246 : i32 to vector<16xi32>
        %sub3A_248 = arith.subi %iota3A, %sub3A_247 : vector<16xi32>
        %max3A_249 = arith.constant 0 : i32
        %max3A_250 = vector.broadcast %max3A_249 : i32 to vector<16xi32>
        %max3A_251 = arith.maxsi %sub3A_248, %max3A_250 : vector<16xi32>
        %lt3A_252 = arith.constant 0 : i32
        %lt3A_253 = vector.broadcast %lt3A_252 : i32 to vector<16xi32>
        %lt3A_254 = arith.cmpi slt, %max3A_251, %lt3A_253 : vector<16xi32>
        %add3A_255 = arith.constant 16 : i32
        %add3A_256 = vector.broadcast %add3A_255 : i32 to vector<16xi32>
        %add3A_257 = arith.addi %max3A_251, %add3A_256 : vector<16xi32>
        %select_n3A_258 = arith.select %lt3A_254, %add3A_257, %max3A_251 : vector<16xi1>, vector<16xi32>
        %broadcast_in_dim3A_259 = vector.shape_cast %select_n3A_258 : vector<16xi32> to vector<16x1xi32>
        %gather3A_260 = vector.shape_cast %broadcast_in_dim3A_259 : vector<16x1xi32> to vector<16xi32>
        %gather3A_261 = tpu.dynamic_gather %add3A_245[%gather3A_260] in [0] : vector<16xi32>, vector<16xi32> -> vector<16xi32>
        %ge3A_262 = arith.constant 2 : i32
        %ge3A_263 = vector.broadcast %ge3A_262 : i32 to vector<16xi32>
        %ge3A_264 = arith.cmpi sge, %iota3A, %ge3A_263 : vector<16xi32>
        %jit3A_265 = arith.constant 0 : i32
        %broadcast_in_dim3A_266 = vector.broadcast %jit3A_265 : i32 to vector<16xi32>
        %select_n3A_267 = arith.select %ge3A_264, %gather3A_261, %broadcast_in_dim3A_266 : vector<16xi1>, vector<16xi32>
        %add3A_268 = arith.addi %add3A_245, %select_n3A_267 : vector<16xi32>
        %sub3A_269 = arith.constant 4 : i32
        %sub3A_270 = vector.broadcast %sub3A_269 : i32 to vector<16xi32>
        %sub3A_271 = arith.subi %iota3A, %sub3A_270 : vector<16xi32>
        %max3A_272 = arith.constant 0 : i32
        %max3A_273 = vector.broadcast %max3A_272 : i32 to vector<16xi32>
        %max3A_274 = arith.maxsi %sub3A_271, %max3A_273 : vector<16xi32>
        %lt3A_275 = arith.constant 0 : i32
        %lt3A_276 = vector.broadcast %lt3A_275 : i32 to vector<16xi32>
        %lt3A_277 = arith.cmpi slt, %max3A_274, %lt3A_276 : vector<16xi32>
        %add3A_278 = arith.constant 16 : i32
        %add3A_279 = vector.broadcast %add3A_278 : i32 to vector<16xi32>
        %add3A_280 = arith.addi %max3A_274, %add3A_279 : vector<16xi32>
        %select_n3A_281 = arith.select %lt3A_277, %add3A_280, %max3A_274 : vector<16xi1>, vector<16xi32>
        %broadcast_in_dim3A_282 = vector.shape_cast %select_n3A_281 : vector<16xi32> to vector<16x1xi32>
        %gather3A_283 = vector.shape_cast %broadcast_in_dim3A_282 : vector<16x1xi32> to vector<16xi32>
        %gather3A_284 = tpu.dynamic_gather %add3A_268[%gather3A_283] in [0] : vector<16xi32>, vector<16xi32> -> vector<16xi32>
        %ge3A_285 = arith.constant 4 : i32
        %ge3A_286 = vector.broadcast %ge3A_285 : i32 to vector<16xi32>
        %ge3A_287 = arith.cmpi sge, %iota3A, %ge3A_286 : vector<16xi32>
        %jit3A_288 = arith.constant 0 : i32
        %broadcast_in_dim3A_289 = vector.broadcast %jit3A_288 : i32 to vector<16xi32>
        %select_n3A_290 = arith.select %ge3A_287, %gather3A_284, %broadcast_in_dim3A_289 : vector<16xi1>, vector<16xi32>
        %add3A_291 = arith.addi %add3A_268, %select_n3A_290 : vector<16xi32>
        %sub3A_292 = arith.constant 8 : i32
        %sub3A_293 = vector.broadcast %sub3A_292 : i32 to vector<16xi32>
        %sub3A_294 = arith.subi %iota3A, %sub3A_293 : vector<16xi32>
        %max3A_295 = arith.constant 0 : i32
        %max3A_296 = vector.broadcast %max3A_295 : i32 to vector<16xi32>
        %max3A_297 = arith.maxsi %sub3A_294, %max3A_296 : vector<16xi32>
        %lt3A_298 = arith.constant 0 : i32
        %lt3A_299 = vector.broadcast %lt3A_298 : i32 to vector<16xi32>
        %lt3A_300 = arith.cmpi slt, %max3A_297, %lt3A_299 : vector<16xi32>
        %add3A_301 = arith.constant 16 : i32
        %add3A_302 = vector.broadcast %add3A_301 : i32 to vector<16xi32>
        %add3A_303 = arith.addi %max3A_297, %add3A_302 : vector<16xi32>
        %select_n3A_304 = arith.select %lt3A_300, %add3A_303, %max3A_297 : vector<16xi1>, vector<16xi32>
        %broadcast_in_dim3A_305 = vector.shape_cast %select_n3A_304 : vector<16xi32> to vector<16x1xi32>
        %gather3A_306 = vector.shape_cast %broadcast_in_dim3A_305 : vector<16x1xi32> to vector<16xi32>
        %gather3A_307 = tpu.dynamic_gather %add3A_291[%gather3A_306] in [0] : vector<16xi32>, vector<16xi32> -> vector<16xi32>
        %ge3A_308 = arith.constant 8 : i32
        %ge3A_309 = vector.broadcast %ge3A_308 : i32 to vector<16xi32>
        %ge3A_310 = arith.cmpi sge, %iota3A, %ge3A_309 : vector<16xi32>
        %jit3A_311 = arith.constant 0 : i32
        %broadcast_in_dim3A_312 = vector.broadcast %jit3A_311 : i32 to vector<16xi32>
        %select_n3A_313 = arith.select %ge3A_310, %gather3A_307, %broadcast_in_dim3A_312 : vector<16xi1>, vector<16xi32>
        %add3A_314 = arith.addi %add3A_291, %select_n3A_313 : vector<16xi32>
        %add3A_315 = arith.constant 1 : i32
        %add3A_316 = vector.broadcast %add3A_315 : i32 to vector<16xi32>
        %add3A_317 = arith.addi %iota3A, %add3A_316 : vector<16xi32>
        %broadcast_in_dim3A_318 = arith.constant 0 : i32
        %broadcast_in_dim3A_319 = vector.broadcast %broadcast_in_dim3A_318 : i32 to vector<16xi32>
        %add3A_320 = arith.constant 8 : i32
        %add3A_321 = vector.broadcast %add3A_320 : i32 to vector<16xi32>
        %add3A_322 = arith.addi %broadcast_in_dim3A_319, %add3A_321 : vector<16xi32>
        %sub3A_323 = arith.constant 1 : i32
        %sub3A_324 = vector.broadcast %sub3A_323 : i32 to vector<16xi32>
        %sub3A_325 = arith.subi %add3A_322, %sub3A_324 : vector<16xi32>
        %max3A_326 = arith.constant 0 : i32
        %max3A_327 = vector.broadcast %max3A_326 : i32 to vector<16xi32>
        %max3A_328 = arith.maxsi %sub3A_325, %max3A_327 : vector<16xi32>
        %lt3A_329 = arith.constant 0 : i32
        %lt3A_330 = vector.broadcast %lt3A_329 : i32 to vector<16xi32>
        %lt3A_331 = arith.cmpi slt, %max3A_328, %lt3A_330 : vector<16xi32>
        %add3A_332 = arith.constant 16 : i32
        %add3A_333 = vector.broadcast %add3A_332 : i32 to vector<16xi32>
        %add3A_334 = arith.addi %max3A_328, %add3A_333 : vector<16xi32>
        %select_n3A_335 = arith.select %lt3A_331, %add3A_334, %max3A_328 : vector<16xi1>, vector<16xi32>
        %broadcast_in_dim3A_336 = vector.shape_cast %select_n3A_335 : vector<16xi32> to vector<16x1xi32>
        %gather3A_337 = vector.shape_cast %broadcast_in_dim3A_336 : vector<16x1xi32> to vector<16xi32>
        %gather3A_338 = tpu.dynamic_gather %add3A_314[%gather3A_337] in [0] : vector<16xi32>, vector<16xi32> -> vector<16xi32>
        %lt3A_339 = arith.cmpi slt, %gather3A_338, %add3A_317 : vector<16xi32>
        %select_n3A_340 = arith.select %lt3A_339, %add3A_322, %broadcast_in_dim3A_319 : vector<16xi1>, vector<16xi32>
        %add3A_341 = arith.constant 4 : i32
        %add3A_342 = vector.broadcast %add3A_341 : i32 to vector<16xi32>
        %add3A_343 = arith.addi %select_n3A_340, %add3A_342 : vector<16xi32>
        %sub3A_344 = arith.constant 1 : i32
        %sub3A_345 = vector.broadcast %sub3A_344 : i32 to vector<16xi32>
        %sub3A_346 = arith.subi %add3A_343, %sub3A_345 : vector<16xi32>
        %max3A_347 = arith.constant 0 : i32
        %max3A_348 = vector.broadcast %max3A_347 : i32 to vector<16xi32>
        %max3A_349 = arith.maxsi %sub3A_346, %max3A_348 : vector<16xi32>
        %lt3A_350 = arith.constant 0 : i32
        %lt3A_351 = vector.broadcast %lt3A_350 : i32 to vector<16xi32>
        %lt3A_352 = arith.cmpi slt, %max3A_349, %lt3A_351 : vector<16xi32>
        %add3A_353 = arith.constant 16 : i32
        %add3A_354 = vector.broadcast %add3A_353 : i32 to vector<16xi32>
        %add3A_355 = arith.addi %max3A_349, %add3A_354 : vector<16xi32>
        %select_n3A_356 = arith.select %lt3A_352, %add3A_355, %max3A_349 : vector<16xi1>, vector<16xi32>
        %broadcast_in_dim3A_357 = vector.shape_cast %select_n3A_356 : vector<16xi32> to vector<16x1xi32>
        %gather3A_358 = vector.shape_cast %broadcast_in_dim3A_357 : vector<16x1xi32> to vector<16xi32>
        %gather3A_359 = tpu.dynamic_gather %add3A_314[%gather3A_358] in [0] : vector<16xi32>, vector<16xi32> -> vector<16xi32>
        %lt3A_360 = arith.cmpi slt, %gather3A_359, %add3A_317 : vector<16xi32>
        %select_n3A_361 = arith.select %lt3A_360, %add3A_343, %select_n3A_340 : vector<16xi1>, vector<16xi32>
        %add3A_362 = arith.constant 2 : i32
        %add3A_363 = vector.broadcast %add3A_362 : i32 to vector<16xi32>
        %add3A_364 = arith.addi %select_n3A_361, %add3A_363 : vector<16xi32>
        %sub3A_365 = arith.constant 1 : i32
        %sub3A_366 = vector.broadcast %sub3A_365 : i32 to vector<16xi32>
        %sub3A_367 = arith.subi %add3A_364, %sub3A_366 : vector<16xi32>
        %max3A_368 = arith.constant 0 : i32
        %max3A_369 = vector.broadcast %max3A_368 : i32 to vector<16xi32>
        %max3A_370 = arith.maxsi %sub3A_367, %max3A_369 : vector<16xi32>
        %lt3A_371 = arith.constant 0 : i32
        %lt3A_372 = vector.broadcast %lt3A_371 : i32 to vector<16xi32>
        %lt3A_373 = arith.cmpi slt, %max3A_370, %lt3A_372 : vector<16xi32>
        %add3A_374 = arith.constant 16 : i32
        %add3A_375 = vector.broadcast %add3A_374 : i32 to vector<16xi32>
        %add3A_376 = arith.addi %max3A_370, %add3A_375 : vector<16xi32>
        %select_n3A_377 = arith.select %lt3A_373, %add3A_376, %max3A_370 : vector<16xi1>, vector<16xi32>
        %broadcast_in_dim3A_378 = vector.shape_cast %select_n3A_377 : vector<16xi32> to vector<16x1xi32>
        %gather3A_379 = vector.shape_cast %broadcast_in_dim3A_378 : vector<16x1xi32> to vector<16xi32>
        %gather3A_380 = tpu.dynamic_gather %add3A_314[%gather3A_379] in [0] : vector<16xi32>, vector<16xi32> -> vector<16xi32>
        %lt3A_381 = arith.cmpi slt, %gather3A_380, %add3A_317 : vector<16xi32>
        %select_n3A_382 = arith.select %lt3A_381, %add3A_364, %select_n3A_361 : vector<16xi1>, vector<16xi32>
        %add3A_383 = arith.constant 1 : i32
        %add3A_384 = vector.broadcast %add3A_383 : i32 to vector<16xi32>
        %add3A_385 = arith.addi %select_n3A_382, %add3A_384 : vector<16xi32>
        %sub3A_386 = arith.constant 1 : i32
        %sub3A_387 = vector.broadcast %sub3A_386 : i32 to vector<16xi32>
        %sub3A_388 = arith.subi %add3A_385, %sub3A_387 : vector<16xi32>
        %max3A_389 = arith.constant 0 : i32
        %max3A_390 = vector.broadcast %max3A_389 : i32 to vector<16xi32>
        %max3A_391 = arith.maxsi %sub3A_388, %max3A_390 : vector<16xi32>
        %lt3A_392 = arith.constant 0 : i32
        %lt3A_393 = vector.broadcast %lt3A_392 : i32 to vector<16xi32>
        %lt3A_394 = arith.cmpi slt, %max3A_391, %lt3A_393 : vector<16xi32>
        %add3A_395 = arith.constant 16 : i32
        %add3A_396 = vector.broadcast %add3A_395 : i32 to vector<16xi32>
        %add3A_397 = arith.addi %max3A_391, %add3A_396 : vector<16xi32>
        %select_n3A_398 = arith.select %lt3A_394, %add3A_397, %max3A_391 : vector<16xi1>, vector<16xi32>
        %broadcast_in_dim3A_399 = vector.shape_cast %select_n3A_398 : vector<16xi32> to vector<16x1xi32>
        %gather3A_400 = vector.shape_cast %broadcast_in_dim3A_399 : vector<16x1xi32> to vector<16xi32>
        %gather3A_401 = tpu.dynamic_gather %add3A_314[%gather3A_400] in [0] : vector<16xi32>, vector<16xi32> -> vector<16xi32>
        %lt3A_402 = arith.cmpi slt, %gather3A_401, %add3A_317 : vector<16xi32>
        %select_n3A_403 = arith.select %lt3A_402, %add3A_385, %select_n3A_382 : vector<16xi1>, vector<16xi32>
        %min3A = arith.constant 15 : i32
        %min3A_404 = vector.broadcast %min3A : i32 to vector<16xi32>
        %min3A_405 = arith.minsi %select_n3A_403, %min3A_404 : vector<16xi32>
        %lt3A_406 = arith.constant 0 : i32
        %lt3A_407 = vector.broadcast %lt3A_406 : i32 to vector<16xi32>
        %lt3A_408 = arith.cmpi slt, %min3A_405, %lt3A_407 : vector<16xi32>
        %add3A_409 = arith.constant 16 : i32
        %add3A_410 = vector.broadcast %add3A_409 : i32 to vector<16xi32>
        %add3A_411 = arith.addi %min3A_405, %add3A_410 : vector<16xi32>
        %select_n3A_412 = arith.select %lt3A_408, %add3A_411, %min3A_405 : vector<16xi1>, vector<16xi32>
        %broadcast_in_dim3A_413 = vector.shape_cast %select_n3A_412 : vector<16xi32> to vector<16x1xi32>
        %gather3A_414 = vector.shape_cast %broadcast_in_dim3A_413 : vector<16x1xi32> to vector<16xi32>
        %gather3A_415 = tpu.dynamic_gather %get3A_214[%gather3A_414] in [0] : vector<16xi32>, vector<16xi32> -> vector<16xi32>
        %swap3A_416 = arith.index_cast %scan3A_204 : i32 to index
        %swap3A_417 = tpu.vector_load %arg12[%swap3A_416] {strides = array<i32>} : memref<2080xi32, #tpu.memory_space<vmem>>, vector<16xi32>,
        %swap3A_418 = vector.shape_cast %swap3A_417 : vector<16xi32> to vector<16xi32>
        %swap3A_419 = vector.shape_cast %gather3A_415 : vector<16xi32> to vector<16xi32>
        tpu.vector_store %arg12[%swap3A_416], %swap3A_419 {strides = array<i32>} : memref<2080xi32, #tpu.memory_space<vmem>>, vector<16xi32>,
        %lt3A_420 = arith.constant 0 : i32
        %lt3A_421 = vector.broadcast %lt3A_420 : i32 to vector<16xi32>
        %lt3A_422 = arith.cmpi slt, %min3A_405, %lt3A_421 : vector<16xi32>
        %add3A_423 = arith.constant 16 : i32
        %add3A_424 = vector.broadcast %add3A_423 : i32 to vector<16xi32>
        %add3A_425 = arith.addi %min3A_405, %add3A_424 : vector<16xi32>
        %select_n3A_426 = arith.select %lt3A_422, %add3A_425, %min3A_405 : vector<16xi1>, vector<16xi32>
        %broadcast_in_dim3A_427 = vector.shape_cast %select_n3A_426 : vector<16xi32> to vector<16x1xi32>
        %gather3A_428 = vector.shape_cast %broadcast_in_dim3A_427 : vector<16x1xi32> to vector<16xi32>
        %gather3A_429 = tpu.dynamic_gather %get3A_209[%gather3A_428] in [0] : vector<16xi32>, vector<16xi32> -> vector<16xi32>
        %swap3A_430 = arith.index_cast %scan3A_204 : i32 to index
        %swap3A_431 = tpu.vector_load %arg13[%swap3A_430] {strides = array<i32>} : memref<2080xi32, #tpu.memory_space<vmem>>, vector<16xi32>,
        %swap3A_432 = vector.shape_cast %swap3A_431 : vector<16xi32> to vector<16xi32>
        %swap3A_433 = vector.shape_cast %gather3A_429 : vector<16xi32> to vector<16xi32>
        tpu.vector_store %arg13[%swap3A_430], %swap3A_433 {strides = array<i32>} : memref<2080xi32, #tpu.memory_space<vmem>>, vector<16xi32>,
        %sub3A_434 = vector.broadcast %mul3A_38 : i32 to vector<16xi32>
        %sub3A_435 = arith.subi %gather3A_429, %sub3A_434 : vector<16xi32>
        %swap3A_436 = arith.index_cast %scan3A_204 : i32 to index
        %swap3A_437 = tpu.vector_load %arg14[%swap3A_436] {strides = array<i32>} : memref<2080xi32, #tpu.memory_space<vmem>>, vector<16xi32>,
        %swap3A_438 = vector.shape_cast %swap3A_437 : vector<16xi32> to vector<16xi32>
        %swap3A_439 = vector.shape_cast %sub3A_435 : vector<16xi32> to vector<16xi32>
        tpu.vector_store %arg14[%swap3A_436], %swap3A_439 {strides = array<i32>} : memref<2080xi32, #tpu.memory_space<vmem>>, vector<16xi32>,
        %slice3A = vector.extract_strided_slice %add3A_314 {offsets = [15], sizes = [1], strides = [1]} : vector<16xi32> to vector<1xi32>
        %squeeze3A = vector.extract %slice3A[0] : i32 from vector<1xi32>
        %add3A_440 = arith.addi %scan3A_204, %squeeze3A : i32
        scf.yield %add3A_440 : i32
      }
      %scan3A_81 = arith.constant 125 : i32
      %add3A_82 = arith.constant 0 : i32
      %add3A_83 = arith.addi %scan3A_80, %add3A_82 : i32
      %swap3A = arith.index_cast %add3A_83 : i32 to index
      %swap3A_84 = tpu.vector_load %arg12[%swap3A] {strides = array<i32>} : memref<2080xi32, #tpu.memory_space<vmem>>, vector<16xi32>,
      %swap3A_85 = vector.shape_cast %swap3A_84 : vector<16xi32> to vector<16xi32>
      %swap3A_86 = vector.shape_cast %broadcast_in_dim3A_23 : vector<16xi32> to vector<16xi32>
      tpu.vector_store %arg12[%swap3A], %swap3A_86 {strides = array<i32>} : memref<2080xi32, #tpu.memory_space<vmem>>, vector<16xi32>,
      %add3A_87 = arith.constant 0 : i32
      %add3A_88 = arith.addi %scan3A_80, %add3A_87 : i32
      %swap3A_89 = arith.index_cast %add3A_88 : i32 to index
      %swap3A_90 = tpu.vector_load %arg13[%swap3A_89] {strides = array<i32>} : memref<2080xi32, #tpu.memory_space<vmem>>, vector<16xi32>,
      %swap3A_91 = vector.shape_cast %swap3A_90 : vector<16xi32> to vector<16xi32>
      %swap3A_92 = vector.shape_cast %broadcast_in_dim3A_23 : vector<16xi32> to vector<16xi32>
      tpu.vector_store %arg13[%swap3A_89], %swap3A_92 {strides = array<i32>} : memref<2080xi32, #tpu.memory_space<vmem>>, vector<16xi32>,
      %add3A_93 = arith.constant 0 : i32
      %add3A_94 = arith.addi %scan3A_80, %add3A_93 : i32
      %swap3A_95 = arith.index_cast %add3A_94 : i32 to index
      %swap3A_96 = tpu.vector_load %arg14[%swap3A_95] {strides = array<i32>} : memref<2080xi32, #tpu.memory_space<vmem>>, vector<16xi32>,
      %swap3A_97 = vector.shape_cast %swap3A_96 : vector<16xi32> to vector<16xi32>
      %swap3A_98 = vector.shape_cast %broadcast_in_dim3A_27 : vector<16xi32> to vector<16xi32>
      tpu.vector_store %arg14[%swap3A_95], %swap3A_98 {strides = array<i32>} : memref<2080xi32, #tpu.memory_space<vmem>>, vector<16xi32>,
      %add3A_99 = arith.constant 16 : i32
      %add3A_100 = arith.addi %scan3A_80, %add3A_99 : i32
      %swap3A_101 = arith.index_cast %add3A_100 : i32 to index
      %swap3A_102 = tpu.vector_load %arg12[%swap3A_101] {strides = array<i32>} : memref<2080xi32, #tpu.memory_space<vmem>>, vector<16xi32>,
      %swap3A_103 = vector.shape_cast %swap3A_102 : vector<16xi32> to vector<16xi32>
      %swap3A_104 = vector.shape_cast %broadcast_in_dim3A_23 : vector<16xi32> to vector<16xi32>
      tpu.vector_store %arg12[%swap3A_101], %swap3A_104 {strides = array<i32>} : memref<2080xi32, #tpu.memory_space<vmem>>, vector<16xi32>,
      %add3A_105 = arith.constant 16 : i32
      %add3A_106 = arith.addi %scan3A_80, %add3A_105 : i32
      %swap3A_107 = arith.index_cast %add3A_106 : i32 to index
      %swap3A_108 = tpu.vector_load %arg13[%swap3A_107] {strides = array<i32>} : memref<2080xi32, #tpu.memory_space<vmem>>, vector<16xi32>,
      %swap3A_109 = vector.shape_cast %swap3A_108 : vector<16xi32> to vector<16xi32>
      %swap3A_110 = vector.shape_cast %broadcast_in_dim3A_23 : vector<16xi32> to vector<16xi32>
      tpu.vector_store %arg13[%swap3A_107], %swap3A_110 {strides = array<i32>} : memref<2080xi32, #tpu.memory_space<vmem>>, vector<16xi32>,
      %add3A_111 = arith.constant 16 : i32
      %add3A_112 = arith.addi %scan3A_80, %add3A_111 : i32
      %swap3A_113 = arith.index_cast %add3A_112 : i32 to index
      %swap3A_114 = tpu.vector_load %arg14[%swap3A_113] {strides = array<i32>} : memref<2080xi32, #tpu.memory_space<vmem>>, vector<16xi32>,
      %swap3A_115 = vector.shape_cast %swap3A_114 : vector<16xi32> to vector<16xi32>
      %swap3A_116 = vector.shape_cast %broadcast_in_dim3A_27 : vector<16xi32> to vector<16xi32>
      tpu.vector_store %arg14[%swap3A_113], %swap3A_116 {strides = array<i32>} : memref<2080xi32, #tpu.memory_space<vmem>>, vector<16xi32>,
      %add3A_117 = arith.constant 32 : i32
      %add3A_118 = arith.addi %scan3A_80, %add3A_117 : i32
      %swap3A_119 = arith.index_cast %add3A_118 : i32 to index
      %swap3A_120 = tpu.vector_load %arg12[%swap3A_119] {strides = array<i32>} : memref<2080xi32, #tpu.memory_space<vmem>>, vector<16xi32>,
      %swap3A_121 = vector.shape_cast %swap3A_120 : vector<16xi32> to vector<16xi32>
      %swap3A_122 = vector.shape_cast %broadcast_in_dim3A_23 : vector<16xi32> to vector<16xi32>
      tpu.vector_store %arg12[%swap3A_119], %swap3A_122 {strides = array<i32>} : memref<2080xi32, #tpu.memory_space<vmem>>, vector<16xi32>,
      %add3A_123 = arith.constant 32 : i32
      %add3A_124 = arith.addi %scan3A_80, %add3A_123 : i32
      %swap3A_125 = arith.index_cast %add3A_124 : i32 to index
      %swap3A_126 = tpu.vector_load %arg13[%swap3A_125] {strides = array<i32>} : memref<2080xi32, #tpu.memory_space<vmem>>, vector<16xi32>,
      %swap3A_127 = vector.shape_cast %swap3A_126 : vector<16xi32> to vector<16xi32>
      %swap3A_128 = vector.shape_cast %broadcast_in_dim3A_23 : vector<16xi32> to vector<16xi32>
      tpu.vector_store %arg13[%swap3A_125], %swap3A_128 {strides = array<i32>} : memref<2080xi32, #tpu.memory_space<vmem>>, vector<16xi32>,
      %add3A_129 = arith.constant 32 : i32
      %add3A_130 = arith.addi %scan3A_80, %add3A_129 : i32
      %swap3A_131 = arith.index_cast %add3A_130 : i32 to index
      %swap3A_132 = tpu.vector_load %arg14[%swap3A_131] {strides = array<i32>} : memref<2080xi32, #tpu.memory_space<vmem>>, vector<16xi32>,
      %swap3A_133 = vector.shape_cast %swap3A_132 : vector<16xi32> to vector<16xi32>
      %swap3A_134 = vector.shape_cast %broadcast_in_dim3A_27 : vector<16xi32> to vector<16xi32>
      tpu.vector_store %arg14[%swap3A_131], %swap3A_134 {strides = array<i32>} : memref<2080xi32, #tpu.memory_space<vmem>>, vector<16xi32>,
      %add3A_135 = arith.constant 48 : i32
      %add3A_136 = arith.addi %scan3A_80, %add3A_135 : i32
      %swap3A_137 = arith.index_cast %add3A_136 : i32 to index
      %swap3A_138 = tpu.vector_load %arg12[%swap3A_137] {strides = array<i32>} : memref<2080xi32, #tpu.memory_space<vmem>>, vector<16xi32>,
      %swap3A_139 = vector.shape_cast %swap3A_138 : vector<16xi32> to vector<16xi32>
      %swap3A_140 = vector.shape_cast %broadcast_in_dim3A_23 : vector<16xi32> to vector<16xi32>
      tpu.vector_store %arg12[%swap3A_137], %swap3A_140 {strides = array<i32>} : memref<2080xi32, #tpu.memory_space<vmem>>, vector<16xi32>,
      %add3A_141 = arith.constant 48 : i32
      %add3A_142 = arith.addi %scan3A_80, %add3A_141 : i32
      %swap3A_143 = arith.index_cast %add3A_142 : i32 to index
      %swap3A_144 = tpu.vector_load %arg13[%swap3A_143] {strides = array<i32>} : memref<2080xi32, #tpu.memory_space<vmem>>, vector<16xi32>,
      %swap3A_145 = vector.shape_cast %swap3A_144 : vector<16xi32> to vector<16xi32>
      %swap3A_146 = vector.shape_cast %broadcast_in_dim3A_23 : vector<16xi32> to vector<16xi32>
      tpu.vector_store %arg13[%swap3A_143], %swap3A_146 {strides = array<i32>} : memref<2080xi32, #tpu.memory_space<vmem>>, vector<16xi32>,
      %add3A_147 = arith.constant 48 : i32
      %add3A_148 = arith.addi %scan3A_80, %add3A_147 : i32
      %swap3A_149 = arith.index_cast %add3A_148 : i32 to index
      %swap3A_150 = tpu.vector_load %arg14[%swap3A_149] {strides = array<i32>} : memref<2080xi32, #tpu.memory_space<vmem>>, vector<16xi32>,
      %swap3A_151 = vector.shape_cast %swap3A_150 : vector<16xi32> to vector<16xi32>
      %swap3A_152 = vector.shape_cast %broadcast_in_dim3A_27 : vector<16xi32> to vector<16xi32>
      tpu.vector_store %arg14[%swap3A_149], %swap3A_152 {strides = array<i32>} : memref<2080xi32, #tpu.memory_space<vmem>>, vector<16xi32>,
      %add3A_153 = arith.constant 64 : i32
      %add3A_154 = arith.addi %scan3A_80, %add3A_153 : i32
      %swap3A_155 = arith.index_cast %add3A_154 : i32 to index
      %swap3A_156 = tpu.vector_load %arg12[%swap3A_155] {strides = array<i32>} : memref<2080xi32, #tpu.memory_space<vmem>>, vector<16xi32>,
      %swap3A_157 = vector.shape_cast %swap3A_156 : vector<16xi32> to vector<16xi32>
      %swap3A_158 = vector.shape_cast %broadcast_in_dim3A_23 : vector<16xi32> to vector<16xi32>
      tpu.vector_store %arg12[%swap3A_155], %swap3A_158 {strides = array<i32>} : memref<2080xi32, #tpu.memory_space<vmem>>, vector<16xi32>,
      %add3A_159 = arith.constant 64 : i32
      %add3A_160 = arith.addi %scan3A_80, %add3A_159 : i32
      %swap3A_161 = arith.index_cast %add3A_160 : i32 to index
      %swap3A_162 = tpu.vector_load %arg13[%swap3A_161] {strides = array<i32>} : memref<2080xi32, #tpu.memory_space<vmem>>, vector<16xi32>,
      %swap3A_163 = vector.shape_cast %swap3A_162 : vector<16xi32> to vector<16xi32>
      %swap3A_164 = vector.shape_cast %broadcast_in_dim3A_23 : vector<16xi32> to vector<16xi32>
      tpu.vector_store %arg13[%swap3A_161], %swap3A_164 {strides = array<i32>} : memref<2080xi32, #tpu.memory_space<vmem>>, vector<16xi32>,
      %add3A_165 = arith.constant 64 : i32
      %add3A_166 = arith.addi %scan3A_80, %add3A_165 : i32
      %swap3A_167 = arith.index_cast %add3A_166 : i32 to index
      %swap3A_168 = tpu.vector_load %arg14[%swap3A_167] {strides = array<i32>} : memref<2080xi32, #tpu.memory_space<vmem>>, vector<16xi32>,
      %swap3A_169 = vector.shape_cast %swap3A_168 : vector<16xi32> to vector<16xi32>
      %swap3A_170 = vector.shape_cast %broadcast_in_dim3A_27 : vector<16xi32> to vector<16xi32>
      tpu.vector_store %arg14[%swap3A_167], %swap3A_170 {strides = array<i32>} : memref<2080xi32, #tpu.memory_space<vmem>>, vector<16xi32>,
      %add3A_171 = arith.constant 64 : i32
      %add3A_172 = arith.addi %scan3A_80, %add3A_171 : i32
      %sub3A = arith.constant 1 : i32
      %sub3A_173 = arith.subi %add3A_172, %sub3A : i32
      %jit3A = arith.constant 64 : i32
      %div3A = arith.divsi %sub3A_173, %jit3A : i32
      %sign3A = arith.constant 0 : i32
      %sign3A_174 = arith.cmpi sgt, %sub3A_173, %sign3A : i32
      %sign3A_175 = arith.extui %sign3A_174 : i1 to i32
      %sign3A_176 = arith.constant 0 : i32
      %sign3A_177 = arith.cmpi slt, %sub3A_173, %sign3A_176 : i32
      %sign3A_178 = arith.extui %sign3A_177 : i1 to i32
      %sign3A_179 = arith.subi %sign3A_175, %sign3A_178 : i32
      %sign3A_180 = arith.constant 0 : i32
      %sign3A_181 = arith.cmpi sgt, %jit3A, %sign3A_180 : i32
      %sign3A_182 = arith.extui %sign3A_181 : i1 to i32
      %sign3A_183 = arith.constant 0 : i32
      %sign3A_184 = arith.cmpi slt, %jit3A, %sign3A_183 : i32
      %sign3A_185 = arith.extui %sign3A_184 : i1 to i32
      %sign3A_186 = arith.subi %sign3A_182, %sign3A_185 : i32
      %ne3A = arith.cmpi ne, %sign3A_179, %sign3A_186 : i32
      %rem3A = arith.remsi %sub3A_173, %jit3A : i32
      %ne3A_187 = arith.constant 0 : i32
      %ne3A_188 = arith.cmpi ne, %rem3A, %ne3A_187 : i32
      %and3A = arith.andi %ne3A, %ne3A_188 : i1
      %sub3A_189 = arith.constant 1 : i32
      %sub3A_190 = arith.subi %div3A, %sub3A_189 : i32
      %select_n3A = arith.select %and3A, %sub3A_190, %div3A : i32
      %while3A = arith.constant 0 : i32
      %while3A_191 = arith.constant 0 : i32
      %while3A_192 = arith.subi %select_n3A, %while3A : i32
      %while3A_193 = arith.addi %while3A, %while3A_192 : i32
      %while3A_194 = arith.constant 1 : i32
      %while3A_195 = arith.divsi %while3A_192, %while3A_194 : i32
      %while3A_196 = arith.muli %while3A_195, %while3A_194 : i32
      %while3A_197 = arith.addi %while3A, %while3A_196 : i32
      %while3A_198 = arith.constant 1 : i32
      %while3A_199 = scf.for %while3A_203 = %while3A to %while3A_197 step %while3A_198 iter_args(%while3A_204 = %while3A_191) -> (i32)  : i32 {
        %mul3A_205 = arith.constant 64 : i32
        %mul3A_206 = arith.muli %while3A_203, %mul3A_205 : i32
        %add3A_207 = arith.constant 0 : i32
        %add3A_208 = arith.addi %mul3A_206, %add3A_207 : i32
        %get3A_209 = arith.index_cast %add3A_208 : i32 to index
        %get3A_210 = tpu.vector_load %arg14[%get3A_209] {strides = array<i32>} : memref<2080xi32, #tpu.memory_space<vmem>>, vector<16xi32>,
        %get3A_211 = vector.shape_cast %get3A_210 : vector<16xi32> to vector<16xi32>
        %swap3A_212 = arith.constant 0 : index
        %swap3A_213 = tpu.vector_load %arg15[%swap3A_212] {strides = array<i32>} : memref<64xi32, #tpu.memory_space<vmem>>, vector<16xi32>,
        %swap3A_214 = vector.shape_cast %swap3A_213 : vector<16xi32> to vector<16xi32>
        %swap3A_215 = vector.shape_cast %get3A_211 : vector<16xi32> to vector<16xi32>
        tpu.vector_store %arg15[%swap3A_212], %swap3A_215 {strides = array<i32>} : memref<64xi32, #tpu.memory_space<vmem>>, vector<16xi32>,
        %add3A_216 = arith.constant 16 : i32
        %add3A_217 = arith.addi %mul3A_206, %add3A_216 : i32
        %get3A_218 = arith.index_cast %add3A_217 : i32 to index
        %get3A_219 = tpu.vector_load %arg14[%get3A_218] {strides = array<i32>} : memref<2080xi32, #tpu.memory_space<vmem>>, vector<16xi32>,
        %get3A_220 = vector.shape_cast %get3A_219 : vector<16xi32> to vector<16xi32>
        %swap3A_221 = arith.constant 16 : index
        %swap3A_222 = tpu.vector_load %arg15[%swap3A_221] {strides = array<i32>} : memref<64xi32, #tpu.memory_space<vmem>>, vector<16xi32>,
        %swap3A_223 = vector.shape_cast %swap3A_222 : vector<16xi32> to vector<16xi32>
        %swap3A_224 = vector.shape_cast %get3A_220 : vector<16xi32> to vector<16xi32>
        tpu.vector_store %arg15[%swap3A_221], %swap3A_224 {strides = array<i32>} : memref<64xi32, #tpu.memory_space<vmem>>, vector<16xi32>,
        %add3A_225 = arith.constant 32 : i32
        %add3A_226 = arith.addi %mul3A_206, %add3A_225 : i32
        %get3A_227 = arith.index_cast %add3A_226 : i32 to index
        %get3A_228 = tpu.vector_load %arg14[%get3A_227] {strides = array<i32>} : memref<2080xi32, #tpu.memory_space<vmem>>, vector<16xi32>,
        %get3A_229 = vector.shape_cast %get3A_228 : vector<16xi32> to vector<16xi32>
        %swap3A_230 = arith.constant 32 : index
        %swap3A_231 = tpu.vector_load %arg15[%swap3A_230] {strides = array<i32>} : memref<64xi32, #tpu.memory_space<vmem>>, vector<16xi32>,
        %swap3A_232 = vector.shape_cast %swap3A_231 : vector<16xi32> to vector<16xi32>
        %swap3A_233 = vector.shape_cast %get3A_229 : vector<16xi32> to vector<16xi32>
        tpu.vector_store %arg15[%swap3A_230], %swap3A_233 {strides = array<i32>} : memref<64xi32, #tpu.memory_space<vmem>>, vector<16xi32>,
        %add3A_234 = arith.constant 48 : i32
        %add3A_235 = arith.addi %mul3A_206, %add3A_234 : i32
        %get3A_236 = arith.index_cast %add3A_235 : i32 to index
        %get3A_237 = tpu.vector_load %arg14[%get3A_236] {strides = array<i32>} : memref<2080xi32, #tpu.memory_space<vmem>>, vector<16xi32>,
        %get3A_238 = vector.shape_cast %get3A_237 : vector<16xi32> to vector<16xi32>
        %swap3A_239 = arith.constant 48 : index
        %swap3A_240 = tpu.vector_load %arg15[%swap3A_239] {strides = array<i32>} : memref<64xi32, #tpu.memory_space<vmem>>, vector<16xi32>,
        %swap3A_241 = vector.shape_cast %swap3A_240 : vector<16xi32> to vector<16xi32>
        %swap3A_242 = vector.shape_cast %get3A_238 : vector<16xi32> to vector<16xi32>
        tpu.vector_store %arg15[%swap3A_239], %swap3A_242 {strides = array<i32>} : memref<64xi32, #tpu.memory_space<vmem>>, vector<16xi32>,
        %dma_start3A = tpu.memref_slice %arg12[%mul3A_206] : memref<2080xi32, #tpu.memory_space<vmem>> -> memref<64xi32, #tpu.memory_space<vmem>>
        %dma_start3A_243 = arith.constant 0 : i32
        %dma_start3A_244 = arith.constant 0 : i32
        %dma_start3A_245 = tpu.memref_slice %arg2[%dma_start3A_243, %dma_start3A_244] : memref<10240x128xf32, #tpu.memory_space<hbm>> -> memref<10240x128xf32, #tpu.memory_space<hbm>>
        tpu.enqueue_indirect_dma source(%dma_start3A_245 : memref<10240x128xf32, #tpu.memory_space<hbm>>) target(%arg16 : memref<64x128xf32, #tpu.memory_space<vmem>>) offsets(%dma_start3A : memref<64xi32, #tpu.memory_space<vmem>>) semaphore(%arg23 : memref<!tpu.dma_semaphore, #tpu.memory_space<semaphore_mem>>)
        %dma_start3A_246 = tpu.memref_slice %arg13[%mul3A_206] : memref<2080xi32, #tpu.memory_space<vmem>> -> memref<64xi32, #tpu.memory_space<vmem>>
        %dma_start3A_247 = arith.constant 0 : i32
        %dma_start3A_248 = arith.constant 0 : i32
        %dma_start3A_249 = tpu.memref_slice %arg3[%dma_start3A_247, %dma_start3A_248] : memref<10240x128xf32, #tpu.memory_space<hbm>> -> memref<10240x128xf32, #tpu.memory_space<hbm>>
        tpu.enqueue_indirect_dma source(%dma_start3A_249 : memref<10240x128xf32, #tpu.memory_space<hbm>>) target(%arg17 : memref<64x128xf32, #tpu.memory_space<vmem>>) offsets(%dma_start3A_246 : memref<64xi32, #tpu.memory_space<vmem>>) semaphore(%arg24 : memref<!tpu.dma_semaphore, #tpu.memory_space<semaphore_mem>>)
        %dma_wait3A = tpu.memref_slice %arg12[%mul3A_206] : memref<2080xi32, #tpu.memory_space<vmem>> -> memref<64xi32, #tpu.memory_space<vmem>>
        %dma_wait3A_250 = arith.constant 0 : i32
        %dma_wait3A_251 = arith.constant 0 : i32
        %dma_wait3A_252 = tpu.memref_slice %arg2[%dma_wait3A_250, %dma_wait3A_251] : memref<10240x128xf32, #tpu.memory_space<hbm>> -> memref<10240x128xf32, #tpu.memory_space<hbm>>
        tpu.wait_indirect_dma semaphore(%arg23 : memref<!tpu.dma_semaphore, #tpu.memory_space<semaphore_mem>>) src(%dma_wait3A_252 : memref<10240x128xf32, #tpu.memory_space<hbm>>) dst(%arg16 : memref<64x128xf32, #tpu.memory_space<vmem>>)
        %dma_wait3A_253 = tpu.memref_slice %arg13[%mul3A_206] : memref<2080xi32, #tpu.memory_space<vmem>> -> memref<64xi32, #tpu.memory_space<vmem>>
        %dma_wait3A_254 = arith.constant 0 : i32
        %dma_wait3A_255 = arith.constant 0 : i32
        %dma_wait3A_256 = tpu.memref_slice %arg3[%dma_wait3A_254, %dma_wait3A_255] : memref<10240x128xf32, #tpu.memory_space<hbm>> -> memref<10240x128xf32, #tpu.memory_space<hbm>>
        tpu.wait_indirect_dma semaphore(%arg24 : memref<!tpu.dma_semaphore, #tpu.memory_space<semaphore_mem>>) src(%dma_wait3A_256 : memref<10240x128xf32, #tpu.memory_space<hbm>>) dst(%arg17 : memref<64x128xf32, #tpu.memory_space<vmem>>)
        %scan3A_257 = arith.constant 0 : i32
        %scan3A_258 = arith.constant 0 : i32
        %scan3A_259 = arith.constant 64 : i32
        %scan3A_260 = arith.addi %scan3A_258, %scan3A_259 : i32
        %scan3A_261 = arith.constant 1 : i32
        %scan3A_262 = scf.for %scan3A_277 = %scan3A_258 to %scan3A_260 step %scan3A_261 iter_args(%scan3A_278 = %scan3A_257) -> (i32)  : i32 {
          %get3A_279 = arith.index_cast %scan3A_277 : i32 to index
          %get3A_280 = arith.constant 0 : index
          %get3A_281 = tpu.vector_load %arg16[%get3A_279, %get3A_280] {strides = array<i32>} : memref<64x128xf32, #tpu.memory_space<vmem>>, vector<1x16xf32>,
          %get3A_282 = vector.shape_cast %get3A_281 : vector<1x16xf32> to vector<16xf32>
          %get3A_283 = arith.index_cast %scan3A_277 : i32 to index
          %get3A_284 = arith.constant 0 : index
          %get3A_285 = tpu.vector_load %arg17[%get3A_283, %get3A_284] {strides = array<i32>} : memref<64x128xf32, #tpu.memory_space<vmem>>, vector<1x16xf32>,
          %get3A_286 = vector.shape_cast %get3A_285 : vector<1x16xf32> to vector<16xf32>
          %add3A_287 = arith.addf %get3A_282, %get3A_286 : vector<16xf32>
          %mul3A_288 = arith.constant 2.000000e-01 : f32
          %mul3A_289 = vector.broadcast %mul3A_288 : f32 to vector<16xf32>
          %mul3A_290 = arith.mulf %mul3A_289, %add3A_287 : vector<16xf32>
          %max3A = arith.maximumf %add3A_287, %mul3A_290 : vector<16xf32>
          %mul3A_291 = arith.mulf %max3A, %get3A_1 : vector<16xf32>
          %add3A_292 = arith.addf %broadcast_in_dim3A_25, %mul3A_291 : vector<16xf32>
          %get3A_293 = arith.index_cast %scan3A_277 : i32 to index
          %get3A_294 = arith.constant 16 : index
          %get3A_295 = tpu.vector_load %arg16[%get3A_293, %get3A_294] {strides = array<i32>} : memref<64x128xf32, #tpu.memory_space<vmem>>, vector<1x16xf32>,
          %get3A_296 = vector.shape_cast %get3A_295 : vector<1x16xf32> to vector<16xf32>
          %get3A_297 = arith.index_cast %scan3A_277 : i32 to index
          %get3A_298 = arith.constant 16 : index
          %get3A_299 = tpu.vector_load %arg17[%get3A_297, %get3A_298] {strides = array<i32>} : memref<64x128xf32, #tpu.memory_space<vmem>>, vector<1x16xf32>,
          %get3A_300 = vector.shape_cast %get3A_299 : vector<1x16xf32> to vector<16xf32>
          %add3A_301 = arith.addf %get3A_296, %get3A_300 : vector<16xf32>
          %mul3A_302 = arith.constant 2.000000e-01 : f32
          %mul3A_303 = vector.broadcast %mul3A_302 : f32 to vector<16xf32>
          %mul3A_304 = arith.mulf %mul3A_303, %add3A_301 : vector<16xf32>
          %max3A_305 = arith.maximumf %add3A_301, %mul3A_304 : vector<16xf32>
          %mul3A_306 = arith.mulf %max3A_305, %get3A_4 : vector<16xf32>
          %add3A_307 = arith.addf %add3A_292, %mul3A_306 : vector<16xf32>
          %get3A_308 = arith.index_cast %scan3A_277 : i32 to index
          %get3A_309 = arith.constant 32 : index
          %get3A_310 = tpu.vector_load %arg16[%get3A_308, %get3A_309] {strides = array<i32>} : memref<64x128xf32, #tpu.memory_space<vmem>>, vector<1x16xf32>,
          %get3A_311 = vector.shape_cast %get3A_310 : vector<1x16xf32> to vector<16xf32>
          %get3A_312 = arith.index_cast %scan3A_277 : i32 to index
          %get3A_313 = arith.constant 32 : index
          %get3A_314 = tpu.vector_load %arg17[%get3A_312, %get3A_313] {strides = array<i32>} : memref<64x128xf32, #tpu.memory_space<vmem>>, vector<1x16xf32>,
          %get3A_315 = vector.shape_cast %get3A_314 : vector<1x16xf32> to vector<16xf32>
          %add3A_316 = arith.addf %get3A_311, %get3A_315 : vector<16xf32>
          %mul3A_317 = arith.constant 2.000000e-01 : f32
          %mul3A_318 = vector.broadcast %mul3A_317 : f32 to vector<16xf32>
          %mul3A_319 = arith.mulf %mul3A_318, %add3A_316 : vector<16xf32>
          %max3A_320 = arith.maximumf %add3A_316, %mul3A_319 : vector<16xf32>
          %mul3A_321 = arith.mulf %max3A_320, %get3A_7 : vector<16xf32>
          %add3A_322 = arith.addf %add3A_307, %mul3A_321 : vector<16xf32>
          %get3A_323 = arith.index_cast %scan3A_277 : i32 to index
          %get3A_324 = arith.constant 48 : index
          %get3A_325 = tpu.vector_load %arg16[%get3A_323, %get3A_324] {strides = array<i32>} : memref<64x128xf32, #tpu.memory_space<vmem>>, vector<1x16xf32>,
          %get3A_326 = vector.shape_cast %get3A_325 : vector<1x16xf32> to vector<16xf32>
          %get3A_327 = arith.index_cast %scan3A_277 : i32 to index
          %get3A_328 = arith.constant 48 : index
          %get3A_329 = tpu.vector_load %arg17[%get3A_327, %get3A_328] {strides = array<i32>} : memref<64x128xf32, #tpu.memory_space<vmem>>, vector<1x16xf32>,
          %get3A_330 = vector.shape_cast %get3A_329 : vector<1x16xf32> to vector<16xf32>
          %add3A_331 = arith.addf %get3A_326, %get3A_330 : vector<16xf32>
          %mul3A_332 = arith.constant 2.000000e-01 : f32
          %mul3A_333 = vector.broadcast %mul3A_332 : f32 to vector<16xf32>
          %mul3A_334 = arith.mulf %mul3A_333, %add3A_331 : vector<16xf32>
          %max3A_335 = arith.maximumf %add3A_331, %mul3A_334 : vector<16xf32>
          %mul3A_336 = arith.mulf %max3A_335, %get3A_10 : vector<16xf32>
          %add3A_337 = arith.addf %add3A_322, %mul3A_336 : vector<16xf32>
          %get3A_338 = arith.index_cast %scan3A_277 : i32 to index
          %get3A_339 = arith.constant 64 : index
          %get3A_340 = tpu.vector_load %arg16[%get3A_338, %get3A_339] {strides = array<i32>} : memref<64x128xf32, #tpu.memory_space<vmem>>, vector<1x16xf32>,
          %get3A_341 = vector.shape_cast %get3A_340 : vector<1x16xf32> to vector<16xf32>
          %get3A_342 = arith.index_cast %scan3A_277 : i32 to index
          %get3A_343 = arith.constant 64 : index
          %get3A_344 = tpu.vector_load %arg17[%get3A_342, %get3A_343] {strides = array<i32>} : memref<64x128xf32, #tpu.memory_space<vmem>>, vector<1x16xf32>,
          %get3A_345 = vector.shape_cast %get3A_344 : vector<1x16xf32> to vector<16xf32>
          %add3A_346 = arith.addf %get3A_341, %get3A_345 : vector<16xf32>
          %mul3A_347 = arith.constant 2.000000e-01 : f32
          %mul3A_348 = vector.broadcast %mul3A_347 : f32 to vector<16xf32>
          %mul3A_349 = arith.mulf %mul3A_348, %add3A_346 : vector<16xf32>
          %max3A_350 = arith.maximumf %add3A_346, %mul3A_349 : vector<16xf32>
          %mul3A_351 = arith.mulf %max3A_350, %get3A_13 : vector<16xf32>
          %add3A_352 = arith.addf %add3A_337, %mul3A_351 : vector<16xf32>
          %get3A_353 = arith.index_cast %scan3A_277 : i32 to index
          %get3A_354 = arith.constant 80 : index
          %get3A_355 = tpu.vector_load %arg16[%get3A_353, %get3A_354] {strides = array<i32>} : memref<64x128xf32, #tpu.memory_space<vmem>>, vector<1x16xf32>,
          %get3A_356 = vector.shape_cast %get3A_355 : vector<1x16xf32> to vector<16xf32>
          %get3A_357 = arith.index_cast %scan3A_277 : i32 to index
          %get3A_358 = arith.constant 80 : index
          %get3A_359 = tpu.vector_load %arg17[%get3A_357, %get3A_358] {strides = array<i32>} : memref<64x128xf32, #tpu.memory_space<vmem>>, vector<1x16xf32>,
          %get3A_360 = vector.shape_cast %get3A_359 : vector<1x16xf32> to vector<16xf32>
          %add3A_361 = arith.addf %get3A_356, %get3A_360 : vector<16xf32>
          %mul3A_362 = arith.constant 2.000000e-01 : f32
          %mul3A_363 = vector.broadcast %mul3A_362 : f32 to vector<16xf32>
          %mul3A_364 = arith.mulf %mul3A_363, %add3A_361 : vector<16xf32>
          %max3A_365 = arith.maximumf %add3A_361, %mul3A_364 : vector<16xf32>
          %mul3A_366 = arith.mulf %max3A_365, %get3A_16 : vector<16xf32>
          %add3A_367 = arith.addf %add3A_352, %mul3A_366 : vector<16xf32>
          %get3A_368 = arith.index_cast %scan3A_277 : i32 to index
          %get3A_369 = arith.constant 96 : index
          %get3A_370 = tpu.vector_load %arg16[%get3A_368, %get3A_369] {strides = array<i32>} : memref<64x128xf32, #tpu.memory_space<vmem>>, vector<1x16xf32>,
          %get3A_371 = vector.shape_cast %get3A_370 : vector<1x16xf32> to vector<16xf32>
          %get3A_372 = arith.index_cast %scan3A_277 : i32 to index
          %get3A_373 = arith.constant 96 : index
          %get3A_374 = tpu.vector_load %arg17[%get3A_372, %get3A_373] {strides = array<i32>} : memref<64x128xf32, #tpu.memory_space<vmem>>, vector<1x16xf32>,
          %get3A_375 = vector.shape_cast %get3A_374 : vector<1x16xf32> to vector<16xf32>
          %add3A_376 = arith.addf %get3A_371, %get3A_375 : vector<16xf32>
          %mul3A_377 = arith.constant 2.000000e-01 : f32
          %mul3A_378 = vector.broadcast %mul3A_377 : f32 to vector<16xf32>
          %mul3A_379 = arith.mulf %mul3A_378, %add3A_376 : vector<16xf32>
          %max3A_380 = arith.maximumf %add3A_376, %mul3A_379 : vector<16xf32>
          %mul3A_381 = arith.mulf %max3A_380, %get3A_19 : vector<16xf32>
          %add3A_382 = arith.addf %add3A_367, %mul3A_381 : vector<16xf32>
          %get3A_383 = arith.index_cast %scan3A_277 : i32 to index
          %get3A_384 = arith.constant 112 : index
          %get3A_385 = tpu.vector_load %arg16[%get3A_383, %get3A_384] {strides = array<i32>} : memref<64x128xf32, #tpu.memory_space<vmem>>, vector<1x16xf32>,
          %get3A_386 = vector.shape_cast %get3A_385 : vector<1x16xf32> to vector<16xf32>
          %get3A_387 = arith.index_cast %scan3A_277 : i32 to index
          %get3A_388 = arith.constant 112 : index
          %get3A_389 = tpu.vector_load %arg17[%get3A_387, %get3A_388] {strides = array<i32>} : memref<64x128xf32, #tpu.memory_space<vmem>>, vector<1x16xf32>,
          %get3A_390 = vector.shape_cast %get3A_389 : vector<1x16xf32> to vector<16xf32>
          %add3A_391 = arith.addf %get3A_386, %get3A_390 : vector<16xf32>
          %mul3A_392 = arith.constant 2.000000e-01 : f32
          %mul3A_393 = vector.broadcast %mul3A_392 : f32 to vector<16xf32>
          %mul3A_394 = arith.mulf %mul3A_393, %add3A_391 : vector<16xf32>
          %max3A_395 = arith.maximumf %add3A_391, %mul3A_394 : vector<16xf32>
          %mul3A_396 = arith.mulf %max3A_395, %get3A_22 : vector<16xf32>
          %add3A_397 = arith.addf %add3A_382, %mul3A_396 : vector<16xf32>
          %xor3A = arith.constant 8 : i32
          %xor3A_398 = vector.broadcast %xor3A : i32 to vector<16xi32>
          %xor3A_399 = arith.xori %iota3A, %xor3A_398 : vector<16xi32>
          %lt3A = arith.constant 0 : i32
          %lt3A_400 = vector.broadcast %lt3A : i32 to vector<16xi32>
          %lt3A_401 = arith.cmpi slt, %xor3A_399, %lt3A_400 : vector<16xi32>
          %add3A_402 = arith.constant 16 : i32
          %add3A_403 = vector.broadcast %add3A_402 : i32 to vector<16xi32>
          %add3A_404 = arith.addi %xor3A_399, %add3A_403 : vector<16xi32>
          %select_n3A_405 = arith.select %lt3A_401, %add3A_404, %xor3A_399 : vector<16xi1>, vector<16xi32>
          %broadcast_in_dim3A_406 = vector.shape_cast %select_n3A_405 : vector<16xi32> to vector<16x1xi32>
          %gather3A = vector.shape_cast %broadcast_in_dim3A_406 : vector<16x1xi32> to vector<16xi32>
          %gather3A_407 = tpu.dynamic_gather %add3A_397[%gather3A] in [0] : vector<16xf32>, vector<16xi32> -> vector<16xf32>
          %add3A_408 = arith.addf %add3A_397, %gather3A_407 : vector<16xf32>
          %xor3A_409 = arith.constant 4 : i32
          %xor3A_410 = vector.broadcast %xor3A_409 : i32 to vector<16xi32>
          %xor3A_411 = arith.xori %iota3A, %xor3A_410 : vector<16xi32>
          %lt3A_412 = arith.constant 0 : i32
          %lt3A_413 = vector.broadcast %lt3A_412 : i32 to vector<16xi32>
          %lt3A_414 = arith.cmpi slt, %xor3A_411, %lt3A_413 : vector<16xi32>
          %add3A_415 = arith.constant 16 : i32
          %add3A_416 = vector.broadcast %add3A_415 : i32 to vector<16xi32>
          %add3A_417 = arith.addi %xor3A_411, %add3A_416 : vector<16xi32>
          %select_n3A_418 = arith.select %lt3A_414, %add3A_417, %xor3A_411 : vector<16xi1>, vector<16xi32>
          %broadcast_in_dim3A_419 = vector.shape_cast %select_n3A_418 : vector<16xi32> to vector<16x1xi32>
          %gather3A_420 = vector.shape_cast %broadcast_in_dim3A_419 : vector<16x1xi32> to vector<16xi32>
          %gather3A_421 = tpu.dynamic_gather %add3A_408[%gather3A_420] in [0] : vector<16xf32>, vector<16xi32> -> vector<16xf32>
          %add3A_422 = arith.addf %add3A_408, %gather3A_421 : vector<16xf32>
          %xor3A_423 = arith.constant 2 : i32
          %xor3A_424 = vector.broadcast %xor3A_423 : i32 to vector<16xi32>
          %xor3A_425 = arith.xori %iota3A, %xor3A_424 : vector<16xi32>
          %lt3A_426 = arith.constant 0 : i32
          %lt3A_427 = vector.broadcast %lt3A_426 : i32 to vector<16xi32>
          %lt3A_428 = arith.cmpi slt, %xor3A_425, %lt3A_427 : vector<16xi32>
          %add3A_429 = arith.constant 16 : i32
          %add3A_430 = vector.broadcast %add3A_429 : i32 to vector<16xi32>
          %add3A_431 = arith.addi %xor3A_425, %add3A_430 : vector<16xi32>
          %select_n3A_432 = arith.select %lt3A_428, %add3A_431, %xor3A_425 : vector<16xi1>, vector<16xi32>
          %broadcast_in_dim3A_433 = vector.shape_cast %select_n3A_432 : vector<16xi32> to vector<16x1xi32>
          %gather3A_434 = vector.shape_cast %broadcast_in_dim3A_433 : vector<16x1xi32> to vector<16xi32>
          %gather3A_435 = tpu.dynamic_gather %add3A_422[%gather3A_434] in [0] : vector<16xf32>, vector<16xi32> -> vector<16xf32>
          %add3A_436 = arith.addf %add3A_422, %gather3A_435 : vector<16xf32>
          %xor3A_437 = arith.constant 1 : i32
          %xor3A_438 = vector.broadcast %xor3A_437 : i32 to vector<16xi32>
          %xor3A_439 = arith.xori %iota3A, %xor3A_438 : vector<16xi32>
          %lt3A_440 = arith.constant 0 : i32
          %lt3A_441 = vector.broadcast %lt3A_440 : i32 to vector<16xi32>
          %lt3A_442 = arith.cmpi slt, %xor3A_439, %lt3A_441 : vector<16xi32>
          %add3A_443 = arith.constant 16 : i32
          %add3A_444 = vector.broadcast %add3A_443 : i32 to vector<16xi32>
          %add3A_445 = arith.addi %xor3A_439, %add3A_444 : vector<16xi32>
          %select_n3A_446 = arith.select %lt3A_442, %add3A_445, %xor3A_439 : vector<16xi1>, vector<16xi32>
          %broadcast_in_dim3A_447 = vector.shape_cast %select_n3A_446 : vector<16xi32> to vector<16x1xi32>
          %gather3A_448 = vector.shape_cast %broadcast_in_dim3A_447 : vector<16x1xi32> to vector<16xi32>
          %gather3A_449 = tpu.dynamic_gather %add3A_436[%gather3A_448] in [0] : vector<16xf32>, vector<16xi32> -> vector<16xf32>
          %add3A_450 = arith.addf %add3A_436, %gather3A_449 : vector<16xf32>
          %exp3A = math.exp %add3A_450 : vector<16xf32>
          %mul3A_451 = arith.mulf %exp3A, %get3A_282 : vector<16xf32>
          %swap3A_452 = arith.index_cast %scan3A_277 : i32 to index
          %swap3A_453 = arith.constant 0 : index
          %swap3A_454 = tpu.vector_load %arg18[%swap3A_452, %swap3A_453] {strides = array<i32>} : memref<64x128xf32, #tpu.memory_space<vmem>>, vector<1x16xf32>,
          %swap3A_455 = vector.shape_cast %swap3A_454 : vector<1x16xf32> to vector<16xf32>
          %swap3A_456 = vector.shape_cast %mul3A_451 : vector<16xf32> to vector<1x16xf32>
          tpu.vector_store %arg18[%swap3A_452, %swap3A_453], %swap3A_456 {strides = array<i32>} : memref<64x128xf32, #tpu.memory_space<vmem>>, vector<1x16xf32>,
          %mul3A_457 = arith.mulf %exp3A, %get3A_296 : vector<16xf32>
          %swap3A_458 = arith.index_cast %scan3A_277 : i32 to index
          %swap3A_459 = arith.constant 16 : index
          %swap3A_460 = tpu.vector_load %arg18[%swap3A_458, %swap3A_459] {strides = array<i32>} : memref<64x128xf32, #tpu.memory_space<vmem>>, vector<1x16xf32>,
          %swap3A_461 = vector.shape_cast %swap3A_460 : vector<1x16xf32> to vector<16xf32>
          %swap3A_462 = vector.shape_cast %mul3A_457 : vector<16xf32> to vector<1x16xf32>
          tpu.vector_store %arg18[%swap3A_458, %swap3A_459], %swap3A_462 {strides = array<i32>} : memref<64x128xf32, #tpu.memory_space<vmem>>, vector<1x16xf32>,
          %mul3A_463 = arith.mulf %exp3A, %get3A_311 : vector<16xf32>
          %swap3A_464 = arith.index_cast %scan3A_277 : i32 to index
          %swap3A_465 = arith.constant 32 : index
          %swap3A_466 = tpu.vector_load %arg18[%swap3A_464, %swap3A_465] {strides = array<i32>} : memref<64x128xf32, #tpu.memory_space<vmem>>, vector<1x16xf32>,
          %swap3A_467 = vector.shape_cast %swap3A_466 : vector<1x16xf32> to vector<16xf32>
          %swap3A_468 = vector.shape_cast %mul3A_463 : vector<16xf32> to vector<1x16xf32>
          tpu.vector_store %arg18[%swap3A_464, %swap3A_465], %swap3A_468 {strides = array<i32>} : memref<64x128xf32, #tpu.memory_space<vmem>>, vector<1x16xf32>,
          %mul3A_469 = arith.mulf %exp3A, %get3A_326 : vector<16xf32>
          %swap3A_470 = arith.index_cast %scan3A_277 : i32 to index
          %swap3A_471 = arith.constant 48 : index
          %swap3A_472 = tpu.vector_load %arg18[%swap3A_470, %swap3A_471] {strides = array<i32>} : memref<64x128xf32, #tpu.memory_space<vmem>>, vector<1x16xf32>,
          %swap3A_473 = vector.shape_cast %swap3A_472 : vector<1x16xf32> to vector<16xf32>
          %swap3A_474 = vector.shape_cast %mul3A_469 : vector<16xf32> to vector<1x16xf32>
          tpu.vector_store %arg18[%swap3A_470, %swap3A_471], %swap3A_474 {strides = array<i32>} : memref<64x128xf32, #tpu.memory_space<vmem>>, vector<1x16xf32>,
          %mul3A_475 = arith.mulf %exp3A, %get3A_341 : vector<16xf32>
          %swap3A_476 = arith.index_cast %scan3A_277 : i32 to index
          %swap3A_477 = arith.constant 64 : index
          %swap3A_478 = tpu.vector_load %arg18[%swap3A_476, %swap3A_477] {strides = array<i32>} : memref<64x128xf32, #tpu.memory_space<vmem>>, vector<1x16xf32>,
          %swap3A_479 = vector.shape_cast %swap3A_478 : vector<1x16xf32> to vector<16xf32>
          %swap3A_480 = vector.shape_cast %mul3A_475 : vector<16xf32> to vector<1x16xf32>
          tpu.vector_store %arg18[%swap3A_476, %swap3A_477], %swap3A_480 {strides = array<i32>} : memref<64x128xf32, #tpu.memory_space<vmem>>, vector<1x16xf32>,
          %mul3A_481 = arith.mulf %exp3A, %get3A_356 : vector<16xf32>
          %swap3A_482 = arith.index_cast %scan3A_277 : i32 to index
          %swap3A_483 = arith.constant 80 : index
          %swap3A_484 = tpu.vector_load %arg18[%swap3A_482, %swap3A_483] {strides = array<i32>} : memref<64x128xf32, #tpu.memory_space<vmem>>, vector<1x16xf32>,
          %swap3A_485 = vector.shape_cast %swap3A_484 : vector<1x16xf32> to vector<16xf32>
          %swap3A_486 = vector.shape_cast %mul3A_481 : vector<16xf32> to vector<1x16xf32>
          tpu.vector_store %arg18[%swap3A_482, %swap3A_483], %swap3A_486 {strides = array<i32>} : memref<64x128xf32, #tpu.memory_space<vmem>>, vector<1x16xf32>,
          %mul3A_487 = arith.mulf %exp3A, %get3A_371 : vector<16xf32>
          %swap3A_488 = arith.index_cast %scan3A_277 : i32 to index
          %swap3A_489 = arith.constant 96 : index
          %swap3A_490 = tpu.vector_load %arg18[%swap3A_488, %swap3A_489] {strides = array<i32>} : memref<64x128xf32, #tpu.memory_space<vmem>>, vector<1x16xf32>,
          %swap3A_491 = vector.shape_cast %swap3A_490 : vector<1x16xf32> to vector<16xf32>
          %swap3A_492 = vector.shape_cast %mul3A_487 : vector<16xf32> to vector<1x16xf32>
          tpu.vector_store %arg18[%swap3A_488, %swap3A_489], %swap3A_492 {strides = array<i32>} : memref<64x128xf32, #tpu.memory_space<vmem>>, vector<1x16xf32>,
          %mul3A_493 = arith.mulf %exp3A, %get3A_386 : vector<16xf32>
          %swap3A_494 = arith.index_cast %scan3A_277 : i32 to index
          %swap3A_495 = arith.constant 112 : index
          %swap3A_496 = tpu.vector_load %arg18[%swap3A_494, %swap3A_495] {strides = array<i32>} : memref<64x128xf32, #tpu.memory_space<vmem>>, vector<1x16xf32>,
          %swap3A_497 = vector.shape_cast %swap3A_496 : vector<1x16xf32> to vector<16xf32>
          %swap3A_498 = vector.shape_cast %mul3A_493 : vector<16xf32> to vector<1x16xf32>
          tpu.vector_store %arg18[%swap3A_494, %swap3A_495], %swap3A_498 {strides = array<i32>} : memref<64x128xf32, #tpu.memory_space<vmem>>, vector<1x16xf32>,
          %eq3A_499 = arith.constant 0 : i32
          %eq3A_500 = vector.broadcast %eq3A_499 : i32 to vector<16xi32>
          %eq3A_501 = arith.cmpi eq, %iota3A, %eq3A_500 : vector<16xi32>
          %select_n3A_502 = arith.select %eq3A_501, %exp3A, %broadcast_in_dim3A_25 : vector<16xi1>, vector<16xf32>
          %swap3A_503 = arith.index_cast %scan3A_277 : i32 to index
          %swap3A_504 = arith.constant 0 : index
          %swap3A_505 = tpu.vector_load %arg19[%swap3A_503, %swap3A_504] {strides = array<i32>} : memref<64x128xf32, #tpu.memory_space<vmem>>, vector<1x16xf32>,
          %swap3A_506 = vector.shape_cast %swap3A_505 : vector<1x16xf32> to vector<16xf32>
          %swap3A_507 = vector.shape_cast %select_n3A_502 : vector<16xf32> to vector<1x16xf32>
          tpu.vector_store %arg19[%swap3A_503, %swap3A_504], %swap3A_507 {strides = array<i32>} : memref<64x128xf32, #tpu.memory_space<vmem>>, vector<1x16xf32>,
          %scan3A_508 = arith.constant 0 : i32
          scf.yield %scan3A_508 : i32
        }
        %scan3A_263 = arith.constant 64 : i32
        %dma_start3A_264 = arith.constant 0 : i32
        %dma_start3A_265 = arith.constant 0 : i32
        %dma_start3A_266 = tpu.memref_slice %arg21[%dma_start3A_264, %dma_start3A_265] : memref<5128x128xf32, #tpu.memory_space<vmem_shared>> -> memref<5128x128xf32, #tpu.memory_space<vmem_shared>>
        tpu.enqueue_indirect_dma source(%arg18 : memref<64x128xf32, #tpu.memory_space<vmem>>) target(%dma_start3A_266 : memref<5128x128xf32, #tpu.memory_space<vmem_shared>>) offsets(%arg15 : memref<64xi32, #tpu.memory_space<vmem>>) semaphore(%arg25 : memref<!tpu.dma_semaphore, #tpu.memory_space<semaphore_mem>>) {add = true}
        %dma_start3A_267 = arith.constant 0 : i32
        %dma_start3A_268 = arith.constant 0 : i32
        %dma_start3A_269 = tpu.memref_slice %arg22[%dma_start3A_267, %dma_start3A_268] : memref<5128x128xf32, #tpu.memory_space<vmem_shared>> -> memref<5128x128xf32, #tpu.memory_space<vmem_shared>>
        tpu.enqueue_indirect_dma source(%arg19 : memref<64x128xf32, #tpu.memory_space<vmem>>) target(%dma_start3A_269 : memref<5128x128xf32, #tpu.memory_space<vmem_shared>>) offsets(%arg15 : memref<64xi32, #tpu.memory_space<vmem>>) semaphore(%arg25 : memref<!tpu.dma_semaphore, #tpu.memory_space<semaphore_mem>>) {add = true}
        %dma_wait3A_270 = arith.constant 0 : i32
        %dma_wait3A_271 = arith.constant 0 : i32
        %dma_wait3A_272 = tpu.memref_slice %arg21[%dma_wait3A_270, %dma_wait3A_271] : memref<5128x128xf32, #tpu.memory_space<vmem_shared>> -> memref<5128x128xf32, #tpu.memory_space<vmem_shared>>
        tpu.wait_indirect_dma semaphore(%arg25 : memref<!tpu.dma_semaphore, #tpu.memory_space<semaphore_mem>>) src(%arg18 : memref<64x128xf32, #tpu.memory_space<vmem>>) dst(%dma_wait3A_272 : memref<5128x128xf32, #tpu.memory_space<vmem_shared>>)
        %dma_wait3A_273 = arith.constant 0 : i32
        %dma_wait3A_274 = arith.constant 0 : i32
        %dma_wait3A_275 = tpu.memref_slice %arg22[%dma_wait3A_273, %dma_wait3A_274] : memref<5128x128xf32, #tpu.memory_space<vmem_shared>> -> memref<5128x128xf32, #tpu.memory_space<vmem_shared>>
        tpu.wait_indirect_dma semaphore(%arg25 : memref<!tpu.dma_semaphore, #tpu.memory_space<semaphore_mem>>) src(%arg19 : memref<64x128xf32, #tpu.memory_space<vmem>>) dst(%dma_wait3A_275 : memref<5128x128xf32, #tpu.memory_space<vmem_shared>>)
        %while3A_276 = arith.constant 0 : i32
        scf.yield %while3A_276 : i32
      }
      %while3A_200 = arith.constant 1 : i32
      %while3A_201 = scf.for %while3A_203 = %while3A_197 to %while3A_193 step %while3A_200 iter_args(%while3A_204 = %while3A_199) -> (i32)  : i32 {
        %mul3A_205 = arith.constant 64 : i32
        %mul3A_206 = arith.muli %while3A_203, %mul3A_205 : i32
        %add3A_207 = arith.constant 0 : i32
        %add3A_208 = arith.addi %mul3A_206, %add3A_207 : i32
        %get3A_209 = arith.index_cast %add3A_208 : i32 to index
        %get3A_210 = tpu.vector_load %arg14[%get3A_209] {strides = array<i32>} : memref<2080xi32, #tpu.memory_space<vmem>>, vector<16xi32>,
        %get3A_211 = vector.shape_cast %get3A_210 : vector<16xi32> to vector<16xi32>
        %swap3A_212 = arith.constant 0 : index
        %swap3A_213 = tpu.vector_load %arg15[%swap3A_212] {strides = array<i32>} : memref<64xi32, #tpu.memory_space<vmem>>, vector<16xi32>,
        %swap3A_214 = vector.shape_cast %swap3A_213 : vector<16xi32> to vector<16xi32>
        %swap3A_215 = vector.shape_cast %get3A_211 : vector<16xi32> to vector<16xi32>
        tpu.vector_store %arg15[%swap3A_212], %swap3A_215 {strides = array<i32>} : memref<64xi32, #tpu.memory_space<vmem>>, vector<16xi32>,
        %add3A_216 = arith.constant 16 : i32
        %add3A_217 = arith.addi %mul3A_206, %add3A_216 : i32
        %get3A_218 = arith.index_cast %add3A_217 : i32 to index
        %get3A_219 = tpu.vector_load %arg14[%get3A_218] {strides = array<i32>} : memref<2080xi32, #tpu.memory_space<vmem>>, vector<16xi32>,
        %get3A_220 = vector.shape_cast %get3A_219 : vector<16xi32> to vector<16xi32>
        %swap3A_221 = arith.constant 16 : index
        %swap3A_222 = tpu.vector_load %arg15[%swap3A_221] {strides = array<i32>} : memref<64xi32, #tpu.memory_space<vmem>>, vector<16xi32>,
        %swap3A_223 = vector.shape_cast %swap3A_222 : vector<16xi32> to vector<16xi32>
        %swap3A_224 = vector.shape_cast %get3A_220 : vector<16xi32> to vector<16xi32>
        tpu.vector_store %arg15[%swap3A_221], %swap3A_224 {strides = array<i32>} : memref<64xi32, #tpu.memory_space<vmem>>, vector<16xi32>,
        %add3A_225 = arith.constant 32 : i32
        %add3A_226 = arith.addi %mul3A_206, %add3A_225 : i32
        %get3A_227 = arith.index_cast %add3A_226 : i32 to index
        %get3A_228 = tpu.vector_load %arg14[%get3A_227] {strides = array<i32>} : memref<2080xi32, #tpu.memory_space<vmem>>, vector<16xi32>,
        %get3A_229 = vector.shape_cast %get3A_228 : vector<16xi32> to vector<16xi32>
        %swap3A_230 = arith.constant 32 : index
        %swap3A_231 = tpu.vector_load %arg15[%swap3A_230] {strides = array<i32>} : memref<64xi32, #tpu.memory_space<vmem>>, vector<16xi32>,
        %swap3A_232 = vector.shape_cast %swap3A_231 : vector<16xi32> to vector<16xi32>
        %swap3A_233 = vector.shape_cast %get3A_229 : vector<16xi32> to vector<16xi32>
        tpu.vector_store %arg15[%swap3A_230], %swap3A_233 {strides = array<i32>} : memref<64xi32, #tpu.memory_space<vmem>>, vector<16xi32>,
        %add3A_234 = arith.constant 48 : i32
        %add3A_235 = arith.addi %mul3A_206, %add3A_234 : i32
        %get3A_236 = arith.index_cast %add3A_235 : i32 to index
        %get3A_237 = tpu.vector_load %arg14[%get3A_236] {strides = array<i32>} : memref<2080xi32, #tpu.memory_space<vmem>>, vector<16xi32>,
        %get3A_238 = vector.shape_cast %get3A_237 : vector<16xi32> to vector<16xi32>
        %swap3A_239 = arith.constant 48 : index
        %swap3A_240 = tpu.vector_load %arg15[%swap3A_239] {strides = array<i32>} : memref<64xi32, #tpu.memory_space<vmem>>, vector<16xi32>,
        %swap3A_241 = vector.shape_cast %swap3A_240 : vector<16xi32> to vector<16xi32>
        %swap3A_242 = vector.shape_cast %get3A_238 : vector<16xi32> to vector<16xi32>
        tpu.vector_store %arg15[%swap3A_239], %swap3A_242 {strides = array<i32>} : memref<64xi32, #tpu.memory_space<vmem>>, vector<16xi32>,
        %dma_start3A = tpu.memref_slice %arg12[%mul3A_206] : memref<2080xi32, #tpu.memory_space<vmem>> -> memref<64xi32, #tpu.memory_space<vmem>>
        %dma_start3A_243 = arith.constant 0 : i32
        %dma_start3A_244 = arith.constant 0 : i32
        %dma_start3A_245 = tpu.memref_slice %arg2[%dma_start3A_243, %dma_start3A_244] : memref<10240x128xf32, #tpu.memory_space<hbm>> -> memref<10240x128xf32, #tpu.memory_space<hbm>>
        tpu.enqueue_indirect_dma source(%dma_start3A_245 : memref<10240x128xf32, #tpu.memory_space<hbm>>) target(%arg16 : memref<64x128xf32, #tpu.memory_space<vmem>>) offsets(%dma_start3A : memref<64xi32, #tpu.memory_space<vmem>>) semaphore(%arg23 : memref<!tpu.dma_semaphore, #tpu.memory_space<semaphore_mem>>)
        %dma_start3A_246 = tpu.memref_slice %arg13[%mul3A_206] : memref<2080xi32, #tpu.memory_space<vmem>> -> memref<64xi32, #tpu.memory_space<vmem>>
        %dma_start3A_247 = arith.constant 0 : i32
        %dma_start3A_248 = arith.constant 0 : i32
        %dma_start3A_249 = tpu.memref_slice %arg3[%dma_start3A_247, %dma_start3A_248] : memref<10240x128xf32, #tpu.memory_space<hbm>> -> memref<10240x128xf32, #tpu.memory_space<hbm>>
        tpu.enqueue_indirect_dma source(%dma_start3A_249 : memref<10240x128xf32, #tpu.memory_space<hbm>>) target(%arg17 : memref<64x128xf32, #tpu.memory_space<vmem>>) offsets(%dma_start3A_246 : memref<64xi32, #tpu.memory_space<vmem>>) semaphore(%arg24 : memref<!tpu.dma_semaphore, #tpu.memory_space<semaphore_mem>>)
        %dma_wait3A = tpu.memref_slice %arg12[%mul3A_206] : memref<2080xi32, #tpu.memory_space<vmem>> -> memref<64xi32, #tpu.memory_space<vmem>>
        %dma_wait3A_250 = arith.constant 0 : i32
        %dma_wait3A_251 = arith.constant 0 : i32
        %dma_wait3A_252 = tpu.memref_slice %arg2[%dma_wait3A_250, %dma_wait3A_251] : memref<10240x128xf32, #tpu.memory_space<hbm>> -> memref<10240x128xf32, #tpu.memory_space<hbm>>
        tpu.wait_indirect_dma semaphore(%arg23 : memref<!tpu.dma_semaphore, #tpu.memory_space<semaphore_mem>>) src(%dma_wait3A_252 : memref<10240x128xf32, #tpu.memory_space<hbm>>) dst(%arg16 : memref<64x128xf32, #tpu.memory_space<vmem>>)
        %dma_wait3A_253 = tpu.memref_slice %arg13[%mul3A_206] : memref<2080xi32, #tpu.memory_space<vmem>> -> memref<64xi32, #tpu.memory_space<vmem>>
        %dma_wait3A_254 = arith.constant 0 : i32
        %dma_wait3A_255 = arith.constant 0 : i32
        %dma_wait3A_256 = tpu.memref_slice %arg3[%dma_wait3A_254, %dma_wait3A_255] : memref<10240x128xf32, #tpu.memory_space<hbm>> -> memref<10240x128xf32, #tpu.memory_space<hbm>>
        tpu.wait_indirect_dma semaphore(%arg24 : memref<!tpu.dma_semaphore, #tpu.memory_space<semaphore_mem>>) src(%dma_wait3A_256 : memref<10240x128xf32, #tpu.memory_space<hbm>>) dst(%arg17 : memref<64x128xf32, #tpu.memory_space<vmem>>)
        %scan3A_257 = arith.constant 0 : i32
        %scan3A_258 = arith.constant 0 : i32
        %scan3A_259 = arith.constant 64 : i32
        %scan3A_260 = arith.addi %scan3A_258, %scan3A_259 : i32
        %scan3A_261 = arith.constant 1 : i32
        %scan3A_262 = scf.for %scan3A_277 = %scan3A_258 to %scan3A_260 step %scan3A_261 iter_args(%scan3A_278 = %scan3A_257) -> (i32)  : i32 {
          %get3A_279 = arith.index_cast %scan3A_277 : i32 to index
          %get3A_280 = arith.constant 0 : index
          %get3A_281 = tpu.vector_load %arg16[%get3A_279, %get3A_280] {strides = array<i32>} : memref<64x128xf32, #tpu.memory_space<vmem>>, vector<1x16xf32>,
          %get3A_282 = vector.shape_cast %get3A_281 : vector<1x16xf32> to vector<16xf32>
          %get3A_283 = arith.index_cast %scan3A_277 : i32 to index
          %get3A_284 = arith.constant 0 : index
          %get3A_285 = tpu.vector_load %arg17[%get3A_283, %get3A_284] {strides = array<i32>} : memref<64x128xf32, #tpu.memory_space<vmem>>, vector<1x16xf32>,
          %get3A_286 = vector.shape_cast %get3A_285 : vector<1x16xf32> to vector<16xf32>
          %add3A_287 = arith.addf %get3A_282, %get3A_286 : vector<16xf32>
          %mul3A_288 = arith.constant 2.000000e-01 : f32
          %mul3A_289 = vector.broadcast %mul3A_288 : f32 to vector<16xf32>
          %mul3A_290 = arith.mulf %mul3A_289, %add3A_287 : vector<16xf32>
          %max3A = arith.maximumf %add3A_287, %mul3A_290 : vector<16xf32>
          %mul3A_291 = arith.mulf %max3A, %get3A_1 : vector<16xf32>
          %add3A_292 = arith.addf %broadcast_in_dim3A_25, %mul3A_291 : vector<16xf32>
          %get3A_293 = arith.index_cast %scan3A_277 : i32 to index
          %get3A_294 = arith.constant 16 : index
          %get3A_295 = tpu.vector_load %arg16[%get3A_293, %get3A_294] {strides = array<i32>} : memref<64x128xf32, #tpu.memory_space<vmem>>, vector<1x16xf32>,
          %get3A_296 = vector.shape_cast %get3A_295 : vector<1x16xf32> to vector<16xf32>
          %get3A_297 = arith.index_cast %scan3A_277 : i32 to index
          %get3A_298 = arith.constant 16 : index
          %get3A_299 = tpu.vector_load %arg17[%get3A_297, %get3A_298] {strides = array<i32>} : memref<64x128xf32, #tpu.memory_space<vmem>>, vector<1x16xf32>,
          %get3A_300 = vector.shape_cast %get3A_299 : vector<1x16xf32> to vector<16xf32>
          %add3A_301 = arith.addf %get3A_296, %get3A_300 : vector<16xf32>
          %mul3A_302 = arith.constant 2.000000e-01 : f32
          %mul3A_303 = vector.broadcast %mul3A_302 : f32 to vector<16xf32>
          %mul3A_304 = arith.mulf %mul3A_303, %add3A_301 : vector<16xf32>
          %max3A_305 = arith.maximumf %add3A_301, %mul3A_304 : vector<16xf32>
          %mul3A_306 = arith.mulf %max3A_305, %get3A_4 : vector<16xf32>
          %add3A_307 = arith.addf %add3A_292, %mul3A_306 : vector<16xf32>
          %get3A_308 = arith.index_cast %scan3A_277 : i32 to index
          %get3A_309 = arith.constant 32 : index
          %get3A_310 = tpu.vector_load %arg16[%get3A_308, %get3A_309] {strides = array<i32>} : memref<64x128xf32, #tpu.memory_space<vmem>>, vector<1x16xf32>,
          %get3A_311 = vector.shape_cast %get3A_310 : vector<1x16xf32> to vector<16xf32>
          %get3A_312 = arith.index_cast %scan3A_277 : i32 to index
          %get3A_313 = arith.constant 32 : index
          %get3A_314 = tpu.vector_load %arg17[%get3A_312, %get3A_313] {strides = array<i32>} : memref<64x128xf32, #tpu.memory_space<vmem>>, vector<1x16xf32>,
          %get3A_315 = vector.shape_cast %get3A_314 : vector<1x16xf32> to vector<16xf32>
          %add3A_316 = arith.addf %get3A_311, %get3A_315 : vector<16xf32>
          %mul3A_317 = arith.constant 2.000000e-01 : f32
          %mul3A_318 = vector.broadcast %mul3A_317 : f32 to vector<16xf32>
          %mul3A_319 = arith.mulf %mul3A_318, %add3A_316 : vector<16xf32>
          %max3A_320 = arith.maximumf %add3A_316, %mul3A_319 : vector<16xf32>
          %mul3A_321 = arith.mulf %max3A_320, %get3A_7 : vector<16xf32>
          %add3A_322 = arith.addf %add3A_307, %mul3A_321 : vector<16xf32>
          %get3A_323 = arith.index_cast %scan3A_277 : i32 to index
          %get3A_324 = arith.constant 48 : index
          %get3A_325 = tpu.vector_load %arg16[%get3A_323, %get3A_324] {strides = array<i32>} : memref<64x128xf32, #tpu.memory_space<vmem>>, vector<1x16xf32>,
          %get3A_326 = vector.shape_cast %get3A_325 : vector<1x16xf32> to vector<16xf32>
          %get3A_327 = arith.index_cast %scan3A_277 : i32 to index
          %get3A_328 = arith.constant 48 : index
          %get3A_329 = tpu.vector_load %arg17[%get3A_327, %get3A_328] {strides = array<i32>} : memref<64x128xf32, #tpu.memory_space<vmem>>, vector<1x16xf32>,
          %get3A_330 = vector.shape_cast %get3A_329 : vector<1x16xf32> to vector<16xf32>
          %add3A_331 = arith.addf %get3A_326, %get3A_330 : vector<16xf32>
          %mul3A_332 = arith.constant 2.000000e-01 : f32
          %mul3A_333 = vector.broadcast %mul3A_332 : f32 to vector<16xf32>
          %mul3A_334 = arith.mulf %mul3A_333, %add3A_331 : vector<16xf32>
          %max3A_335 = arith.maximumf %add3A_331, %mul3A_334 : vector<16xf32>
          %mul3A_336 = arith.mulf %max3A_335, %get3A_10 : vector<16xf32>
          %add3A_337 = arith.addf %add3A_322, %mul3A_336 : vector<16xf32>
          %get3A_338 = arith.index_cast %scan3A_277 : i32 to index
          %get3A_339 = arith.constant 64 : index
          %get3A_340 = tpu.vector_load %arg16[%get3A_338, %get3A_339] {strides = array<i32>} : memref<64x128xf32, #tpu.memory_space<vmem>>, vector<1x16xf32>,
          %get3A_341 = vector.shape_cast %get3A_340 : vector<1x16xf32> to vector<16xf32>
          %get3A_342 = arith.index_cast %scan3A_277 : i32 to index
          %get3A_343 = arith.constant 64 : index
          %get3A_344 = tpu.vector_load %arg17[%get3A_342, %get3A_343] {strides = array<i32>} : memref<64x128xf32, #tpu.memory_space<vmem>>, vector<1x16xf32>,
          %get3A_345 = vector.shape_cast %get3A_344 : vector<1x16xf32> to vector<16xf32>
          %add3A_346 = arith.addf %get3A_341, %get3A_345 : vector<16xf32>
          %mul3A_347 = arith.constant 2.000000e-01 : f32
          %mul3A_348 = vector.broadcast %mul3A_347 : f32 to vector<16xf32>
          %mul3A_349 = arith.mulf %mul3A_348, %add3A_346 : vector<16xf32>
          %max3A_350 = arith.maximumf %add3A_346, %mul3A_349 : vector<16xf32>
          %mul3A_351 = arith.mulf %max3A_350, %get3A_13 : vector<16xf32>
          %add3A_352 = arith.addf %add3A_337, %mul3A_351 : vector<16xf32>
          %get3A_353 = arith.index_cast %scan3A_277 : i32 to index
          %get3A_354 = arith.constant 80 : index
          %get3A_355 = tpu.vector_load %arg16[%get3A_353, %get3A_354] {strides = array<i32>} : memref<64x128xf32, #tpu.memory_space<vmem>>, vector<1x16xf32>,
          %get3A_356 = vector.shape_cast %get3A_355 : vector<1x16xf32> to vector<16xf32>
          %get3A_357 = arith.index_cast %scan3A_277 : i32 to index
          %get3A_358 = arith.constant 80 : index
          %get3A_359 = tpu.vector_load %arg17[%get3A_357, %get3A_358] {strides = array<i32>} : memref<64x128xf32, #tpu.memory_space<vmem>>, vector<1x16xf32>,
          %get3A_360 = vector.shape_cast %get3A_359 : vector<1x16xf32> to vector<16xf32>
          %add3A_361 = arith.addf %get3A_356, %get3A_360 : vector<16xf32>
          %mul3A_362 = arith.constant 2.000000e-01 : f32
          %mul3A_363 = vector.broadcast %mul3A_362 : f32 to vector<16xf32>
          %mul3A_364 = arith.mulf %mul3A_363, %add3A_361 : vector<16xf32>
          %max3A_365 = arith.maximumf %add3A_361, %mul3A_364 : vector<16xf32>
          %mul3A_366 = arith.mulf %max3A_365, %get3A_16 : vector<16xf32>
          %add3A_367 = arith.addf %add3A_352, %mul3A_366 : vector<16xf32>
          %get3A_368 = arith.index_cast %scan3A_277 : i32 to index
          %get3A_369 = arith.constant 96 : index
          %get3A_370 = tpu.vector_load %arg16[%get3A_368, %get3A_369] {strides = array<i32>} : memref<64x128xf32, #tpu.memory_space<vmem>>, vector<1x16xf32>,
          %get3A_371 = vector.shape_cast %get3A_370 : vector<1x16xf32> to vector<16xf32>
          %get3A_372 = arith.index_cast %scan3A_277 : i32 to index
          %get3A_373 = arith.constant 96 : index
          %get3A_374 = tpu.vector_load %arg17[%get3A_372, %get3A_373] {strides = array<i32>} : memref<64x128xf32, #tpu.memory_space<vmem>>, vector<1x16xf32>,
          %get3A_375 = vector.shape_cast %get3A_374 : vector<1x16xf32> to vector<16xf32>
          %add3A_376 = arith.addf %get3A_371, %get3A_375 : vector<16xf32>
          %mul3A_377 = arith.constant 2.000000e-01 : f32
          %mul3A_378 = vector.broadcast %mul3A_377 : f32 to vector<16xf32>
          %mul3A_379 = arith.mulf %mul3A_378, %add3A_376 : vector<16xf32>
          %max3A_380 = arith.maximumf %add3A_376, %mul3A_379 : vector<16xf32>
          %mul3A_381 = arith.mulf %max3A_380, %get3A_19 : vector<16xf32>
          %add3A_382 = arith.addf %add3A_367, %mul3A_381 : vector<16xf32>
          %get3A_383 = arith.index_cast %scan3A_277 : i32 to index
          %get3A_384 = arith.constant 112 : index
          %get3A_385 = tpu.vector_load %arg16[%get3A_383, %get3A_384] {strides = array<i32>} : memref<64x128xf32, #tpu.memory_space<vmem>>, vector<1x16xf32>,
          %get3A_386 = vector.shape_cast %get3A_385 : vector<1x16xf32> to vector<16xf32>
          %get3A_387 = arith.index_cast %scan3A_277 : i32 to index
          %get3A_388 = arith.constant 112 : index
          %get3A_389 = tpu.vector_load %arg17[%get3A_387, %get3A_388] {strides = array<i32>} : memref<64x128xf32, #tpu.memory_space<vmem>>, vector<1x16xf32>,
          %get3A_390 = vector.shape_cast %get3A_389 : vector<1x16xf32> to vector<16xf32>
          %add3A_391 = arith.addf %get3A_386, %get3A_390 : vector<16xf32>
          %mul3A_392 = arith.constant 2.000000e-01 : f32
          %mul3A_393 = vector.broadcast %mul3A_392 : f32 to vector<16xf32>
          %mul3A_394 = arith.mulf %mul3A_393, %add3A_391 : vector<16xf32>
          %max3A_395 = arith.maximumf %add3A_391, %mul3A_394 : vector<16xf32>
          %mul3A_396 = arith.mulf %max3A_395, %get3A_22 : vector<16xf32>
          %add3A_397 = arith.addf %add3A_382, %mul3A_396 : vector<16xf32>
          %xor3A = arith.constant 8 : i32
          %xor3A_398 = vector.broadcast %xor3A : i32 to vector<16xi32>
          %xor3A_399 = arith.xori %iota3A, %xor3A_398 : vector<16xi32>
          %lt3A = arith.constant 0 : i32
          %lt3A_400 = vector.broadcast %lt3A : i32 to vector<16xi32>
          %lt3A_401 = arith.cmpi slt, %xor3A_399, %lt3A_400 : vector<16xi32>
          %add3A_402 = arith.constant 16 : i32
          %add3A_403 = vector.broadcast %add3A_402 : i32 to vector<16xi32>
          %add3A_404 = arith.addi %xor3A_399, %add3A_403 : vector<16xi32>
          %select_n3A_405 = arith.select %lt3A_401, %add3A_404, %xor3A_399 : vector<16xi1>, vector<16xi32>
          %broadcast_in_dim3A_406 = vector.shape_cast %select_n3A_405 : vector<16xi32> to vector<16x1xi32>
          %gather3A = vector.shape_cast %broadcast_in_dim3A_406 : vector<16x1xi32> to vector<16xi32>
          %gather3A_407 = tpu.dynamic_gather %add3A_397[%gather3A] in [0] : vector<16xf32>, vector<16xi32> -> vector<16xf32>
          %add3A_408 = arith.addf %add3A_397, %gather3A_407 : vector<16xf32>
          %xor3A_409 = arith.constant 4 : i32
          %xor3A_410 = vector.broadcast %xor3A_409 : i32 to vector<16xi32>
          %xor3A_411 = arith.xori %iota3A, %xor3A_410 : vector<16xi32>
          %lt3A_412 = arith.constant 0 : i32
          %lt3A_413 = vector.broadcast %lt3A_412 : i32 to vector<16xi32>
          %lt3A_414 = arith.cmpi slt, %xor3A_411, %lt3A_413 : vector<16xi32>
          %add3A_415 = arith.constant 16 : i32
          %add3A_416 = vector.broadcast %add3A_415 : i32 to vector<16xi32>
          %add3A_417 = arith.addi %xor3A_411, %add3A_416 : vector<16xi32>
          %select_n3A_418 = arith.select %lt3A_414, %add3A_417, %xor3A_411 : vector<16xi1>, vector<16xi32>
          %broadcast_in_dim3A_419 = vector.shape_cast %select_n3A_418 : vector<16xi32> to vector<16x1xi32>
          %gather3A_420 = vector.shape_cast %broadcast_in_dim3A_419 : vector<16x1xi32> to vector<16xi32>
          %gather3A_421 = tpu.dynamic_gather %add3A_408[%gather3A_420] in [0] : vector<16xf32>, vector<16xi32> -> vector<16xf32>
          %add3A_422 = arith.addf %add3A_408, %gather3A_421 : vector<16xf32>
          %xor3A_423 = arith.constant 2 : i32
          %xor3A_424 = vector.broadcast %xor3A_423 : i32 to vector<16xi32>
          %xor3A_425 = arith.xori %iota3A, %xor3A_424 : vector<16xi32>
          %lt3A_426 = arith.constant 0 : i32
          %lt3A_427 = vector.broadcast %lt3A_426 : i32 to vector<16xi32>
          %lt3A_428 = arith.cmpi slt, %xor3A_425, %lt3A_427 : vector<16xi32>
          %add3A_429 = arith.constant 16 : i32
          %add3A_430 = vector.broadcast %add3A_429 : i32 to vector<16xi32>
          %add3A_431 = arith.addi %xor3A_425, %add3A_430 : vector<16xi32>
          %select_n3A_432 = arith.select %lt3A_428, %add3A_431, %xor3A_425 : vector<16xi1>, vector<16xi32>
          %broadcast_in_dim3A_433 = vector.shape_cast %select_n3A_432 : vector<16xi32> to vector<16x1xi32>
          %gather3A_434 = vector.shape_cast %broadcast_in_dim3A_433 : vector<16x1xi32> to vector<16xi32>
          %gather3A_435 = tpu.dynamic_gather %add3A_422[%gather3A_434] in [0] : vector<16xf32>, vector<16xi32> -> vector<16xf32>
          %add3A_436 = arith.addf %add3A_422, %gather3A_435 : vector<16xf32>
          %xor3A_437 = arith.constant 1 : i32
          %xor3A_438 = vector.broadcast %xor3A_437 : i32 to vector<16xi32>
          %xor3A_439 = arith.xori %iota3A, %xor3A_438 : vector<16xi32>
          %lt3A_440 = arith.constant 0 : i32
          %lt3A_441 = vector.broadcast %lt3A_440 : i32 to vector<16xi32>
          %lt3A_442 = arith.cmpi slt, %xor3A_439, %lt3A_441 : vector<16xi32>
          %add3A_443 = arith.constant 16 : i32
          %add3A_444 = vector.broadcast %add3A_443 : i32 to vector<16xi32>
          %add3A_445 = arith.addi %xor3A_439, %add3A_444 : vector<16xi32>
          %select_n3A_446 = arith.select %lt3A_442, %add3A_445, %xor3A_439 : vector<16xi1>, vector<16xi32>
          %broadcast_in_dim3A_447 = vector.shape_cast %select_n3A_446 : vector<16xi32> to vector<16x1xi32>
          %gather3A_448 = vector.shape_cast %broadcast_in_dim3A_447 : vector<16x1xi32> to vector<16xi32>
          %gather3A_449 = tpu.dynamic_gather %add3A_436[%gather3A_448] in [0] : vector<16xf32>, vector<16xi32> -> vector<16xf32>
          %add3A_450 = arith.addf %add3A_436, %gather3A_449 : vector<16xf32>
          %exp3A = math.exp %add3A_450 : vector<16xf32>
          %mul3A_451 = arith.mulf %exp3A, %get3A_282 : vector<16xf32>
          %swap3A_452 = arith.index_cast %scan3A_277 : i32 to index
          %swap3A_453 = arith.constant 0 : index
          %swap3A_454 = tpu.vector_load %arg18[%swap3A_452, %swap3A_453] {strides = array<i32>} : memref<64x128xf32, #tpu.memory_space<vmem>>, vector<1x16xf32>,
          %swap3A_455 = vector.shape_cast %swap3A_454 : vector<1x16xf32> to vector<16xf32>
          %swap3A_456 = vector.shape_cast %mul3A_451 : vector<16xf32> to vector<1x16xf32>
          tpu.vector_store %arg18[%swap3A_452, %swap3A_453], %swap3A_456 {strides = array<i32>} : memref<64x128xf32, #tpu.memory_space<vmem>>, vector<1x16xf32>,
          %mul3A_457 = arith.mulf %exp3A, %get3A_296 : vector<16xf32>
          %swap3A_458 = arith.index_cast %scan3A_277 : i32 to index
          %swap3A_459 = arith.constant 16 : index
          %swap3A_460 = tpu.vector_load %arg18[%swap3A_458, %swap3A_459] {strides = array<i32>} : memref<64x128xf32, #tpu.memory_space<vmem>>, vector<1x16xf32>,
          %swap3A_461 = vector.shape_cast %swap3A_460 : vector<1x16xf32> to vector<16xf32>
          %swap3A_462 = vector.shape_cast %mul3A_457 : vector<16xf32> to vector<1x16xf32>
          tpu.vector_store %arg18[%swap3A_458, %swap3A_459], %swap3A_462 {strides = array<i32>} : memref<64x128xf32, #tpu.memory_space<vmem>>, vector<1x16xf32>,
          %mul3A_463 = arith.mulf %exp3A, %get3A_311 : vector<16xf32>
          %swap3A_464 = arith.index_cast %scan3A_277 : i32 to index
          %swap3A_465 = arith.constant 32 : index
          %swap3A_466 = tpu.vector_load %arg18[%swap3A_464, %swap3A_465] {strides = array<i32>} : memref<64x128xf32, #tpu.memory_space<vmem>>, vector<1x16xf32>,
          %swap3A_467 = vector.shape_cast %swap3A_466 : vector<1x16xf32> to vector<16xf32>
          %swap3A_468 = vector.shape_cast %mul3A_463 : vector<16xf32> to vector<1x16xf32>
          tpu.vector_store %arg18[%swap3A_464, %swap3A_465], %swap3A_468 {strides = array<i32>} : memref<64x128xf32, #tpu.memory_space<vmem>>, vector<1x16xf32>,
          %mul3A_469 = arith.mulf %exp3A, %get3A_326 : vector<16xf32>
          %swap3A_470 = arith.index_cast %scan3A_277 : i32 to index
          %swap3A_471 = arith.constant 48 : index
          %swap3A_472 = tpu.vector_load %arg18[%swap3A_470, %swap3A_471] {strides = array<i32>} : memref<64x128xf32, #tpu.memory_space<vmem>>, vector<1x16xf32>,
          %swap3A_473 = vector.shape_cast %swap3A_472 : vector<1x16xf32> to vector<16xf32>
          %swap3A_474 = vector.shape_cast %mul3A_469 : vector<16xf32> to vector<1x16xf32>
          tpu.vector_store %arg18[%swap3A_470, %swap3A_471], %swap3A_474 {strides = array<i32>} : memref<64x128xf32, #tpu.memory_space<vmem>>, vector<1x16xf32>,
          %mul3A_475 = arith.mulf %exp3A, %get3A_341 : vector<16xf32>
          %swap3A_476 = arith.index_cast %scan3A_277 : i32 to index
          %swap3A_477 = arith.constant 64 : index
          %swap3A_478 = tpu.vector_load %arg18[%swap3A_476, %swap3A_477] {strides = array<i32>} : memref<64x128xf32, #tpu.memory_space<vmem>>, vector<1x16xf32>,
          %swap3A_479 = vector.shape_cast %swap3A_478 : vector<1x16xf32> to vector<16xf32>
          %swap3A_480 = vector.shape_cast %mul3A_475 : vector<16xf32> to vector<1x16xf32>
          tpu.vector_store %arg18[%swap3A_476, %swap3A_477], %swap3A_480 {strides = array<i32>} : memref<64x128xf32, #tpu.memory_space<vmem>>, vector<1x16xf32>,
          %mul3A_481 = arith.mulf %exp3A, %get3A_356 : vector<16xf32>
          %swap3A_482 = arith.index_cast %scan3A_277 : i32 to index
          %swap3A_483 = arith.constant 80 : index
          %swap3A_484 = tpu.vector_load %arg18[%swap3A_482, %swap3A_483] {strides = array<i32>} : memref<64x128xf32, #tpu.memory_space<vmem>>, vector<1x16xf32>,
          %swap3A_485 = vector.shape_cast %swap3A_484 : vector<1x16xf32> to vector<16xf32>
          %swap3A_486 = vector.shape_cast %mul3A_481 : vector<16xf32> to vector<1x16xf32>
          tpu.vector_store %arg18[%swap3A_482, %swap3A_483], %swap3A_486 {strides = array<i32>} : memref<64x128xf32, #tpu.memory_space<vmem>>, vector<1x16xf32>,
          %mul3A_487 = arith.mulf %exp3A, %get3A_371 : vector<16xf32>
          %swap3A_488 = arith.index_cast %scan3A_277 : i32 to index
          %swap3A_489 = arith.constant 96 : index
          %swap3A_490 = tpu.vector_load %arg18[%swap3A_488, %swap3A_489] {strides = array<i32>} : memref<64x128xf32, #tpu.memory_space<vmem>>, vector<1x16xf32>,
          %swap3A_491 = vector.shape_cast %swap3A_490 : vector<1x16xf32> to vector<16xf32>
          %swap3A_492 = vector.shape_cast %mul3A_487 : vector<16xf32> to vector<1x16xf32>
          tpu.vector_store %arg18[%swap3A_488, %swap3A_489], %swap3A_492 {strides = array<i32>} : memref<64x128xf32, #tpu.memory_space<vmem>>, vector<1x16xf32>,
          %mul3A_493 = arith.mulf %exp3A, %get3A_386 : vector<16xf32>
          %swap3A_494 = arith.index_cast %scan3A_277 : i32 to index
          %swap3A_495 = arith.constant 112 : index
          %swap3A_496 = tpu.vector_load %arg18[%swap3A_494, %swap3A_495] {strides = array<i32>} : memref<64x128xf32, #tpu.memory_space<vmem>>, vector<1x16xf32>,
          %swap3A_497 = vector.shape_cast %swap3A_496 : vector<1x16xf32> to vector<16xf32>
          %swap3A_498 = vector.shape_cast %mul3A_493 : vector<16xf32> to vector<1x16xf32>
          tpu.vector_store %arg18[%swap3A_494, %swap3A_495], %swap3A_498 {strides = array<i32>} : memref<64x128xf32, #tpu.memory_space<vmem>>, vector<1x16xf32>,
          %eq3A_499 = arith.constant 0 : i32
          %eq3A_500 = vector.broadcast %eq3A_499 : i32 to vector<16xi32>
          %eq3A_501 = arith.cmpi eq, %iota3A, %eq3A_500 : vector<16xi32>
          %select_n3A_502 = arith.select %eq3A_501, %exp3A, %broadcast_in_dim3A_25 : vector<16xi1>, vector<16xf32>
          %swap3A_503 = arith.index_cast %scan3A_277 : i32 to index
          %swap3A_504 = arith.constant 0 : index
          %swap3A_505 = tpu.vector_load %arg19[%swap3A_503, %swap3A_504] {strides = array<i32>} : memref<64x128xf32, #tpu.memory_space<vmem>>, vector<1x16xf32>,
          %swap3A_506 = vector.shape_cast %swap3A_505 : vector<1x16xf32> to vector<16xf32>
          %swap3A_507 = vector.shape_cast %select_n3A_502 : vector<16xf32> to vector<1x16xf32>
          tpu.vector_store %arg19[%swap3A_503, %swap3A_504], %swap3A_507 {strides = array<i32>} : memref<64x128xf32, #tpu.memory_space<vmem>>, vector<1x16xf32>,
          %scan3A_508 = arith.constant 0 : i32
          scf.yield %scan3A_508 : i32
        }
        %scan3A_263 = arith.constant 64 : i32
        %dma_start3A_264 = arith.constant 0 : i32
        %dma_start3A_265 = arith.constant 0 : i32
        %dma_start3A_266 = tpu.memref_slice %arg21[%dma_start3A_264, %dma_start3A_265] : memref<5128x128xf32, #tpu.memory_space<vmem_shared>> -> memref<5128x128xf32, #tpu.memory_space<vmem_shared>>
        tpu.enqueue_indirect_dma source(%arg18 : memref<64x128xf32, #tpu.memory_space<vmem>>) target(%dma_start3A_266 : memref<5128x128xf32, #tpu.memory_space<vmem_shared>>) offsets(%arg15 : memref<64xi32, #tpu.memory_space<vmem>>) semaphore(%arg25 : memref<!tpu.dma_semaphore, #tpu.memory_space<semaphore_mem>>) {add = true}
        %dma_start3A_267 = arith.constant 0 : i32
        %dma_start3A_268 = arith.constant 0 : i32
        %dma_start3A_269 = tpu.memref_slice %arg22[%dma_start3A_267, %dma_start3A_268] : memref<5128x128xf32, #tpu.memory_space<vmem_shared>> -> memref<5128x128xf32, #tpu.memory_space<vmem_shared>>
        tpu.enqueue_indirect_dma source(%arg19 : memref<64x128xf32, #tpu.memory_space<vmem>>) target(%dma_start3A_269 : memref<5128x128xf32, #tpu.memory_space<vmem_shared>>) offsets(%arg15 : memref<64xi32, #tpu.memory_space<vmem>>) semaphore(%arg25 : memref<!tpu.dma_semaphore, #tpu.memory_space<semaphore_mem>>) {add = true}
        %dma_wait3A_270 = arith.constant 0 : i32
        %dma_wait3A_271 = arith.constant 0 : i32
        %dma_wait3A_272 = tpu.memref_slice %arg21[%dma_wait3A_270, %dma_wait3A_271] : memref<5128x128xf32, #tpu.memory_space<vmem_shared>> -> memref<5128x128xf32, #tpu.memory_space<vmem_shared>>
        tpu.wait_indirect_dma semaphore(%arg25 : memref<!tpu.dma_semaphore, #tpu.memory_space<semaphore_mem>>) src(%arg18 : memref<64x128xf32, #tpu.memory_space<vmem>>) dst(%dma_wait3A_272 : memref<5128x128xf32, #tpu.memory_space<vmem_shared>>)
        %dma_wait3A_273 = arith.constant 0 : i32
        %dma_wait3A_274 = arith.constant 0 : i32
        %dma_wait3A_275 = tpu.memref_slice %arg22[%dma_wait3A_273, %dma_wait3A_274] : memref<5128x128xf32, #tpu.memory_space<vmem_shared>> -> memref<5128x128xf32, #tpu.memory_space<vmem_shared>>
        tpu.wait_indirect_dma semaphore(%arg25 : memref<!tpu.dma_semaphore, #tpu.memory_space<semaphore_mem>>) src(%arg19 : memref<64x128xf32, #tpu.memory_space<vmem>>) dst(%dma_wait3A_275 : memref<5128x128xf32, #tpu.memory_space<vmem_shared>>)
        %while3A_276 = arith.constant 0 : i32
        scf.yield %while3A_276 : i32
      }
      %scan3A_202 = arith.constant 0 : i32
      scf.yield %scan3A_202 : i32
    }
    %scan3A_55 = arith.constant 10 : i32
    %barrier3A_56 = arith.constant 0 : index
    tpu.barrier barrier_id(%barrier3A_56)
    %mul3A_57 = arith.constant 320 : i32
    %mul3A_58 = arith.muli %arg1, %mul3A_57 : i32
    %mul3A_59 = arith.constant 320 : i32
    %mul3A_60 = arith.muli %arg1, %mul3A_59 : i32
    "tpu.region"() ({
      %run_scoped3A = tpu.sem_alloc : memref<!tpu.dma_semaphore, #tpu.memory_space<semaphore_mem>>
      %dma_start3A = arith.constant 0 : i32
      %dma_start3A_68 = tpu.memref_slice %arg8[%add3A, %mul3A_60, %dma_start3A] : memref<2x5120x128xf32, #tpu.memory_space<hbm>> -> memref<1x320x128xf32, #tpu.memory_space<hbm>>
      %dma_start3A_69 = tpu.memref_squeeze %dma_start3A_68 : memref<1x320x128xf32, #tpu.memory_space<hbm>> -> memref<320x128xf32, #tpu.memory_space<hbm>>
      %dma_start3A_70 = arith.constant 0 : i32
      %dma_start3A_71 = tpu.memref_slice %arg21[%mul3A_58, %dma_start3A_70] : memref<5128x128xf32, #tpu.memory_space<vmem_shared>> -> memref<320x128xf32, #tpu.memory_space<vmem_shared>>
      tpu.enqueue_dma source(%dma_start3A_71 : memref<320x128xf32, #tpu.memory_space<vmem_shared>>) target(%dma_start3A_69 : memref<320x128xf32, #tpu.memory_space<hbm>>) target_semaphore(%run_scoped3A : memref<!tpu.dma_semaphore, #tpu.memory_space<semaphore_mem>>)
      %dma_wait3A = arith.constant 0 : i32
      %dma_wait3A_72 = tpu.memref_slice %arg8[%add3A, %mul3A_60, %dma_wait3A] : memref<2x5120x128xf32, #tpu.memory_space<hbm>> -> memref<1x320x128xf32, #tpu.memory_space<hbm>>
      %dma_wait3A_73 = tpu.memref_squeeze %dma_wait3A_72 : memref<1x320x128xf32, #tpu.memory_space<hbm>> -> memref<320x128xf32, #tpu.memory_space<hbm>>
      %dma_wait3A_74 = arith.constant 0 : i32
      %dma_wait3A_75 = tpu.memref_slice %arg21[%mul3A_58, %dma_wait3A_74] : memref<5128x128xf32, #tpu.memory_space<vmem_shared>> -> memref<320x128xf32, #tpu.memory_space<vmem_shared>>
      tpu.wait_dma2 semaphore(%run_scoped3A : memref<!tpu.dma_semaphore, #tpu.memory_space<semaphore_mem>>) src(%dma_wait3A_75 : memref<320x128xf32, #tpu.memory_space<vmem_shared>>) dst(%dma_wait3A_73 : memref<320x128xf32, #tpu.memory_space<hbm>>)
      tpu.yield
    }) : () -> ()
    %mul3A_61 = arith.constant 320 : i32
    %mul3A_62 = arith.muli %arg1, %mul3A_61 : i32
    %mul3A_63 = arith.constant 320 : i32
    %mul3A_64 = arith.muli %arg1, %mul3A_63 : i32
    "tpu.region"() ({
      %run_scoped3A = tpu.sem_alloc : memref<!tpu.dma_semaphore, #tpu.memory_space<semaphore_mem>>
      %dma_start3A = arith.constant 0 : i32
      %dma_start3A_68 = tpu.memref_slice %arg9[%add3A, %mul3A_64, %dma_start3A] : memref<2x5120x128xf32, #tpu.memory_space<hbm>> -> memref<1x320x128xf32, #tpu.memory_space<hbm>>
      %dma_start3A_69 = tpu.memref_squeeze %dma_start3A_68 : memref<1x320x128xf32, #tpu.memory_space<hbm>> -> memref<320x128xf32, #tpu.memory_space<hbm>>
      %dma_start3A_70 = arith.constant 0 : i32
      %dma_start3A_71 = tpu.memref_slice %arg22[%mul3A_62, %dma_start3A_70] : memref<5128x128xf32, #tpu.memory_space<vmem_shared>> -> memref<320x128xf32, #tpu.memory_space<vmem_shared>>
      tpu.enqueue_dma source(%dma_start3A_71 : memref<320x128xf32, #tpu.memory_space<vmem_shared>>) target(%dma_start3A_69 : memref<320x128xf32, #tpu.memory_space<hbm>>) target_semaphore(%run_scoped3A : memref<!tpu.dma_semaphore, #tpu.memory_space<semaphore_mem>>)
      %dma_wait3A = arith.constant 0 : i32
      %dma_wait3A_72 = tpu.memref_slice %arg9[%add3A, %mul3A_64, %dma_wait3A] : memref<2x5120x128xf32, #tpu.memory_space<hbm>> -> memref<1x320x128xf32, #tpu.memory_space<hbm>>
      %dma_wait3A_73 = tpu.memref_squeeze %dma_wait3A_72 : memref<1x320x128xf32, #tpu.memory_space<hbm>> -> memref<320x128xf32, #tpu.memory_space<hbm>>
      %dma_wait3A_74 = arith.constant 0 : i32
      %dma_wait3A_75 = tpu.memref_slice %arg22[%mul3A_62, %dma_wait3A_74] : memref<5128x128xf32, #tpu.memory_space<vmem_shared>> -> memref<320x128xf32, #tpu.memory_space<vmem_shared>>
      tpu.wait_dma2 semaphore(%run_scoped3A : memref<!tpu.dma_semaphore, #tpu.memory_space<semaphore_mem>>) src(%dma_wait3A_75 : memref<320x128xf32, #tpu.memory_space<vmem_shared>>) dst(%dma_wait3A_73 : memref<320x128xf32, #tpu.memory_space<hbm>>)
      tpu.yield
    }) : () -> ()
    %barrier3A_65 = arith.constant 0 : index
    tpu.barrier barrier_id(%barrier3A_65)
    %scan3A_66 = arith.constant 0 : i32
    %scan3A_67 = arith.constant 1 : i32
    return
  }
}

module attributes {stable_mosaic.version = 14 : i64} {
  func.func @_norm_l2_body(%arg0: i32, %arg1: memref<1280x128xf32, #tpu.memory_space<vmem>>, %arg2: memref<1280x128xf32, #tpu.memory_space<vmem>>, %arg3: memref<1280x128xf32, #tpu.memory_space<vmem>>, %arg4: memref<1280x128xf32, #tpu.memory_space<vmem>>, %arg5: memref<1280x128xf32, #tpu.memory_space<vmem>>, %arg6: memref<512x128xf32, #tpu.memory_space<vmem>>, %arg7: memref<512x128xf32, #tpu.memory_space<vmem>>, %arg8: memref<1x512xf32, #tpu.memory_space<vmem>>, %arg9: memref<1280x128xf32, #tpu.memory_space<vmem>>, %arg10: memref<1280x128xf32, #tpu.memory_space<vmem>>) attributes {dimension_semantics = [#tpu.dimension_semantics<arbitrary>], iteration_bounds = array<i64: 8>, scalar_prefetch = 0 : i64, scratch_operands = 0 : i64, tpu.core_type = #tpu.core_type<tc>, window_params = [{transform_indices = @transform_0, window_bounds = array<i64: 1280, 128>}, {transform_indices = @transform_1, window_bounds = array<i64: 1280, 128>}, {transform_indices = @transform_2, window_bounds = array<i64: 1280, 128>}, {transform_indices = @transform_3, window_bounds = array<i64: 1280, 128>}, {transform_indices = @transform_4, window_bounds = array<i64: 1280, 128>}, {pipeline_mode = #tpu.pipeline_mode<synchronous>, transform_indices = @transform_5, window_bounds = array<i64: 512, 128>}, {pipeline_mode = #tpu.pipeline_mode<synchronous>, transform_indices = @transform_6, window_bounds = array<i64: 512, 128>}, {pipeline_mode = #tpu.pipeline_mode<synchronous>, transform_indices = @transform_7, window_bounds = array<i64: 1, 512>}, {transform_indices = @transform_8, window_bounds = array<i64: 1280, 128>}, {transform_indices = @transform_9, window_bounds = array<i64: 1280, 128>}]} {
    %get3A = arith.constant 0 : index
    %get3A_0 = arith.constant 0 : index
    %get3A_1 = vector.load %arg5[%get3A, %get3A_0] : memref<1280x128xf32, #tpu.memory_space<vmem>>, vector<1280x128xf32>
    %get3A_2 = arith.constant 0 : index
    %get3A_3 = arith.constant 0 : index
    %get3A_4 = vector.load %arg1[%get3A_2, %get3A_3] : memref<1280x128xf32, #tpu.memory_space<vmem>>, vector<1280x128xf32>
    %slice3A = vector.extract_strided_slice %get3A_1 {offsets = [0, 0], sizes = [1280, 1], strides = [1, 1]} : vector<1280x128xf32> to vector<1280x1xf32>
    %add3A = arith.constant 1.000000e-16 : f32
    %add3A_5 = vector.broadcast %add3A : f32 to vector<1280x1xf32>
    %add3A_6 = arith.addf %slice3A, %add3A_5 : vector<1280x1xf32>
    %div3A = vector.broadcast %add3A_6 : vector<1280x1xf32> to vector<1280x128xf32>
    %div3A_7 = arith.divf %get3A_4, %div3A : vector<1280x128xf32>
    %get3A_8 = arith.constant 0 : index
    %get3A_9 = arith.constant 0 : index
    %get3A_10 = vector.load %arg2[%get3A_8, %get3A_9] : memref<1280x128xf32, #tpu.memory_space<vmem>>, vector<1280x128xf32>
    %slice3A_11 = vector.extract_strided_slice %get3A_1 {offsets = [0, 1], sizes = [1280, 1], strides = [1, 1]} : vector<1280x128xf32> to vector<1280x1xf32>
    %add3A_12 = arith.constant 1.000000e-16 : f32
    %add3A_13 = vector.broadcast %add3A_12 : f32 to vector<1280x1xf32>
    %add3A_14 = arith.addf %slice3A_11, %add3A_13 : vector<1280x1xf32>
    %div3A_15 = vector.broadcast %add3A_14 : vector<1280x1xf32> to vector<1280x128xf32>
    %div3A_16 = arith.divf %get3A_10, %div3A_15 : vector<1280x128xf32>
    %get3A_17 = arith.constant 0 : index
    %get3A_18 = arith.constant 0 : index
    %get3A_19 = vector.load %arg3[%get3A_17, %get3A_18] : memref<1280x128xf32, #tpu.memory_space<vmem>>, vector<1280x128xf32>
    %slice3A_20 = vector.extract_strided_slice %get3A_1 {offsets = [0, 2], sizes = [1280, 1], strides = [1, 1]} : vector<1280x128xf32> to vector<1280x1xf32>
    %add3A_21 = arith.constant 1.000000e-16 : f32
    %add3A_22 = vector.broadcast %add3A_21 : f32 to vector<1280x1xf32>
    %add3A_23 = arith.addf %slice3A_20, %add3A_22 : vector<1280x1xf32>
    %div3A_24 = vector.broadcast %add3A_23 : vector<1280x1xf32> to vector<1280x128xf32>
    %div3A_25 = arith.divf %get3A_19, %div3A_24 : vector<1280x128xf32>
    %get3A_26 = arith.constant 0 : index
    %get3A_27 = arith.constant 0 : index
    %get3A_28 = vector.load %arg4[%get3A_26, %get3A_27] : memref<1280x128xf32, #tpu.memory_space<vmem>>, vector<1280x128xf32>
    %slice3A_29 = vector.extract_strided_slice %get3A_1 {offsets = [0, 3], sizes = [1280, 1], strides = [1, 1]} : vector<1280x128xf32> to vector<1280x1xf32>
    %add3A_30 = arith.constant 1.000000e-16 : f32
    %add3A_31 = vector.broadcast %add3A_30 : f32 to vector<1280x1xf32>
    %add3A_32 = arith.addf %slice3A_29, %add3A_31 : vector<1280x1xf32>
    %div3A_33 = vector.broadcast %add3A_32 : vector<1280x1xf32> to vector<1280x128xf32>
    %div3A_34 = arith.divf %get3A_28, %div3A_33 : vector<1280x128xf32>
    %concatenate3A = tpu.concatenate %div3A_7, %div3A_16, %div3A_25, %div3A_34 in 1 : vector<1280x128xf32>, vector<1280x128xf32>, vector<1280x128xf32>, vector<1280x128xf32> -> vector<1280x512xf32>
    %get3A_35 = arith.constant 0 : index
    %get3A_36 = arith.constant 0 : index
    %get3A_37 = vector.load %arg8[%get3A_35, %get3A_36] : memref<1x512xf32, #tpu.memory_space<vmem>>, vector<1x512xf32>
    %add3A_38 = vector.broadcast %get3A_37 : vector<1x512xf32> to vector<1280x512xf32>
    %add3A_39 = arith.addf %concatenate3A, %add3A_38 : vector<1280x512xf32>
    %gt3A = arith.constant 0.000000e+00 : f32
    %gt3A_40 = vector.broadcast %gt3A : f32 to vector<1280x512xf32>
    %gt3A_41 = arith.cmpf ogt, %add3A_39, %gt3A_40 : vector<1280x512xf32>
    %exp3A = math.exp %add3A_39 : vector<1280x512xf32>
    %sub3A = arith.constant 1.000000e+00 : f32
    %sub3A_42 = vector.broadcast %sub3A : f32 to vector<1280x512xf32>
    %sub3A_43 = arith.subf %exp3A, %sub3A_42 : vector<1280x512xf32>
    %select_n3A = arith.select %gt3A_41, %add3A_39, %sub3A_43 : vector<1280x512xi1>, vector<1280x512xf32>
    %get3A_44 = arith.constant 0 : index
    %get3A_45 = arith.constant 0 : index
    %get3A_46 = vector.load %arg6[%get3A_44, %get3A_45] : memref<512x128xf32, #tpu.memory_space<vmem>>, vector<512x128xf32>
    %dot_general3A = arith.constant dense<0.000000e+00> : vector<1280x128xf32>
    %dot_general3A_47 = tpu.matmul %select_n3A, %get3A_46, %dot_general3A {dimension_numbers = #tpu.dot_dimension_numbers<[1], [0], [0], [1], [0, 0, 1, 1], [], []>, transpose_lhs_hint = false} : vector<1280x512xf32>, vector<512x128xf32>, vector<1280x128xf32> -> vector<1280x128xf32>
    %swap3A = arith.constant 0 : index
    %swap3A_48 = arith.constant 0 : index
    %swap3A_49 = vector.load %arg9[%swap3A, %swap3A_48] : memref<1280x128xf32, #tpu.memory_space<vmem>>, vector<1280x128xf32>
    tpu.vector_store %arg9[%swap3A, %swap3A_48], %dot_general3A_47 {strides = array<i32>} : memref<1280x128xf32, #tpu.memory_space<vmem>>, vector<1280x128xf32>,
    %get3A_50 = arith.constant 0 : index
    %get3A_51 = arith.constant 0 : index
    %get3A_52 = vector.load %arg7[%get3A_50, %get3A_51] : memref<512x128xf32, #tpu.memory_space<vmem>>, vector<512x128xf32>
    %dot_general3A_53 = arith.constant dense<0.000000e+00> : vector<1280x128xf32>
    %dot_general3A_54 = tpu.matmul %select_n3A, %get3A_52, %dot_general3A_53 {dimension_numbers = #tpu.dot_dimension_numbers<[1], [0], [0], [1], [0, 0, 1, 1], [], []>, transpose_lhs_hint = false} : vector<1280x512xf32>, vector<512x128xf32>, vector<1280x128xf32> -> vector<1280x128xf32>
    %swap3A_55 = arith.constant 0 : index
    %swap3A_56 = arith.constant 0 : index
    %swap3A_57 = vector.load %arg10[%swap3A_55, %swap3A_56] : memref<1280x128xf32, #tpu.memory_space<vmem>>, vector<1280x128xf32>
    tpu.vector_store %arg10[%swap3A_55, %swap3A_56], %dot_general3A_54 {strides = array<i32>} : memref<1280x128xf32, #tpu.memory_space<vmem>>, vector<1280x128xf32>,
    return
  }
  func.func @transform_0(%arg0: i32) -> (i32, i32) {
    %c0_i32 = arith.constant 0 : i32
    %c0_i32_0 = arith.constant 0 : i32
    return %arg0, %c0_i32 : i32, i32
  }
  func.func @transform_1(%arg0: i32) -> (i32, i32) {
    %c0_i32 = arith.constant 0 : i32
    %c0_i32_0 = arith.constant 0 : i32
    return %arg0, %c0_i32 : i32, i32
  }
  func.func @transform_2(%arg0: i32) -> (i32, i32) {
    %c0_i32 = arith.constant 0 : i32
    %c0_i32_0 = arith.constant 0 : i32
    return %arg0, %c0_i32 : i32, i32
  }
  func.func @transform_3(%arg0: i32) -> (i32, i32) {
    %c0_i32 = arith.constant 0 : i32
    %c0_i32_0 = arith.constant 0 : i32
    return %arg0, %c0_i32 : i32, i32
  }
  func.func @transform_4(%arg0: i32) -> (i32, i32) {
    %c0_i32 = arith.constant 0 : i32
    %c0_i32_0 = arith.constant 0 : i32
    return %arg0, %c0_i32 : i32, i32
  }
  func.func @transform_5(%arg0: i32) -> (i32, i32) {
    %c0_i32 = arith.constant 0 : i32
    %c0_i32_0 = arith.constant 0 : i32
    %c0_i32_1 = arith.constant 0 : i32
    return %c0_i32, %c0_i32_0 : i32, i32
  }
  func.func @transform_6(%arg0: i32) -> (i32, i32) {
    %c0_i32 = arith.constant 0 : i32
    %c0_i32_0 = arith.constant 0 : i32
    %c0_i32_1 = arith.constant 0 : i32
    return %c0_i32, %c0_i32_0 : i32, i32
  }
  func.func @transform_7(%arg0: i32) -> (i32, i32) {
    %c0_i32 = arith.constant 0 : i32
    %c0_i32_0 = arith.constant 0 : i32
    %c0_i32_1 = arith.constant 0 : i32
    return %c0_i32, %c0_i32_0 : i32, i32
  }
  func.func @transform_8(%arg0: i32) -> (i32, i32) {
    %c0_i32 = arith.constant 0 : i32
    %c0_i32_0 = arith.constant 0 : i32
    return %arg0, %c0_i32 : i32, i32
  }
  func.func @transform_9(%arg0: i32) -> (i32, i32) {
    %c0_i32 = arith.constant 0 : i32
    %c0_i32_0 = arith.constant 0 : i32
    return %arg0, %c0_i32 : i32, i32
  }
}

module attributes {stable_mosaic.version = 14 : i64} {
  func.func @_dualmm_body(%arg0: i32, %arg1: memref<1000x128xf32, #tpu.memory_space<vmem>>, %arg2: memref<128x512xf32, #tpu.memory_space<vmem>>, %arg3: memref<128x512xf32, #tpu.memory_space<vmem>>, %arg4: memref<1000x512xf32, #tpu.memory_space<vmem>>, %arg5: memref<1000x512xf32, #tpu.memory_space<vmem>>) attributes {dimension_semantics = [#tpu.dimension_semantics<arbitrary>], iteration_bounds = array<i64: 10>, scalar_prefetch = 0 : i64, scratch_operands = 0 : i64, tpu.core_type = #tpu.core_type<tc>, window_params = [{transform_indices = @transform_0, window_bounds = array<i64: 1000, 128>}, {pipeline_mode = #tpu.pipeline_mode<synchronous>, transform_indices = @transform_1, window_bounds = array<i64: 128, 512>}, {pipeline_mode = #tpu.pipeline_mode<synchronous>, transform_indices = @transform_2, window_bounds = array<i64: 128, 512>}, {transform_indices = @transform_3, window_bounds = array<i64: 1000, 512>}, {transform_indices = @transform_4, window_bounds = array<i64: 1000, 512>}]} {
    %get3A = arith.constant 0 : index
    %get3A_0 = arith.constant 0 : index
    %get3A_1 = vector.load %arg1[%get3A, %get3A_0] : memref<1000x128xf32, #tpu.memory_space<vmem>>, vector<1000x128xf32>
    %get3A_2 = arith.constant 0 : index
    %get3A_3 = arith.constant 0 : index
    %get3A_4 = vector.load %arg2[%get3A_2, %get3A_3] : memref<128x512xf32, #tpu.memory_space<vmem>>, vector<128x512xf32>
    %dot_general3A = arith.constant dense<0.000000e+00> : vector<1000x512xf32>
    %dot_general3A_5 = tpu.matmul %get3A_1, %get3A_4, %dot_general3A {dimension_numbers = #tpu.dot_dimension_numbers<[1], [0], [0], [1], [0, 0, 1, 1], [], []>, transpose_lhs_hint = false} : vector<1000x128xf32>, vector<128x512xf32>, vector<1000x512xf32> -> vector<1000x512xf32>
    %swap3A = arith.constant 0 : index
    %swap3A_6 = arith.constant 0 : index
    %swap3A_7 = vector.load %arg4[%swap3A, %swap3A_6] : memref<1000x512xf32, #tpu.memory_space<vmem>>, vector<1000x512xf32>
    tpu.vector_store %arg4[%swap3A, %swap3A_6], %dot_general3A_5 {strides = array<i32>} : memref<1000x512xf32, #tpu.memory_space<vmem>>, vector<1000x512xf32>,
    %get3A_8 = arith.constant 0 : index
    %get3A_9 = arith.constant 0 : index
    %get3A_10 = vector.load %arg3[%get3A_8, %get3A_9] : memref<128x512xf32, #tpu.memory_space<vmem>>, vector<128x512xf32>
    %dot_general3A_11 = arith.constant dense<0.000000e+00> : vector<1000x512xf32>
    %dot_general3A_12 = tpu.matmul %get3A_1, %get3A_10, %dot_general3A_11 {dimension_numbers = #tpu.dot_dimension_numbers<[1], [0], [0], [1], [0, 0, 1, 1], [], []>, transpose_lhs_hint = false} : vector<1000x128xf32>, vector<128x512xf32>, vector<1000x512xf32> -> vector<1000x512xf32>
    %swap3A_13 = arith.constant 0 : index
    %swap3A_14 = arith.constant 0 : index
    %swap3A_15 = vector.load %arg5[%swap3A_13, %swap3A_14] : memref<1000x512xf32, #tpu.memory_space<vmem>>, vector<1000x512xf32>
    tpu.vector_store %arg5[%swap3A_13, %swap3A_14], %dot_general3A_12 {strides = array<i32>} : memref<1000x512xf32, #tpu.memory_space<vmem>>, vector<1000x512xf32>,
    return
  }
  func.func @transform_0(%arg0: i32) -> (i32, i32) {
    %c0_i32 = arith.constant 0 : i32
    %c0_i32_0 = arith.constant 0 : i32
    return %arg0, %c0_i32 : i32, i32
  }
  func.func @transform_1(%arg0: i32) -> (i32, i32) {
    %c0_i32 = arith.constant 0 : i32
    %c0_i32_0 = arith.constant 0 : i32
    %c0_i32_1 = arith.constant 0 : i32
    return %c0_i32, %c0_i32_0 : i32, i32
  }
  func.func @transform_2(%arg0: i32) -> (i32, i32) {
    %c0_i32 = arith.constant 0 : i32
    %c0_i32_0 = arith.constant 0 : i32
    %c0_i32_1 = arith.constant 0 : i32
    return %c0_i32, %c0_i32_0 : i32, i32
  }
  func.func @transform_3(%arg0: i32) -> (i32, i32) {
    %c0_i32 = arith.constant 0 : i32
    %c0_i32_0 = arith.constant 0 : i32
    return %arg0, %c0_i32 : i32, i32
  }
  func.func @transform_4(%arg0: i32) -> (i32, i32) {
    %c0_i32 = arith.constant 0 : i32
    %c0_i32_0 = arith.constant 0 : i32
    return %arg0, %c0_i32 : i32, i32
  }
}

module attributes {stable_mosaic.version = 14 : i64} {
  func.func @_norm_head_body(%arg0: i32, %arg1: memref<1280x128xf32, #tpu.memory_space<vmem>>, %arg2: memref<1280x128xf32, #tpu.memory_space<vmem>>, %arg3: memref<1x128xf32, #tpu.memory_space<vmem>>, %arg4: memref<128x64xf32, #tpu.memory_space<vmem>>, %arg5: memref<1x64xf32, #tpu.memory_space<vmem>>, %arg6: memref<64x64xf32, #tpu.memory_space<vmem>>, %arg7: memref<1x64xf32, #tpu.memory_space<vmem>>, %arg8: memref<1280x64xf32, #tpu.memory_space<vmem>>) attributes {dimension_semantics = [#tpu.dimension_semantics<arbitrary>], iteration_bounds = array<i64: 8>, scalar_prefetch = 0 : i64, scratch_operands = 0 : i64, tpu.core_type = #tpu.core_type<tc>, window_params = [{transform_indices = @transform_0, window_bounds = array<i64: 1280, 128>}, {transform_indices = @transform_1, window_bounds = array<i64: 1280, 128>}, {pipeline_mode = #tpu.pipeline_mode<synchronous>, transform_indices = @transform_2, window_bounds = array<i64: 1, 128>}, {pipeline_mode = #tpu.pipeline_mode<synchronous>, transform_indices = @transform_3, window_bounds = array<i64: 128, 64>}, {pipeline_mode = #tpu.pipeline_mode<synchronous>, transform_indices = @transform_4, window_bounds = array<i64: 1, 64>}, {pipeline_mode = #tpu.pipeline_mode<synchronous>, transform_indices = @transform_5, window_bounds = array<i64: 64, 64>}, {pipeline_mode = #tpu.pipeline_mode<synchronous>, transform_indices = @transform_6, window_bounds = array<i64: 1, 64>}, {transform_indices = @transform_7, window_bounds = array<i64: 1280, 64>}]} {
    %get3A = arith.constant 0 : index
    %get3A_0 = arith.constant 0 : index
    %get3A_1 = vector.load %arg1[%get3A, %get3A_0] : memref<1280x128xf32, #tpu.memory_space<vmem>>, vector<1280x128xf32>
    %get3A_2 = arith.constant 0 : index
    %get3A_3 = arith.constant 0 : index
    %get3A_4 = vector.load %arg2[%get3A_2, %get3A_3] : memref<1280x128xf32, #tpu.memory_space<vmem>>, vector<1280x128xf32>
    %slice3A = vector.extract_strided_slice %get3A_4 {offsets = [0, 0], sizes = [1280, 1], strides = [1, 1]} : vector<1280x128xf32> to vector<1280x1xf32>
    %add3A = arith.constant 1.000000e-16 : f32
    %add3A_5 = vector.broadcast %add3A : f32 to vector<1280x1xf32>
    %add3A_6 = arith.addf %slice3A, %add3A_5 : vector<1280x1xf32>
    %div3A = vector.broadcast %add3A_6 : vector<1280x1xf32> to vector<1280x128xf32>
    %div3A_7 = arith.divf %get3A_1, %div3A : vector<1280x128xf32>
    %get3A_8 = arith.constant 0 : index
    %get3A_9 = arith.constant 0 : index
    %get3A_10 = vector.load %arg3[%get3A_8, %get3A_9] : memref<1x128xf32, #tpu.memory_space<vmem>>, vector<1x128xf32>
    %add3A_11 = vector.broadcast %get3A_10 : vector<1x128xf32> to vector<1280x128xf32>
    %add3A_12 = arith.addf %div3A_7, %add3A_11 : vector<1280x128xf32>
    %get3A_13 = arith.constant 0 : index
    %get3A_14 = arith.constant 0 : index
    %get3A_15 = vector.load %arg4[%get3A_13, %get3A_14] : memref<128x64xf32, #tpu.memory_space<vmem>>, vector<128x64xf32>
    %dot_general3A = arith.constant dense<0.000000e+00> : vector<1280x64xf32>
    %dot_general3A_16 = tpu.matmul %add3A_12, %get3A_15, %dot_general3A {dimension_numbers = #tpu.dot_dimension_numbers<[1], [0], [0], [1], [0, 0, 1, 1], [], []>, transpose_lhs_hint = false} : vector<1280x128xf32>, vector<128x64xf32>, vector<1280x64xf32> -> vector<1280x64xf32>
    %get3A_17 = arith.constant 0 : index
    %get3A_18 = arith.constant 0 : index
    %get3A_19 = vector.load %arg5[%get3A_17, %get3A_18] : memref<1x64xf32, #tpu.memory_space<vmem>>, vector<1x64xf32>
    %add3A_20 = vector.broadcast %get3A_19 : vector<1x64xf32> to vector<1280x64xf32>
    %add3A_21 = arith.addf %dot_general3A_16, %add3A_20 : vector<1280x64xf32>
    %reduce_max3A = arith.constant dense<0xFF800000> : vector<1280xf32>
    %reduce_max3A_22 = vector.multi_reduction <maximumf>, %add3A_21, %reduce_max3A [1] : vector<1280x64xf32> to vector<1280xf32>
    %broadcast_in_dim3A = vector.shape_cast %reduce_max3A_22 : vector<1280xf32> to vector<1280x1xf32>
    %sub3A = vector.broadcast %broadcast_in_dim3A : vector<1280x1xf32> to vector<1280x64xf32>
    %sub3A_23 = arith.subf %add3A_21, %sub3A : vector<1280x64xf32>
    %exp3A = math.exp %sub3A_23 : vector<1280x64xf32>
    %reduce_sum3A = arith.constant dense<0.000000e+00> : vector<1280xf32>
    %reduce_sum3A_24 = vector.multi_reduction <add>, %exp3A, %reduce_sum3A [1] : vector<1280x64xf32> to vector<1280xf32>
    %broadcast_in_dim3A_25 = vector.shape_cast %reduce_sum3A_24 : vector<1280xf32> to vector<1280x1xf32>
    %div3A_26 = vector.broadcast %broadcast_in_dim3A_25 : vector<1280x1xf32> to vector<1280x64xf32>
    %div3A_27 = arith.divf %exp3A, %div3A_26 : vector<1280x64xf32>
    %get3A_28 = arith.constant 0 : index
    %get3A_29 = arith.constant 0 : index
    %get3A_30 = vector.load %arg6[%get3A_28, %get3A_29] : memref<64x64xf32, #tpu.memory_space<vmem>>, vector<64x64xf32>
    %dot_general3A_31 = arith.constant dense<0.000000e+00> : vector<1280x64xf32>
    %dot_general3A_32 = tpu.matmul %div3A_27, %get3A_30, %dot_general3A_31 {dimension_numbers = #tpu.dot_dimension_numbers<[1], [0], [0], [1], [0, 0, 1, 1], [], []>, transpose_lhs_hint = false} : vector<1280x64xf32>, vector<64x64xf32>, vector<1280x64xf32> -> vector<1280x64xf32>
    %get3A_33 = arith.constant 0 : index
    %get3A_34 = arith.constant 0 : index
    %get3A_35 = vector.load %arg7[%get3A_33, %get3A_34] : memref<1x64xf32, #tpu.memory_space<vmem>>, vector<1x64xf32>
    %add3A_36 = vector.broadcast %get3A_35 : vector<1x64xf32> to vector<1280x64xf32>
    %add3A_37 = arith.addf %dot_general3A_32, %add3A_36 : vector<1280x64xf32>
    %reduce_max3A_38 = arith.constant dense<0xFF800000> : vector<1280xf32>
    %reduce_max3A_39 = vector.multi_reduction <maximumf>, %add3A_37, %reduce_max3A_38 [1] : vector<1280x64xf32> to vector<1280xf32>
    %broadcast_in_dim3A_40 = vector.shape_cast %reduce_max3A_39 : vector<1280xf32> to vector<1280x1xf32>
    %sub3A_41 = vector.broadcast %broadcast_in_dim3A_40 : vector<1280x1xf32> to vector<1280x64xf32>
    %sub3A_42 = arith.subf %add3A_37, %sub3A_41 : vector<1280x64xf32>
    %exp3A_43 = math.exp %sub3A_42 : vector<1280x64xf32>
    %reduce_sum3A_44 = arith.constant dense<0.000000e+00> : vector<1280xf32>
    %reduce_sum3A_45 = vector.multi_reduction <add>, %exp3A_43, %reduce_sum3A_44 [1] : vector<1280x64xf32> to vector<1280xf32>
    %broadcast_in_dim3A_46 = vector.shape_cast %reduce_sum3A_45 : vector<1280xf32> to vector<1280x1xf32>
    %div3A_47 = vector.broadcast %broadcast_in_dim3A_46 : vector<1280x1xf32> to vector<1280x64xf32>
    %div3A_48 = arith.divf %exp3A_43, %div3A_47 : vector<1280x64xf32>
    %swap3A = arith.constant 0 : index
    %swap3A_49 = arith.constant 0 : index
    %swap3A_50 = vector.load %arg8[%swap3A, %swap3A_49] : memref<1280x64xf32, #tpu.memory_space<vmem>>, vector<1280x64xf32>
    tpu.vector_store %arg8[%swap3A, %swap3A_49], %div3A_48 {strides = array<i32>} : memref<1280x64xf32, #tpu.memory_space<vmem>>, vector<1280x64xf32>,
    return
  }
  func.func @transform_0(%arg0: i32) -> (i32, i32) {
    %c0_i32 = arith.constant 0 : i32
    %c0_i32_0 = arith.constant 0 : i32
    return %arg0, %c0_i32 : i32, i32
  }
  func.func @transform_1(%arg0: i32) -> (i32, i32) {
    %c0_i32 = arith.constant 0 : i32
    %c0_i32_0 = arith.constant 0 : i32
    return %arg0, %c0_i32 : i32, i32
  }
  func.func @transform_2(%arg0: i32) -> (i32, i32) {
    %c0_i32 = arith.constant 0 : i32
    %c0_i32_0 = arith.constant 0 : i32
    %c0_i32_1 = arith.constant 0 : i32
    return %c0_i32, %c0_i32_0 : i32, i32
  }
  func.func @transform_3(%arg0: i32) -> (i32, i32) {
    %c0_i32 = arith.constant 0 : i32
    %c0_i32_0 = arith.constant 0 : i32
    %c0_i32_1 = arith.constant 0 : i32
    return %c0_i32, %c0_i32_0 : i32, i32
  }
  func.func @transform_4(%arg0: i32) -> (i32, i32) {
    %c0_i32 = arith.constant 0 : i32
    %c0_i32_0 = arith.constant 0 : i32
    %c0_i32_1 = arith.constant 0 : i32
    return %c0_i32, %c0_i32_0 : i32, i32
  }
  func.func @transform_5(%arg0: i32) -> (i32, i32) {
    %c0_i32 = arith.constant 0 : i32
    %c0_i32_0 = arith.constant 0 : i32
    %c0_i32_1 = arith.constant 0 : i32
    return %c0_i32, %c0_i32_0 : i32, i32
  }
  func.func @transform_6(%arg0: i32) -> (i32, i32) {
    %c0_i32 = arith.constant 0 : i32
    %c0_i32_0 = arith.constant 0 : i32
    %c0_i32_1 = arith.constant 0 : i32
    return %c0_i32, %c0_i32_0 : i32, i32
  }
  func.func @transform_7(%arg0: i32) -> (i32, i32) {
    %c0_i32 = arith.constant 0 : i32
    %c0_i32_0 = arith.constant 0 : i32
    return %arg0, %c0_i32 : i32, i32
  }
}

</mosaic_0001>

<sc_bundles>
// kernel: kernel.10.cloned.1.call-start
scs
__scs_entry_jumppad:
0x0: {  	(pc) =	sbr.rel $0x88, $3  }
0x1: {  	(tag) =	ssettag $0x0;
	lr =	simm.s32 $0x1  }
0x2: {  	[smem:$0x3F93] =	sst lr;
	_ =	strace $0xD0000000  }
0x3: {  	_ = 	snop  }
0x4: {  	_ = 	snop  }
0x5: {  	_ = 	snop  }
0x6: {  	_ = 	snop  }
0x7: {  	_ = 	snop  }
__scs_overlays_trampoline_lowered:
0x8: {  	[smem:$0x3FA2] =	sst s0  }
0x9: {  	[smem:$0x3FA3] =	sst s1  }
0xa: {  	[smem:$0x3FA4] =	sst s2  }
0xb: {  	[smem:$0x3FA5] =	sst s3  }
0xc: {  	[smem:$0x3FA6] =	sst s4  }
0xd: {  	[smem:$0x3FA7] =	sst s5  }
0xe: {  	[smem:$0x3FA8] =	sst s6  }
0xf: {  	[smem:$0x3FA9] =	sst s7  }
0x10: {  	[smem:$0x3FAA] =	sst s8  }
0x11: {  	[smem:$0x3FAB] =	sst s9;
	s0 =	simm.s32 @!p0 $0x0  }
0x12: {  	s1 =	sld [smem:$0x3F91];
	s0 =	simm.s32 @p0 $0x1  }
0x13: {  	[smem:$0x3FAC] =	sst s0;
	s0 =	simm.s32 @!p1 $0x0  }
0x14: {  	s2 =	sld [smem:$0x3F90];
	s0 =	simm.s32 @p1 $0x1  }
0x15: {  	[smem:$0x3FAD] =	sst s0;
	s0 =	simm.s32 @!p2 $0x0  }
0x16: {  	s3 =	sld [smem:$0x3FDB];
	s0 =	simm.s32 @p2 $0x1  }
0x17: {  	s4 =	simm.s32 $0x1BF5;
	[smem:$0x3FAF] =	sst s0  }
0x18: {  	s0 =	sld [smem:$0x3F92];
	_ =	swait.ge [sflag:s4], $0x0  }
0x19: {  	s7 =	sld [smem:$0x3F93]  }
0x1a: {  	s8 =	sadd.s32 $0xFFFFE003, lr  }
0x1b: {  	s9 =	sadd.s32 $0xFFFFFEF7, lr;
	s5 =	simm.s32 $0xFFFFFFFF;
	p2 =	slt.u32 s8, $0xFFFFF086  }
0x1c: {  	p1 =	slt.u32 s9, $0xF7A;
	s5 =	simm.s32 @!p2 $0x0  }
0x1d: {  	s5 =	simm.s32 @p1 $0x1;
	p0 =	seq.s32 s7, s2  }
0x1e: {  	s7 =	smul.u32 @!p0 $0xF7A, s2;
	p2 =	seq.s32 @!p0 s5, $0x0  }
0x1f: {  	s9 =	smul.u32 $0xF7A, s1;
	s8 =	simm.s32 @!p0 $0x1BF5;
	p2 =	por !p2, p0  }
0x20: {  	[sflag:s8] =	ssyncset.s32 @!p0 $0xFFFFF086;
	s6 =	sadd.s32 @!p0 s3, s7;
	s7 =	simm.s32 @!p0 $0x108  }
0x21: {  	s3 =	sadd.s32 s3, s9;
	s6 =	sadd.s32 @!p0 $0x88, s6;
	s7 =	simm.s32 @p2 $0x1082  }
0x22: {  	[simem:s7], [sflag:s8] =	dma.local @!p0 [hbm:s6], $0xF7A  }
0x23: {  	s9 =	sor.u32 $0xD0000000, s2;
	s6 =	simm.s32 $0x108;
	_ =	swait.ge @!p0 [sflag:s8], $0x0  }
0x24: {  	s3 =	sadd.s32 $0x88, s3;
	s6 =	simm.s32 @!p1 $0x1082;
	[sflag:s4] =	ssyncset.s32 $0xFFFFF086  }
0x25: {  	[simem:s6], [sflag:s4] =	dma.local [hbm:s3], $0xF7A  }
0x26: {  	[smem:$0x3F93] =	sst s1;
	(tag) =	ssettag s2;
	_ =	strace s9  }
0x27: {  	s1 =	sld [smem:$0x3FA3]  }
0x28: {  	s2 =	sld [smem:$0x3FA4]  }
0x29: {  	s4 =	sld [smem:$0x3FA6]  }
0x2a: {  	p0 =	seq.s32 s5, $0x0;
	s5 =	sld [smem:$0x3FA7]  }
0x2b: {  	s6 =	sld [smem:$0x3FA8]  }
0x2c: {  	s7 =	sld [smem:$0x3FA9]  }
0x2d: {  	s3 =	simm.s32 $0x108;
	s8 =	sld [smem:$0x3FAA]  }
0x2e: {  	s3 =	simm.s32 @!p0 $0x1082;
	s9 =	sld [smem:$0x3FAB]  }
0x2f: {  	lr =	sadd.s32 s0, s3;
	s0 =	sld [smem:$0x3FA2]  }
0x30: {  	s3 =	sld [smem:$0x3FA5]  }
0x31: {  	[smem:$0x3FAE] =	sst s10  }
0x32: {  	s10 =	sld [smem:$0x3FAC];
	_ =	sdelay $0x3  }
0x33: {  	p0 =	seq.s32 s10, $0x1;
	s10 =	sld [smem:$0x3FAE];
	_ =	sdelay $0x3  }
0x34: {  	[smem:$0x3FAE] =	sst s10  }
0x35: {  	s10 =	sld [smem:$0x3FAD];
	_ =	sdelay $0x3  }
0x36: {  	p1 =	seq.s32 s10, $0x1;
	s10 =	sld [smem:$0x3FAE];
	_ =	sdelay $0x3  }
0x37: {  	[smem:$0x3FAE] =	sst s10  }
0x38: {  	s10 =	sld [smem:$0x3FAF]  }
0x39: {  	_ = 	snop;
	(pc) =	sbr.ind lr, $3  }
0x3a: {  	_ = 	snop  }
0x3b: {  	_ = 	snop  }
0x3c: {  	p2 =	seq.s32 s10, $0x1;
	s10 =	sld [smem:$0x3FAE]  }
0x3d: {  	_ =	shalt  }
0x3e: {  	_ =	shalt  }
0x3f: {  	_ =	shalt  }
0x40: {  	_ =	shalt  }
0x41: {  	_ =	shalt  }
0x42: {  	_ =	shalt  }
0x43: {  	_ =	shalt  }
0x44: {  	_ =	shalt  }
0x45: {  	_ =	shalt  }
0x46: {  	_ =	shalt  }
0x47: {  	_ =	shalt  }
0x48: {  	_ =	shalt  }
0x49: {  	_ =	shalt  }
0x4a: {  	_ =	shalt  }
0x4b: {  	_ =	shalt  }
0x4c: {  	_ =	shalt  }
0x4d: {  	_ =	shalt  }
0x4e: {  	_ =	shalt  }
0x4f: {  	_ =	shalt  }
0x50: {  	_ =	shalt  }
0x51: {  	_ =	shalt  }
0x52: {  	_ =	shalt  }
0x53: {  	_ =	shalt  }
0x54: {  	_ =	shalt  }
0x55: {  	_ =	shalt  }
0x56: {  	_ =	shalt  }
0x57: {  	_ =	shalt  }
0x58: {  	_ =	shalt  }
0x59: {  	_ =	shalt  }
0x5a: {  	_ =	shalt  }
0x5b: {  	_ =	shalt  }
0x5c: {  	_ =	shalt  }
0x5d: {  	_ =	shalt  }
0x5e: {  	_ =	shalt  }
0x5f: {  	_ =	shalt  }
0x60: {  	_ =	shalt  }
0x61: {  	_ =	shalt  }
0x62: {  	_ =	shalt  }
0x63: {  	_ =	shalt  }
0x64: {  	_ =	shalt  }
0x65: {  	_ =	shalt  }
0x66: {  	_ =	shalt  }
0x67: {  	_ =	shalt  }
0x68: {  	_ =	shalt  }
0x69: {  	_ =	shalt  }
0x6a: {  	_ =	shalt  }
0x6b: {  	_ =	shalt  }
0x6c: {  	_ =	shalt  }
0x6d: {  	_ =	shalt  }
0x6e: {  	_ =	shalt  }
0x6f: {  	_ =	shalt  }
0x70: {  	_ =	shalt  }
0x71: {  	_ =	shalt  }
0x72: {  	_ =	shalt  }
0x73: {  	_ =	shalt  }
0x74: {  	_ =	shalt  }
0x75: {  	_ =	shalt  }
0x76: {  	_ =	shalt  }
0x77: {  	_ =	shalt  }
0x78: {  	_ =	shalt  }
0x79: {  	_ =	shalt  }
0x7a: {  	_ =	shalt  }
0x7b: {  	_ =	shalt  }
0x7c: {  	_ =	shalt  }
0x7d: {  	_ =	shalt  }
0x7e: {  	_ =	shalt  }
0x7f: {  	_ =	shalt  }
0x80: {  	_ =	shalt  }
0x81: {  	_ =	shalt  }
0x82: {  	_ =	shalt  }
0x83: {  	_ =	shalt  }
0x84: {  	_ =	shalt  }
0x85: {  	_ =	shalt  }
0x86: {  	_ =	shalt  }
0x87: {  	_ =	shalt  }
.Lfunc_end0:
.L_simem_size_0:
called_computation.1_lowered:
.L_overlay_start_0:
0x88: {  	s2 =	sld [smem:$0x3FD9]  }
0x89: {  	s3 =	sld [smem:$0x3FFE];
	_ =	sdelay $0x1  }
0x8a: {  	s1 =	srdreg.scid  }
0x8b: {  	s0 =	sand.u32 $0x1, s1  }
0x8c: {  	s17 =	sshll.u32 s0, $0xA;
	s2 =	sadd.s32 s3, s2  }
0x8d: {  	s2 =	sadd.s32 s2, s17  }
0x8e: {  	[smem:$0x3FBA] =	sst s2  }
0x8f: {  	_ = 	snop  }
0x90: {  	s2 =	sld [smem:$0x3FC1]  }
0x91: {  	s18 =	sld [smem:$0x3FD0];
	(tm) =	ssettm $0x1  }
0x92: {  	s4 =	sld [smem:$0x3FFB];
	_ =	sdelay $0x3  }
0x93: {  	_ =	strace s4  }
0x94: {  	s4 =	sld [smem:$0x3FFC];
	_ =	sdelay $0x3  }
0x95: {  	_ =	strace s4  }
0x96: {  	s4 =	sld [smem:$0x3FFD];
	_ =	sdelay $0x3  }
0x97: {  	_ =	strace s4  }
0x98: {  	_ =	strace $0x8FFFFFFF  }
0x99: {  	s19 =	sld [smem:$0x3FDB];
	_ =	sdelay $0x1  }
0x9a: {  	s5 =	simm.s32 $_scs_section_size  }
0x9b: {  	s6 =	simm.s32 $_size__tile_overlayer_lowered;
	s7 =	simm.s32 $_tile_overlayer_lowered  }
0x9c: {  	s22 =	simm.s32 $0x1BFF;
	s21 =	sshll.u32 s7, $0x1;
	s4 =	sadd.s32 s5, s19  }
0x9d: {  	s8 =	simm.s32 $0x0;
	s20 =	sshll.u32 s6, $0x1;
	s6 =	sadd.s32 s21, s4  }
0x9e: {  	[timem:s8], [sflag:s22] =	dma.local [hbm:s6], s20  }
0x9f: {  	_ =	swait.ge [sflag:s22], s20  }
0xa0: {  	s5 =	ssub.s32 $0x0, s20;
	[sflag:s22] =	ssyncset.done $0x0  }
0xa1: {  	[sflag:s22] =	ssyncadd.s32 s5;
	_ =	sdelay $0x1  }
0xa2: {  	s23 =	simm.s32 $0x1B8B  }
0xa3: {  	_ =	swait.ge [sflag:s23], $0x1  }
0xa4: {  	[sflag:s23] =	ssyncset.done $0x0  }
0xa5: {  	s25 =	simm.s32 $0x1B8E;
	s24 =	sld [smem:$0x3FFE];
	[sflag:s23] =	ssyncadd.s32 $0xFFFFFFFF  }
0xa6: {  	s26 =	simm.s32 $execute0_lowered;
	[smem:$0x3FD2] =	sst s25  }
0xa7: {  	s6 =	sshll.u32 s26, $0x1;
	_ =	strace $0x80000049;
	[dreg:$0x1] =	wrdreg $0xFFFFFFFF  }
0xa8: {  	s28 =	simm.s32 $_size_execute0_lowered;
	s4 =	sadd.s32 s4, s6;
	[dreg:$0x0] =	wrdreg $0x0  }
0xa9: {  	s6 =	sshll.u32 s28, $0x1;
	[dreg:$0x2] =	wrdreg s4  }
0xaa: {  	[dreg:$0x3] =	wrdreg s6  }
0xab: {  	[dreg:$0x4] =	wrdreg $0xC0  }
0xac: {  	_ =	task [dreg:s8], $0x5FFFF  }
0xad: {  	[dreg:$0x1] =	wrdreg $0xFFFFFFFF  }
0xae: {  	[dreg:$0x0] =	wrdreg $0x60  }
0xaf: {  	[dreg:$0x2] =	wrdreg s24  }
0xb0: {  	[dreg:$0x3] =	wrdreg s18  }
0xb1: {  	[dreg:$0x4] =	wrdreg s2  }
0xb2: {  	[dreg:$0x5] =	wrdreg $0xAA800  }
0xb3: {  	[dreg:$0x6] =	wrdreg $0x14AC00  }
0xb4: {  	[dreg:$0x7] =	wrdreg $0x9  }
0xb5: {  	_ =	task.clear_ibuf [dreg:s8], $0x8FFFF;
	_ =	strace $0x90000049  }
0xb6: {  	s29 =	simm.s32 $0x9;
	_ =	strace $0x8000004B  }
0xb7: {  	_ =	swait.ge [sflag:s29], $0x1  }
0xb8: {  	[sflag:s29] =	ssyncadd.s32 $0xFFFFFFFF  }
0xb9: {  	_ =	strace $0x9000004B  }
0xba: {  	_ =	sfence  }
0xbb: {  	s30 =	sld [smem:$0x0];
	_ =	sdelay $0x2  }
0xbc: {  	s31 =	sshll.u32 s1, $0xD;
	s1 =	sshrl.u32 s1, $0x2  }
0xbd: {  	s3 =	sand.u32 $0x4000, s31;
	s1 =	sadd.s32 s1, s30  }
0xbe: {  	s0 =	sor.u32 s3, s0;
	s1 =	sshll.u32 s1, $0x11  }
0xbf: {  	s0 =	sor.u32 s1, s0  }
0xc0: {  	s0 =	sadd.s32 $0x8F2B, s0  }
0xc1: {  	[sflag:s0] =	ssyncadd.remote.s32 $0x1  }
0xc2: {  	_ =	sfence.sel $0xFFFF  }
0xc3: {  	[dreg:$0x0] =	wrdreg $0xFFFFFFFF;
	(pc) =	sbr.abs _section_cstart, $3  }
0xc4: {  	[dreg:$0x1] =	wrdreg $0xFFFFFFFF  }
0xc5: {  	_ =	task.clear_ibuf [dreg:s8], $0x2FFFF;
	_ =	strace $0x9FFFFFFF  }
0xc6: {  	(tm) =	ssettm $0x7FFFFFFF  }
0xc7: {  	_ =	shalt  }
tec
execute0_lowered:
.L_overlay_start_1:
0x0: {  	(tag) =	ssettag $0x1  }
0x1: {  	v0 =	vimm.s32 $0xEDCBA987;
	v1 =	vimm.s32 $0x65432100  }
0x2: {  	v2 =	vimm.f32 $0.0e+00;
	v5 =	vimm.s32 $0x54321000;
	v6 =	vimm.s32 $0xDCBA9876  }
0x3: {  	v9 =	vimm.s32 $0x32100000;
	v10 =	vimm.s32 $0xE40000;
	vm0 =	vmmov $0x3  }
0x4: {  	v11 =	vimm.s32 $0x76543210;
	v12 =	vimm.s32 $0x7060504;
	vm2 =	vcmask $0x3F30  }
0x5: {  	s3 =	rddreg [dreg:$0x0];
	vm1 =	vmmov $0xf;
	v13 =	vimm.s32 $0x54761032;
	v3 =	vunpack.c.l.s4.s8 v0  }
0x6: {  	s0 =	srdreg.scid;
	s2 =	rddreg [dreg:$0x3];
	v14 =	vimm.s32 $0xEFCDAB89;
	v15 =	vimm.s32 $0x67452301;
	v4 =	vunpack.c.l.s4.s8 v1  }
0x7: {  	s4 =	rddreg [dreg:$0x4];
	s10 =	stileid.u32;
	vm3 =	vmmov $0x1;
	v6 =	vunpack.c.l.s4.s8 v6;
	v3 =	vunpack.c.0.s8.s32 v3  }
0x8: {  	s6 =	simm.s32 $0x0;
	s19 =	simm.s32 $0x4;
	s28 =	simm.s32 $0x2;
	v8 =	vunpack.c.l.s4.s8 v5;
	v5 =	vlaneseq.u32;
	v4 =	vunpack.c.0.s8.s32 v4  }
0x9: {  	s29 =	simm.s32 $0x2980;
	s30 =	simm.s32 $0x6A00;
	s31 =	simm.s32 $0x8A00;
	v9 =	vunpack.c.l.s4.s8 v9;
	v6 =	vunpack.c.0.s8.s32 v6;
	v7 =	vand.u32 $0xF, v3  }
0xa: {  	s1 =	sand.u32 $0x1, s0;
	s5 =	smul.u32 $0xA000, s10;
	[smem:$0x7FF] =	sst s6;
	v4 =	vcombine.low v4, v7;
	v7 =	vunpack.c.0.s8.s32 v8;
	v8 =	vimm.s32 $0xBA987654  }
0xb: {  	v10 =	vunpack.c.l.s2.s4 v10;
	v11 =	vunpack.c.l.s4.s8 v11;
	s7 =	sadd.s32 $0xCC00, s3;
	s8 =	sadd.s32 $0x34C00, s3;
	s0 =	smul.u32 $0x1400, s1;
	v8 =	vunpack.c.l.s4.s8 v8  }
0xc: {  	s9 =	sadd.s32 $0x2E00, s3;
	s11 =	sadd.s32 $0x5CC00, s3;
	s14 =	smul.u32 $0x4E20, s10;
	v13 =	vunpack.c.l.s4.s8 v13;
	v14 =	vunpack.c.l.s4.s8 v14;
	v6 =	vand.u32 $0xF, v6  }
0xd: {  	p0 =	sne.s32 s10, $0x0;
	s22 =	smul.u32 $0xA0000, s1;
	s1 =	ssub.s32 $0x2, s1;
	v0 =	vmov s0;
	v6 =	vcombine.low v7, v6;
	v7 =	vunpack.c.0.s8.s32 v8  }
0xe: {  	s23 =	sshrl.u32 s1, $0x1;
	s24 =	sadd.s32 s5, s2;
	s0 =	sadd.s32 $0x1400, s0;
	v8 =	vunpack.c.0.s8.s32 v9;
	v9 =	vunpack.c.l.s4.s8 v10;
	v10 =	vimm.s32 $0xFEDCBA98  }
0xf: {  	v15 =	vunpack.c.l.s4.s8 v15;
	s25 =	sshrl.u32 s5, $0x3;
	s6 =	sadd.s32 s5, s22;
	v1 =	vmov s0;
	s0 =	rddreg [dreg:$0x1];
	v10 =	vunpack.c.l.s4.s8 v10  }
0x10: {  	v11 =	vunpack.c.0.s8.s32 v11;
	s1 =	ssub.s32 s1, s23;
	_ =	strace $0x8000004A;
	[dreg:$0x7] =	wrdreg s24;
	v7 =	vand.u32 $0xF, v7;
	v9 =	vunpack.c.0.s8.s32 v9  }
0x11: {  	s5 =	sadd.s32 s5, s4;
	s22 =	simm.s32 $0x800;
	[dreg:$0x6] =	wrdreg s11;
	v7 =	vcombine.low v8, v7;
	v8 =	vunpack.c.0.s8.s32 v12;
	v10 =	vunpack.c.0.s8.s32 v10  }
0x12: {  	v13 =	vunpack.c.0.s8.s32 v13;
	v18 =	vunpack.c.0.s8.s32 v14;
	s23 =	simm.s32 $0x1;
	s6 =	sshrl.u32 s6, $0x3;
	[dreg:$0x9] =	wrdreg s5;
	v9 =	vand.u32 $0x3, v9  }
0x13: {  	s5 =	sadd.s32 $0xA0000, s2;
	s1 =	smax.u32 s1, $0x1;
	s24 =	simm.s32 $0x40;
	v12 =	vimm.s32 $0xDCFE98BA;
	v8 =	vsel vm2, v8, v9;
	v9 =	vand.u32 $0xF, v10  }
0x14: {  	s3 =	sadd.s32 s6, s3;
	s6 =	sadd.s32 s11, s25;
	[dreg:$0xc] =	wrdreg s1;
	v10 =	vimm.s32 $0xBA98FEDC;
	v9 =	vcombine.low v9, v11;
	v11 =	vimm.s32 $0x32107654  }
.Ltmp0:
0x15: {  	s1 =	sshrl.u32 @!p0 s5, $0x3;
	[dreg:$0x8] =	wrdreg s6;
	v12 =	vunpack.c.l.s4.s8 v12;
	v10 =	vunpack.c.l.s4.s8 v10;
	v11 =	vunpack.c.l.s4.s8 v11;
	(pc) =	sbr.rel .LBB2_1-.Ltmp0, $4  }
0x16: {  	v15 =	vunpack.c.0.s8.s32 v15;
	v14 =	vimm.s32 $0x1400;
	v3 =	vimm.s32 $0x0;
	s25 =	simm.s32 $0x2A00;
	s26 =	sadd.s32 $0x70C00, s3;
	[dreg:$0xd] =	wrdreg s1  }
0x17: {  	s6 =	sadd.s32 $0xA0000, s4;
	s3 =	sadd.s32 $0x98C00, s3;
	[dreg:$0xa] =	wrdreg s26;
	v17 =	vunpack.c.0.s8.s32 v12;
	v16 =	vunpack.c.0.s8.s32 v10;
	v11 =	vunpack.c.0.s8.s32 v11  }
0x18: {  	v15 =	vcombine.low v15, v18;
	[dreg:$0xb] =	wrdreg s3;
	s1 =	sshrl.u32 @!p0 s6, $0x3;
	s26 =	simm.s32 $0x4A00;
	vm2 =	vmmov $0xff;
	v12 =	vadd.s32 $0x1, v5  }
0x19: {  	s3 =	simm.s32 $0x3;
	[dreg:$0xe] =	wrdreg s1;
	s1 =	simm.s32 $0x0;
	v10 =	vimm.s32 $0x7;
	v13 =	vcombine.low v13, v17;
	v11 =	vcombine.low v11, v16  }
.LBB2_11:
0x1a: {  	[bflag:$0x0] =	sbarrier.arrive $0xFFFF  }
0x1b: {  	s10 =	rddreg [dreg:$0xa]  }
0x1c: {  	[hbm:s10], [sflag:s6] =	dma.local [spmem:s18], $0x1400  }
0x1d: {  	_ =	swait.ge [sflag:s19], $0x1400  }
0x1e: {  	[sflag:s19] =	ssyncset.done $0x0  }
0x1f: {  	s20 =	rddreg [dreg:$0xb];
	[sflag:s19] =	ssyncadd.s32 $0xFFFFEC00  }
0x20: {  	[hbm:s20], [sflag:s6] =	dma.local [spmem:s5], $0x1400  }
0x21: {  	_ =	swait.ge [sflag:s19], $0x1400  }
0x22: {  	s1 =	sadd.s32 $0x1, s1;
	s21 =	rddreg [dreg:$0xc]  }
0x23: {  	p1 =	sne.s32 s1, s21  }
.Ltmp1:
0x24: {  	_ = 	snop;
	(pc) =	sbr.rel @!p1 .LBB2_12-.Ltmp1, $3  }
0x25: {  	[sflag:s19] =	ssyncset.done $0x0  }
0x26: {  	[sflag:s19] =	ssyncadd.s32 $0xFFFFEC00  }
0x27: {  	[bflag:$0x0] =	sbarrier.arrive $0xFFFF;
	_ =	sdelay $0x1  }
.LBB2_1:
0x28: {  	s5 =	rddreg [dreg:$0x2];
	s6 =	simm.s32 $0x0;
	s10 =	simm.s32 $0xAA00  }
0x29: {  	[tilespmem:s10], [sflag:$0x4] =	stream.linear.gather [hbm4b:s5+s6], $0x80, $0x38;
	[tilespmem:$0x1EB00] =	vst v63  }
0x2a: {  	_ =	swait.ge [sflag:s19], $0x80  }
0x2b: {  	[sflag:s19] =	ssyncset.done $0x0  }
0x2c: {  	[sflag:s19] =	ssyncadd.s32 $0xFFFFFF80  }
0x2d: {  	v16 =	vld [tilespmem:$0xAA00]  }
0x2e: {  	v17 =	vld [tilespmem:$0xAA10]  }
0x2f: {  	v18 =	vld [tilespmem:$0xAA20]  }
0x30: {  	v19 =	vld [tilespmem:$0xAA30]  }
0x31: {  	v22 =	vld [tilespmem:$0xAA60]  }
0x32: {  	v20 =	vld [tilespmem:$0xAA40]  }
0x33: {  	v23 =	vld [tilespmem:$0xAA70]  }
0x34: {  	s5 =	simm.s32 $0x0;
	s6 =	simm.s32 $0x200;
	v21 =	vld [tilespmem:$0xAA50]  }
.LBB2_2:
0x35: {  	p1 =	sne.s32 s6, $0x7E00;
	[tilespmem:s5+$0x8A70] =	vst v2  }
0x36: {  	[tilespmem:s5+$0x8A10] =	vst v2  }
.Ltmp2:
0x37: {  	[tilespmem:s5+$0x8A20] =	vst v2;
	(pc) =	sbr.rel @p1 .LBB2_2-.Ltmp2, $4  }
0x38: {  	[tilespmem:s5+$0x8A30] =	vst v2  }
0x39: {  	[tilespmem:s5+$0x8A40] =	vst v2  }
0x3a: {  	[tilespmem:s5+$0x8A50] =	vst v2  }
0x3b: {  	[tilespmem:s5+$0x8A60] =	vst v2;
	s5 =	sshra.s32 s6, $0x2;
	s6 =	sadd.s32 $0x200, s6  }
0x3c: {  	[tilespmem:s5+$0x8A70] =	vst v2  }
0x3d: {  	[tilespmem:s5+$0x8A10] =	vst v2  }
0x3e: {  	[tilespmem:s5+$0x8A20] =	vst v2  }
0x3f: {  	[tilespmem:s5+$0x8A30] =	vst v2  }
0x40: {  	[tilespmem:s5+$0x8A40] =	vst v2;
	s6 =	stileid.u32  }
0x41: {  	[tilespmem:s5+$0x8A50] =	vst v2;
	s20 =	rddreg [dreg:$0x7];
	s6 =	sshll.u32 s6, $0x6  }
0x42: {  	[tilespmem:s5+$0x8A60] =	vst v2;
	s10 =	rddreg [dreg:$0x8];
	s18 =	sshrl.u32 s20, $0x3;
	s6 =	sor.u32 $0x1C04, s6  }
0x43: {  	[spmem:s18], [sflag:s6] =	dma.local [hbm:s10], $0x1400  }
0x44: {  	_ =	swait.ge [sflag:s19], $0x1400  }
0x45: {  	[sflag:s19] =	ssyncset.done $0x0;
	s21 =	rddreg [dreg:$0x9]  }
0x46: {  	[sflag:s19] =	ssyncadd.s32 $0xFFFFEC00;
	s5 =	sshrl.u32 s21, $0x3  }
0x47: {  	[spmem:s5], [sflag:s6] =	dma.local [hbm:s10], $0x1400  }
0x48: {  	_ =	swait.ge [sflag:s19], $0x1400  }
0x49: {  	[sflag:s19] =	ssyncset.done $0x0;
	s11 =	rddreg [dreg:$0x6]  }
0x4a: {  	s10 =	rddreg [dreg:$0xd];
	[sflag:s19] =	ssyncadd.s32 $0xFFFFEC00  }
0x4b: {  	[spmem:s10], [sflag:s6] =	dma.local @!p0 [hbm:s11], $0x80  }
0x4c: {  	s10 =	simm.s32 @!p0 $0x4  }
0x4d: {  	_ =	swait.ge @!p0 [sflag:s10], $0x80  }
0x4e: {  	[sflag:s10] =	ssyncset.done @!p0 $0x0  }
0x4f: {  	s12 =	rddreg [dreg:$0xe];
	[sflag:s10] =	ssyncadd.s32 @!p0 $0xFFFFFF80  }
0x50: {  	[spmem:s12], [sflag:s6] =	dma.local @!p0 [hbm:s11], $0x80  }
.Ltmp3:
0x51: {  	_ =	swait.ge @!p0 [sflag:s10], $0x80;
	(pc) =	sbr.rel .LBB2_4-.Ltmp3, $4  }
0x52: {  	[sflag:s10] =	ssyncset.done @!p0 $0x0  }
0x53: {  	[sflag:s10] =	ssyncadd.s32 @!p0 $0xFFFFFF80  }
0x54: {  	[bflag:$0x0] =	sbarrier.arrive $0xFFFF  }
0x55: {  	s13 =	simm.s32 $0x0;
	s11 =	simm.s32 $0x0  }
.LBB2_10:
0x56: {  	s13 =	sadd.s32 $0x1, s13  }
0x57: {  	p1 =	sne.s32 s13, $0xA  }
.Ltmp4:
0x58: {  	_ = 	snop;
	(pc) =	sbr.rel @!p1 .LBB2_11-.Ltmp4, $1  }
0x59: {  	_ =	sdelay $0x3  }
.LBB2_4:
0x5a: {  	s10 =	smul.u32 $0x7D0, s13;
	_ =	sdelay $0x1  }
0x5b: {  	s10 =	sadd.s32 s14, s10  }
0x5c: {  	s10 =	sshrl.u32 s10, $0x3  }
0x5d: {  	s12 =	sadd.s32 s9, s10  }
0x5e: {  	[tilespmem:s11], [sflag:$0x4] =	stream.linear.gather [hbm4b:s12+s11], $0x7D0, $0x38;
	[tilespmem:$0x1EB00] =	vst v63  }
0x5f: {  	_ =	swait.ge [sflag:s19], $0x7D0  }
0x60: {  	[sflag:s19] =	ssyncset.done $0x0  }
0x61: {  	s10 =	sadd.s32 s0, s10;
	[sflag:s19] =	ssyncadd.s32 $0xFFFFF830  }
0x62: {  	[tilespmem:s22], [sflag:$0x4] =	stream.linear.gather [hbm4b:s10+s11], $0x7D0, $0x38;
	[tilespmem:$0x1EB00] =	vst v63  }
0x63: {  	_ =	swait.ge [sflag:s19], $0x7D0  }
0x64: {  	[sflag:s19] =	ssyncset.done $0x0  }
0x65: {  	s20 =	simm.s32 $0x0;
	[sflag:s19] =	ssyncadd.s32 $0xFFFFF830  }
0x66: {  	v24 =	vld [tilespmem:s20+$0x800];
	_ =	sdelay $0x4  }
0x67: {  	vm4 =	vge.s32 v24, v0;
	vm5 =	vlt.s32 v24, v1  }
0x68: {  	vm4 =	vmand vm4, vm5  }
0x69: {  	v25 =	vsel vm4, $0x1, v3  }
0x6a: {  	v26 =	vperm.xlane v25, v4  }
0x6b: {  	vm4 =	veq.s32 v5, $0x0  }
0x6c: {  	v26 =	vsel vm4, $0x0, v26  }
0x6d: {  	v25 =	vadd.s32 v25, v26  }
0x6e: {  	v26 =	vperm.xlane v25, v6;
	_ =	sdelay $0x1  }
0x6f: {  	v26 =	vsel vm0, $0x0, v26  }
0x70: {  	v25 =	vadd.s32 v26, v25  }
0x71: {  	v26 =	vperm.xlane v25, v7;
	_ =	sdelay $0x1  }
0x72: {  	v26 =	vsel vm1, $0x0, v26  }
0x73: {  	v25 =	vadd.s32 v26, v25  }
0x74: {  	v26 =	vperm.xlane v25, v8;
	_ =	sdelay $0x1  }
0x75: {  	v26 =	vsel vm2, $0x0, v26  }
0x76: {  	v25 =	vadd.s32 v26, v25  }
0x77: {  	v26 =	vperm.xlane v25, v10;
	_ =	sdelay $0x1  }
0x78: {  	vm5 =	vlt.s32 v26, v12  }
0x79: {  	v26 =	vsel vm5, $0x8, v3  }
0x7a: {  	v27 =	vor.u32 $0x3, v26  }
0x7b: {  	(v2sf) =	vpush v25, $0xF;
	v27 =	vperm.xlane v25, v27;
	_ =	sdelay $0x1  }
0x7c: {  	v28 =	vor.u32 $0x4, v26;
	vm5 =	vlt.s32 v27, v12  }
0x7d: {  	v26 =	vsel vm5, v28, v26  }
0x7e: {  	v27 =	vor.u32 $0x1, v26  }
0x7f: {  	v27 =	vperm.xlane v25, v27;
	_ =	sdelay $0x1  }
0x80: {  	v28 =	vor.u32 $0x2, v26;
	vm5 =	vlt.s32 v27, v12  }
0x81: {  	v26 =	vsel vm5, v28, v26  }
0x82: {  	v27 =	vld [tilespmem:s20+$0x0];
	v25 =	vperm.xlane v25, v26;
	_ =	sdelay $0x1  }
0x83: {  	vm5 =	vlt.s32 v25, v12  }
0x84: {  	v25 =	vsel vm5, $0x1, v3  }
0x85: {  	v25 =	vor.u32 v25, v26  }
0x86: {  	v26 =	vperm.xlane v27, v25;
	v24 =	vperm.xlane v24, v25  }
0x87: {  	s21 =	spop (v2sf)  }
0x88: {  	s15 =	simm.s32 $0x0;
	s12 =	simm.s32 $0x40;
	s10 =	sadd.s32 $0x0, s21;
	[tilespmem:s11+$0x1000] =	vst v26;
	v25 =	vsub.s32 v24, v0  }
.LBB2_5:
0x89: {  	p1 =	sne.s32 s12, $0x1F00;
	[tilespmem:s15+$0x2100] =	vst v25;
	s16 =	smov.u32 s12;
	s12 =	sadd.s32 $0x40, s12  }
0x8a: {  	s16 =	sshra.s32 s16, $0x2;
	[tilespmem:s15+$0x1880] =	vst v24;
	s15 =	smov.u32 s10  }
0x8b: {  	v24 =	vld [tilespmem:s16+$0x800];
	_ =	sdelay $0x4  }
0x8c: {  	vm5 =	vge.s32 v24, v0;
	vm6 =	vlt.s32 v24, v1  }
0x8d: {  	vm5 =	vmand vm5, vm6  }
0x8e: {  	v25 =	vsel vm5, $0x1, v3  }
0x8f: {  	v26 =	vperm.xlane v25, v4;
	_ =	sdelay $0x1  }
0x90: {  	v26 =	vsel vm4, $0x0, v26  }
0x91: {  	v25 =	vadd.s32 v25, v26  }
0x92: {  	v26 =	vperm.xlane v25, v6;
	_ =	sdelay $0x1  }
0x93: {  	v26 =	vsel vm0, $0x0, v26  }
0x94: {  	v25 =	vadd.s32 v26, v25  }
0x95: {  	v26 =	vperm.xlane v25, v7;
	_ =	sdelay $0x1  }
0x96: {  	v26 =	vsel vm1, $0x0, v26  }
0x97: {  	v25 =	vadd.s32 v26, v25  }
0x98: {  	v26 =	vperm.xlane v25, v8;
	_ =	sdelay $0x1  }
0x99: {  	v26 =	vsel vm2, $0x0, v26  }
0x9a: {  	v25 =	vadd.s32 v26, v25  }
0x9b: {  	v26 =	vperm.xlane v25, v10;
	(v2sf) =	vpush v25, $0xF;
	_ =	sdelay $0x1  }
0x9c: {  	vm5 =	vlt.s32 v26, v12  }
0x9d: {  	v26 =	vsel vm5, $0x8, v3  }
0x9e: {  	v27 =	vor.u32 $0x3, v26  }
0x9f: {  	v27 =	vperm.xlane v25, v27;
	_ =	sdelay $0x1  }
0xa0: {  	v28 =	vor.u32 $0x4, v26;
	vm5 =	vlt.s32 v27, v12  }
0xa1: {  	v26 =	vsel vm5, v28, v26  }
0xa2: {  	v27 =	vor.u32 $0x1, v26  }
0xa3: {  	v27 =	vperm.xlane v25, v27;
	_ =	sdelay $0x1  }
0xa4: {  	v28 =	vor.u32 $0x2, v26;
	vm5 =	vlt.s32 v27, v12  }
0xa5: {  	v26 =	vsel vm5, v28, v26  }
0xa6: {  	v27 =	vld [tilespmem:s16+$0x0];
	v25 =	vperm.xlane v25, v26  }
0xa7: {  	s16 =	spop (v2sf)  }
0xa8: {  	vm5 =	vlt.s32 v25, v12;
	s10 =	sadd.s32 s10, s16  }
.Ltmp5:
0xa9: {  	v25 =	vsel vm5, $0x1, v3;
	(pc) =	sbr.rel @p1 .LBB2_5-.Ltmp5, $3  }
0xaa: {  	v25 =	vor.u32 v25, v26  }
0xab: {  	v26 =	vperm.xlane v27, v25;
	v24 =	vperm.xlane v24, v25;
	_ =	sdelay $0x1  }
0xac: {  	[tilespmem:s15+$0x1000] =	vst v26;
	v25 =	vsub.s32 v24, v0  }
0xad: {  	[tilespmem:s15+$0x2100] =	vst v25  }
0xae: {  	[tilespmem:s15+$0x1880] =	vst v24  }
0xaf: {  	[tilespmem:s10+$0x1000] =	vst v3  }
0xb0: {  	[tilespmem:s10+$0x1880] =	vst v3  }
0xb1: {  	s12 =	sadd.s32 $0x3F, s10;
	[tilespmem:s10+$0x2100] =	vst v14  }
0xb2: {  	[tilespmem:s10+$0x1010] =	vst v3;
	s20 =	sand.u32 $0x3F, s12  }
0xb3: {  	[tilespmem:s10+$0x1890] =	vst v3;
	s21 =	sshra.s32 s12, $0x1F;
	p2 =	slt.s32 s12, $0x1;
	p1 =	sne.s32 s20, $0x0  }
0xb4: {  	[tilespmem:s10+$0x2110] =	vst v14;
	s15 =	sshrl.u32 s21, $0x1A;
	p1 =	por !p2, !p1  }
0xb5: {  	[tilespmem:s10+$0x1020] =	vst v3;
	s12 =	sadd.s32 s15, s12;
	s15 =	simm.s32 $0x1;
	p1 =	por !p1, !p1  }
0xb6: {  	[tilespmem:s10+$0x18A0] =	vst v3;
	s12 =	sshra.s32 s12, $0x6;
	s15 =	simm.s32 @!p1 $0x0  }
0xb7: {  	[tilespmem:s10+$0x2120] =	vst v14;
	s15 =	ssub.s32 s12, s15  }
0xb8: {  	[tilespmem:s10+$0x1030] =	vst v3;
	p1 =	slt.s32 s15, $0x1  }
.Ltmp6:
0xb9: {  	[tilespmem:s10+$0x18B0] =	vst v3;
	(pc) =	sbr.rel @p1 .LBB2_10-.Ltmp6, $4  }
0xba: {  	[tilespmem:s10+$0x2130] =	vst v14  }
0xbb: {  	[tilespmem:s10+$0x1040] =	vst v3  }
0xbc: {  	[tilespmem:s10+$0x18C0] =	vst v3  }
0xbd: {  	s16 =	simm.s32 $0x0;
	[tilespmem:s10+$0x2140] =	vst v14  }
.LBB2_7:
0xbe: {  	s10 =	sshll.u32 s16, $0x6  }
0xbf: {  	v24 =	vld [tilespmem:s10+$0x2100];
	_ =	sdelay $0x4  }
0xc0: {  	[tilespmem:$0x2980] =	vst v24  }
0xc1: {  	v24 =	vld [tilespmem:s10+$0x2110];
	_ =	sdelay $0x4  }
0xc2: {  	[tilespmem:$0x2990] =	vst v24  }
0xc3: {  	v24 =	vld [tilespmem:s10+$0x2120];
	_ =	sdelay $0x4  }
0xc4: {  	[tilespmem:$0x29A0] =	vst v24  }
0xc5: {  	v24 =	vld [tilespmem:s10+$0x2130];
	_ =	sdelay $0x4  }
0xc6: {  	s12 =	sadd.s32 $0x1000, s10;
	[tilespmem:$0x29B0] =	vst v24  }
0xc7: {  	[tilespmem:s25], [sflag:$0x1] =	stream.indirect.gather [hbm4b:s7+s24], $0x80, s12, s24, $0xb8;
	[tilespmem:$0x1EB00] =	vst v63  }
0xc8: {  	s10 =	sadd.s32 $0x1880, s10  }
0xc9: {  	[tilespmem:s26], [sflag:$0x2] =	stream.indirect.gather [hbm4b:s8+s24], $0x80, s10, s24, $0xb8;
	[tilespmem:$0x1EB00] =	vst v63  }
0xca: {  	_ =	swait.ge [sflag:s23], $0x2000  }
0xcb: {  	[sflag:s23] =	ssyncset.done $0x0  }
0xcc: {  	[sflag:s23] =	ssyncadd.s32 $0xFFFFE000  }
0xcd: {  	_ =	swait.ge [sflag:s28], $0x2000  }
0xce: {  	[sflag:s28] =	ssyncset.done $0x0  }
0xcf: {  	s21 =	simm.s32 $0x0;
	[sflag:s28] =	ssyncadd.s32 $0xFFFFE000  }
0xd0: {  	v49 =	vld [tilespmem:s21+$0x2A00]  }
0xd1: {  	v24 =	vld [tilespmem:s21+$0x4A00]  }
0xd2: {  	v35 =	vld [tilespmem:s21+$0x2A10]  }
0xd3: {  	v25 =	vld [tilespmem:s21+$0x4A10]  }
0xd4: {  	v43 =	vld [tilespmem:s21+$0x2A20]  }
0xd5: {  	v26 =	vld [tilespmem:s21+$0x4A20]  }
0xd6: {  	v34 =	vld [tilespmem:s21+$0x2A30];
	v24 =	vadd.f32 v24, v49  }
0xd7: {  	v27 =	vld [tilespmem:s21+$0x4A30]  }
0xd8: {  	v39 =	vld [tilespmem:s21+$0x2A40];
	v25 =	vadd.f32 v25, v35;
	v28 =	vmul.f32 $2.000000030e-01, v24  }
0xd9: {  	v29 =	vld [tilespmem:s21+$0x4A40]  }
0xda: {  	v40 =	vld [tilespmem:s21+$0x2A50];
	v26 =	vadd.f32 v26, v43;
	v24 =	vmax.f32 v24, v28;
	v28 =	vmul.f32 $2.000000030e-01, v25  }
0xdb: {  	v30 =	vld [tilespmem:s21+$0x4A50];
	v24 =	vmul.f32 v24, v16  }
0xdc: {  	v36 =	vld [tilespmem:s21+$0x2A60];
	v27 =	vadd.f32 v27, v34;
	v25 =	vmax.f32 v25, v28;
	v28 =	vmul.f32 $2.000000030e-01, v26  }
0xdd: {  	v31 =	vld [tilespmem:s21+$0x4A60];
	v24 =	vadd.f32 $0.0e+00, v24;
	v25 =	vmul.f32 v25, v17  }
0xde: {  	v46 =	vld [tilespmem:s21+$0x2A70];
	v29 =	vadd.f32 v29, v39;
	v26 =	vmax.f32 v26, v28;
	v28 =	vmul.f32 $2.000000030e-01, v27  }
0xdf: {  	v32 =	vld [tilespmem:s21+$0x4A70];
	v24 =	vadd.f32 v25, v24;
	v25 =	vmul.f32 v26, v18  }
0xe0: {  	v26 =	vadd.f32 v30, v40;
	v27 =	vmax.f32 v27, v28;
	v28 =	vmul.f32 $2.000000030e-01, v29  }
0xe1: {  	v24 =	vadd.f32 v25, v24;
	v25 =	vmul.f32 v27, v19  }
0xe2: {  	v27 =	vadd.f32 v31, v36;
	v28 =	vmax.f32 v29, v28;
	v29 =	vmul.f32 $2.000000030e-01, v26  }
0xe3: {  	s17 =	simm.s32 $0x80;
	v30 =	vadd.f32 v25, v24;
	v28 =	vmul.f32 v28, v20  }
0xe4: {  	v51 =	vld [tilespmem:s17+$0x4A00];
	v31 =	vadd.f32 v32, v46;
	v26 =	vmax.f32 v26, v29;
	v29 =	vmul.f32 $2.000000030e-01, v27  }
0xe5: {  	v24 =	vld [tilespmem:s17+$0x2A20];
	v28 =	vadd.f32 v28, v30;
	v30 =	vmul.f32 v26, v21  }
0xe6: {  	v25 =	vld [tilespmem:s17+$0x2A00];
	v27 =	vmax.f32 v27, v29;
	v29 =	vmul.f32 $2.000000030e-01, v31  }
0xe7: {  	v26 =	vld [tilespmem:s17+$0x2A10];
	v28 =	vadd.f32 v30, v28;
	v27 =	vmul.f32 v27, v22  }
0xe8: {  	v30 =	vld [tilespmem:s17+$0x4A10];
	v29 =	vmax.f32 v31, v29  }
0xe9: {  	v31 =	vld [tilespmem:s17+$0x4A20];
	v28 =	vadd.f32 v27, v28;
	v29 =	vmul.f32 v29, v23  }
0xea: {  	v33 =	vld [tilespmem:s17+$0x4A30]  }
0xeb: {  	v32 =	vadd.f32 v51, v25;
	v27 =	vld [tilespmem:s17+$0x2A30];
	v37 =	vadd.f32 v29, v28  }
0xec: {  	v41 =	vld [tilespmem:s17+$0x4A40]  }
0xed: {  	v38 =	vmul.f32 $2.000000030e-01, v32;
	v28 =	vld [tilespmem:s17+$0x2A40];
	v30 =	vadd.f32 v30, v26;
	v42 =	vperm.xlane v37, v9  }
0xee: {  	v45 =	vld [tilespmem:s17+$0x4A50];
	v44 =	vadd.f32 v31, v24  }
0xef: {  	v29 =	vld [tilespmem:s17+$0x2A50];
	v31 =	vmax.f32 v32, v38;
	v52 =	vmul.f32 $2.000000030e-01, v30;
	v37 =	vadd.f32 v37, v42  }
0xf0: {  	v47 =	vld [tilespmem:s17+$0x4A60];
	v38 =	vmul.f32 v31, v16;
	v33 =	vadd.f32 v33, v27  }
0xf1: {  	v50 =	vld [tilespmem:s17+$0x4A70];
	v53 =	vmul.f32 $2.000000030e-01, v44;
	v30 =	vmax.f32 v30, v52;
	v48 =	vperm.xlane v37, v11  }
0xf2: {  	v31 =	vld [tilespmem:s17+$0x2A60];
	v38 =	vadd.f32 $0.0e+00, v38;
	v41 =	vadd.f32 v41, v28;
	v30 =	vmul.f32 v30, v17  }
0xf3: {  	v32 =	vld [tilespmem:s17+$0x2A70];
	v54 =	vmul.f32 $2.000000030e-01, v33;
	v42 =	vmax.f32 v44, v53;
	v37 =	vadd.f32 v37, v48  }
0xf4: {  	v45 =	vadd.f32 v45, v29;
	v55 =	vmul.f32 v42, v18;
	v30 =	vadd.f32 v30, v38  }
0xf5: {  	v33 =	vmax.f32 v33, v54;
	v56 =	vmul.f32 $2.000000030e-01, v41;
	v57 =	vperm.xlane v37, v13  }
0xf6: {  	v58 =	vmul.f32 $2.000000030e-01, v45;
	v33 =	vmul.f32 v33, v19;
	v38 =	vadd.f32 v55, v30  }
0xf7: {  	s20 =	simm.s32 $0x100;
	v47 =	vadd.f32 v47, v31;
	v41 =	vmax.f32 v41, v56;
	v37 =	vadd.f32 v37, v57  }
0xf8: {  	v63 =	vld [tilespmem:s20+$0x4A10];
	v59 =	vadd.f32 v50, v32;
	v41 =	vmul.f32 v41, v20;
	v38 =	vadd.f32 v33, v38  }
0xf9: {  	v52 =	vld [tilespmem:s20+$0x4A00];
	v42 =	vmax.f32 v45, v58;
	v60 =	vmul.f32 $2.000000030e-01, v47;
	v51 =	vperm.xlane v37, v15  }
0xfa: {  	v44 =	vld [tilespmem:s20+$0x4A50];
	v42 =	vmul.f32 v42, v21;
	v38 =	vadd.f32 v41, v38  }
0xfb: {  	v45 =	vld [tilespmem:s20+$0x2A00];
	v61 =	vmul.f32 $2.000000030e-01, v59;
	v47 =	vmax.f32 v47, v60;
	v37 =	vadd.f32 v37, v51  }
0xfc: {  	v33 =	vld [tilespmem:s20+$0x2A20];
	v62 =	vmul.f32 v47, v22;
	v38 =	vadd.f32 v42, v38  }
0xfd: {  	v48 =	vmax.f32 v59, v61;
	v41 =	vld [tilespmem:s20+$0x2A10];
	v56 =	vmul.f32 $1.442695020e+00, v37  }
0xfe: {  	v57 =	vld [tilespmem:s20+$0x4A20];
	v58 =	vmul.f32 v48, v23;
	v38 =	vadd.f32 v62, v38  }
0xff: {  	v30 =	vld [tilespmem:s20+$0x2A50];
	(erf) = vpow2.f32 v56  }
0x100: {  	v60 =	vld [tilespmem:s20+$0x4A30];
	v59 =	vadd.f32 v52, v45;
	v42 =	vadd.f32 v58, v38  }
0x101: {  	v37 =	vld [tilespmem:s20+$0x2A30]  }
0x102: {  	v53 =	vld [tilespmem:s20+$0x4A40];
	v52 =	vmul.f32 $2.000000030e-01, v59;
	v47 =	vadd.f32 v63, v41;
	v54 =	vperm.xlane v42, v9  }
0x103: {  	v51 =	vadd.f32 v57, v33;
	v38 =	vld [tilespmem:s20+$0x2A40]  }
0x104: {  	v48 =	vmax.f32 v59, v52;
	v61 =	vmul.f32 $2.000000030e-01, v47;
	v54 =	vadd.f32 v42, v54  }
0x105: {  	v48 =	vmul.f32 v48, v16;
	v63 =	vmul.f32 $2.000000030e-01, v51;
	v56 =	vadd.f32 v44, v30  }
0x106: {  	v50 =	vadd.f32 v60, v37;
	v62 =	vmax.f32 v47, v61;
	v60 =	vld [tilespmem:s20+$0x4A60];
	v55 =	vperm.xlane v54, v11  }
0x107: {  	v48 =	vadd.f32 $0.0e+00, v48;
	v47 =	vmax.f32 v51, v63;
	v42 =	vld [tilespmem:s20+$0x2A60];
	v57 =	vmul.f32 v62, v17  }
0x108: {  	v59 =	vld [tilespmem:s20+$0x4A70];
	v53 =	vadd.f32 v53, v38;
	v58 =	vmul.f32 $2.000000030e-01, v50;
	v54 =	vadd.f32 v54, v55;
	v51 =	vpop (erf)  }
0x109: {  	v44 =	vld [tilespmem:s20+$0x2A70];
	v47 =	vmul.f32 v47, v18;
	v48 =	vadd.f32 v57, v48;
	v46 =	vmul.f32 v51, v46  }
0x10a: {  	v50 =	vmax.f32 v50, v58;
	v61 =	vmul.f32 $2.000000030e-01, v53;
	v62 =	vperm.xlane v54, v13  }
0x10b: {  	s12 =	simm.s32 $0x180;
	v57 =	vmul.f32 $2.000000030e-01, v56;
	v47 =	vadd.f32 v47, v48;
	v63 =	vmul.f32 v50, v19;
	[tilespmem:s21+$0x6A70] =	vst v46  }
0x10c: {  	v55 =	vadd.f32 v60, v42;
	v53 =	vmax.f32 v53, v61;
	v52 =	vadd.f32 v54, v62;
	v46 =	vld [tilespmem:s12+$0x2A50]  }
0x10d: {  	v57 =	vmax.f32 v56, v57;
	v60 =	vadd.f32 v63, v47;
	v61 =	vmul.f32 v53, v20;
	v50 =	vld [tilespmem:s12+$0x4A50]  }
0x10e: {  	v58 =	vmul.f32 $2.000000030e-01, v55;
	v54 =	vadd.f32 v59, v44;
	v47 =	vld [tilespmem:s12+$0x2A20];
	v53 =	vperm.xlane v52, v15  }
0x10f: {  	s10 =	simm.s32 $0x800;
	v57 =	vmul.f32 v57, v21;
	v56 =	vadd.f32 v61, v60;
	v59 =	vmul.f32 v51, v49;
	v48 =	vld [tilespmem:s12+$0x2A00]  }
.LBB2_8:
0x110: {  	p1 =	sne.s32 s10, $0x7E00;
	v49 =	vld [tilespmem:s12+$0x4A00];
	v55 =	vmax.f32 v55, v58;
	v58 =	vmul.f32 $2.000000030e-01, v54;
	v52 =	vadd.f32 v52, v53;
	v60 =	vmovc v45  }
0x111: {  	v45 =	vld [tilespmem:s12+$0x2A10];
	v53 =	vadd.f32 v57, v56;
	v55 =	vmul.f32 v55, v22;
	[tilespmem:s21+$0x6A00] =	vst v59;
	v56 =	vmul.f32 v51, v35  }
0x112: {  	v43 =	vmul.f32 v51, v43;
	v35 =	vmovc v26;
	v26 =	vmovc v41;
	v57 =	vld [tilespmem:s12+$0x4A10];
	v54 =	vmax.f32 v54, v58;
	v52 =	vmul.f32 $1.442695020e+00, v52  }
0x113: {  	v58 =	vld [tilespmem:s12+$0x4A20];
	v59 =	vadd.f32 v55, v53;
	v53 =	vmul.f32 v54, v23;
	[tilespmem:s21+$0x6A10] =	vst v56;
	v54 =	vmul.f32 v51, v34  }
0x114: {  	v56 =	vmul.f32 v51, v39;
	v34 =	vmovc v27;
	v27 =	vmovc v37;
	(erf) = vpow2.f32 v52;
	[tilespmem:s21+$0x6A20] =	vst v43;
	v52 =	vnsel vm3, $0x0, v51;
	v37 =	vld [tilespmem:s12+$0x2A30]  }
0x115: {  	v49 =	vadd.f32 v49, v48;
	v55 =	vld [tilespmem:s12+$0x4A30];
	v53 =	vadd.f32 v53, v59;
	[tilespmem:s21+$0x6A30] =	vst v54;
	v59 =	vmul.f32 v51, v40  }
0x116: {  	v61 =	vmul.f32 v51, v36;
	v36 =	vmovc v31;
	v39 =	vmovc v28;
	v28 =	vmov v38;
	[tilespmem:s21+$0x6A40] =	vst v56;
	v41 =	vmov v45;
	v38 =	vld [tilespmem:s12+$0x2A40]  }
0x117: {  	v31 =	vmovc v42;
	v45 =	vmul.f32 $2.000000030e-01, v49;
	v51 =	vadd.f32 v57, v41;
	v54 =	vld [tilespmem:s12+$0x4A40];
	v56 =	vperm.xlane v53, v9;
	[tilespmem:s21+$0x6A50] =	vst v59  }
0x118: {  	v43 =	vmovc v24;
	v40 =	vmovc v29;
	v29 =	vmov v30;
	v30 =	vmov v46;
	v57 =	vadd.f32 v58, v47;
	[tilespmem:s21+$0x6A60] =	vst v61  }
0x119: {  	v24 =	vmovc v33;
	v42 =	vmax.f32 v49, v45;
	v58 =	vmul.f32 $2.000000030e-01, v51;
	v46 =	vadd.f32 v53, v56;
	[tilespmem:s21+$0x8A00] =	vst v52;
	s21 =	smov.u32 s17;
	s17 =	smov.u32 s20;
	s20 =	smov.u32 s12  }
0x11a: {  	v33 =	vmovc v47;
	v53 =	vadd.f32 v50, v30;
	v49 =	vmul.f32 v42, v16;
	v52 =	vadd.f32 v55, v37;
	v42 =	vld [tilespmem:s20+$0x2A60]  }
0x11b: {  	v50 =	vmul.f32 $2.000000030e-01, v57;
	v47 =	vmax.f32 v51, v58;
	v55 =	vld [tilespmem:s20+$0x4A60];
	v59 =	vperm.xlane v46, v11;
	v45 =	vmovc v48  }
0x11c: {  	v48 =	vadd.f32 $0.0e+00, v49;
	v47 =	vmul.f32 v47, v17;
	v49 =	vadd.f32 v54, v38;
	v54 =	vld [tilespmem:s20+$0x2A70]  }
0x11d: {  	v50 =	vmax.f32 v57, v50;
	v56 =	vmul.f32 $2.000000030e-01, v52;
	v57 =	vld [tilespmem:s20+$0x4A70];
	v58 =	vadd.f32 v46, v59;
	v51 =	vpop (erf)  }
0x11e: {  	v46 =	vadd.f32 v47, v48;
	v47 =	vmul.f32 v50, v18;
	v48 =	vmul.f32 v51, v32;
	v32 =	vmovc v44  }
0x11f: {  	v59 =	vmax.f32 v52, v56;
	v50 =	vmul.f32 $2.000000030e-01, v49;
	v52 =	vperm.xlane v58, v13  }
.Ltmp7:
0x120: {  	s12 =	sshra.s32 s10, $0x2;
	v56 =	vmul.f32 v59, v19;
	v47 =	vadd.f32 v47, v46;
	v55 =	vadd.f32 v55, v42;
	[tilespmem:s21+$0x6A70] =	vst v48;
	(pc) =	sbr.rel @p1 .LBB2_8-.Ltmp7, $4  }
0x121: {  	v48 =	vmax.f32 v49, v50;
	v49 =	vmul.f32 $2.000000030e-01, v53;
	v46 =	vld [tilespmem:s12+$0x2A50];
	v52 =	vadd.f32 v58, v52;
	v44 =	vmovc v54  }
0x122: {  	v59 =	vmul.f32 v48, v20;
	v50 =	vld [tilespmem:s12+$0x4A50];
	v56 =	vadd.f32 v56, v47;
	v54 =	vadd.f32 v57, v44  }
0x123: {  	v49 =	vmax.f32 v53, v49;
	v58 =	vmul.f32 $2.000000030e-01, v55;
	v47 =	vld [tilespmem:s12+$0x2A20];
	v53 =	vperm.xlane v52, v15  }
0x124: {  	s10 =	sadd.s32 $0x200, s10;
	v57 =	vmul.f32 v49, v21;
	v48 =	vld [tilespmem:s12+$0x2A00];
	v56 =	vadd.f32 v59, v56;
	v59 =	vmul.f32 v51, v25;
	v25 =	vmovc v60  }
0x125: {  	v60 =	vld [tilespmem:s12+$0x4A00]  }
0x126: {  	v49 =	vld [tilespmem:s12+$0x2A10];
	[tilespmem:s21+$0x6A00] =	vst v59  }
0x127: {  	v35 =	vmul.f32 v51, v35;
	v59 =	vld [tilespmem:s12+$0x4A10]  }
0x128: {  	v43 =	vmul.f32 v51, v43  }
0x129: {  	v34 =	vmul.f32 v51, v34;
	v61 =	vld [tilespmem:s12+$0x4A20];
	[tilespmem:s21+$0x6A10] =	vst v35  }
0x12a: {  	v39 =	vmul.f32 v51, v39;
	v35 =	vld [tilespmem:s12+$0x2A30];
	[tilespmem:s21+$0x6A20] =	vst v43;
	v60 =	vadd.f32 v60, v48  }
0x12b: {  	v55 =	vmax.f32 v55, v58;
	v40 =	vmul.f32 v51, v40;
	v43 =	vld [tilespmem:s12+$0x4A30];
	[tilespmem:s21+$0x6A30] =	vst v34  }
0x12c: {  	v36 =	vmul.f32 v51, v36;
	v34 =	vld [tilespmem:s12+$0x2A40];
	[tilespmem:s21+$0x6A40] =	vst v39;
	v39 =	vmul.f32 $2.000000030e-01, v60;
	v58 =	vadd.f32 v59, v49  }
0x12d: {  	v62 =	vmul.f32 $2.000000030e-01, v54;
	v63 =	vnsel vm3, $0x0, v51;
	v56 =	vadd.f32 v57, v56;
	v59 =	vld [tilespmem:s12+$0x4A40];
	[tilespmem:s21+$0x6A50] =	vst v40  }
0x12e: {  	[tilespmem:s21+$0x6A60] =	vst v36;
	v36 =	vadd.f32 v61, v47;
	v39 =	vmax.f32 v60, v39;
	v61 =	vmul.f32 $2.000000030e-01, v58  }
0x12f: {  	v55 =	vmul.f32 v55, v22;
	v40 =	vmax.f32 v54, v62;
	[tilespmem:s21+$0x8A00] =	vst v63;
	v39 =	vmul.f32 v39, v16  }
0x130: {  	v51 =	vld [tilespmem:s12+$0x2A60];
	v43 =	vadd.f32 v43, v35;
	v63 =	vmul.f32 $2.000000030e-01, v36;
	v62 =	vmax.f32 v58, v61  }
0x131: {  	v55 =	vadd.f32 v55, v56;
	v56 =	vld [tilespmem:s12+$0x4A60];
	v39 =	vadd.f32 $0.0e+00, v39;
	v54 =	vmul.f32 v62, v17  }
0x132: {  	v36 =	vmax.f32 v36, v63;
	v61 =	vmul.f32 $2.000000030e-01, v43;
	v60 =	vadd.f32 v59, v34;
	v59 =	vld [tilespmem:s12+$0x2A70]  }
0x133: {  	v50 =	vadd.f32 v50, v46;
	v36 =	vmul.f32 v36, v18;
	v39 =	vadd.f32 v54, v39;
	v54 =	vld [tilespmem:s12+$0x4A70]  }
0x134: {  	v40 =	vmul.f32 v40, v23;
	v43 =	vmax.f32 v43, v61;
	v62 =	vmul.f32 $2.000000030e-01, v60  }
0x135: {  	v61 =	vmul.f32 $2.000000030e-01, v50;
	v63 =	vmul.f32 v43, v19;
	v36 =	vadd.f32 v36, v39  }
0x136: {  	v40 =	vadd.f32 v40, v55;
	v43 =	vadd.f32 v56, v51;
	v60 =	vmax.f32 v60, v62  }
0x137: {  	v50 =	vmax.f32 v50, v61;
	v36 =	vadd.f32 v63, v36;
	v63 =	vmul.f32 v60, v20  }
0x138: {  	v62 =	vperm.xlane v40, v9;
	v58 =	vmul.f32 $2.000000030e-01, v43;
	v54 =	vadd.f32 v54, v59  }
0x139: {  	v60 =	vmul.f32 v50, v21;
	v36 =	vadd.f32 v63, v36  }
0x13a: {  	v40 =	vadd.f32 v40, v62;
	v43 =	vmax.f32 v43, v58;
	v61 =	vmul.f32 $2.000000030e-01, v54  }
0x13b: {  	v62 =	vmul.f32 v43, v22;
	v36 =	vadd.f32 v60, v36  }
0x13c: {  	v52 =	vadd.f32 v52, v53;
	v63 =	vperm.xlane v40, v11;
	v50 =	vmax.f32 v54, v61  }
0x13d: {  	v36 =	vadd.f32 v62, v36;
	v54 =	vmul.f32 v50, v23  }
0x13e: {  	v55 =	vmul.f32 $1.442695020e+00, v52;
	v40 =	vadd.f32 v40, v63  }
0x13f: {  	v36 =	vadd.f32 v54, v36  }
0x140: {  	(erf) = vpow2.f32 v55;
	v56 =	vperm.xlane v40, v13  }
0x141: {  	v57 =	vperm.xlane v36, v9  }
0x142: {  	v39 =	vadd.f32 v40, v56  }
0x143: {  	v36 =	vadd.f32 v36, v57  }
0x144: {  	v40 =	vperm.xlane v39, v15  }
0x145: {  	v43 =	vperm.xlane v36, v11  }
0x146: {  	v39 =	vadd.f32 v39, v40  }
0x147: {  	v36 =	vadd.f32 v36, v43  }
0x148: {  	v39 =	vmul.f32 $1.442695020e+00, v39  }
0x149: {  	v60 =	vpop (erf);
	v58 =	vperm.xlane v36, v13  }
0x14a: {  	v32 =	vmul.f32 v60, v32;
	(erf) = vpow2.f32 v39  }
0x14b: {  	v25 =	vmul.f32 v60, v25;
	v36 =	vadd.f32 v36, v58  }
0x14c: {  	v26 =	vmul.f32 v60, v26;
	[tilespmem:s17+$0x6A70] =	vst v32  }
0x14d: {  	v24 =	vmul.f32 v60, v24;
	[tilespmem:s17+$0x6A00] =	vst v25;
	v61 =	vperm.xlane v36, v15  }
0x14e: {  	v28 =	vmul.f32 v60, v28;
	[tilespmem:s17+$0x6A10] =	vst v26  }
0x14f: {  	v29 =	vmul.f32 v60, v29;
	[tilespmem:s17+$0x6A20] =	vst v24;
	v63 =	vadd.f32 v36, v61  }
0x150: {  	v62 =	vmul.f32 v60, v27;
	[tilespmem:s17+$0x6A40] =	vst v28  }
0x151: {  	v32 =	vmul.f32 v60, v31;
	[tilespmem:s17+$0x6A50] =	vst v29;
	v26 =	vmul.f32 $1.442695020e+00, v63  }
0x152: {  	[tilespmem:s17+$0x6A30] =	vst v62  }
0x153: {  	[tilespmem:s17+$0x6A60] =	vst v32;
	v39 =	vnsel vm3, $0x0, v60;
	v36 =	vpop (erf);
	(erf) = vpow2.f32 v26  }
0x154: {  	[tilespmem:s17+$0x8A00] =	vst v39;
	v40 =	vmul.f32 v36, v44;
	v25 =	vnsel vm3, $0x0, v36  }
0x155: {  	v43 =	vmul.f32 v36, v45;
	[tilespmem:s20+$0x8A00] =	vst v25  }
0x156: {  	v44 =	vmul.f32 v36, v41;
	[tilespmem:s20+$0x6A70] =	vst v40  }
0x157: {  	v45 =	vmul.f32 v36, v33;
	[tilespmem:s20+$0x6A00] =	vst v43  }
0x158: {  	v50 =	vmul.f32 v36, v37;
	[tilespmem:s20+$0x6A10] =	vst v44  }
0x159: {  	v52 =	vmul.f32 v36, v38;
	[tilespmem:s20+$0x6A20] =	vst v45  }
0x15a: {  	v53 =	vmul.f32 v36, v30;
	[tilespmem:s20+$0x6A30] =	vst v50  }
0x15b: {  	v54 =	vmul.f32 v36, v42;
	[tilespmem:s20+$0x6A40] =	vst v52  }
0x15c: {  	[tilespmem:s20+$0x6A50] =	vst v53;
	v55 =	vpop (erf)  }
0x15d: {  	[tilespmem:s20+$0x6A60] =	vst v54;
	v56 =	vmul.f32 v55, v59;
	v24 =	vnsel vm3, $0x0, v55  }
0x15e: {  	v57 =	vmul.f32 v55, v48;
	[tilespmem:s12+$0x8A00] =	vst v24  }
0x15f: {  	v58 =	vmul.f32 v55, v49;
	[tilespmem:s12+$0x6A70] =	vst v56  }
0x160: {  	v59 =	vmul.f32 v55, v47;
	[tilespmem:s12+$0x6A00] =	vst v57  }
0x161: {  	v60 =	vmul.f32 v55, v35;
	[tilespmem:s12+$0x6A10] =	vst v58  }
0x162: {  	v61 =	vmul.f32 v55, v34;
	[tilespmem:s12+$0x6A20] =	vst v59  }
0x163: {  	v62 =	vmul.f32 v55, v46;
	[tilespmem:s12+$0x6A30] =	vst v60  }
0x164: {  	v63 =	vmul.f32 v55, v51;
	[tilespmem:s12+$0x6A40] =	vst v61  }
0x165: {  	[tilespmem:s12+$0x6A50] =	vst v62  }
0x166: {  	[tilespmem:s12+$0x6A60] =	vst v63  }
0x167: {  	[spmem:s2] =	stream.indirect.scatter.add.f32 [tilespmem:s30], [sflag:$0x3], $0x80, s29, s24, $0xb8;
	[tilespmem:$0x1EB00] =	vst v63  }
0x168: {  	s16 =	sadd.s32 $0x1, s16  }
0x169: {  	[spmem:s4] =	stream.indirect.scatter.add.f32 [tilespmem:s31], [sflag:$0x3], $0x80, s29, s24, $0xb8;
	[tilespmem:$0x1EB00] =	vst v63  }
0x16a: {  	p1 =	sne.s32 s16, s15;
	_ =	swait.ge [sflag:s3], $0x2000  }
.Ltmp8:
0x16b: {  	[sflag:s3] =	ssyncset.done $0x0;
	(pc) =	sbr.rel @p1 .LBB2_7-.Ltmp8, $4  }
.Ltmp9:
0x16c: {  	[sflag:s3] =	ssyncadd.s32 $0xFFFFE000;
	(pc) =	sbr.rel @!p1 .LBB2_10-.Ltmp9, $4  }
0x16d: {  	_ =	swait.ge [sflag:s3], $0x2000  }
0x16e: {  	[sflag:s3] =	ssyncset.done $0x0  }
0x16f: {  	[sflag:s3] =	ssyncadd.s32 $0xFFFFE000  }
0x170: {  	_ = 	snop  }
.LBB2_12:
0x171: {  	_ =	sfence.sel $0x180000  }
0x172: {  	[bflag:$0x0] =	sbarrier.arrive $0xFFFF  }
0x173: {  	_ =	strace $0x9000004A  }
0x174: {  	[bflag:$0x2] =	sbarrier.arrive $0xFFFF  }
0x175: {  	s0 =	rddreg [dreg:$0x5]  }
0x176: {  	s0 =	sadd.s32 @!p0 $0x100000, s0  }
0x177: {  	[sflag:s0] =	ssyncadd.tile.s32 @!p0 $0x1;
	_ =	shalt  }
.Lfunc_end2:
_tile_overlayer_lowered:
.L_overlay_start_2:
0x178: {  	(tag) =	ssettag $0x2  }
0x179: {  	s0 =	rddreg [dreg:$0x0];
	s2 =	stileid.u32  }
0x17a: {  	s1 =	rddreg [dreg:$0x1];
	p0 =	sne.s32 s2, $0x0  }
0x17b: {  	s3 =	rddreg [dreg:$0x2];
	[bflag:$0x3] =	sbarrier.arrive $0xFFFF;
	s2 =	simm.s32 @!p0 $0x1C04  }
0x17c: {  	[timem:s3], [sflag:s2] =	dma.local @!p0 [hbm:s0], s1  }
0x17d: {  	s0 =	simm.s32 @!p0 $0x4  }
0x17e: {  	_ =	swait.ge @!p0 [sflag:s0], s1  }
0x17f: {  	s1 =	ssub.s32 @!p0 $0x0, s1;
	[sflag:s0] =	ssyncset.done @!p0 $0x0  }
0x180: {  	[sflag:s0] =	ssyncadd.s32 @!p0 s1  }
0x181: {  	[bflag:$0x3] =	sbarrier.arrive $0xFFFF  }
0x182: {  	_ =	shalt  }

// kernel: kernel.7.cloned.1.call-start
scs
__scs_entry_jumppad:
0x0: {  	(pc) =	sbr.rel $0x88, $3  }
0x1: {  	(tag) =	ssettag $0x0;
	lr =	simm.s32 $0x1  }
0x2: {  	[smem:$0x3F93] =	sst lr;
	_ =	strace $0xD0000000  }
0x3: {  	_ = 	snop  }
0x4: {  	_ = 	snop  }
0x5: {  	_ = 	snop  }
0x6: {  	_ = 	snop  }
0x7: {  	_ = 	snop  }
__scs_overlays_trampoline_lowered:
0x8: {  	[smem:$0x3FA2] =	sst s0  }
0x9: {  	[smem:$0x3FA3] =	sst s1  }
0xa: {  	[smem:$0x3FA4] =	sst s2  }
0xb: {  	[smem:$0x3FA5] =	sst s3  }
0xc: {  	[smem:$0x3FA6] =	sst s4  }
0xd: {  	[smem:$0x3FA7] =	sst s5  }
0xe: {  	[smem:$0x3FA8] =	sst s6  }
0xf: {  	[smem:$0x3FA9] =	sst s7  }
0x10: {  	[smem:$0x3FAA] =	sst s8  }
0x11: {  	[smem:$0x3FAB] =	sst s9;
	s0 =	simm.s32 @!p0 $0x0  }
0x12: {  	s1 =	sld [smem:$0x3F91];
	s0 =	simm.s32 @p0 $0x1  }
0x13: {  	[smem:$0x3FAC] =	sst s0;
	s0 =	simm.s32 @!p1 $0x0  }
0x14: {  	s2 =	sld [smem:$0x3F90];
	s0 =	simm.s32 @p1 $0x1  }
0x15: {  	[smem:$0x3FAD] =	sst s0;
	s0 =	simm.s32 @!p2 $0x0  }
0x16: {  	s3 =	sld [smem:$0x3FDB];
	s0 =	simm.s32 @p2 $0x1  }
0x17: {  	s4 =	simm.s32 $0x1BF5;
	[smem:$0x3FAF] =	sst s0  }
0x18: {  	s0 =	sld [smem:$0x3F92];
	_ =	swait.ge [sflag:s4], $0x0  }
0x19: {  	s7 =	sld [smem:$0x3F93]  }
0x1a: {  	s8 =	sadd.s32 $0xFFFFE003, lr  }
0x1b: {  	s9 =	sadd.s32 $0xFFFFFEF7, lr;
	s5 =	simm.s32 $0xFFFFFFFF;
	p2 =	slt.u32 s8, $0xFFFFF086  }
0x1c: {  	p1 =	slt.u32 s9, $0xF7A;
	s5 =	simm.s32 @!p2 $0x0  }
0x1d: {  	s5 =	simm.s32 @p1 $0x1;
	p0 =	seq.s32 s7, s2  }
0x1e: {  	s7 =	smul.u32 @!p0 $0xF7A, s2;
	p2 =	seq.s32 @!p0 s5, $0x0  }
0x1f: {  	s9 =	smul.u32 $0xF7A, s1;
	s8 =	simm.s32 @!p0 $0x1BF5;
	p2 =	por !p2, p0  }
0x20: {  	[sflag:s8] =	ssyncset.s32 @!p0 $0xFFFFF086;
	s6 =	sadd.s32 @!p0 s3, s7;
	s7 =	simm.s32 @!p0 $0x108  }
0x21: {  	s3 =	sadd.s32 s3, s9;
	s6 =	sadd.s32 @!p0 $0x88, s6;
	s7 =	simm.s32 @p2 $0x1082  }
0x22: {  	[simem:s7], [sflag:s8] =	dma.local @!p0 [hbm:s6], $0xF7A  }
0x23: {  	s9 =	sor.u32 $0xD0000000, s2;
	s6 =	simm.s32 $0x108;
	_ =	swait.ge @!p0 [sflag:s8], $0x0  }
0x24: {  	s3 =	sadd.s32 $0x88, s3;
	s6 =	simm.s32 @!p1 $0x1082;
	[sflag:s4] =	ssyncset.s32 $0xFFFFF086  }
0x25: {  	[simem:s6], [sflag:s4] =	dma.local [hbm:s3], $0xF7A  }
0x26: {  	[smem:$0x3F93] =	sst s1;
	(tag) =	ssettag s2;
	_ =	strace s9  }
0x27: {  	s1 =	sld [smem:$0x3FA3]  }
0x28: {  	s2 =	sld [smem:$0x3FA4]  }
0x29: {  	s4 =	sld [smem:$0x3FA6]  }
0x2a: {  	p0 =	seq.s32 s5, $0x0;
	s5 =	sld [smem:$0x3FA7]  }
0x2b: {  	s6 =	sld [smem:$0x3FA8]  }
0x2c: {  	s7 =	sld [smem:$0x3FA9]  }
0x2d: {  	s3 =	simm.s32 $0x108;
	s8 =	sld [smem:$0x3FAA]  }
0x2e: {  	s3 =	simm.s32 @!p0 $0x1082;
	s9 =	sld [smem:$0x3FAB]  }
0x2f: {  	lr =	sadd.s32 s0, s3;
	s0 =	sld [smem:$0x3FA2]  }
0x30: {  	s3 =	sld [smem:$0x3FA5]  }
0x31: {  	[smem:$0x3FAE] =	sst s10  }
0x32: {  	s10 =	sld [smem:$0x3FAC];
	_ =	sdelay $0x3  }
0x33: {  	p0 =	seq.s32 s10, $0x1;
	s10 =	sld [smem:$0x3FAE];
	_ =	sdelay $0x3  }
0x34: {  	[smem:$0x3FAE] =	sst s10  }
0x35: {  	s10 =	sld [smem:$0x3FAD];
	_ =	sdelay $0x3  }
0x36: {  	p1 =	seq.s32 s10, $0x1;
	s10 =	sld [smem:$0x3FAE];
	_ =	sdelay $0x3  }
0x37: {  	[smem:$0x3FAE] =	sst s10  }
0x38: {  	s10 =	sld [smem:$0x3FAF]  }
0x39: {  	_ = 	snop;
	(pc) =	sbr.ind lr, $3  }
0x3a: {  	_ = 	snop  }
0x3b: {  	_ = 	snop  }
0x3c: {  	p2 =	seq.s32 s10, $0x1;
	s10 =	sld [smem:$0x3FAE]  }
0x3d: {  	_ =	shalt  }
0x3e: {  	_ =	shalt  }
0x3f: {  	_ =	shalt  }
0x40: {  	_ =	shalt  }
0x41: {  	_ =	shalt  }
0x42: {  	_ =	shalt  }
0x43: {  	_ =	shalt  }
0x44: {  	_ =	shalt  }
0x45: {  	_ =	shalt  }
0x46: {  	_ =	shalt  }
0x47: {  	_ =	shalt  }
0x48: {  	_ =	shalt  }
0x49: {  	_ =	shalt  }
0x4a: {  	_ =	shalt  }
0x4b: {  	_ =	shalt  }
0x4c: {  	_ =	shalt  }
0x4d: {  	_ =	shalt  }
0x4e: {  	_ =	shalt  }
0x4f: {  	_ =	shalt  }
0x50: {  	_ =	shalt  }
0x51: {  	_ =	shalt  }
0x52: {  	_ =	shalt  }
0x53: {  	_ =	shalt  }
0x54: {  	_ =	shalt  }
0x55: {  	_ =	shalt  }
0x56: {  	_ =	shalt  }
0x57: {  	_ =	shalt  }
0x58: {  	_ =	shalt  }
0x59: {  	_ =	shalt  }
0x5a: {  	_ =	shalt  }
0x5b: {  	_ =	shalt  }
0x5c: {  	_ =	shalt  }
0x5d: {  	_ =	shalt  }
0x5e: {  	_ =	shalt  }
0x5f: {  	_ =	shalt  }
0x60: {  	_ =	shalt  }
0x61: {  	_ =	shalt  }
0x62: {  	_ =	shalt  }
0x63: {  	_ =	shalt  }
0x64: {  	_ =	shalt  }
0x65: {  	_ =	shalt  }
0x66: {  	_ =	shalt  }
0x67: {  	_ =	shalt  }
0x68: {  	_ =	shalt  }
0x69: {  	_ =	shalt  }
0x6a: {  	_ =	shalt  }
0x6b: {  	_ =	shalt  }
0x6c: {  	_ =	shalt  }
0x6d: {  	_ =	shalt  }
0x6e: {  	_ =	shalt  }
0x6f: {  	_ =	shalt  }
0x70: {  	_ =	shalt  }
0x71: {  	_ =	shalt  }
0x72: {  	_ =	shalt  }
0x73: {  	_ =	shalt  }
0x74: {  	_ =	shalt  }
0x75: {  	_ =	shalt  }
0x76: {  	_ =	shalt  }
0x77: {  	_ =	shalt  }
0x78: {  	_ =	shalt  }
0x79: {  	_ =	shalt  }
0x7a: {  	_ =	shalt  }
0x7b: {  	_ =	shalt  }
0x7c: {  	_ =	shalt  }
0x7d: {  	_ =	shalt  }
0x7e: {  	_ =	shalt  }
0x7f: {  	_ =	shalt  }
0x80: {  	_ =	shalt  }
0x81: {  	_ =	shalt  }
0x82: {  	_ =	shalt  }
0x83: {  	_ =	shalt  }
0x84: {  	_ =	shalt  }
0x85: {  	_ =	shalt  }
0x86: {  	_ =	shalt  }
0x87: {  	_ =	shalt  }
.Lfunc_end0:
.L_simem_size_0:
called_computation_lowered:
.L_overlay_start_0:
0x88: {  	s2 =	sld [smem:$0x3FD9]  }
0x89: {  	s3 =	sld [smem:$0x3FFE];
	_ =	sdelay $0x1  }
0x8a: {  	s1 =	srdreg.scid  }
0x8b: {  	s0 =	sand.u32 $0x1, s1  }
0x8c: {  	s17 =	sshll.u32 s0, $0xA;
	s2 =	sadd.s32 s3, s2  }
0x8d: {  	s2 =	sadd.s32 s2, s17  }
0x8e: {  	[smem:$0x3FBA] =	sst s2  }
0x8f: {  	_ = 	snop  }
0x90: {  	s2 =	sld [smem:$0x3FC5]  }
0x91: {  	s18 =	sld [smem:$0x3FD0];
	(tm) =	ssettm $0x1  }
0x92: {  	s4 =	sld [smem:$0x3FFB];
	_ =	sdelay $0x3  }
0x93: {  	_ =	strace s4  }
0x94: {  	s4 =	sld [smem:$0x3FFC];
	_ =	sdelay $0x3  }
0x95: {  	_ =	strace s4  }
0x96: {  	s4 =	sld [smem:$0x3FFD];
	_ =	sdelay $0x3  }
0x97: {  	_ =	strace s4  }
0x98: {  	_ =	strace $0x8FFFFFFF  }
0x99: {  	s19 =	sld [smem:$0x3FDB];
	_ =	sdelay $0x1  }
0x9a: {  	s5 =	simm.s32 $_scs_section_size  }
0x9b: {  	s6 =	simm.s32 $_size__tile_overlayer_lowered;
	s7 =	simm.s32 $_tile_overlayer_lowered  }
0x9c: {  	s22 =	simm.s32 $0x1BFF;
	s21 =	sshll.u32 s7, $0x1;
	s4 =	sadd.s32 s5, s19  }
0x9d: {  	s8 =	simm.s32 $0x0;
	s20 =	sshll.u32 s6, $0x1;
	s6 =	sadd.s32 s21, s4  }
0x9e: {  	[timem:s8], [sflag:s22] =	dma.local [hbm:s6], s20  }
0x9f: {  	_ =	swait.ge [sflag:s22], s20  }
0xa0: {  	s5 =	ssub.s32 $0x0, s20;
	[sflag:s22] =	ssyncset.done $0x0  }
0xa1: {  	[sflag:s22] =	ssyncadd.s32 s5;
	_ =	sdelay $0x1  }
0xa2: {  	s23 =	simm.s32 $0x1B8B  }
0xa3: {  	_ =	swait.ge [sflag:s23], $0x1  }
0xa4: {  	[sflag:s23] =	ssyncset.done $0x0  }
0xa5: {  	s25 =	simm.s32 $0x1B8E;
	s24 =	sld [smem:$0x3FFE];
	[sflag:s23] =	ssyncadd.s32 $0xFFFFFFFF  }
0xa6: {  	s26 =	simm.s32 $execute0_lowered;
	[smem:$0x3FD2] =	sst s25  }
0xa7: {  	s6 =	sshll.u32 s26, $0x1;
	_ =	strace $0x80000046;
	[dreg:$0x1] =	wrdreg $0xFFFFFFFF  }
0xa8: {  	s28 =	simm.s32 $_size_execute0_lowered;
	s4 =	sadd.s32 s4, s6;
	[dreg:$0x0] =	wrdreg $0x0  }
0xa9: {  	s6 =	sshll.u32 s28, $0x1;
	[dreg:$0x2] =	wrdreg s4  }
0xaa: {  	[dreg:$0x3] =	wrdreg s6  }
0xab: {  	[dreg:$0x4] =	wrdreg $0xC0  }
0xac: {  	_ =	task [dreg:s8], $0x5FFFF  }
0xad: {  	[dreg:$0x1] =	wrdreg $0xFFFFFFFF  }
0xae: {  	[dreg:$0x0] =	wrdreg $0x60  }
0xaf: {  	[dreg:$0x2] =	wrdreg s24  }
0xb0: {  	[dreg:$0x3] =	wrdreg s18  }
0xb1: {  	[dreg:$0x4] =	wrdreg s2  }
0xb2: {  	[dreg:$0x5] =	wrdreg $0xFA800  }
0xb3: {  	[dreg:$0x6] =	wrdreg $0x122C00  }
0xb4: {  	[dreg:$0x7] =	wrdreg $0x14B000  }
0xb5: {  	[dreg:$0x8] =	wrdreg $0x173400  }
0xb6: {  	[dreg:$0x9] =	wrdreg $0x19B800  }
0xb7: {  	[dreg:$0xa] =	wrdreg $0x9  }
0xb8: {  	_ =	task.clear_ibuf [dreg:s8], $0xBFFFF;
	_ =	strace $0x90000046  }
0xb9: {  	s29 =	simm.s32 $0x9;
	_ =	strace $0x80000048  }
0xba: {  	_ =	swait.ge [sflag:s29], $0x1  }
0xbb: {  	[sflag:s29] =	ssyncadd.s32 $0xFFFFFFFF  }
0xbc: {  	_ =	strace $0x90000048  }
0xbd: {  	_ =	sfence  }
0xbe: {  	s30 =	sld [smem:$0x0];
	_ =	sdelay $0x2  }
0xbf: {  	s31 =	sshll.u32 s1, $0xD;
	s1 =	sshrl.u32 s1, $0x2  }
0xc0: {  	s3 =	sand.u32 $0x4000, s31;
	s1 =	sadd.s32 s1, s30  }
0xc1: {  	s0 =	sor.u32 s3, s0;
	s1 =	sshll.u32 s1, $0x11  }
0xc2: {  	s0 =	sor.u32 s1, s0  }
0xc3: {  	s0 =	sadd.s32 $0x8F2B, s0  }
0xc4: {  	[sflag:s0] =	ssyncadd.remote.s32 $0x1  }
0xc5: {  	_ =	sfence.sel $0xFFFF  }
0xc6: {  	[dreg:$0x0] =	wrdreg $0xFFFFFFFF;
	(pc) =	sbr.abs _section_cstart, $3  }
0xc7: {  	[dreg:$0x1] =	wrdreg $0xFFFFFFFF  }
0xc8: {  	_ =	task.clear_ibuf [dreg:s8], $0x2FFFF;
	_ =	strace $0x9FFFFFFF  }
0xc9: {  	(tm) =	ssettm $0x7FFFFFFF  }
tec
execute0_lowered:
.L_overlay_start_1:
0x0: {  	(tag) =	ssettag $0x1  }
0x1: {  	s0 =	rddreg [dreg:$0x0]  }
0x2: {  	s4 =	rddreg [dreg:$0x3]  }
0x3: {  	s5 =	rddreg [dreg:$0x4]  }
0x4: {  	s6 =	rddreg [dreg:$0x5]  }
0x5: {  	s7 =	rddreg [dreg:$0x6]  }
0x6: {  	v0 =	vimm.s32 $0xEDCBA987;
	v1 =	vimm.s32 $0x65432100;
	s8 =	rddreg [dreg:$0x7];
	s1 =	simm.s32 $0x0;
	s14 =	srdreg.scid  }
0x7: {  	v3 =	vimm.s32 $0xDCBA9876;
	s29 =	simm.s32 $0x6080;
	s30 =	simm.s32 $0x6880;
	s31 =	simm.s32 $0x7080  }
0x8: {  	v6 =	vimm.s32 $0xE40000;
	[smem:$0x7FF] =	sst s1;
	s9 =	sadd.s32 $0xCC00, s0;
	s11 =	sadd.s32 $0x145400, s0  }
0x9: {  	v7 =	vimm.s32 $0x32100000;
	vm2 =	vcmask $0x3F30;
	v0 =	vunpack.c.l.s4.s8 v0;
	s10 =	sadd.s32 $0xA9000, s0;
	s12 =	sadd.s32 $0x2E00, s0;
	s13 =	sadd.s32 $0x14A400, s0  }
0xa: {  	vm0 =	vmmov $0x3;
	v12 =	vimm.s32 $0x76543210;
	v1 =	vunpack.c.l.s4.s8 v1;
	s2 =	sadd.s32 $0x172400, s0;
	_ =	strace $0x80000047;
	[dreg:$0xa] =	wrdreg s12  }
0xb: {  	v13 =	vimm.s32 $0xDCFE98BA;
	v3 =	vunpack.c.l.s4.s8 v3;
	s1 =	sand.u32 $0x1, s14;
	s15 =	sadd.s32 $0x19A400, s0;
	[dreg:$0xb] =	wrdreg s13;
	v2 =	vunpack.c.0.s8.s32 v0  }
0xc: {  	vm1 =	vmmov $0xf;
	s3 =	sadd.s32 $0x1C2400, s0;
	s17 =	sadd.s32 $0x1EA400, s0;
	[dreg:$0xc] =	wrdreg s2;
	v4 =	vunpack.c.0.s8.s32 v1;
	v1 =	vimm.s32 $0x54321000  }
0xd: {  	s22 =	sadd.s32 $0xCD00, s0;
	s23 =	sadd.s32 $0xA9100, s0;
	[dreg:$0xd] =	wrdreg s15;
	v3 =	vunpack.c.0.s8.s32 v3;
	v5 =	vunpack.c.l.s4.s8 v1;
	v2 =	vand.u32 $0xF, v2  }
0xe: {  	v14 =	vimm.s32 $0xFEDCBA98;
	s0 =	sadd.s32 $0x28000, s5;
	s14 =	simm.s32 $0x20;
	[dreg:$0xf] =	wrdreg s3;
	v2 =	vcombine.low v4, v2;
	v4 =	vunpack.c.l.s2.s4 v6  }
0xf: {  	s12 =	stileid.u32;
	s16 =	ssub.s32 $0x2, s1;
	[dreg:$0x10] =	wrdreg s17;
	v5 =	vunpack.c.0.s8.s32 v5;
	v6 =	vand.u32 $0xF, v3;
	v3 =	vimm.s32 $0xBA987654  }
0x10: {  	v15 =	vimm.s32 $0x54761032;
	s1 =	sshll.u32 s1, $0x2;
	[dreg:$0x9] =	wrdreg s11;
	s15 =	simm.s32 $0x9080;
	v8 =	vunpack.c.l.s4.s8 v3;
	v9 =	vunpack.c.l.s4.s8 v4  }
0x11: {  	vm3 =	vmmov $0xffff;
	s3 =	simm.s32 $0xD880;
	s17 =	simm.s32 $0x0;
	s13 =	smul.u32 $0x2800, s12;
	v4 =	vcombine.low v5, v6;
	v5 =	vunpack.c.l.s4.s8 v7  }
0x12: {  	s18 =	sshrl.u32 s16, $0x1;
	[dreg:$0x11] =	wrdreg s1;
	p0 =	sne.s32 s12, $0x0;
	v7 =	vimm.s32 $0x7060504;
	v6 =	vunpack.c.0.s8.s32 v8;
	v8 =	vunpack.c.0.s8.s32 v9  }
0x13: {  	vm4 =	vmmov $0x1;
	s28 =	smul.u32 $0x4E20, s12;
	s12 =	simm.s32 $0x2800;
	s0 =	sshrl.u32 @!p0 s0, $0x3;
	v7 =	vunpack.c.0.s8.s32 v7;
	v5 =	vunpack.c.0.s8.s32 v5  }
0x14: {  	s2 =	ssub.s32 s16, s18;
	s16 =	simm.s32 $0x1;
	[dreg:$0x15] =	wrdreg s0;
	v9 =	vimm.s32 $0x32107654;
	v6 =	vand.u32 $0xF, v6;
	v8 =	vand.u32 $0x3, v8  }
0x15: {  	s19 =	sshrl.u32 s13, $0x3;
	s2 =	smax.u32 s2, $0x1;
	[dreg:$0xe] =	wrdreg s13;
	v5 =	vcombine.low v5, v6;
	v6 =	vsel vm2, v7, v8;
	v8 =	vimm.s32 $0xBA98FEDC  }
0x16: {  	vm5 =	vcmask $0x310;
	s0 =	sadd.s32 $0x28000, s6;
	s20 =	sadd.s32 s13, s4;
	[dreg:$0x1e] =	wrdreg s28;
	v11 =	vunpack.c.l.s4.s8 v9;
	v10 =	vunpack.c.l.s4.s8 v8  }
0x17: {  	vm6 =	vcmask $0x710;
	vm7 =	vcmask $0xB10;
	v14 =	vunpack.c.l.s4.s8 v14;
	s21 =	sadd.s32 s13, s5;
	s24 =	sadd.s32 s13, s6;
	[dreg:$0x13] =	wrdreg s2  }
0x18: {  	v13 =	vunpack.c.l.s4.s8 v13;
	s25 =	sadd.s32 s13, s7;
	s26 =	sadd.s32 s13, s8;
	[dreg:$0x19] =	wrdreg s20;
	v11 =	vunpack.c.0.s8.s32 v11;
	v10 =	vunpack.c.0.s8.s32 v10  }
0x19: {  	v12 =	vunpack.c.l.s4.s8 v12;
	v0 =	vimm.f32 $0.0e+00;
	v14 =	vunpack.c.0.s8.s32 v14;
	s6 =	simm.s32 $0x7880;
	s13 =	simm.s32 $0xB880;
	[dreg:$0x1a] =	wrdreg s21  }
0x1a: {  	v1 =	vimm.s32 $0x0;
	s5 =	simm.s32 $0x3;
	s1 =	sadd.s32 s11, s19;
	[dreg:$0x1b] =	wrdreg s24;
	v16 =	vcombine.low v11, v10;
	v10 =	vunpack.c.l.s4.s8 v15  }
0x1b: {  	s2 =	sadd.s32 $0x28000, s8;
	s0 =	sshrl.u32 @!p0 s0, $0x3;
	[dreg:$0x1c] =	wrdreg s25;
	v11 =	vunpack.c.0.s8.s32 v13;
	v13 =	vimm.s32 $0xEFCDAB89;
	v15 =	vimm.s32 $0x67452301  }
0x1c: {  	[dreg:$0x1d] =	wrdreg s26;
	s20 =	simm.s32 $0x4;
	s8 =	simm.s32 $0x8880;
	v3 =	vlaneseq.u32;
	v13 =	vunpack.c.l.s4.s8 v13;
	v15 =	vunpack.c.l.s4.s8 v15  }
0x1d: {  	v14 =	vand.u32 $0xF, v14;
	s11 =	simm.s32 $0x9880;
	[dreg:$0x12] =	wrdreg s1;
	s1 =	sadd.s32 $0x28000, s4;
	v17 =	vshrl.u32 v3, $0x3;
	v9 =	vand.u32 $0x7, v3  }
.Ltmp0:
0x1e: {  	s21 =	simm.s32 $0xA080;
	s1 =	sshrl.u32 @!p0 s1, $0x3;
	v10 =	vunpack.c.0.s8.s32 v10;
	v13 =	vunpack.c.0.s8.s32 v13;
	v15 =	vunpack.c.0.s8.s32 v15;
	(pc) =	sbr.rel .LBB2_1-.Ltmp0, $4  }
0x1f: {  	s24 =	simm.s32 $0xA880;
	[dreg:$0x14] =	wrdreg s1;
	s1 =	sadd.s32 $0x28000, s7;
	[tilespmem:$0x1FFD0] =	vst v9;
	v9 =	vmul.u32 $0x8, v17;
	v17 =	vunpack.c.0.s8.s32 v12;
	vm2 =	vmmov $0xff  }
0x20: {  	[dreg:$0x16] =	wrdreg s0;
	s4 =	simm.s32 $0xE880;
	s0 =	sshrl.u32 @!p0 s1, $0x3;
	v7 =	vimm.s32 $0x7;
	v18 =	vcombine.low v10, v11;
	v19 =	vcombine.low v15, v13  }
0x21: {  	s1 =	simm.s32 $0x8080;
	[dreg:$0x17] =	wrdreg s0;
	s0 =	sshrl.u32 @!p0 s2, $0x3;
	v8 =	vadd.s32 $0x1, v3;
	[tilespmem:$0x1FFE0] =	vst v9;
	v3 =	vor.u32 $0x8, v3;
	v13 =	vcombine.low v14, v17  }
0x22: {  	s2 =	simm.s32 $0xC880;
	[dreg:$0x18] =	wrdreg s0;
	s0 =	simm.s32 $0x2;
	[tilespmem:$0x1FFF0] =	vst v3;
	v14 =	vand.u32 $0xF, v16;
	v15 =	vand.u32 $0xF, v18;
	v16 =	vand.u32 $0xF, v19  }
.LBB2_13:
0x23: {  	s17 =	rddreg [dreg:$0x1f]  }
0x24: {  	s7 =	rddreg [dreg:$0x13];
	s17 =	sadd.s32 $0x1, s17  }
0x25: {  	p1 =	sne.s32 s17, s7  }
.Ltmp1:
0x26: {  	_ = 	snop;
	(pc) =	sbr.rel @!p1 .LBB2_14-.Ltmp1, $2  }
0x27: {  	_ =	sdelay $0x2  }
0x28: {  	v0 =	vimm.f32 $0.0e+00  }
.LBB2_1:
0x29: {  	[dreg:$0x1f] =	wrdreg s17  }
0x2a: {  	s7 =	rddreg [dreg:$0x2];
	s28 =	simm.s32 $0x0;
	s18 =	simm.s32 $0xF880  }
0x2b: {  	[tilespmem:s18], [sflag:$0x4] =	stream.linear.gather [hbm4b:s7+s28], $0x200, $0x38;
	[tilespmem:$0x1C3C0] =	vst v63  }
0x2c: {  	_ =	swait.ge [sflag:s20], $0x200  }
0x2d: {  	[sflag:s20] =	ssyncset.done $0x0  }
0x2e: {  	[sflag:s20] =	ssyncadd.s32 $0xFFFFFE00  }
0x2f: {  	v17 =	vld [tilespmem:$0xF880]  }
0x30: {  	v18 =	vld [tilespmem:$0xF890]  }
0x31: {  	v19 =	vld [tilespmem:$0xF8A0]  }
0x32: {  	v20 =	vld [tilespmem:$0xF8B0]  }
0x33: {  	v21 =	vld [tilespmem:$0xF8C0]  }
0x34: {  	v22 =	vld [tilespmem:$0xF8D0]  }
0x35: {  	v23 =	vld [tilespmem:$0xF8E0]  }
0x36: {  	v24 =	vld [tilespmem:$0xF8F0]  }
0x37: {  	v25 =	vld [tilespmem:$0xF900]  }
0x38: {  	v26 =	vld [tilespmem:$0xF910]  }
0x39: {  	v27 =	vld [tilespmem:$0xF920]  }
0x3a: {  	v28 =	vld [tilespmem:$0xF930]  }
0x3b: {  	v29 =	vld [tilespmem:$0xF940]  }
0x3c: {  	v30 =	vld [tilespmem:$0xF950]  }
0x3d: {  	v31 =	vld [tilespmem:$0xF960]  }
0x3e: {  	v32 =	vld [tilespmem:$0xF970]  }
0x3f: {  	v33 =	vld [tilespmem:$0xF980]  }
0x40: {  	v34 =	vld [tilespmem:$0xF990]  }
0x41: {  	v35 =	vld [tilespmem:$0xF9A0]  }
0x42: {  	v36 =	vld [tilespmem:$0xF9B0]  }
0x43: {  	v37 =	vld [tilespmem:$0xF9C0]  }
0x44: {  	v38 =	vld [tilespmem:$0xF9D0]  }
0x45: {  	v39 =	vld [tilespmem:$0xF9E0]  }
0x46: {  	v40 =	vld [tilespmem:$0xF9F0]  }
0x47: {  	v41 =	vld [tilespmem:$0xFA00]  }
0x48: {  	v42 =	vld [tilespmem:$0xFA10]  }
0x49: {  	v43 =	vld [tilespmem:$0xFA20]  }
0x4a: {  	v44 =	vld [tilespmem:$0xFA30]  }
0x4b: {  	v45 =	vld [tilespmem:$0xFA40]  }
0x4c: {  	v46 =	vld [tilespmem:$0xFA50]  }
0x4d: {  	v47 =	vld [tilespmem:$0xFA60]  }
0x4e: {  	s17 =	simm.s32 $0x200;
	s7 =	simm.s32 $0x0;
	v48 =	vld [tilespmem:$0xFA70]  }
.LBB2_2:
0x4f: {  	p1 =	seq.s32 s17, $0x3E00;
	[tilespmem:s7+$0xE8F0] =	vst v0  }
0x50: {  	[tilespmem:s7+$0xE890] =	vst v0  }
.Ltmp2:
0x51: {  	[tilespmem:s7+$0xE8A0] =	vst v0;
	(pc) =	sbr.rel @!p1 .LBB2_2-.Ltmp2, $4  }
0x52: {  	[tilespmem:s7+$0xE8B0] =	vst v0  }
0x53: {  	[tilespmem:s7+$0xE8C0] =	vst v0  }
0x54: {  	[tilespmem:s7+$0xE8D0] =	vst v0  }
0x55: {  	[tilespmem:s7+$0xE8E0] =	vst v0;
	s7 =	sshra.s32 s17, $0x2;
	s17 =	sadd.s32 $0x200, s17  }
0x56: {  	[tilespmem:s7+$0xE8F0] =	vst v0  }
0x57: {  	[tilespmem:s7+$0xE890] =	vst v0  }
0x58: {  	[tilespmem:s7+$0xE8A0] =	vst v0  }
0x59: {  	[tilespmem:s7+$0xE8B0] =	vst v0  }
.Ltmp3:
0x5a: {  	[tilespmem:s7+$0xE8C0] =	vst v0;
	(pc) =	sbr.rel .LBB2_4-.Ltmp3, $4  }
0x5b: {  	[tilespmem:s7+$0xE8D0] =	vst v0;
	s28 =	stileid.u32  }
0x5c: {  	[tilespmem:s7+$0xE8E0] =	vst v0;
	s7 =	sshll.u32 s28, $0x6  }
0x5d: {  	s19 =	sor.u32 $0x1C04, s7  }
0x5e: {  	s25 =	simm.s32 $0x0;
	[smem:$0x7FD] =	sst s19  }
.LBB2_12:
0x5f: {  	s7 =	sld [smem:$0x7FC];
	_ =	sdelay $0x2  }
0x60: {  	s17 =	rddreg [dreg:$0xe];
	[bflag:$0x0] =	sbarrier.arrive $0xFFFF;
	s7 =	smul.u32 $0x28000, s7  }
0x61: {  	s19 =	sld [smem:$0x7FD]  }
0x62: {  	s18 =	sld [smem:$0x7F6];
	s7 =	sadd.s32 s17, s7  }
0x63: {  	s28 =	rddreg [dreg:$0xb];
	s7 =	sshrl.u32 s7, $0x3  }
0x64: {  	s17 =	sadd.s32 s28, s7  }
0x65: {  	[hbm:s17], [sflag:s19] =	dma.local [spmem:s18], $0x500  }
0x66: {  	_ =	swait.ge [sflag:s20], $0x500  }
0x67: {  	s25 =	sld [smem:$0x7F7]  }
0x68: {  	[sflag:s20] =	ssyncset.done $0x0;
	s18 =	rddreg [dreg:$0xc]  }
0x69: {  	[sflag:s20] =	ssyncadd.s32 $0xFFFFFB00;
	s17 =	sadd.s32 s18, s7  }
0x6a: {  	[hbm:s17], [sflag:s19] =	dma.local [spmem:s25], $0x500  }
0x6b: {  	_ =	swait.ge [sflag:s20], $0x500  }
0x6c: {  	s28 =	sld [smem:$0x7F8]  }
0x6d: {  	[sflag:s20] =	ssyncset.done $0x0;
	s26 =	rddreg [dreg:$0xd]  }
0x6e: {  	[sflag:s20] =	ssyncadd.s32 $0xFFFFFB00;
	s17 =	sadd.s32 s26, s7  }
0x6f: {  	[hbm:s17], [sflag:s19] =	dma.local [spmem:s28], $0x500  }
0x70: {  	_ =	swait.ge [sflag:s20], $0x500  }
0x71: {  	s25 =	sld [smem:$0x7F9]  }
0x72: {  	[sflag:s20] =	ssyncset.done $0x0;
	s18 =	rddreg [dreg:$0xf]  }
0x73: {  	[sflag:s20] =	ssyncadd.s32 $0xFFFFFB00;
	s17 =	sadd.s32 s18, s7  }
0x74: {  	[hbm:s17], [sflag:s19] =	dma.local [spmem:s25], $0x500  }
0x75: {  	_ =	swait.ge [sflag:s20], $0x500  }
0x76: {  	s28 =	sld [smem:$0x7FA]  }
0x77: {  	[sflag:s20] =	ssyncset.done $0x0;
	s26 =	rddreg [dreg:$0x10]  }
0x78: {  	[sflag:s20] =	ssyncadd.s32 $0xFFFFFB00;
	s7 =	sadd.s32 s26, s7  }
0x79: {  	[hbm:s7], [sflag:s19] =	dma.local [spmem:s28], $0x500  }
0x7a: {  	_ =	swait.ge [sflag:s20], $0x500  }
0x7b: {  	s25 =	sld [smem:$0x7FB];
	_ =	sdelay $0x2  }
0x7c: {  	s25 =	sadd.s32 $0x1, s25  }
0x7d: {  	p1 =	sne.s32 s25, $0x4  }
.Ltmp4:
0x7e: {  	_ = 	snop;
	(pc) =	sbr.rel @!p1 .LBB2_13-.Ltmp4, $3  }
0x7f: {  	[sflag:s20] =	ssyncset.done $0x0  }
0x80: {  	[sflag:s20] =	ssyncadd.s32 $0xFFFFFB00  }
0x81: {  	[bflag:$0x0] =	sbarrier.arrive $0xFFFF;
	_ =	sdelay $0x1  }
.LBB2_4:
0x82: {  	s7 =	rddreg [dreg:$0x19]  }
0x83: {  	s17 =	sshrl.u32 s7, $0x3;
	s7 =	rddreg [dreg:$0x12]  }
0x84: {  	[smem:$0x7F6] =	sst s17  }
0x85: {  	[spmem:s17], [sflag:s19] =	dma.local [hbm:s7], $0x500  }
0x86: {  	_ =	swait.ge [sflag:s20], $0x500  }
0x87: {  	s18 =	rddreg [dreg:$0x1a]  }
0x88: {  	[sflag:s20] =	ssyncset.done $0x0;
	s17 =	sshrl.u32 s18, $0x3  }
0x89: {  	[sflag:s20] =	ssyncadd.s32 $0xFFFFFB00;
	[smem:$0x7F7] =	sst s17  }
0x8a: {  	[spmem:s17], [sflag:s19] =	dma.local [hbm:s7], $0x500  }
0x8b: {  	_ =	swait.ge [sflag:s20], $0x500  }
0x8c: {  	s26 =	rddreg [dreg:$0x1b]  }
0x8d: {  	[sflag:s20] =	ssyncset.done $0x0;
	s17 =	sshrl.u32 s26, $0x3  }
0x8e: {  	[sflag:s20] =	ssyncadd.s32 $0xFFFFFB00;
	[smem:$0x7F8] =	sst s17  }
0x8f: {  	[spmem:s17], [sflag:s19] =	dma.local [hbm:s7], $0x500  }
0x90: {  	_ =	swait.ge [sflag:s20], $0x500  }
0x91: {  	s28 =	rddreg [dreg:$0x1c]  }
0x92: {  	[sflag:s20] =	ssyncset.done $0x0;
	s17 =	sshrl.u32 s28, $0x3  }
0x93: {  	[sflag:s20] =	ssyncadd.s32 $0xFFFFFB00;
	[smem:$0x7F9] =	sst s17  }
0x94: {  	[spmem:s17], [sflag:s19] =	dma.local [hbm:s7], $0x500  }
0x95: {  	_ =	swait.ge [sflag:s20], $0x500  }
0x96: {  	s18 =	rddreg [dreg:$0x1d]  }
0x97: {  	[sflag:s20] =	ssyncset.done $0x0;
	s17 =	sshrl.u32 s18, $0x3  }
0x98: {  	[sflag:s20] =	ssyncadd.s32 $0xFFFFFB00;
	[smem:$0x7FA] =	sst s17  }
0x99: {  	[spmem:s17], [sflag:s19] =	dma.local [hbm:s7], $0x500  }
0x9a: {  	_ =	swait.ge [sflag:s20], $0x500  }
0x9b: {  	[sflag:s20] =	ssyncset.done $0x0;
	s17 =	rddreg [dreg:$0x9]  }
0x9c: {  	s7 =	rddreg [dreg:$0x14];
	[sflag:s20] =	ssyncadd.s32 $0xFFFFFB00  }
0x9d: {  	[spmem:s7], [sflag:s19] =	dma.local @!p0 [hbm:s17], $0x80  }
0x9e: {  	s7 =	simm.s32 @!p0 $0x4  }
0x9f: {  	_ =	swait.ge @!p0 [sflag:s7], $0x80  }
0xa0: {  	[sflag:s7] =	ssyncset.done @!p0 $0x0  }
0xa1: {  	s18 =	rddreg [dreg:$0x15];
	[sflag:s7] =	ssyncadd.s32 @!p0 $0xFFFFFF80  }
0xa2: {  	[spmem:s18], [sflag:s19] =	dma.local @!p0 [hbm:s17], $0x80  }
0xa3: {  	_ =	swait.ge @!p0 [sflag:s7], $0x80  }
0xa4: {  	[sflag:s7] =	ssyncset.done @!p0 $0x0  }
0xa5: {  	s18 =	rddreg [dreg:$0x16];
	[sflag:s7] =	ssyncadd.s32 @!p0 $0xFFFFFF80  }
0xa6: {  	[spmem:s18], [sflag:s19] =	dma.local @!p0 [hbm:s17], $0x80  }
0xa7: {  	_ =	swait.ge @!p0 [sflag:s7], $0x80  }
0xa8: {  	[sflag:s7] =	ssyncset.done @!p0 $0x0  }
0xa9: {  	s18 =	rddreg [dreg:$0x17];
	[sflag:s7] =	ssyncadd.s32 @!p0 $0xFFFFFF80  }
0xaa: {  	[spmem:s18], [sflag:s19] =	dma.local @!p0 [hbm:s17], $0x80  }
0xab: {  	_ =	swait.ge @!p0 [sflag:s7], $0x80  }
0xac: {  	s26 =	rddreg [dreg:$0x11]  }
0xad: {  	[sflag:s7] =	ssyncset.done @!p0 $0x0;
	[smem:$0x7FB] =	sst s25  }
0xae: {  	s18 =	rddreg [dreg:$0x18];
	s28 =	sadd.s32 s26, s25;
	[sflag:s7] =	ssyncadd.s32 @!p0 $0xFFFFFF80  }
0xaf: {  	[spmem:s18], [sflag:s19] =	dma.local @!p0 [hbm:s17], $0x80  }
0xb0: {  	[smem:$0x7FC] =	sst s28  }
.Ltmp5:
0xb1: {  	_ =	swait.ge @!p0 [sflag:s7], $0x80;
	(pc) =	sbr.rel .LBB2_5-.Ltmp5, $4  }
0xb2: {  	s26 =	smul.u32 $0x500, s28;
	[sflag:s7] =	ssyncset.done @!p0 $0x0  }
0xb3: {  	[sflag:s7] =	ssyncadd.s32 @!p0 $0xFFFFFF80  }
0xb4: {  	s28 =	sadd.s32 $0x500, s26;
	[bflag:$0x0] =	sbarrier.arrive $0xFFFF  }
0xb5: {  	v49 =	vmov s26;
	v50 =	vmov s28;
	s7 =	simm.s32 $0x0  }
.LBB2_11:
0xb6: {  	s7 =	sadd.s32 $0x1, s7  }
0xb7: {  	p1 =	sne.s32 s7, $0xA  }
.Ltmp6:
0xb8: {  	_ = 	snop;
	(pc) =	sbr.rel @!p1 .LBB2_12-.Ltmp6, $2  }
0xb9: {  	_ =	sdelay $0x2  }
0xba: {  	s20 =	simm.s32 $0x4  }
.LBB2_5:
0xbb: {  	s17 =	smul.u32 $0x7D0, s7  }
0xbc: {  	s18 =	rddreg [dreg:$0x1e]  }
0xbd: {  	s17 =	sadd.s32 s18, s17  }
0xbe: {  	s26 =	rddreg [dreg:$0xa];
	s18 =	sshrl.u32 s17, $0x3  }
0xbf: {  	s17 =	simm.s32 $0x0;
	s19 =	sadd.s32 s26, s18  }
0xc0: {  	[tilespmem:s17], [sflag:$0x4] =	stream.linear.gather [hbm4b:s19+s17], $0x7D0, $0x38;
	[tilespmem:$0x1C3C0] =	vst v63  }
0xc1: {  	_ =	swait.ge [sflag:s20], $0x7D0  }
0xc2: {  	[sflag:s20] =	ssyncset.done $0x0  }
0xc3: {  	[sflag:s20] =	ssyncadd.s32 $0xFFFFF830  }
0xc4: {  	s28 =	rddreg [dreg:$0x1]  }
0xc5: {  	s25 =	simm.s32 $0x800;
	s18 =	sadd.s32 s28, s18  }
0xc6: {  	[tilespmem:s25], [sflag:$0x4] =	stream.linear.gather [hbm4b:s18+s17], $0x7D0, $0x38;
	[tilespmem:$0x1C3C0] =	vst v63  }
0xc7: {  	_ =	swait.ge [sflag:s20], $0x7D0  }
0xc8: {  	[sflag:s20] =	ssyncset.done $0x0  }
0xc9: {  	s26 =	simm.s32 $0x0;
	[sflag:s20] =	ssyncadd.s32 $0xFFFFF830  }
0xca: {  	v51 =	vld [tilespmem:s26+$0x800];
	_ =	sdelay $0x4  }
0xcb: {  	vm8 =	vge.s32 v51, v49;
	vm9 =	vlt.s32 v51, v50  }
0xcc: {  	vm8 =	vmand vm8, vm9  }
0xcd: {  	v52 =	vsel vm8, $0x1, v1  }
0xce: {  	v0 =	vlaneseq.u32;
	v53 =	vperm.xlane v52, v2  }
0xcf: {  	vm8 =	veq.s32 v0, $0x0  }
0xd0: {  	v53 =	vsel vm8, $0x0, v53  }
0xd1: {  	v52 =	vadd.s32 v52, v53  }
0xd2: {  	v53 =	vperm.xlane v52, v4;
	_ =	sdelay $0x1  }
0xd3: {  	v53 =	vsel vm0, $0x0, v53  }
0xd4: {  	v52 =	vadd.s32 v53, v52  }
0xd5: {  	v53 =	vperm.xlane v52, v5;
	_ =	sdelay $0x1  }
0xd6: {  	v53 =	vsel vm1, $0x0, v53  }
0xd7: {  	v52 =	vadd.s32 v53, v52  }
0xd8: {  	v53 =	vperm.xlane v52, v6;
	_ =	sdelay $0x1  }
0xd9: {  	v53 =	vsel vm2, $0x0, v53  }
0xda: {  	v52 =	vadd.s32 v53, v52  }
0xdb: {  	v53 =	vperm.xlane v52, v7;
	_ =	sdelay $0x1  }
0xdc: {  	vm9 =	vlt.s32 v53, v8  }
0xdd: {  	v53 =	vsel vm9, $0x8, v1  }
0xde: {  	v54 =	vor.u32 $0x3, v53  }
0xdf: {  	(v2sf) =	vpush v52, $0xF;
	v54 =	vperm.xlane v52, v54;
	_ =	sdelay $0x1  }
0xe0: {  	v55 =	vor.u32 $0x4, v53;
	vm9 =	vlt.s32 v54, v8  }
0xe1: {  	v53 =	vsel vm9, v55, v53  }
0xe2: {  	v62 =	vor.u32 $0x1, v53  }
0xe3: {  	v54 =	vperm.xlane v52, v62;
	_ =	sdelay $0x1  }
0xe4: {  	v55 =	vor.u32 $0x2, v53;
	vm9 =	vlt.s32 v54, v8  }
0xe5: {  	v53 =	vsel vm9, v55, v53  }
0xe6: {  	v63 =	vld [tilespmem:s26+$0x0];
	v52 =	vperm.xlane v52, v53;
	_ =	sdelay $0x1  }
0xe7: {  	vm9 =	vlt.s32 v52, v8  }
0xe8: {  	v52 =	vsel vm9, $0x1, v1  }
0xe9: {  	v52 =	vor.u32 v52, v53  }
0xea: {  	v53 =	vperm.xlane v63, v52;
	v51 =	vperm.xlane v51, v52  }
0xeb: {  	s28 =	spop (v2sf)  }
0xec: {  	s18 =	simm.s32 $0x40;
	s19 =	sadd.s32 $0x0, s28;
	[tilespmem:s17+$0x1000] =	vst v53;
	v52 =	vsub.s32 v51, v49  }
.LBB2_6:
0xed: {  	p1 =	sne.s32 s18, $0x1F00;
	[tilespmem:s17+$0x2000] =	vst v52;
	s20 =	smov.u32 s18;
	s18 =	sadd.s32 $0x40, s18  }
0xee: {  	s20 =	sshra.s32 s20, $0x2;
	[tilespmem:s17+$0x1800] =	vst v51;
	s17 =	smov.u32 s19  }
0xef: {  	v51 =	vld [tilespmem:s20+$0x800];
	_ =	sdelay $0x4  }
0xf0: {  	vm9 =	vge.s32 v51, v49;
	vm10 =	vlt.s32 v51, v50  }
0xf1: {  	vm9 =	vmand vm9, vm10  }
0xf2: {  	v52 =	vsel vm9, $0x1, v1  }
0xf3: {  	v53 =	vperm.xlane v52, v2;
	_ =	sdelay $0x1  }
0xf4: {  	v53 =	vsel vm8, $0x0, v53  }
0xf5: {  	v52 =	vadd.s32 v52, v53  }
0xf6: {  	v53 =	vperm.xlane v52, v4;
	_ =	sdelay $0x1  }
0xf7: {  	v53 =	vsel vm0, $0x0, v53  }
0xf8: {  	v52 =	vadd.s32 v53, v52  }
0xf9: {  	v53 =	vperm.xlane v52, v5;
	_ =	sdelay $0x1  }
0xfa: {  	v53 =	vsel vm1, $0x0, v53  }
0xfb: {  	v52 =	vadd.s32 v53, v52  }
0xfc: {  	v53 =	vperm.xlane v52, v6;
	_ =	sdelay $0x1  }
0xfd: {  	v53 =	vsel vm2, $0x0, v53  }
0xfe: {  	v52 =	vadd.s32 v53, v52  }
0xff: {  	v53 =	vperm.xlane v52, v7;
	(v2sf) =	vpush v52, $0xF;
	_ =	sdelay $0x1  }
0x100: {  	vm9 =	vlt.s32 v53, v8  }
0x101: {  	v53 =	vsel vm9, $0x8, v1  }
0x102: {  	v54 =	vor.u32 $0x3, v53  }
0x103: {  	v54 =	vperm.xlane v52, v54;
	_ =	sdelay $0x1  }
0x104: {  	v55 =	vor.u32 $0x4, v53;
	vm9 =	vlt.s32 v54, v8  }
0x105: {  	v53 =	vsel vm9, v55, v53  }
0x106: {  	v54 =	vor.u32 $0x1, v53  }
0x107: {  	v54 =	vperm.xlane v52, v54;
	_ =	sdelay $0x1  }
0x108: {  	v55 =	vor.u32 $0x2, v53;
	vm9 =	vlt.s32 v54, v8  }
0x109: {  	v53 =	vsel vm9, v55, v53  }
0x10a: {  	v54 =	vld [tilespmem:s20+$0x0];
	v52 =	vperm.xlane v52, v53  }
0x10b: {  	s20 =	spop (v2sf)  }
0x10c: {  	vm9 =	vlt.s32 v52, v8;
	s19 =	sadd.s32 s19, s20  }
.Ltmp7:
0x10d: {  	v52 =	vsel vm9, $0x1, v1;
	(pc) =	sbr.rel @p1 .LBB2_6-.Ltmp7, $3  }
0x10e: {  	v52 =	vor.u32 v52, v53  }
0x10f: {  	v53 =	vperm.xlane v54, v52;
	v51 =	vperm.xlane v51, v52;
	_ =	sdelay $0x1  }
0x110: {  	[tilespmem:s17+$0x1000] =	vst v53;
	v52 =	vsub.s32 v51, v49  }
0x111: {  	s26 =	sadd.s32 $0x1F, s19  }
0x112: {  	s18 =	sand.u32 $0x1F, s26  }
0x113: {  	[tilespmem:s17+$0x2000] =	vst v52;
	s28 =	sshra.s32 s26, $0x1F;
	p2 =	slt.s32 s26, $0x1;
	p1 =	sne.s32 s18, $0x0  }
0x114: {  	[tilespmem:s17+$0x1800] =	vst v51;
	s18 =	sshrl.u32 s28, $0x1B;
	p1 =	por !p2, !p1  }
0x115: {  	[tilespmem:s19+$0x1000] =	vst v1;
	s17 =	sadd.s32 s18, s26;
	s18 =	simm.s32 $0x1;
	p1 =	por !p1, !p1  }
0x116: {  	v0 =	vimm.s32 $0x500;
	[tilespmem:s19+$0x1800] =	vst v1;
	s17 =	sshra.s32 s17, $0x5;
	s18 =	simm.s32 @!p1 $0x0  }
0x117: {  	[tilespmem:s19+$0x2000] =	vst v0;
	s18 =	ssub.s32 s17, s18  }
0x118: {  	[tilespmem:s19+$0x1010] =	vst v1;
	p1 =	slt.s32 s18, $0x1  }
.Ltmp8:
0x119: {  	[tilespmem:s19+$0x1810] =	vst v1;
	(pc) =	sbr.rel @p1 .LBB2_11-.Ltmp8, $4  }
0x11a: {  	[tilespmem:s19+$0x2010] =	vst v0  }
0x11b: {  	[tilespmem:s19+$0x1020] =	vst v1  }
0x11c: {  	[tilespmem:s19+$0x1820] =	vst v1  }
0x11d: {  	[tilespmem:s19+$0x2020] =	vst v0;
	s19 =	simm.s32 $0x0;
	s17 =	simm.s32 $0x0  }
.LBB2_8:
0x11e: {  	s20 =	sshll.u32 s17, $0x5  }
0x11f: {  	v51 =	vld [tilespmem:s20+$0x2000];
	_ =	sdelay $0x4  }
0x120: {  	[tilespmem:$0x2800] =	vst v51  }
0x121: {  	v51 =	vld [tilespmem:s20+$0x2010];
	_ =	sdelay $0x4  }
0x122: {  	[tilespmem:$0x2810] =	vst v51  }
0x123: {  	v51 =	vld [tilespmem:s20+$0x1000];
	_ =	sdelay $0x2  }
0x124: {  	v0 =	vld [tilespmem:$0x1FFD0];
	_ =	sdelay $0x1  }
0x125: {  	v3 =	vld [tilespmem:$0x1FFE0];
	v52 =	vshll.u32 v51, $0x2  }
0x126: {  	v51 =	vand.u32 $0x7, v51;
	v52 =	vand.u32 $0xFFFFFFE0, v52  }
0x127: {  	v9 =	vld [tilespmem:$0x1FFF0];
	v51 =	vor.u32 v51, v52  }
0x128: {  	v52 =	vperm.xlane v51, v0;
	_ =	sdelay $0x1  }
0x129: {  	v52 =	vadd.s32 v3, v52;
	_ =	sdelay $0x1  }
0x12a: {  	v51 =	vperm.xlane v51, v9;
	_ =	sdelay $0x1  }
0x12b: {  	s25 =	simm.s32 $0x2880;
	v51 =	vadd.s32 v3, v51  }
0x12c: {  	[tilespmem:s25], [sflag:$0x1] =	stream.indirect_vreg.gather [hbm4b:s9+s19], $0x80, v52, vm3, $0xb8;
	[tilespmem:$0x1C3C0] =	vst v63  }
0x12d: {  	s26 =	simm.s32 $0x3080  }
0x12e: {  	[tilespmem:s26], [sflag:$0x1] =	stream.indirect_vreg.gather [hbm4b:s22+s19], $0x80, v52, vm3, $0xb8;
	[tilespmem:$0x1C3C0] =	vst v63  }
0x12f: {  	s28 =	simm.s32 $0x3880  }
0x130: {  	[tilespmem:s28], [sflag:$0x1] =	stream.indirect_vreg.gather [hbm4b:s9+s19], $0x80, v51, vm3, $0xb8;
	[tilespmem:$0x1C3C0] =	vst v63  }
0x131: {  	s26 =	simm.s32 $0x4080  }
0x132: {  	[tilespmem:s26], [sflag:$0x1] =	stream.indirect_vreg.gather [hbm4b:s22+s19], $0x80, v51, vm3, $0xb8;
	[tilespmem:$0x1C3C0] =	vst v63  }
0x133: {  	v51 =	vld [tilespmem:s20+$0x1010];
	_ =	sdelay $0x4  }
0x134: {  	v61 =	vshll.u32 v51, $0x2  }
0x135: {  	v51 =	vand.u32 $0x7, v51;
	v52 =	vand.u32 $0xFFFFFFE0, v61  }
0x136: {  	v51 =	vor.u32 v51, v52  }
0x137: {  	v52 =	vperm.xlane v51, v0;
	_ =	sdelay $0x1  }
0x138: {  	v52 =	vadd.s32 v3, v52;
	_ =	sdelay $0x1  }
0x139: {  	v51 =	vperm.xlane v51, v9;
	_ =	sdelay $0x1  }
0x13a: {  	s28 =	simm.s32 $0x4880;
	v51 =	vadd.s32 v3, v51  }
0x13b: {  	[tilespmem:s28], [sflag:$0x1] =	stream.indirect_vreg.gather [hbm4b:s9+s19], $0x80, v52, vm3, $0xb8;
	[tilespmem:$0x1C3C0] =	vst v63  }
0x13c: {  	s26 =	simm.s32 $0x5080  }
0x13d: {  	[tilespmem:s26], [sflag:$0x1] =	stream.indirect_vreg.gather [hbm4b:s22+s19], $0x80, v52, vm3, $0xb8;
	[tilespmem:$0x1C3C0] =	vst v63  }
0x13e: {  	s28 =	simm.s32 $0x5880  }
0x13f: {  	[tilespmem:s28], [sflag:$0x1] =	stream.indirect_vreg.gather [hbm4b:s9+s19], $0x80, v51, vm3, $0xb8;
	[tilespmem:$0x1C3C0] =	vst v63  }
0x140: {  	_ = 	snop  }
0x141: {  	[tilespmem:s29], [sflag:$0x1] =	stream.indirect_vreg.gather [hbm4b:s22+s19], $0x80, v51, vm3, $0xb8;
	[tilespmem:$0x1C3C0] =	vst v63  }
0x142: {  	v51 =	vld [tilespmem:s20+$0x1800];
	_ =	sdelay $0x4  }
0x143: {  	v62 =	vshll.u32 v51, $0x2  }
0x144: {  	v51 =	vand.u32 $0x7, v51;
	v52 =	vand.u32 $0xFFFFFFE0, v62  }
0x145: {  	v51 =	vor.u32 v51, v52  }
0x146: {  	v52 =	vperm.xlane v51, v0;
	_ =	sdelay $0x1  }
0x147: {  	v52 =	vadd.s32 v3, v52;
	_ =	sdelay $0x1  }
0x148: {  	v51 =	vperm.xlane v51, v9;
	_ =	sdelay $0x1  }
0x149: {  	v51 =	vadd.s32 v3, v51  }
0x14a: {  	[tilespmem:s30], [sflag:$0x2] =	stream.indirect_vreg.gather [hbm4b:s10+s19], $0x80, v52, vm3, $0xb8;
	[tilespmem:$0x1C3C0] =	vst v63  }
0x14b: {  	_ = 	snop  }
0x14c: {  	[tilespmem:s31], [sflag:$0x2] =	stream.indirect_vreg.gather [hbm4b:s23+s19], $0x80, v52, vm3, $0xb8;
	[tilespmem:$0x1C3C0] =	vst v63  }
0x14d: {  	_ = 	snop  }
0x14e: {  	[tilespmem:s6], [sflag:$0x2] =	stream.indirect_vreg.gather [hbm4b:s10+s19], $0x80, v51, vm3, $0xb8;
	[tilespmem:$0x1C3C0] =	vst v63  }
0x14f: {  	_ = 	snop  }
0x150: {  	[tilespmem:s1], [sflag:$0x2] =	stream.indirect_vreg.gather [hbm4b:s23+s19], $0x80, v51, vm3, $0xb8;
	[tilespmem:$0x1C3C0] =	vst v63  }
0x151: {  	v51 =	vld [tilespmem:s20+$0x1810];
	_ =	sdelay $0x4  }
0x152: {  	v63 =	vshll.u32 v51, $0x2  }
0x153: {  	v51 =	vand.u32 $0x7, v51;
	v52 =	vand.u32 $0xFFFFFFE0, v63  }
0x154: {  	v51 =	vor.u32 v51, v52  }
0x155: {  	v52 =	vperm.xlane v51, v0;
	_ =	sdelay $0x1  }
0x156: {  	v52 =	vadd.s32 v3, v52;
	_ =	sdelay $0x1  }
0x157: {  	v51 =	vperm.xlane v51, v9;
	_ =	sdelay $0x1  }
0x158: {  	v51 =	vadd.s32 v3, v51  }
0x159: {  	[tilespmem:s8], [sflag:$0x2] =	stream.indirect_vreg.gather [hbm4b:s10+s19], $0x80, v52, vm3, $0xb8;
	[tilespmem:$0x1C3C0] =	vst v63  }
0x15a: {  	_ = 	snop  }
0x15b: {  	[tilespmem:s15], [sflag:$0x2] =	stream.indirect_vreg.gather [hbm4b:s23+s19], $0x80, v52, vm3, $0xb8;
	[tilespmem:$0x1C3C0] =	vst v63  }
0x15c: {  	_ = 	snop  }
0x15d: {  	[tilespmem:s11], [sflag:$0x2] =	stream.indirect_vreg.gather [hbm4b:s10+s19], $0x80, v51, vm3, $0xb8;
	[tilespmem:$0x1C3C0] =	vst v63  }
0x15e: {  	_ = 	snop  }
0x15f: {  	[tilespmem:s21], [sflag:$0x2] =	stream.indirect_vreg.gather [hbm4b:s23+s19], $0x80, v51, vm3, $0xb8;
	[tilespmem:$0x1C3C0] =	vst v63  }
0x160: {  	_ =	swait.ge [sflag:s16], $0x4000  }
0x161: {  	[sflag:s16] =	ssyncset.done $0x0  }
0x162: {  	[sflag:s16] =	ssyncadd.s32 $0xFFFFC000  }
0x163: {  	_ =	swait.ge [sflag:s0], $0x4000  }
0x164: {  	[sflag:s0] =	ssyncset.done $0x0  }
0x165: {  	s25 =	simm.s32 $0x0;
	s20 =	simm.s32 $0x0;
	[sflag:s0] =	ssyncadd.s32 $0xFFFFC000  }
.LBB2_9:
0x166: {  	s26 =	sand.u32 $0x3000, s20;
	s28 =	sand.u32 $0x380, s25  }
0x167: {  	s26 =	sor.u32 s28, s26  }
0x168: {  	v52 =	vld [tilespmem:s26+$0x2880]  }
0x169: {  	v51 =	vld [tilespmem:s26+$0x6880]  }
0x16a: {  	v53 =	vld [tilespmem:s26+$0x2890]  }
0x16b: {  	v54 =	vld [tilespmem:s26+$0x6890]  }
0x16c: {  	v55 =	vld [tilespmem:s26+$0x28A0]  }
0x16d: {  	v56 =	vld [tilespmem:s26+$0x68A0]  }
0x16e: {  	v57 =	vld [tilespmem:s26+$0x28B0];
	v51 =	vadd.f32 v51, v52  }
0x16f: {  	v58 =	vld [tilespmem:s26+$0x68B0]  }
0x170: {  	v60 =	vld [tilespmem:s26+$0x28C0];
	v54 =	vadd.f32 v54, v53;
	v59 =	vmul.f32 $2.000000030e-01, v51  }
0x171: {  	v61 =	vld [tilespmem:s26+$0x68C0]  }
0x172: {  	v62 =	vld [tilespmem:s26+$0x28D0];
	v56 =	vadd.f32 v56, v55;
	v51 =	vmax.f32 v51, v59;
	v59 =	vmul.f32 $2.000000030e-01, v54  }
0x173: {  	v63 =	vld [tilespmem:s26+$0x68D0];
	v51 =	vmul.f32 v51, v17  }
0x174: {  	v3 =	vld [tilespmem:s26+$0x28E0];
	v58 =	vadd.f32 v58, v57;
	v54 =	vmax.f32 v54, v59;
	v59 =	vmul.f32 $2.000000030e-01, v56  }
0x175: {  	v9 =	vld [tilespmem:s26+$0x68E0];
	v51 =	vadd.f32 $0.0e+00, v51;
	v54 =	vmul.f32 v54, v18  }
0x176: {  	v0 =	vld [tilespmem:s26+$0x28F0];
	v61 =	vadd.f32 v61, v60;
	v56 =	vmax.f32 v56, v59;
	v59 =	vmul.f32 $2.000000030e-01, v58  }
0x177: {  	v51 =	vadd.f32 v54, v51;
	v54 =	vmul.f32 v56, v19;
	v56 =	vld [tilespmem:s26+$0x68F0]  }
0x178: {  	v63 =	vadd.f32 v63, v62;
	v58 =	vmax.f32 v58, v59;
	v59 =	vmul.f32 $2.000000030e-01, v61  }
0x179: {  	v51 =	vadd.f32 v54, v51;
	v54 =	vmul.f32 v58, v20  }
0x17a: {  	v9 =	vadd.f32 v9, v3;
	v58 =	vmax.f32 v61, v59;
	v61 =	vmul.f32 $2.000000030e-01, v63  }
0x17b: {  	v51 =	vadd.f32 v54, v51;
	v54 =	vmul.f32 v58, v21  }
0x17c: {  	v63 =	vmax.f32 v63, v61;
	v61 =	vmul.f32 $2.000000030e-01, v9;
	v56 =	vadd.f32 v56, v0  }
0x17d: {  	v51 =	vadd.f32 v54, v51;
	v63 =	vmul.f32 v63, v22  }
0x17e: {  	v9 =	vmax.f32 v9, v61;
	v61 =	vmul.f32 $2.000000030e-01, v56  }
0x17f: {  	v51 =	vadd.f32 v63, v51;
	v9 =	vmul.f32 v9, v23  }
0x180: {  	v63 =	vmax.f32 v56, v61  }
0x181: {  	v9 =	vadd.f32 v9, v51;
	v56 =	vmul.f32 v63, v24;
	_ =	sdelay $0x1  }
0x182: {  	v9 =	vadd.f32 v56, v9;
	_ =	sdelay $0x1  }
0x183: {  	v51 =	vperm.xlane v9, v13;
	_ =	sdelay $0x1  }
0x184: {  	v9 =	vadd.f32 v9, v51;
	_ =	sdelay $0x1  }
0x185: {  	v51 =	vperm.xlane v9, v14;
	_ =	sdelay $0x1  }
0x186: {  	v9 =	vadd.f32 v9, v51;
	_ =	sdelay $0x1  }
0x187: {  	v51 =	vperm.xlane v9, v15;
	_ =	sdelay $0x1  }
0x188: {  	v9 =	vadd.f32 v9, v51;
	_ =	sdelay $0x1  }
0x189: {  	v51 =	vperm.xlane v9, v16;
	_ =	sdelay $0x1  }
0x18a: {  	v9 =	vadd.f32 v9, v51;
	_ =	sdelay $0x1  }
0x18b: {  	v9 =	vmul.f32 $1.442695020e+00, v9;
	_ =	sdelay $0x1  }
0x18c: {  	(erf) = vpow2.f32 v9;
	_ =	sdelay $0x8  }
0x18d: {  	v51 =	vpop (erf)  }
0x18e: {  	v9 =	vmul.f32 v51, v52  }
0x18f: {  	s28 =	sshra.s32 s20, $0x2;
	v58 =	vmul.f32 v51, v53  }
0x190: {  	v59 =	vmul.f32 v51, v57;
	[tilespmem:s28+$0xA880] =	vst v9  }
0x191: {  	v3 =	vmul.f32 v51, v3;
	[tilespmem:s28+$0xA890] =	vst v58  }
0x192: {  	v9 =	vmul.f32 v51, v55;
	[tilespmem:s28+$0xA8B0] =	vst v59  }
0x193: {  	v0 =	vmul.f32 v51, v0;
	[tilespmem:s28+$0xA8E0] =	vst v3  }
0x194: {  	[tilespmem:s28+$0xA8A0] =	vst v9;
	v9 =	vmul.f32 v51, v60  }
0x195: {  	[tilespmem:s28+$0xA8F0] =	vst v0;
	v60 =	vmul.f32 v51, v62  }
0x196: {  	[tilespmem:s28+$0xA8C0] =	vst v9  }
0x197: {  	[tilespmem:s28+$0xA8D0] =	vst v60  }
0x198: {  	v0 =	vld [tilespmem:s26+$0x2C80]  }
0x199: {  	v3 =	vld [tilespmem:s26+$0x6C80]  }
0x19a: {  	v9 =	vld [tilespmem:s26+$0x2C90]  }
0x19b: {  	v52 =	vld [tilespmem:s26+$0x6C90]  }
0x19c: {  	v53 =	vld [tilespmem:s26+$0x2CA0]  }
0x19d: {  	v61 =	vld [tilespmem:s26+$0x6CA0]  }
0x19e: {  	v55 =	vld [tilespmem:s26+$0x2CB0];
	v3 =	vadd.f32 v3, v0  }
0x19f: {  	v56 =	vld [tilespmem:s26+$0x6CB0]  }
0x1a0: {  	v58 =	vld [tilespmem:s26+$0x2CC0];
	v52 =	vadd.f32 v52, v9;
	v62 =	vmul.f32 $2.000000030e-01, v3  }
0x1a1: {  	v59 =	vld [tilespmem:s26+$0x6CC0]  }
0x1a2: {  	v60 =	vld [tilespmem:s26+$0x2CD0];
	v54 =	vadd.f32 v61, v53;
	v57 =	vmul.f32 $2.000000030e-01, v52;
	v3 =	vmax.f32 v3, v62  }
0x1a3: {  	v61 =	vld [tilespmem:s26+$0x6CD0];
	v3 =	vmul.f32 v3, v25  }
0x1a4: {  	v63 =	vld [tilespmem:s26+$0x6CE0];
	v56 =	vadd.f32 v56, v55;
	v52 =	vmax.f32 v52, v57;
	v57 =	vmul.f32 $2.000000030e-01, v54  }
0x1a5: {  	v62 =	vld [tilespmem:s26+$0x2CE0];
	v52 =	vmul.f32 v52, v26;
	v3 =	vadd.f32 $0.0e+00, v3  }
0x1a6: {  	v10 =	vld [tilespmem:s26+$0x2CF0];
	v59 =	vadd.f32 v59, v58;
	v54 =	vmax.f32 v54, v57;
	v57 =	vmul.f32 $2.000000030e-01, v56  }
0x1a7: {  	v3 =	vadd.f32 v52, v3;
	v52 =	vmul.f32 v54, v27;
	v54 =	vld [tilespmem:s26+$0x6CF0]  }
0x1a8: {  	v61 =	vadd.f32 v61, v60;
	v56 =	vmax.f32 v56, v57;
	v57 =	vmul.f32 $2.000000030e-01, v59  }
0x1a9: {  	v3 =	vadd.f32 v52, v3;
	v52 =	vmul.f32 v56, v28  }
0x1aa: {  	v56 =	vmax.f32 v59, v57;
	v57 =	vmul.f32 $2.000000030e-01, v61;
	v59 =	vadd.f32 v63, v62  }
0x1ab: {  	v3 =	vadd.f32 v52, v3;
	v52 =	vmul.f32 v56, v29  }
0x1ac: {  	v63 =	vmax.f32 v61, v57;
	v61 =	vmul.f32 $2.000000030e-01, v59;
	v54 =	vadd.f32 v54, v10  }
0x1ad: {  	v3 =	vadd.f32 v52, v3;
	v52 =	vmul.f32 v63, v30  }
0x1ae: {  	v63 =	vmax.f32 v59, v61;
	v61 =	vmul.f32 $2.000000030e-01, v54  }
0x1af: {  	v63 =	vmul.f32 v63, v31;
	v3 =	vadd.f32 v52, v3  }
0x1b0: {  	v54 =	vmax.f32 v54, v61  }
0x1b1: {  	v3 =	vadd.f32 v63, v3;
	v59 =	vmul.f32 v54, v32;
	_ =	sdelay $0x1  }
0x1b2: {  	v3 =	vadd.f32 v59, v3;
	_ =	sdelay $0x1  }
0x1b3: {  	v52 =	vperm.xlane v3, v13;
	_ =	sdelay $0x1  }
0x1b4: {  	v3 =	vadd.f32 v3, v52;
	_ =	sdelay $0x1  }
0x1b5: {  	v52 =	vperm.xlane v3, v14;
	_ =	sdelay $0x1  }
0x1b6: {  	v3 =	vadd.f32 v3, v52;
	_ =	sdelay $0x1  }
0x1b7: {  	v52 =	vperm.xlane v3, v15;
	_ =	sdelay $0x1  }
0x1b8: {  	v3 =	vadd.f32 v3, v52;
	_ =	sdelay $0x1  }
0x1b9: {  	v52 =	vperm.xlane v3, v16;
	_ =	sdelay $0x1  }
0x1ba: {  	v3 =	vadd.f32 v3, v52;
	_ =	sdelay $0x1  }
0x1bb: {  	v3 =	vmul.f32 $1.442695020e+00, v3;
	_ =	sdelay $0x1  }
0x1bc: {  	(erf) = vpow2.f32 v3;
	_ =	sdelay $0x8  }
0x1bd: {  	v52 =	vpop (erf)  }
0x1be: {  	v0 =	vmul.f32 v52, v0  }
0x1bf: {  	v3 =	vmul.f32 v52, v9  }
0x1c0: {  	[tilespmem:s28+$0xB880] =	vst v0;
	v0 =	vmul.f32 v52, v53  }
0x1c1: {  	[tilespmem:s28+$0xB890] =	vst v3;
	v3 =	vmul.f32 v52, v55  }
0x1c2: {  	[tilespmem:s28+$0xB8A0] =	vst v0;
	v0 =	vmul.f32 v52, v58  }
0x1c3: {  	[tilespmem:s28+$0xB8B0] =	vst v3;
	v3 =	vmul.f32 v52, v60  }
0x1c4: {  	[tilespmem:s28+$0xB8C0] =	vst v0;
	v0 =	vmul.f32 v52, v62  }
0x1c5: {  	[tilespmem:s28+$0xB8D0] =	vst v3;
	v3 =	vmul.f32 v52, v10  }
0x1c6: {  	[tilespmem:s28+$0xB8E0] =	vst v0  }
0x1c7: {  	[tilespmem:s28+$0xB8F0] =	vst v3  }
0x1c8: {  	v0 =	vld [tilespmem:s26+$0x3080]  }
0x1c9: {  	v3 =	vld [tilespmem:s26+$0x7080]  }
0x1ca: {  	v9 =	vld [tilespmem:s26+$0x3090]  }
0x1cb: {  	v10 =	vld [tilespmem:s26+$0x7090]  }
0x1cc: {  	v53 =	vld [tilespmem:s26+$0x30A0]  }
0x1cd: {  	v61 =	vld [tilespmem:s26+$0x70A0]  }
0x1ce: {  	v55 =	vld [tilespmem:s26+$0x30B0];
	v3 =	vadd.f32 v3, v0  }
0x1cf: {  	v56 =	vld [tilespmem:s26+$0x70B0]  }
0x1d0: {  	v58 =	vld [tilespmem:s26+$0x30C0];
	v10 =	vadd.f32 v10, v9;
	v62 =	vmul.f32 $2.000000030e-01, v3  }
0x1d1: {  	v59 =	vld [tilespmem:s26+$0x70C0]  }
0x1d2: {  	v60 =	vld [tilespmem:s26+$0x30D0];
	v54 =	vadd.f32 v61, v53;
	v57 =	vmul.f32 $2.000000030e-01, v10;
	v3 =	vmax.f32 v3, v62  }
0x1d3: {  	v61 =	vld [tilespmem:s26+$0x70D0];
	v3 =	vmul.f32 v3, v33  }
0x1d4: {  	v63 =	vld [tilespmem:s26+$0x70E0];
	v56 =	vadd.f32 v56, v55;
	v10 =	vmax.f32 v10, v57;
	v57 =	vmul.f32 $2.000000030e-01, v54  }
0x1d5: {  	v62 =	vld [tilespmem:s26+$0x30E0];
	v10 =	vmul.f32 v10, v34;
	v3 =	vadd.f32 $0.0e+00, v3  }
0x1d6: {  	v12 =	vld [tilespmem:s26+$0x30F0];
	v59 =	vadd.f32 v59, v58;
	v54 =	vmax.f32 v54, v57;
	v57 =	vmul.f32 $2.000000030e-01, v56  }
0x1d7: {  	v3 =	vadd.f32 v10, v3;
	v10 =	vmul.f32 v54, v35;
	v54 =	vld [tilespmem:s26+$0x70F0]  }
0x1d8: {  	v61 =	vadd.f32 v61, v60;
	v56 =	vmax.f32 v56, v57;
	v57 =	vmul.f32 $2.000000030e-01, v59  }
0x1d9: {  	v3 =	vadd.f32 v10, v3;
	v10 =	vmul.f32 v56, v36  }
0x1da: {  	v56 =	vmax.f32 v59, v57;
	v57 =	vmul.f32 $2.000000030e-01, v61;
	v59 =	vadd.f32 v63, v62  }
0x1db: {  	v3 =	vadd.f32 v10, v3;
	v10 =	vmul.f32 v56, v37  }
0x1dc: {  	v63 =	vmax.f32 v61, v57;
	v61 =	vmul.f32 $2.000000030e-01, v59;
	v54 =	vadd.f32 v54, v12  }
0x1dd: {  	v3 =	vadd.f32 v10, v3;
	v10 =	vmul.f32 v63, v38  }
0x1de: {  	v63 =	vmax.f32 v59, v61;
	v61 =	vmul.f32 $2.000000030e-01, v54  }
0x1df: {  	v3 =	vadd.f32 v10, v3;
	v10 =	vmul.f32 v63, v39  }
0x1e0: {  	v54 =	vmax.f32 v54, v61  }
0x1e1: {  	v3 =	vadd.f32 v10, v3;
	v10 =	vmul.f32 v54, v40;
	_ =	sdelay $0x1  }
0x1e2: {  	v3 =	vadd.f32 v10, v3;
	_ =	sdelay $0x1  }
0x1e3: {  	v10 =	vperm.xlane v3, v13;
	_ =	sdelay $0x1  }
0x1e4: {  	v3 =	vadd.f32 v3, v10;
	_ =	sdelay $0x1  }
0x1e5: {  	v10 =	vperm.xlane v3, v14;
	_ =	sdelay $0x1  }
0x1e6: {  	v3 =	vadd.f32 v3, v10;
	_ =	sdelay $0x1  }
0x1e7: {  	v10 =	vperm.xlane v3, v15;
	_ =	sdelay $0x1  }
0x1e8: {  	v3 =	vadd.f32 v3, v10;
	_ =	sdelay $0x1  }
0x1e9: {  	v10 =	vperm.xlane v3, v16;
	_ =	sdelay $0x1  }
0x1ea: {  	v3 =	vadd.f32 v3, v10;
	_ =	sdelay $0x1  }
0x1eb: {  	v3 =	vmul.f32 $1.442695020e+00, v3;
	_ =	sdelay $0x1  }
0x1ec: {  	(erf) = vpow2.f32 v3;
	_ =	sdelay $0x8  }
0x1ed: {  	v3 =	vpop (erf)  }
0x1ee: {  	v0 =	vmul.f32 v3, v0  }
0x1ef: {  	v9 =	vmul.f32 v3, v9  }
0x1f0: {  	[tilespmem:s28+$0xC880] =	vst v0;
	v0 =	vmul.f32 v3, v53  }
0x1f1: {  	[tilespmem:s28+$0xC890] =	vst v9;
	v9 =	vmul.f32 v3, v55  }
0x1f2: {  	[tilespmem:s28+$0xC8A0] =	vst v0;
	v0 =	vmul.f32 v3, v58  }
0x1f3: {  	[tilespmem:s28+$0xC8B0] =	vst v9;
	v9 =	vmul.f32 v3, v60  }
0x1f4: {  	[tilespmem:s28+$0xC8C0] =	vst v0;
	v0 =	vmul.f32 v3, v62  }
0x1f5: {  	[tilespmem:s28+$0xC8D0] =	vst v9;
	v9 =	vmul.f32 v3, v12  }
0x1f6: {  	[tilespmem:s28+$0xC8E0] =	vst v0  }
0x1f7: {  	[tilespmem:s28+$0xC8F0] =	vst v9  }
0x1f8: {  	v0 =	vld [tilespmem:s26+$0x3480]  }
0x1f9: {  	v9 =	vld [tilespmem:s26+$0x7480]  }
0x1fa: {  	v10 =	vld [tilespmem:s26+$0x3490]  }
0x1fb: {  	v12 =	vld [tilespmem:s26+$0x7490]  }
0x1fc: {  	v53 =	vld [tilespmem:s26+$0x34A0]  }
0x1fd: {  	v63 =	vld [tilespmem:s26+$0x74A0]  }
0x1fe: {  	v55 =	vld [tilespmem:s26+$0x34B0];
	v9 =	vadd.f32 v9, v0  }
0x1ff: {  	v56 =	vld [tilespmem:s26+$0x74B0]  }
0x200: {  	v58 =	vld [tilespmem:s26+$0x34C0];
	v12 =	vadd.f32 v12, v10;
	v60 =	vmul.f32 $2.000000030e-01, v9  }
0x201: {  	v59 =	vld [tilespmem:s26+$0x74C0]  }
0x202: {  	v61 =	vld [tilespmem:s26+$0x74D0];
	v54 =	vadd.f32 v63, v53;
	v57 =	vmul.f32 $2.000000030e-01, v12;
	v9 =	vmax.f32 v9, v60  }
0x203: {  	v60 =	vld [tilespmem:s26+$0x34D0];
	v9 =	vmul.f32 v9, v41  }
0x204: {  	v62 =	vld [tilespmem:s26+$0x34E0];
	v56 =	vadd.f32 v56, v55;
	v12 =	vmax.f32 v12, v57;
	v57 =	vmul.f32 $2.000000030e-01, v54  }
0x205: {  	v63 =	vld [tilespmem:s26+$0x74E0];
	v12 =	vmul.f32 v12, v42;
	v9 =	vadd.f32 $0.0e+00, v9  }
0x206: {  	v11 =	vld [tilespmem:s26+$0x34F0];
	v59 =	vadd.f32 v59, v58;
	v54 =	vmax.f32 v54, v57;
	v57 =	vmul.f32 $2.000000030e-01, v56  }
0x207: {  	v9 =	vadd.f32 v12, v9;
	v12 =	vmul.f32 v54, v43;
	v54 =	vld [tilespmem:s26+$0x74F0]  }
0x208: {  	v56 =	vmax.f32 v56, v57;
	v57 =	vmul.f32 $2.000000030e-01, v59;
	v61 =	vadd.f32 v61, v60  }
0x209: {  	v9 =	vadd.f32 v12, v9;
	v12 =	vmul.f32 v56, v44  }
0x20a: {  	v56 =	vmax.f32 v59, v57;
	v57 =	vmul.f32 $2.000000030e-01, v61;
	v59 =	vadd.f32 v63, v62  }
0x20b: {  	v9 =	vadd.f32 v12, v9;
	v12 =	vmul.f32 v56, v45  }
0x20c: {  	v61 =	vmax.f32 v61, v57;
	v63 =	vmul.f32 $2.000000030e-01, v59;
	v54 =	vadd.f32 v54, v11  }
0x20d: {  	v9 =	vadd.f32 v12, v9;
	v12 =	vmul.f32 v61, v46  }
0x20e: {  	v61 =	vmax.f32 v59, v63;
	v63 =	vmul.f32 $2.000000030e-01, v54  }
0x20f: {  	v9 =	vadd.f32 v12, v9;
	v12 =	vmul.f32 v61, v47  }
0x210: {  	v54 =	vmax.f32 v54, v63  }
0x211: {  	v9 =	vadd.f32 v12, v9;
	v12 =	vmul.f32 v54, v48;
	_ =	sdelay $0x1  }
0x212: {  	v9 =	vadd.f32 v12, v9;
	_ =	sdelay $0x1  }
0x213: {  	v12 =	vperm.xlane v9, v13;
	_ =	sdelay $0x1  }
0x214: {  	v9 =	vadd.f32 v9, v12;
	_ =	sdelay $0x1  }
0x215: {  	v12 =	vperm.xlane v9, v14;
	_ =	sdelay $0x1  }
0x216: {  	v9 =	vadd.f32 v9, v12;
	_ =	sdelay $0x1  }
0x217: {  	v12 =	vperm.xlane v9, v15;
	_ =	sdelay $0x1  }
0x218: {  	v9 =	vadd.f32 v9, v12;
	_ =	sdelay $0x1  }
0x219: {  	v12 =	vperm.xlane v9, v16;
	_ =	sdelay $0x1  }
0x21a: {  	v9 =	vadd.f32 v9, v12;
	_ =	sdelay $0x1  }
0x21b: {  	v9 =	vmul.f32 $1.442695020e+00, v9;
	_ =	sdelay $0x1  }
0x21c: {  	(erf) = vpow2.f32 v9;
	_ =	sdelay $0x8  }
0x21d: {  	v9 =	vpop (erf)  }
0x21e: {  	v0 =	vmul.f32 v9, v0  }
0x21f: {  	v10 =	vmul.f32 v9, v10  }
0x220: {  	[tilespmem:s28+$0xD880] =	vst v0;
	v0 =	vmul.f32 v9, v53  }
0x221: {  	[tilespmem:s28+$0xD890] =	vst v10;
	v10 =	vmul.f32 v9, v55  }
0x222: {  	[tilespmem:s28+$0xD8A0] =	vst v0;
	v0 =	vmul.f32 v9, v58  }
0x223: {  	p1 =	sne.s32 s25, $0xF80;
	[tilespmem:s28+$0xD8B0] =	vst v10;
	v10 =	vmul.f32 v9, v60  }
.Ltmp9:
0x224: {  	v12 =	vnsel vm4, $0x0, v51;
	[tilespmem:s28+$0xD8C0] =	vst v0;
	v0 =	vmul.f32 v9, v62;
	(pc) =	sbr.rel @p1 .LBB2_9-.Ltmp9, $4  }
0x225: {  	v12 =	vsel vm5, v12, v52;
	[tilespmem:s28+$0xD8D0] =	vst v10;
	v10 =	vmul.f32 v9, v11  }
0x226: {  	v3 =	vsel vm6, v12, v3;
	[tilespmem:s28+$0xD8E0] =	vst v0  }
0x227: {  	[tilespmem:s28+$0xD8F0] =	vst v10;
	v0 =	vsel vm7, v3, v9  }
0x228: {  	s25 =	sadd.s32 $0x80, s25;
	s20 =	sadd.s32 $0x200, s20;
	[tilespmem:s28+$0xE880] =	vst v0  }
0x229: {  	s20 =	rddreg [dreg:$0x3]  }
0x22a: {  	[spmem:s20] =	stream.indirect.scatter.add.f32 [tilespmem:s24], [sflag:$0x3], $0x80, s12, s14, $0xb8;
	[tilespmem:$0x1C3C0] =	vst v63  }
0x22b: {  	s28 =	rddreg [dreg:$0x4]  }
0x22c: {  	[spmem:s28] =	stream.indirect.scatter.add.f32 [tilespmem:s13], [sflag:$0x3], $0x80, s12, s14, $0xb8;
	[tilespmem:$0x1C3C0] =	vst v63  }
0x22d: {  	s25 =	rddreg [dreg:$0x5]  }
0x22e: {  	[spmem:s25] =	stream.indirect.scatter.add.f32 [tilespmem:s2], [sflag:$0x3], $0x80, s12, s14, $0xb8;
	[tilespmem:$0x1C3C0] =	vst v63  }
0x22f: {  	s26 =	rddreg [dreg:$0x6]  }
0x230: {  	[spmem:s26] =	stream.indirect.scatter.add.f32 [tilespmem:s3], [sflag:$0x3], $0x80, s12, s14, $0xb8;
	[tilespmem:$0x1C3C0] =	vst v63  }
0x231: {  	s28 =	rddreg [dreg:$0x7]  }
0x232: {  	[spmem:s28] =	stream.indirect.scatter.add.f32 [tilespmem:s4], [sflag:$0x3], $0x80, s12, s14, $0xb8;
	[tilespmem:$0x1C3C0] =	vst v63  }
0x233: {  	_ =	swait.ge [sflag:s5], $0x1000  }
0x234: {  	[sflag:s5] =	ssyncset.done $0x0  }
0x235: {  	[sflag:s5] =	ssyncadd.s32 $0xFFFFF000  }
0x236: {  	_ =	swait.ge [sflag:s5], $0x1000  }
0x237: {  	[sflag:s5] =	ssyncset.done $0x0  }
0x238: {  	[sflag:s5] =	ssyncadd.s32 $0xFFFFF000  }
0x239: {  	_ =	swait.ge [sflag:s5], $0x1000  }
0x23a: {  	[sflag:s5] =	ssyncset.done $0x0  }
0x23b: {  	s17 =	sadd.s32 $0x1, s17;
	[sflag:s5] =	ssyncadd.s32 $0xFFFFF000  }
0x23c: {  	p1 =	sne.s32 s17, s18;
	_ =	swait.ge [sflag:s5], $0x1000  }
.Ltmp10:
0x23d: {  	[sflag:s5] =	ssyncset.done $0x0;
	(pc) =	sbr.rel @p1 .LBB2_8-.Ltmp10, $4  }
.Ltmp11:
0x23e: {  	[sflag:s5] =	ssyncadd.s32 $0xFFFFF000;
	(pc) =	sbr.rel @!p1 .LBB2_11-.Ltmp11, $4  }
0x23f: {  	_ =	swait.ge [sflag:s5], $0x1000  }
0x240: {  	[sflag:s5] =	ssyncset.done $0x0  }
0x241: {  	[sflag:s5] =	ssyncadd.s32 $0xFFFFF000  }
0x242: {  	_ = 	snop  }
.LBB2_14:
0x243: {  	_ =	sfence.sel $0x180000  }
0x244: {  	[bflag:$0x0] =	sbarrier.arrive $0xFFFF  }
0x245: {  	_ =	strace $0x90000047  }
0x246: {  	[bflag:$0x2] =	sbarrier.arrive $0xFFFF  }
0x247: {  	s0 =	rddreg [dreg:$0x8]  }
0x248: {  	s0 =	sadd.s32 @!p0 $0x100000, s0  }
0x249: {  	[sflag:s0] =	ssyncadd.tile.s32 @!p0 $0x1;
	_ =	shalt  }
.Lfunc_end2:
_tile_overlayer_lowered:
.L_overlay_start_2:
0x24a: {  	(tag) =	ssettag $0x2  }
0x24b: {  	s0 =	rddreg [dreg:$0x0];
	s2 =	stileid.u32  }
0x24c: {  	s1 =	rddreg [dreg:$0x1];
	p0 =	sne.s32 s2, $0x0  }
0x24d: {  	s3 =	rddreg [dreg:$0x2];
	[bflag:$0x3] =	sbarrier.arrive $0xFFFF;
	s2 =	simm.s32 @!p0 $0x1C04  }
0x24e: {  	[timem:s3], [sflag:s2] =	dma.local @!p0 [hbm:s0], s1  }
0x24f: {  	s0 =	simm.s32 @!p0 $0x4  }
0x250: {  	_ =	swait.ge @!p0 [sflag:s0], s1  }
0x251: {  	s1 =	ssub.s32 @!p0 $0x0, s1;
	[sflag:s0] =	ssyncset.done @!p0 $0x0  }
0x252: {  	[sflag:s0] =	ssyncadd.s32 @!p0 s1  }
0x253: {  	[bflag:$0x3] =	sbarrier.arrive $0xFFFF  }
0x254: {  	_ =	shalt  }

</sc_bundles>
